<compile_context>
chip_gen: v7x
topology: tpu7x:2x2x1
jax: 0.10.2.dev20260603
libtpu: 0.0.44.dev20260713+nightly
codegen_flags: <defaults>
</compile_context>

<pallas_src>
import functools

import jax
import jax.numpy as jnp
from jax import lax
from jax.experimental import pallas as pl
from jax.experimental.pallas import tpu as pltpu
from jax.experimental.pallas import tpu_sc as plsc

N_NODES = 10000
N_EDGES = 320000
IN_FEATS = 128
N_HIDDEN = 128
N_CLASSES = 40

NC = 2
NS = 16
NW = NC * NS

K = 128
CH = -(-N_EDGES // (NW * K))
E_PAD = NW * CH * K
N_PAD = 10240
RPT = N_PAD // NS
BR = 512
GRID = N_PAD // BR

_f32 = jnp.float32


def _zero_fill(ref, n_rows):
    z = jnp.zeros((16,), _f32)

    def body(i, _):
        ref[i] = z
        return 0

    lax.fori_loop(0, n_rows, body, 0)


def _fill_ones(ref, n_rows):
    o = jnp.ones((16,), _f32)

    def body(i, _):
        ref[i] = o
        return 0

    lax.fori_loop(0, n_rows, body, 0)


def _make_deg_kernel():
    mesh = plsc.VectorSubcoreMesh(core_axis_name="c", subcore_axis_name="s")

    @functools.partial(
        pl.kernel,
        out_type=(
            jax.ShapeDtypeStruct((N_PAD, 16), _f32),
            jax.ShapeDtypeStruct((N_PAD, 16), _f32),
        ),
        mesh=mesh,
        scratch_types=[
            pltpu.VMEM((CH, K), jnp.int32),
            pltpu.VMEM((K, 16), _f32),
            pltpu.VMEM((16, 16), _f32),
            pltpu.VMEM_SHARED((N_PAD, 16), _f32),
        ],
    )
    def deg_kernel(dst_hbm, out0, out1, idx_v, ones_v, zeros_v, hist_sh):
        c = lax.axis_index("c")
        s = lax.axis_index("s")
        w = c * NS + s

        _fill_ones(ones_v, K)
        _zero_fill(zeros_v, 16)

        def zbody(i, _):
            pltpu.sync_copy(zeros_v, hist_sh.at[pl.ds(s * RPT + i * 16, 16)])
            return 0

        lax.fori_loop(0, RPT // 16, zbody, 0)
        plsc.subcore_barrier()

        pltpu.sync_copy(dst_hbm.at[w], idx_v)

        def body(ch, _):
            pltpu.sync_copy(ones_v, hist_sh.at[idx_v.at[ch]], add=True)
            return 0

        lax.fori_loop(0, CH, body, 0)
        plsc.subcore_barrier()

        @pl.when(c == 0)
        def _():
            pltpu.sync_copy(hist_sh.at[pl.ds(s * RPT, RPT)],
                            out0.at[pl.ds(s * RPT, RPT)])

        @pl.when(c == 1)
        def _():
            pltpu.sync_copy(hist_sh.at[pl.ds(s * RPT, RPT)],
                            out1.at[pl.ds(s * RPT, RPT)])

    return deg_kernel


def _make_prop_kernel(d_feat):
    mesh = plsc.VectorSubcoreMesh(core_axis_name="c", subcore_axis_name="s")

    @functools.partial(
        pl.kernel,
        out_type=(
            jax.ShapeDtypeStruct((N_PAD, d_feat), _f32),
            jax.ShapeDtypeStruct((N_PAD, d_feat), _f32),
        ),
        mesh=mesh,
        scratch_types=[
            pltpu.VMEM((CH, K), jnp.int32),
            pltpu.VMEM((4, K), jnp.int32),
            pltpu.VMEM((2, K, d_feat), _f32),
            pltpu.VMEM_SHARED((N_PAD, d_feat), _f32),
            pltpu.SemaphoreType.DMA,
            pltpu.SemaphoreType.DMA,
            pltpu.SemaphoreType.DMA,
            pltpu.SemaphoreType.DMA,
            pltpu.SemaphoreType.DMA,
            pltpu.SemaphoreType.DMA,
            pltpu.SemaphoreType.DMA,
            pltpu.SemaphoreType.DMA,
        ],
    )
    def prop_kernel(src_hbm, dst_hbm, hs_hbm, out0, out1,
                    dst_v, ibuf, msg_v, acc_sh,
                    gsem0, gsem1, isem0, isem1, isem2, isem3, ssem0, ssem1):
        c = lax.axis_index("c")
        s = lax.axis_index("s")
        w = c * NS + s

        pltpu.sync_copy(dst_hbm.at[w], dst_v)

        ncol = d_feat // 16
        z16 = jnp.zeros((16,), _f32)

        def zfill(i, _):
            msg_v[0, i // ncol, pl.ds((i % ncol) * 16, 16)] = z16
            return 0

        lax.fori_loop(0, K * ncol, zfill, 0)

        def zbody(i, _):
            pltpu.sync_copy(msg_v.at[0], acc_sh.at[pl.ds(s * RPT + i * K, K)])
            return 0

        lax.fori_loop(0, RPT // K, zbody, 0)

        gsems = (gsem0, gsem1)
        isems = (isem0, isem1, isem2, isem3)
        ssems = (ssem0, ssem1)

        def i_start(j, q):
            pltpu.async_copy(src_hbm.at[w * CH + j], ibuf.at[q], isems[q])

        def i_wait(j, q):
            pltpu.make_async_copy(src_hbm.at[w * CH + j], ibuf.at[q],
                                  isems[q]).wait()

        def g_start(j, q, b):
            pltpu.async_copy(hs_hbm.at[ibuf.at[q]], msg_v.at[b], gsems[b])

        def g_wait(j, q, b):
            pltpu.make_async_copy(hs_hbm.at[ibuf.at[q]], msg_v.at[b],
                                  gsems[b]).wait()

        def scat(j, b):
            pltpu.sync_copy(msg_v.at[b], acc_sh.at[dst_v.at[j]], add=True)

        for q in range(4):
            i_start(q, q)
        i_wait(0, 0)
        plsc.subcore_barrier()
        g_start(0, 0, 0)

        def body(it, _):
            j0 = it * 4
            for t in range(4):
                j = j0 + t
                sl_n = (t + 1) % 4
                mb = t % 2
                mb_n = (t + 1) % 2

                @pl.when(j + 1 < CH)
                def _(j=j, sl_n=sl_n, mb_n=mb_n):
                    i_wait(j + 1, sl_n)
                    g_start(j + 1, sl_n, mb_n)

                @pl.when(j < CH)
                def _(j=j, t=t, mb=mb):
                    g_wait(j, t, mb)
                    scat(j, mb)

                @pl.when(j + 4 < CH)
                def _(j=j, t=t):
                    i_start(j + 4, t)

            return 0

        lax.fori_loop(0, -(-CH // 4), body, 0)
        plsc.subcore_barrier()

        @pl.when(c == 0)
        def _():
            pltpu.sync_copy(acc_sh.at[pl.ds(s * RPT, RPT)],
                            out0.at[pl.ds(s * RPT, RPT)])

        @pl.when(c == 1)
        def _():
            pltpu.sync_copy(acc_sh.at[pl.ds(s * RPT, RPT)],
                            out1.at[pl.ds(s * RPT, RPT)])

    return prop_kernel


def _dis(d0, d1):
    return lax.rsqrt(d0[:, 0:1] + d1[:, 0:1] + 1.0)


def _mm_plain(x_ref, w_ref, o_ref):
    o_ref[...] = jnp.dot(x_ref[...], w_ref[...], preferred_element_type=_f32)


def _scale(h_ref, d0_ref, d1_ref, o_ref):
    o_ref[...] = h_ref[...] * _dis(d0_ref[...], d1_ref[...])


def _mm_mid(a0_ref, a1_ref, hs_ref, d0_ref, d1_ref, b_ref, w_ref, o_ref):
    dis = _dis(d0_ref[...], d1_ref[...])
    a = (a0_ref[...] + a1_ref[...] + hs_ref[...]) * dis + b_ref[...]
    a = jnp.maximum(a, 0.0)
    h = jnp.dot(a, w_ref[...], preferred_element_type=_f32)
    o_ref[...] = h * dis


def _mm_final(a0_ref, a1_ref, hs_ref, d0_ref, d1_ref, b_ref, o_ref):
    dis = _dis(d0_ref[...], d1_ref[...])
    res = (a0_ref[...] + a1_ref[...] + hs_ref[...]) * dis + b_ref[...]
    o_ref[...] = res[:, :N_CLASSES]


def _row_spec(d):
    return pl.BlockSpec((BR, d), lambda i: (i, 0))


def _whole_spec(r, d):
    return pl.BlockSpec((r, d), lambda i: (0, 0))


def _call_mm_plain(x_p, W):
    return pl.pallas_call(
        _mm_plain,
        grid=(GRID,),
        in_specs=[_row_spec(IN_FEATS), _whole_spec(IN_FEATS, N_HIDDEN)],
        out_specs=_row_spec(N_HIDDEN),
        out_shape=jax.ShapeDtypeStruct((N_PAD, N_HIDDEN), _f32),
    )(x_p, W)


def _call_scale(h, deg0, deg1):
    return pl.pallas_call(
        _scale,
        grid=(GRID,),
        in_specs=[_row_spec(N_HIDDEN), _row_spec(16), _row_spec(16)],
        out_specs=_row_spec(N_HIDDEN),
        out_shape=jax.ShapeDtypeStruct((N_PAD, N_HIDDEN), _f32),
    )(h, deg0, deg1)


def _call_mm_mid(a0, a1, hs, deg0, deg1, b, W, d_out):
    return pl.pallas_call(
        _mm_mid,
        grid=(GRID,),
        in_specs=[_row_spec(N_HIDDEN), _row_spec(N_HIDDEN),
                  _row_spec(N_HIDDEN), _row_spec(16), _row_spec(16),
                  _whole_spec(1, N_HIDDEN), _whole_spec(N_HIDDEN, d_out)],
        out_specs=_row_spec(d_out),
        out_shape=jax.ShapeDtypeStruct((N_PAD, d_out), _f32),
    )(a0, a1, hs, deg0, deg1, b, W)


def _call_mm_final(a0, a1, hs, deg0, deg1, b):
    return pl.pallas_call(
        _mm_final,
        grid=(GRID,),
        in_specs=[_row_spec(N_HIDDEN), _row_spec(N_HIDDEN),
                  _row_spec(N_HIDDEN), _row_spec(16), _row_spec(16),
                  _whole_spec(1, N_HIDDEN)],
        out_specs=_row_spec(N_CLASSES),
        out_shape=jax.ShapeDtypeStruct((N_NODES, N_CLASSES), _f32),
    )(a0, a1, hs, deg0, deg1, b)


@jax.jit
def kernel(x, edge_index, W1, b1, W2, b2, W3, b3):
    src = edge_index[0].astype(jnp.int32)
    dst = edge_index[1].astype(jnp.int32)
    pad = N_NODES + (jnp.arange(E_PAD - N_EDGES, dtype=jnp.int32)
                     % (N_PAD - N_NODES))
    src_p = jnp.concatenate([src, pad]).reshape(NW * CH, K)
    dst_p = jnp.concatenate([dst, pad]).reshape(NW, CH, K)

    x_p = jnp.pad(x, ((0, N_PAD - N_NODES), (0, 0)))
    W3p = jnp.pad(W3, ((0, 0), (0, N_HIDDEN - N_CLASSES)))
    b1r = b1.reshape(1, N_HIDDEN)
    b2r = b2.reshape(1, N_HIDDEN)
    b3r = jnp.pad(b3, (0, N_HIDDEN - N_CLASSES)).reshape(1, N_HIDDEN)

    h1 = _call_mm_plain(x_p, W1)
    deg0, deg1 = _make_deg_kernel()(dst_p)

    prop128 = _make_prop_kernel(N_HIDDEN)

    hs1 = _call_scale(h1, deg0, deg1)
    a10, a11 = prop128(src_p, dst_p, hs1)
    hs2 = _call_mm_mid(a10, a11, hs1, deg0, deg1, b1r, W2, N_HIDDEN)
    a20, a21 = prop128(src_p, dst_p, hs2)
    hs3 = _call_mm_mid(a20, a21, hs2, deg0, deg1, b2r, W3p, N_HIDDEN)
    a30, a31 = prop128(src_p, dst_p, hs3)
    return _call_mm_final(a30, a31, hs3, deg0, deg1, b3r)

# --- scband reference (transcript-rebuilt; emitter-appended) ---
"""Pipeline reference for scband-gcn-31593779430135 (READ-ONLY COPY).

The authoritative reference and input builder live on the scoring server;
editing this copy changes nothing except your own understanding.
"""

import jax, jax.numpy as jnp
import numpy as np

N_NODES = 10000
N_EDGES = 320000
IN_FEATS = 128
N_HIDDEN = 128
N_CLASSES = 40


def _gcn_conv(x, W, b, src, dst, num_nodes):
    # GCNConv with add_self_loops=True (self loops already appended to src/dst),
    # symmetric normalization: norm = deg^-1/2[src] * deg^-1/2[dst]
    deg = jax.ops.segment_sum(jnp.ones_like(src, dtype=x.dtype), dst, num_segments=num_nodes)
    deg_inv_sqrt = jnp.where(deg > 0, deg ** -0.5, 0.0)
    norm = deg_inv_sqrt[src] * deg_inv_sqrt[dst]
    h = x @ W
    msg = h[src] * norm[:, None]
    out = jax.ops.segment_sum(msg, dst, num_segments=num_nodes)
    return out + b


def setup_inputs(seed: int = 0) -> dict:
    key = jax.random.key(seed)
    ks = jax.random.split(key, 9)
    x = jax.random.normal(ks[0], (N_NODES, IN_FEATS), dtype=jnp.float32)
    edge_index = jax.random.randint(ks[1], (2, N_EDGES), 0, N_NODES).astype(jnp.int64)
    W1 = jax.random.normal(ks[2], (IN_FEATS, N_HIDDEN), dtype=jnp.float32) * (1.0 / np.sqrt(IN_FEATS))
    b1 = jnp.zeros((N_HIDDEN,), dtype=jnp.float32)
    W2 = jax.random.normal(ks[3], (N_HIDDEN, N_HIDDEN), dtype=jnp.float32) * (1.0 / np.sqrt(N_HIDDEN))
    b2 = jnp.zeros((N_HIDDEN,), dtype=jnp.float32)
    W3 = jax.random.normal(ks[4], (N_HIDDEN, N_CLASSES), dtype=jnp.float32) * (1.0 / np.sqrt(N_HIDDEN))
    b3 = jnp.zeros((N_CLASSES,), dtype=jnp.float32)
    return {"x": x, "edge_index": edge_index, "W1": W1, "b1": b1, "W2": W2, "b2": b2, "W3": W3, "b3": b3}


def reference(x, edge_index, W1, b1, W2, b2, W3, b3):
    num_nodes = x.shape[0]
    self_loop = jnp.arange(num_nodes, dtype=edge_index.dtype)
    src = jnp.concatenate([edge_index[0], self_loop])
    dst = jnp.concatenate([edge_index[1], self_loop])
    # layer 1 (dropout skipped for i==0; eval-mode dropout is identity anyway)
    h = jax.nn.relu(_gcn_conv(x, W1, b1, src, dst, num_nodes))
    # layer 2 (dropout in eval mode = identity)
    h = jax.nn.relu(_gcn_conv(h, W2, b2, src, dst, num_nodes))
    # output layer
    out = _gcn_conv(h, W3, b3, src, dst, num_nodes)
    return out

if __name__ == "__main__":
    import jax
    _d = setup_inputs()
    print(jax.jit(kernel)(*tuple(_d.values())))

</pallas_src>

<mosaic_0001>
#map = affine_map<(d0, d1) -> (0, 0)>
#map1 = affine_map<(d0, d1) -> (0, 0, 0)>
module attributes {stable_mosaic.version = 14 : i64} {
  func.func @prop_kernel(%arg0: i32, %arg1: i32, %arg2: memref<2528x128xi32, #tpu.memory_space<hbm>>, %arg3: memref<32x79x128xi32, #tpu.memory_space<hbm>>, %arg4: memref<10240x128xf32, #tpu.memory_space<hbm>>, %arg5: memref<10240x128xf32, #tpu.memory_space<hbm>>, %arg6: memref<10240x128xf32, #tpu.memory_space<hbm>>, %arg7: memref<79x128xi32, #tpu.memory_space<vmem>>, %arg8: memref<4x128xi32, #tpu.memory_space<vmem>>, %arg9: memref<2x128x128xf32, #tpu.memory_space<vmem>>, %arg10: memref<10240x128xf32, #tpu.memory_space<vmem_shared>>, %arg11: memref<!tpu.dma_semaphore, #tpu.memory_space<semaphore_mem>>, %arg12: memref<!tpu.dma_semaphore, #tpu.memory_space<semaphore_mem>>, %arg13: memref<!tpu.dma_semaphore, #tpu.memory_space<semaphore_mem>>, %arg14: memref<!tpu.dma_semaphore, #tpu.memory_space<semaphore_mem>>, %arg15: memref<!tpu.dma_semaphore, #tpu.memory_space<semaphore_mem>>, %arg16: memref<!tpu.dma_semaphore, #tpu.memory_space<semaphore_mem>>, %arg17: memref<!tpu.dma_semaphore, #tpu.memory_space<semaphore_mem>>, %arg18: memref<!tpu.dma_semaphore, #tpu.memory_space<semaphore_mem>>) attributes {dimension_semantics = [#tpu.dimension_semantics<core_parallel>, #tpu.dimension_semantics<subcore_parallel>], iteration_bounds = array<i64: 2, 16>, scalar_prefetch = 0 : i64, scratch_operands = 12 : i64, tpu.core_type = #tpu.core_type<sc_vector_subcore>, window_params = [{transform_indices = #map}, {transform_indices = #map1}, {transform_indices = #map}, {transform_indices = #map}, {transform_indices = #map}]} {
    %mul3A = arith.constant 16 : i32
    %mul3A_0 = arith.muli %arg0, %mul3A : i32
    %add3A = arith.addi %mul3A_0, %arg1 : i32
    "tpu.region"() ({
      %run_scoped3A = tpu.sem_alloc : memref<!tpu.dma_semaphore, #tpu.memory_space<semaphore_mem>>
      %dma_start3A_125 = arith.constant 0 : i32
      %dma_start3A_126 = arith.constant 0 : i32
      %dma_start3A_127 = tpu.memref_slice %arg3[%add3A, %dma_start3A_125, %dma_start3A_126] : memref<32x79x128xi32, #tpu.memory_space<hbm>> -> memref<1x79x128xi32, #tpu.memory_space<hbm>>
      %dma_start3A_128 = tpu.memref_squeeze %dma_start3A_127 : memref<1x79x128xi32, #tpu.memory_space<hbm>> -> memref<79x128xi32, #tpu.memory_space<hbm>>
      %dma_start3A_129 = arith.constant 0 : i32
      %dma_start3A_130 = arith.constant 0 : i32
      %dma_start3A_131 = tpu.memref_slice %arg3[%add3A, %dma_start3A_129, %dma_start3A_130] : memref<32x79x128xi32, #tpu.memory_space<hbm>> -> memref<1x79x128xi32, #tpu.memory_space<hbm>>
      %dma_start3A_132 = tpu.memref_squeeze %dma_start3A_131 : memref<1x79x128xi32, #tpu.memory_space<hbm>> -> memref<79x128xi32, #tpu.memory_space<hbm>>
      tpu.enqueue_dma source(%dma_start3A_132 : memref<79x128xi32, #tpu.memory_space<hbm>>) target(%arg7 : memref<79x128xi32, #tpu.memory_space<vmem>>) target_semaphore(%run_scoped3A : memref<!tpu.dma_semaphore, #tpu.memory_space<semaphore_mem>>)
      %dma_wait3A_133 = arith.constant 0 : i32
      %dma_wait3A_134 = arith.constant 0 : i32
      %dma_wait3A_135 = tpu.memref_slice %arg3[%add3A, %dma_wait3A_133, %dma_wait3A_134] : memref<32x79x128xi32, #tpu.memory_space<hbm>> -> memref<1x79x128xi32, #tpu.memory_space<hbm>>
      %dma_wait3A_136 = tpu.memref_squeeze %dma_wait3A_135 : memref<1x79x128xi32, #tpu.memory_space<hbm>> -> memref<79x128xi32, #tpu.memory_space<hbm>>
      %dma_wait3A_137 = arith.constant 0 : i32
      %dma_wait3A_138 = arith.constant 0 : i32
      %dma_wait3A_139 = tpu.memref_slice %arg3[%add3A, %dma_wait3A_137, %dma_wait3A_138] : memref<32x79x128xi32, #tpu.memory_space<hbm>> -> memref<1x79x128xi32, #tpu.memory_space<hbm>>
      %dma_wait3A_140 = tpu.memref_squeeze %dma_wait3A_139 : memref<1x79x128xi32, #tpu.memory_space<hbm>> -> memref<79x128xi32, #tpu.memory_space<hbm>>
      tpu.wait_dma2 semaphore(%run_scoped3A : memref<!tpu.dma_semaphore, #tpu.memory_space<semaphore_mem>>) src(%dma_wait3A_140 : memref<79x128xi32, #tpu.memory_space<hbm>>) dst(%arg7 : memref<79x128xi32, #tpu.memory_space<vmem>>)
      tpu.yield
    }) : () -> ()
    %broadcast_in_dim3A = arith.constant 0.000000e+00 : f32
    %broadcast_in_dim3A_1 = vector.broadcast %broadcast_in_dim3A : f32 to vector<16xf32>
    %scan3A = arith.constant 0 : i32
    %scan3A_2 = arith.constant 0 : i32
    %scan3A_3 = arith.constant 1024 : i32
    %scan3A_4 = arith.addi %scan3A_2, %scan3A_3 : i32
    %scan3A_5 = arith.constant 1 : i32
    %scan3A_6 = scf.for %scan3A_125 = %scan3A_2 to %scan3A_4 step %scan3A_5 iter_args(%scan3A_126 = %scan3A) -> (i32)  : i32 {
      %jit3A = arith.constant 8 : i32
      %div3A = arith.divsi %scan3A_125, %jit3A : i32
      %sign3A = arith.constant 0 : i32
      %sign3A_127 = arith.cmpi sgt, %scan3A_125, %sign3A : i32
      %sign3A_128 = arith.extui %sign3A_127 : i1 to i32
      %sign3A_129 = arith.constant 0 : i32
      %sign3A_130 = arith.cmpi slt, %scan3A_125, %sign3A_129 : i32
      %sign3A_131 = arith.extui %sign3A_130 : i1 to i32
      %sign3A_132 = arith.subi %sign3A_128, %sign3A_131 : i32
      %sign3A_133 = arith.constant 0 : i32
      %sign3A_134 = arith.cmpi sgt, %jit3A, %sign3A_133 : i32
      %sign3A_135 = arith.extui %sign3A_134 : i1 to i32
      %sign3A_136 = arith.constant 0 : i32
      %sign3A_137 = arith.cmpi slt, %jit3A, %sign3A_136 : i32
      %sign3A_138 = arith.extui %sign3A_137 : i1 to i32
      %sign3A_139 = arith.subi %sign3A_135, %sign3A_138 : i32
      %ne3A = arith.cmpi ne, %sign3A_132, %sign3A_139 : i32
      %rem3A = arith.remsi %scan3A_125, %jit3A : i32
      %ne3A_140 = arith.constant 0 : i32
      %ne3A_141 = arith.cmpi ne, %rem3A, %ne3A_140 : i32
      %and3A = arith.andi %ne3A, %ne3A_141 : i1
      %sub3A = arith.constant 1 : i32
      %sub3A_142 = arith.subi %div3A, %sub3A : i32
      %select_n3A = arith.select %and3A, %sub3A_142, %div3A : i32
      %jit3A_143 = arith.constant 8 : i32
      %eq3A_144 = arith.constant 0 : i32
      %eq3A_145 = arith.cmpi eq, %jit3A_143, %eq3A_144 : i32
      %jit3A_146 = arith.constant 1 : i32
      %select_n3A_147 = arith.select %eq3A_145, %jit3A_146, %jit3A_143 : i32
      %rem3A_148 = arith.remsi %scan3A_125, %select_n3A_147 : i32
      %ne3A_149 = arith.constant 0 : i32
      %ne3A_150 = arith.cmpi ne, %rem3A_148, %ne3A_149 : i32
      %lt3A = arith.constant 0 : i32
      %lt3A_151 = arith.cmpi slt, %rem3A_148, %lt3A : i32
      %lt3A_152 = arith.constant 0 : i32
      %lt3A_153 = arith.cmpi slt, %select_n3A_147, %lt3A_152 : i32
      %ne3A_154 = arith.xori %lt3A_151, %lt3A_153 : i1
      %and3A_155 = arith.andi %ne3A_154, %ne3A_150 : i1
      %add3A_156 = arith.addi %rem3A_148, %select_n3A_147 : i32
      %select_n3A_157 = arith.select %and3A_155, %add3A_156, %rem3A_148 : i32
      %mul3A_158 = arith.constant 16 : i32
      %mul3A_159 = arith.muli %select_n3A_157, %mul3A_158 : i32
      %swap3A = arith.constant 0 : i32
      %swap3A_160 = arith.index_cast %swap3A : i32 to index
      %swap3A_161 = arith.index_cast %select_n3A : i32 to index
      %swap3A_162 = arith.index_cast %mul3A_159 : i32 to index
      %swap3A_163 = tpu.vector_load %arg9[%swap3A_160, %swap3A_161, %swap3A_162] {strides = array<i32>} : memref<2x128x128xf32, #tpu.memory_space<vmem>>, vector<1x1x16xf32>,
      %swap3A_164 = vector.shape_cast %swap3A_163 : vector<1x1x16xf32> to vector<16xf32>
      %swap3A_165 = vector.shape_cast %broadcast_in_dim3A_1 : vector<16xf32> to vector<1x1x16xf32>
      tpu.vector_store %arg9[%swap3A_160, %swap3A_161, %swap3A_162], %swap3A_165 {strides = array<i32>} : memref<2x128x128xf32, #tpu.memory_space<vmem>>, vector<1x1x16xf32>,
      %scan3A_166 = arith.constant 0 : i32
      scf.yield %scan3A_166 : i32
    }
    %scan3A_7 = arith.constant 1024 : i32
    %scan3A_8 = arith.constant 0 : i32
    %scan3A_9 = arith.constant 0 : i32
    %scan3A_10 = arith.constant 5 : i32
    %scan3A_11 = arith.addi %scan3A_9, %scan3A_10 : i32
    %scan3A_12 = arith.constant 1 : i32
    %scan3A_13 = scf.for %scan3A_125 = %scan3A_9 to %scan3A_11 step %scan3A_12 iter_args(%scan3A_126 = %scan3A_8) -> (i32)  : i32 {
      %mul3A_127 = arith.constant 640 : i32
      %mul3A_128 = arith.muli %arg1, %mul3A_127 : i32
      %mul3A_129 = arith.constant 128 : i32
      %mul3A_130 = arith.muli %scan3A_125, %mul3A_129 : i32
      %add3A_131 = arith.addi %mul3A_128, %mul3A_130 : i32
      %run_scoped3A = arith.constant 0 : i32
      "tpu.region"() ({
        %run_scoped3A_133 = tpu.sem_alloc : memref<!tpu.dma_semaphore, #tpu.memory_space<semaphore_mem>>
        %dma_start3A_134 = arith.constant 0 : i32
        %dma_start3A_135 = arith.constant 0 : i32
        %dma_start3A_136 = tpu.memref_slice %arg9[%run_scoped3A, %dma_start3A_134, %dma_start3A_135] : memref<2x128x128xf32, #tpu.memory_space<vmem>> -> memref<1x128x128xf32, #tpu.memory_space<vmem>>
        %dma_start3A_137 = tpu.memref_squeeze %dma_start3A_136 : memref<1x128x128xf32, #tpu.memory_space<vmem>> -> memref<128x128xf32, #tpu.memory_space<vmem>>
        %dma_start3A_138 = arith.constant 0 : i32
        %dma_start3A_139 = tpu.memref_slice %arg10[%add3A_131, %dma_start3A_138] : memref<10240x128xf32, #tpu.memory_space<vmem_shared>> -> memref<128x128xf32, #tpu.memory_space<vmem_shared>>
        %dma_start3A_140 = arith.constant 0 : i32
        %dma_start3A_141 = tpu.memref_slice %arg10[%add3A_131, %dma_start3A_140] : memref<10240x128xf32, #tpu.memory_space<vmem_shared>> -> memref<128x128xf32, #tpu.memory_space<vmem_shared>>
        %dma_start3A_142 = arith.constant 0 : i32
        %dma_start3A_143 = arith.constant 0 : i32
        %dma_start3A_144 = tpu.memref_slice %arg9[%run_scoped3A, %dma_start3A_142, %dma_start3A_143] : memref<2x128x128xf32, #tpu.memory_space<vmem>> -> memref<1x128x128xf32, #tpu.memory_space<vmem>>
        %dma_start3A_145 = tpu.memref_squeeze %dma_start3A_144 : memref<1x128x128xf32, #tpu.memory_space<vmem>> -> memref<128x128xf32, #tpu.memory_space<vmem>>
        tpu.enqueue_dma source(%dma_start3A_145 : memref<128x128xf32, #tpu.memory_space<vmem>>) target(%dma_start3A_141 : memref<128x128xf32, #tpu.memory_space<vmem_shared>>) target_semaphore(%run_scoped3A_133 : memref<!tpu.dma_semaphore, #tpu.memory_space<semaphore_mem>>)
        %dma_wait3A_146 = arith.constant 0 : i32
        %dma_wait3A_147 = arith.constant 0 : i32
        %dma_wait3A_148 = tpu.memref_slice %arg9[%run_scoped3A, %dma_wait3A_146, %dma_wait3A_147] : memref<2x128x128xf32, #tpu.memory_space<vmem>> -> memref<1x128x128xf32, #tpu.memory_space<vmem>>
        %dma_wait3A_149 = tpu.memref_squeeze %dma_wait3A_148 : memref<1x128x128xf32, #tpu.memory_space<vmem>> -> memref<128x128xf32, #tpu.memory_space<vmem>>
        %dma_wait3A_150 = arith.constant 0 : i32
        %dma_wait3A_151 = tpu.memref_slice %arg10[%add3A_131, %dma_wait3A_150] : memref<10240x128xf32, #tpu.memory_space<vmem_shared>> -> memref<128x128xf32, #tpu.memory_space<vmem_shared>>
        %dma_wait3A_152 = arith.constant 0 : i32
        %dma_wait3A_153 = tpu.memref_slice %arg10[%add3A_131, %dma_wait3A_152] : memref<10240x128xf32, #tpu.memory_space<vmem_shared>> -> memref<128x128xf32, #tpu.memory_space<vmem_shared>>
        %dma_wait3A_154 = arith.constant 0 : i32
        %dma_wait3A_155 = arith.constant 0 : i32
        %dma_wait3A_156 = tpu.memref_slice %arg9[%run_scoped3A, %dma_wait3A_154, %dma_wait3A_155] : memref<2x128x128xf32, #tpu.memory_space<vmem>> -> memref<1x128x128xf32, #tpu.memory_space<vmem>>
        %dma_wait3A_157 = tpu.memref_squeeze %dma_wait3A_156 : memref<1x128x128xf32, #tpu.memory_space<vmem>> -> memref<128x128xf32, #tpu.memory_space<vmem>>
        tpu.wait_dma2 semaphore(%run_scoped3A_133 : memref<!tpu.dma_semaphore, #tpu.memory_space<semaphore_mem>>) src(%dma_wait3A_157 : memref<128x128xf32, #tpu.memory_space<vmem>>) dst(%dma_wait3A_153 : memref<128x128xf32, #tpu.memory_space<vmem_shared>>)
        tpu.yield
      }) : () -> ()
      %scan3A_132 = arith.constant 0 : i32
      scf.yield %scan3A_132 : i32
    }
    %scan3A_14 = arith.constant 5 : i32
    %mul3A_15 = arith.constant 79 : i32
    %mul3A_16 = arith.muli %add3A, %mul3A_15 : i32
    %add3A_17 = arith.constant 0 : i32
    %add3A_18 = arith.addi %mul3A_16, %add3A_17 : i32
    %dma_start3A = arith.constant 0 : i32
    %dma_start3A_19 = arith.constant 0 : i32
    %dma_start3A_20 = tpu.memref_slice %arg8[%dma_start3A, %dma_start3A_19] : memref<4x128xi32, #tpu.memory_space<vmem>> -> memref<1x128xi32, #tpu.memory_space<vmem>>
    %dma_start3A_21 = tpu.memref_squeeze %dma_start3A_20 : memref<1x128xi32, #tpu.memory_space<vmem>> -> memref<128xi32, #tpu.memory_space<vmem>>
    %dma_start3A_22 = arith.constant 0 : i32
    %dma_start3A_23 = tpu.memref_slice %arg2[%add3A_18, %dma_start3A_22] : memref<2528x128xi32, #tpu.memory_space<hbm>> -> memref<1x128xi32, #tpu.memory_space<hbm>>
    %dma_start3A_24 = tpu.memref_squeeze %dma_start3A_23 : memref<1x128xi32, #tpu.memory_space<hbm>> -> memref<128xi32, #tpu.memory_space<hbm>>
    %dma_start3A_25 = arith.constant 0 : i32
    %dma_start3A_26 = tpu.memref_slice %arg8[%dma_start3A, %dma_start3A_25] : memref<4x128xi32, #tpu.memory_space<vmem>> -> memref<1x128xi32, #tpu.memory_space<vmem>>
    %dma_start3A_27 = tpu.memref_squeeze %dma_start3A_26 : memref<1x128xi32, #tpu.memory_space<vmem>> -> memref<128xi32, #tpu.memory_space<vmem>>
    %dma_start3A_28 = arith.constant 0 : i32
    %dma_start3A_29 = tpu.memref_slice %arg2[%add3A_18, %dma_start3A_28] : memref<2528x128xi32, #tpu.memory_space<hbm>> -> memref<1x128xi32, #tpu.memory_space<hbm>>
    %dma_start3A_30 = tpu.memref_squeeze %dma_start3A_29 : memref<1x128xi32, #tpu.memory_space<hbm>> -> memref<128xi32, #tpu.memory_space<hbm>>
    tpu.enqueue_dma source(%dma_start3A_30 : memref<128xi32, #tpu.memory_space<hbm>>) target(%dma_start3A_27 : memref<128xi32, #tpu.memory_space<vmem>>) target_semaphore(%arg13 : memref<!tpu.dma_semaphore, #tpu.memory_space<semaphore_mem>>)
    %mul3A_31 = arith.constant 79 : i32
    %mul3A_32 = arith.muli %add3A, %mul3A_31 : i32
    %add3A_33 = arith.constant 1 : i32
    %add3A_34 = arith.addi %mul3A_32, %add3A_33 : i32
    %dma_start3A_35 = arith.constant 1 : i32
    %dma_start3A_36 = arith.constant 0 : i32
    %dma_start3A_37 = tpu.memref_slice %arg8[%dma_start3A_35, %dma_start3A_36] : memref<4x128xi32, #tpu.memory_space<vmem>> -> memref<1x128xi32, #tpu.memory_space<vmem>>
    %dma_start3A_38 = tpu.memref_squeeze %dma_start3A_37 : memref<1x128xi32, #tpu.memory_space<vmem>> -> memref<128xi32, #tpu.memory_space<vmem>>
    %dma_start3A_39 = arith.constant 0 : i32
    %dma_start3A_40 = tpu.memref_slice %arg2[%add3A_34, %dma_start3A_39] : memref<2528x128xi32, #tpu.memory_space<hbm>> -> memref<1x128xi32, #tpu.memory_space<hbm>>
    %dma_start3A_41 = tpu.memref_squeeze %dma_start3A_40 : memref<1x128xi32, #tpu.memory_space<hbm>> -> memref<128xi32, #tpu.memory_space<hbm>>
    %dma_start3A_42 = arith.constant 0 : i32
    %dma_start3A_43 = tpu.memref_slice %arg8[%dma_start3A_35, %dma_start3A_42] : memref<4x128xi32, #tpu.memory_space<vmem>> -> memref<1x128xi32, #tpu.memory_space<vmem>>
    %dma_start3A_44 = tpu.memref_squeeze %dma_start3A_43 : memref<1x128xi32, #tpu.memory_space<vmem>> -> memref<128xi32, #tpu.memory_space<vmem>>
    %dma_start3A_45 = arith.constant 0 : i32
    %dma_start3A_46 = tpu.memref_slice %arg2[%add3A_34, %dma_start3A_45] : memref<2528x128xi32, #tpu.memory_space<hbm>> -> memref<1x128xi32, #tpu.memory_space<hbm>>
    %dma_start3A_47 = tpu.memref_squeeze %dma_start3A_46 : memref<1x128xi32, #tpu.memory_space<hbm>> -> memref<128xi32, #tpu.memory_space<hbm>>
    tpu.enqueue_dma source(%dma_start3A_47 : memref<128xi32, #tpu.memory_space<hbm>>) target(%dma_start3A_44 : memref<128xi32, #tpu.memory_space<vmem>>) target_semaphore(%arg14 : memref<!tpu.dma_semaphore, #tpu.memory_space<semaphore_mem>>)
    %mul3A_48 = arith.constant 79 : i32
    %mul3A_49 = arith.muli %add3A, %mul3A_48 : i32
    %add3A_50 = arith.constant 2 : i32
    %add3A_51 = arith.addi %mul3A_49, %add3A_50 : i32
    %dma_start3A_52 = arith.constant 2 : i32
    %dma_start3A_53 = arith.constant 0 : i32
    %dma_start3A_54 = tpu.memref_slice %arg8[%dma_start3A_52, %dma_start3A_53] : memref<4x128xi32, #tpu.memory_space<vmem>> -> memref<1x128xi32, #tpu.memory_space<vmem>>
    %dma_start3A_55 = tpu.memref_squeeze %dma_start3A_54 : memref<1x128xi32, #tpu.memory_space<vmem>> -> memref<128xi32, #tpu.memory_space<vmem>>
    %dma_start3A_56 = arith.constant 0 : i32
    %dma_start3A_57 = tpu.memref_slice %arg2[%add3A_51, %dma_start3A_56] : memref<2528x128xi32, #tpu.memory_space<hbm>> -> memref<1x128xi32, #tpu.memory_space<hbm>>
    %dma_start3A_58 = tpu.memref_squeeze %dma_start3A_57 : memref<1x128xi32, #tpu.memory_space<hbm>> -> memref<128xi32, #tpu.memory_space<hbm>>
    %dma_start3A_59 = arith.constant 0 : i32
    %dma_start3A_60 = tpu.memref_slice %arg8[%dma_start3A_52, %dma_start3A_59] : memref<4x128xi32, #tpu.memory_space<vmem>> -> memref<1x128xi32, #tpu.memory_space<vmem>>
    %dma_start3A_61 = tpu.memref_squeeze %dma_start3A_60 : memref<1x128xi32, #tpu.memory_space<vmem>> -> memref<128xi32, #tpu.memory_space<vmem>>
    %dma_start3A_62 = arith.constant 0 : i32
    %dma_start3A_63 = tpu.memref_slice %arg2[%add3A_51, %dma_start3A_62] : memref<2528x128xi32, #tpu.memory_space<hbm>> -> memref<1x128xi32, #tpu.memory_space<hbm>>
    %dma_start3A_64 = tpu.memref_squeeze %dma_start3A_63 : memref<1x128xi32, #tpu.memory_space<hbm>> -> memref<128xi32, #tpu.memory_space<hbm>>
    tpu.enqueue_dma source(%dma_start3A_64 : memref<128xi32, #tpu.memory_space<hbm>>) target(%dma_start3A_61 : memref<128xi32, #tpu.memory_space<vmem>>) target_semaphore(%arg15 : memref<!tpu.dma_semaphore, #tpu.memory_space<semaphore_mem>>)
    %mul3A_65 = arith.constant 79 : i32
    %mul3A_66 = arith.muli %add3A, %mul3A_65 : i32
    %add3A_67 = arith.constant 3 : i32
    %add3A_68 = arith.addi %mul3A_66, %add3A_67 : i32
    %dma_start3A_69 = arith.constant 3 : i32
    %dma_start3A_70 = arith.constant 0 : i32
    %dma_start3A_71 = tpu.memref_slice %arg8[%dma_start3A_69, %dma_start3A_70] : memref<4x128xi32, #tpu.memory_space<vmem>> -> memref<1x128xi32, #tpu.memory_space<vmem>>
    %dma_start3A_72 = tpu.memref_squeeze %dma_start3A_71 : memref<1x128xi32, #tpu.memory_space<vmem>> -> memref<128xi32, #tpu.memory_space<vmem>>
    %dma_start3A_73 = arith.constant 0 : i32
    %dma_start3A_74 = tpu.memref_slice %arg2[%add3A_68, %dma_start3A_73] : memref<2528x128xi32, #tpu.memory_space<hbm>> -> memref<1x128xi32, #tpu.memory_space<hbm>>
    %dma_start3A_75 = tpu.memref_squeeze %dma_start3A_74 : memref<1x128xi32, #tpu.memory_space<hbm>> -> memref<128xi32, #tpu.memory_space<hbm>>
    %dma_start3A_76 = arith.constant 0 : i32
    %dma_start3A_77 = tpu.memref_slice %arg8[%dma_start3A_69, %dma_start3A_76] : memref<4x128xi32, #tpu.memory_space<vmem>> -> memref<1x128xi32, #tpu.memory_space<vmem>>
    %dma_start3A_78 = tpu.memref_squeeze %dma_start3A_77 : memref<1x128xi32, #tpu.memory_space<vmem>> -> memref<128xi32, #tpu.memory_space<vmem>>
    %dma_start3A_79 = arith.constant 0 : i32
    %dma_start3A_80 = tpu.memref_slice %arg2[%add3A_68, %dma_start3A_79] : memref<2528x128xi32, #tpu.memory_space<hbm>> -> memref<1x128xi32, #tpu.memory_space<hbm>>
    %dma_start3A_81 = tpu.memref_squeeze %dma_start3A_80 : memref<1x128xi32, #tpu.memory_space<hbm>> -> memref<128xi32, #tpu.memory_space<hbm>>
    tpu.enqueue_dma source(%dma_start3A_81 : memref<128xi32, #tpu.memory_space<hbm>>) target(%dma_start3A_78 : memref<128xi32, #tpu.memory_space<vmem>>) target_semaphore(%arg16 : memref<!tpu.dma_semaphore, #tpu.memory_space<semaphore_mem>>)
    %mul3A_82 = arith.constant 79 : i32
    %mul3A_83 = arith.muli %add3A, %mul3A_82 : i32
    %add3A_84 = arith.constant 0 : i32
    %add3A_85 = arith.addi %mul3A_83, %add3A_84 : i32
    %dma_wait3A = arith.constant 0 : i32
    %dma_wait3A_86 = arith.constant 0 : i32
    %dma_wait3A_87 = tpu.memref_slice %arg8[%dma_wait3A, %dma_wait3A_86] : memref<4x128xi32, #tpu.memory_space<vmem>> -> memref<1x128xi32, #tpu.memory_space<vmem>>
    %dma_wait3A_88 = tpu.memref_squeeze %dma_wait3A_87 : memref<1x128xi32, #tpu.memory_space<vmem>> -> memref<128xi32, #tpu.memory_space<vmem>>
    %dma_wait3A_89 = arith.constant 0 : i32
    %dma_wait3A_90 = tpu.memref_slice %arg2[%add3A_85, %dma_wait3A_89] : memref<2528x128xi32, #tpu.memory_space<hbm>> -> memref<1x128xi32, #tpu.memory_space<hbm>>
    %dma_wait3A_91 = tpu.memref_squeeze %dma_wait3A_90 : memref<1x128xi32, #tpu.memory_space<hbm>> -> memref<128xi32, #tpu.memory_space<hbm>>
    %dma_wait3A_92 = arith.constant 0 : i32
    %dma_wait3A_93 = tpu.memref_slice %arg8[%dma_wait3A, %dma_wait3A_92] : memref<4x128xi32, #tpu.memory_space<vmem>> -> memref<1x128xi32, #tpu.memory_space<vmem>>
    %dma_wait3A_94 = tpu.memref_squeeze %dma_wait3A_93 : memref<1x128xi32, #tpu.memory_space<vmem>> -> memref<128xi32, #tpu.memory_space<vmem>>
    %dma_wait3A_95 = arith.constant 0 : i32
    %dma_wait3A_96 = tpu.memref_slice %arg2[%add3A_85, %dma_wait3A_95] : memref<2528x128xi32, #tpu.memory_space<hbm>> -> memref<1x128xi32, #tpu.memory_space<hbm>>
    %dma_wait3A_97 = tpu.memref_squeeze %dma_wait3A_96 : memref<1x128xi32, #tpu.memory_space<hbm>> -> memref<128xi32, #tpu.memory_space<hbm>>
    tpu.wait_dma2 semaphore(%arg13 : memref<!tpu.dma_semaphore, #tpu.memory_space<semaphore_mem>>) src(%dma_wait3A_97 : memref<128xi32, #tpu.memory_space<hbm>>) dst(%dma_wait3A_94 : memref<128xi32, #tpu.memory_space<vmem>>)
    %barrier3A = arith.constant 0 : index
    tpu.barrier barrier_id(%barrier3A)
    %dma_start3A_98 = arith.constant 0 : i32
    %dma_start3A_99 = arith.constant 0 : i32
    %dma_start3A_100 = arith.constant 0 : i32
    %dma_start3A_101 = arith.constant 0 : i32
    %dma_start3A_102 = tpu.memref_slice %arg9[%dma_start3A_99, %dma_start3A_100, %dma_start3A_101] : memref<2x128x128xf32, #tpu.memory_space<vmem>> -> memref<1x128x128xf32, #tpu.memory_space<vmem>>
    %dma_start3A_103 = tpu.memref_squeeze %dma_start3A_102 : memref<1x128x128xf32, #tpu.memory_space<vmem>> -> memref<128x128xf32, #tpu.memory_space<vmem>>
    %dma_start3A_104 = arith.constant 0 : i32
    %dma_start3A_105 = tpu.memref_slice %arg8[%dma_start3A_98, %dma_start3A_104] : memref<4x128xi32, #tpu.memory_space<vmem>> -> memref<1x128xi32, #tpu.memory_space<vmem>>
    %dma_start3A_106 = tpu.memref_squeeze %dma_start3A_105 : memref<1x128xi32, #tpu.memory_space<vmem>> -> memref<128xi32, #tpu.memory_space<vmem>>
    %dma_start3A_107 = arith.constant 0 : i32
    %dma_start3A_108 = arith.constant 0 : i32
    %dma_start3A_109 = tpu.memref_slice %arg4[%dma_start3A_107, %dma_start3A_108] : memref<10240x128xf32, #tpu.memory_space<hbm>> -> memref<10240x128xf32, #tpu.memory_space<hbm>>
    tpu.enqueue_indirect_dma source(%dma_start3A_109 : memref<10240x128xf32, #tpu.memory_space<hbm>>) target(%dma_start3A_103 : memref<128x128xf32, #tpu.memory_space<vmem>>) offsets(%dma_start3A_106 : memref<128xi32, #tpu.memory_space<vmem>>) semaphore(%arg11 : memref<!tpu.dma_semaphore, #tpu.memory_space<semaphore_mem>>)
    %scan3A_110 = arith.constant 0 : i32
    %scan3A_111 = arith.constant 0 : i32
    %scan3A_112 = arith.constant 20 : i32
    %scan3A_113 = arith.addi %scan3A_111, %scan3A_112 : i32
    %scan3A_114 = arith.constant 1 : i32
    %scan3A_115 = scf.for %scan3A_125 = %scan3A_111 to %scan3A_113 step %scan3A_114 iter_args(%scan3A_126 = %scan3A_110) -> (i32)  : i32 {
      %mul3A_127 = arith.constant 4 : i32
      %mul3A_128 = arith.muli %scan3A_125, %mul3A_127 : i32
      %add3A_129 = arith.constant 0 : i32
      %add3A_130 = arith.addi %mul3A_128, %add3A_129 : i32
      %add3A_131 = arith.constant 1 : i32
      %add3A_132 = arith.addi %add3A_130, %add3A_131 : i32
      %lt3A = arith.constant 79 : i32
      %lt3A_133 = arith.cmpi slt, %add3A_132, %lt3A : i32
      %convert_element_type3A_134 = arith.extui %lt3A_133 : i1 to i32
      %cond3A_135 = arith.constant 0 : i32
      %cond3A_136 = arith.cmpi ne, %convert_element_type3A_134, %cond3A_135 : i32
      scf.if %cond3A_136 {
        %add3A_213 = arith.constant 1 : i32
        %add3A_214 = arith.addi %add3A_130, %add3A_213 : i32
        %mul3A_215 = arith.constant 79 : i32
        %mul3A_216 = arith.muli %add3A, %mul3A_215 : i32
        %add3A_217 = arith.addi %mul3A_216, %add3A_214 : i32
        %dma_wait3A_218 = arith.constant 1 : i32
        %dma_wait3A_219 = arith.constant 0 : i32
        %dma_wait3A_220 = tpu.memref_slice %arg8[%dma_wait3A_218, %dma_wait3A_219] : memref<4x128xi32, #tpu.memory_space<vmem>> -> memref<1x128xi32, #tpu.memory_space<vmem>>
        %dma_wait3A_221 = tpu.memref_squeeze %dma_wait3A_220 : memref<1x128xi32, #tpu.memory_space<vmem>> -> memref<128xi32, #tpu.memory_space<vmem>>
        %dma_wait3A_222 = arith.constant 0 : i32
        %dma_wait3A_223 = tpu.memref_slice %arg2[%add3A_217, %dma_wait3A_222] : memref<2528x128xi32, #tpu.memory_space<hbm>> -> memref<1x128xi32, #tpu.memory_space<hbm>>
        %dma_wait3A_224 = tpu.memref_squeeze %dma_wait3A_223 : memref<1x128xi32, #tpu.memory_space<hbm>> -> memref<128xi32, #tpu.memory_space<hbm>>
        %dma_wait3A_225 = arith.constant 0 : i32
        %dma_wait3A_226 = tpu.memref_slice %arg8[%dma_wait3A_218, %dma_wait3A_225] : memref<4x128xi32, #tpu.memory_space<vmem>> -> memref<1x128xi32, #tpu.memory_space<vmem>>
        %dma_wait3A_227 = tpu.memref_squeeze %dma_wait3A_226 : memref<1x128xi32, #tpu.memory_space<vmem>> -> memref<128xi32, #tpu.memory_space<vmem>>
        %dma_wait3A_228 = arith.constant 0 : i32
        %dma_wait3A_229 = tpu.memref_slice %arg2[%add3A_217, %dma_wait3A_228] : memref<2528x128xi32, #tpu.memory_space<hbm>> -> memref<1x128xi32, #tpu.memory_space<hbm>>
        %dma_wait3A_230 = tpu.memref_squeeze %dma_wait3A_229 : memref<1x128xi32, #tpu.memory_space<hbm>> -> memref<128xi32, #tpu.memory_space<hbm>>
        tpu.wait_dma2 semaphore(%arg14 : memref<!tpu.dma_semaphore, #tpu.memory_space<semaphore_mem>>) src(%dma_wait3A_230 : memref<128xi32, #tpu.memory_space<hbm>>) dst(%dma_wait3A_227 : memref<128xi32, #tpu.memory_space<vmem>>)
        %add3A_231 = arith.constant 1 : i32
        %add3A_232 = arith.addi %add3A_130, %add3A_231 : i32
        %dma_start3A_233 = arith.constant 1 : i32
        %dma_start3A_234 = arith.constant 1 : i32
        %dma_start3A_235 = arith.constant 0 : i32
        %dma_start3A_236 = arith.constant 0 : i32
        %dma_start3A_237 = tpu.memref_slice %arg9[%dma_start3A_234, %dma_start3A_235, %dma_start3A_236] : memref<2x128x128xf32, #tpu.memory_space<vmem>> -> memref<1x128x128xf32, #tpu.memory_space<vmem>>
        %dma_start3A_238 = tpu.memref_squeeze %dma_start3A_237 : memref<1x128x128xf32, #tpu.memory_space<vmem>> -> memref<128x128xf32, #tpu.memory_space<vmem>>
        %dma_start3A_239 = arith.constant 0 : i32
        %dma_start3A_240 = tpu.memref_slice %arg8[%dma_start3A_233, %dma_start3A_239] : memref<4x128xi32, #tpu.memory_space<vmem>> -> memref<1x128xi32, #tpu.memory_space<vmem>>
        %dma_start3A_241 = tpu.memref_squeeze %dma_start3A_240 : memref<1x128xi32, #tpu.memory_space<vmem>> -> memref<128xi32, #tpu.memory_space<vmem>>
        %dma_start3A_242 = arith.constant 0 : i32
        %dma_start3A_243 = arith.constant 0 : i32
        %dma_start3A_244 = tpu.memref_slice %arg4[%dma_start3A_242, %dma_start3A_243] : memref<10240x128xf32, #tpu.memory_space<hbm>> -> memref<10240x128xf32, #tpu.memory_space<hbm>>
        tpu.enqueue_indirect_dma source(%dma_start3A_244 : memref<10240x128xf32, #tpu.memory_space<hbm>>) target(%dma_start3A_238 : memref<128x128xf32, #tpu.memory_space<vmem>>) offsets(%dma_start3A_241 : memref<128xi32, #tpu.memory_space<vmem>>) semaphore(%arg12 : memref<!tpu.dma_semaphore, #tpu.memory_space<semaphore_mem>>)
      } else {
      }
      %lt3A_137 = arith.constant 79 : i32
      %lt3A_138 = arith.cmpi slt, %add3A_130, %lt3A_137 : i32
      %convert_element_type3A_139 = arith.extui %lt3A_138 : i1 to i32
      %cond3A_140 = arith.constant 0 : i32
      %cond3A_141 = arith.cmpi ne, %convert_element_type3A_139, %cond3A_140 : i32
      scf.if %cond3A_141 {
        %dma_wait3A_213 = arith.constant 0 : i32
        %dma_wait3A_214 = arith.constant 0 : i32
        %dma_wait3A_215 = arith.constant 0 : i32
        %dma_wait3A_216 = arith.constant 0 : i32
        %dma_wait3A_217 = tpu.memref_slice %arg9[%dma_wait3A_214, %dma_wait3A_215, %dma_wait3A_216] : memref<2x128x128xf32, #tpu.memory_space<vmem>> -> memref<1x128x128xf32, #tpu.memory_space<vmem>>
        %dma_wait3A_218 = tpu.memref_squeeze %dma_wait3A_217 : memref<1x128x128xf32, #tpu.memory_space<vmem>> -> memref<128x128xf32, #tpu.memory_space<vmem>>
        %dma_wait3A_219 = arith.constant 0 : i32
        %dma_wait3A_220 = tpu.memref_slice %arg8[%dma_wait3A_213, %dma_wait3A_219] : memref<4x128xi32, #tpu.memory_space<vmem>> -> memref<1x128xi32, #tpu.memory_space<vmem>>
        %dma_wait3A_221 = tpu.memref_squeeze %dma_wait3A_220 : memref<1x128xi32, #tpu.memory_space<vmem>> -> memref<128xi32, #tpu.memory_space<vmem>>
        %dma_wait3A_222 = arith.constant 0 : i32
        %dma_wait3A_223 = arith.constant 0 : i32
        %dma_wait3A_224 = tpu.memref_slice %arg4[%dma_wait3A_222, %dma_wait3A_223] : memref<10240x128xf32, #tpu.memory_space<hbm>> -> memref<10240x128xf32, #tpu.memory_space<hbm>>
        tpu.wait_indirect_dma semaphore(%arg11 : memref<!tpu.dma_semaphore, #tpu.memory_space<semaphore_mem>>) src(%dma_wait3A_224 : memref<10240x128xf32, #tpu.memory_space<hbm>>) dst(%dma_wait3A_218 : memref<128x128xf32, #tpu.memory_space<vmem>>)
        %run_scoped3A = arith.constant 0 : i32
        "tpu.region"() ({
          %run_scoped3A_225 = tpu.sem_alloc : memref<!tpu.dma_semaphore, #tpu.memory_space<semaphore_mem>>
          %dma_start3A_226 = arith.constant 0 : i32
          %dma_start3A_227 = arith.constant 0 : i32
          %dma_start3A_228 = tpu.memref_slice %arg9[%run_scoped3A, %dma_start3A_226, %dma_start3A_227] : memref<2x128x128xf32, #tpu.memory_space<vmem>> -> memref<1x128x128xf32, #tpu.memory_space<vmem>>
          %dma_start3A_229 = tpu.memref_squeeze %dma_start3A_228 : memref<1x128x128xf32, #tpu.memory_space<vmem>> -> memref<128x128xf32, #tpu.memory_space<vmem>>
          %dma_start3A_230 = arith.constant 0 : i32
          %dma_start3A_231 = tpu.memref_slice %arg7[%add3A_130, %dma_start3A_230] : memref<79x128xi32, #tpu.memory_space<vmem>> -> memref<1x128xi32, #tpu.memory_space<vmem>>
          %dma_start3A_232 = tpu.memref_squeeze %dma_start3A_231 : memref<1x128xi32, #tpu.memory_space<vmem>> -> memref<128xi32, #tpu.memory_space<vmem>>
          %dma_start3A_233 = arith.constant 0 : i32
          %dma_start3A_234 = arith.constant 0 : i32
          %dma_start3A_235 = tpu.memref_slice %arg10[%dma_start3A_233, %dma_start3A_234] : memref<10240x128xf32, #tpu.memory_space<vmem_shared>> -> memref<10240x128xf32, #tpu.memory_space<vmem_shared>>
          tpu.enqueue_indirect_dma source(%dma_start3A_229 : memref<128x128xf32, #tpu.memory_space<vmem>>) target(%dma_start3A_235 : memref<10240x128xf32, #tpu.memory_space<vmem_shared>>) offsets(%dma_start3A_232 : memref<128xi32, #tpu.memory_space<vmem>>) semaphore(%run_scoped3A_225 : memref<!tpu.dma_semaphore, #tpu.memory_space<semaphore_mem>>) {add = true}
          %dma_wait3A_236 = arith.constant 0 : i32
          %dma_wait3A_237 = arith.constant 0 : i32
          %dma_wait3A_238 = tpu.memref_slice %arg9[%run_scoped3A, %dma_wait3A_236, %dma_wait3A_237] : memref<2x128x128xf32, #tpu.memory_space<vmem>> -> memref<1x128x128xf32, #tpu.memory_space<vmem>>
          %dma_wait3A_239 = tpu.memref_squeeze %dma_wait3A_238 : memref<1x128x128xf32, #tpu.memory_space<vmem>> -> memref<128x128xf32, #tpu.memory_space<vmem>>
          %dma_wait3A_240 = arith.constant 0 : i32
          %dma_wait3A_241 = tpu.memref_slice %arg7[%add3A_130, %dma_wait3A_240] : memref<79x128xi32, #tpu.memory_space<vmem>> -> memref<1x128xi32, #tpu.memory_space<vmem>>
          %dma_wait3A_242 = tpu.memref_squeeze %dma_wait3A_241 : memref<1x128xi32, #tpu.memory_space<vmem>> -> memref<128xi32, #tpu.memory_space<vmem>>
          %dma_wait3A_243 = arith.constant 0 : i32
          %dma_wait3A_244 = arith.constant 0 : i32
          %dma_wait3A_245 = tpu.memref_slice %arg10[%dma_wait3A_243, %dma_wait3A_244] : memref<10240x128xf32, #tpu.memory_space<vmem_shared>> -> memref<10240x128xf32, #tpu.memory_space<vmem_shared>>
          tpu.wait_indirect_dma semaphore(%run_scoped3A_225 : memref<!tpu.dma_semaphore, #tpu.memory_space<semaphore_mem>>) src(%dma_wait3A_239 : memref<128x128xf32, #tpu.memory_space<vmem>>) dst(%dma_wait3A_245 : memref<10240x128xf32, #tpu.memory_space<vmem_shared>>)
          tpu.yield
        }) : () -> ()
      } else {
      }
      %add3A_142 = arith.constant 4 : i32
      %add3A_143 = arith.addi %add3A_130, %add3A_142 : i32
      %lt3A_144 = arith.constant 79 : i32
      %lt3A_145 = arith.cmpi slt, %add3A_143, %lt3A_144 : i32
      %convert_element_type3A_146 = arith.extui %lt3A_145 : i1 to i32
      %cond3A_147 = arith.constant 0 : i32
      %cond3A_148 = arith.cmpi ne, %convert_element_type3A_146, %cond3A_147 : i32
      scf.if %cond3A_148 {
        %add3A_213 = arith.constant 4 : i32
        %add3A_214 = arith.addi %add3A_130, %add3A_213 : i32
        %mul3A_215 = arith.constant 79 : i32
        %mul3A_216 = arith.muli %add3A, %mul3A_215 : i32
        %add3A_217 = arith.addi %mul3A_216, %add3A_214 : i32
        %dma_start3A_218 = arith.constant 0 : i32
        %dma_start3A_219 = arith.constant 0 : i32
        %dma_start3A_220 = tpu.memref_slice %arg8[%dma_start3A_218, %dma_start3A_219] : memref<4x128xi32, #tpu.memory_space<vmem>> -> memref<1x128xi32, #tpu.memory_space<vmem>>
        %dma_start3A_221 = tpu.memref_squeeze %dma_start3A_220 : memref<1x128xi32, #tpu.memory_space<vmem>> -> memref<128xi32, #tpu.memory_space<vmem>>
        %dma_start3A_222 = arith.constant 0 : i32
        %dma_start3A_223 = tpu.memref_slice %arg2[%add3A_217, %dma_start3A_222] : memref<2528x128xi32, #tpu.memory_space<hbm>> -> memref<1x128xi32, #tpu.memory_space<hbm>>
        %dma_start3A_224 = tpu.memref_squeeze %dma_start3A_223 : memref<1x128xi32, #tpu.memory_space<hbm>> -> memref<128xi32, #tpu.memory_space<hbm>>
        %dma_start3A_225 = arith.constant 0 : i32
        %dma_start3A_226 = tpu.memref_slice %arg8[%dma_start3A_218, %dma_start3A_225] : memref<4x128xi32, #tpu.memory_space<vmem>> -> memref<1x128xi32, #tpu.memory_space<vmem>>
        %dma_start3A_227 = tpu.memref_squeeze %dma_start3A_226 : memref<1x128xi32, #tpu.memory_space<vmem>> -> memref<128xi32, #tpu.memory_space<vmem>>
        %dma_start3A_228 = arith.constant 0 : i32
        %dma_start3A_229 = tpu.memref_slice %arg2[%add3A_217, %dma_start3A_228] : memref<2528x128xi32, #tpu.memory_space<hbm>> -> memref<1x128xi32, #tpu.memory_space<hbm>>
        %dma_start3A_230 = tpu.memref_squeeze %dma_start3A_229 : memref<1x128xi32, #tpu.memory_space<hbm>> -> memref<128xi32, #tpu.memory_space<hbm>>
        tpu.enqueue_dma source(%dma_start3A_230 : memref<128xi32, #tpu.memory_space<hbm>>) target(%dma_start3A_227 : memref<128xi32, #tpu.memory_space<vmem>>) target_semaphore(%arg13 : memref<!tpu.dma_semaphore, #tpu.memory_space<semaphore_mem>>)
      } else {
      }
      %add3A_149 = arith.constant 1 : i32
      %add3A_150 = arith.addi %mul3A_128, %add3A_149 : i32
      %add3A_151 = arith.constant 1 : i32
      %add3A_152 = arith.addi %add3A_150, %add3A_151 : i32
      %lt3A_153 = arith.constant 79 : i32
      %lt3A_154 = arith.cmpi slt, %add3A_152, %lt3A_153 : i32
      %convert_element_type3A_155 = arith.extui %lt3A_154 : i1 to i32
      %cond3A_156 = arith.constant 0 : i32
      %cond3A_157 = arith.cmpi ne, %convert_element_type3A_155, %cond3A_156 : i32
      scf.if %cond3A_157 {
        %add3A_213 = arith.constant 1 : i32
        %add3A_214 = arith.addi %add3A_150, %add3A_213 : i32
        %mul3A_215 = arith.constant 79 : i32
        %mul3A_216 = arith.muli %add3A, %mul3A_215 : i32
        %add3A_217 = arith.addi %mul3A_216, %add3A_214 : i32
        %dma_wait3A_218 = arith.constant 2 : i32
        %dma_wait3A_219 = arith.constant 0 : i32
        %dma_wait3A_220 = tpu.memref_slice %arg8[%dma_wait3A_218, %dma_wait3A_219] : memref<4x128xi32, #tpu.memory_space<vmem>> -> memref<1x128xi32, #tpu.memory_space<vmem>>
        %dma_wait3A_221 = tpu.memref_squeeze %dma_wait3A_220 : memref<1x128xi32, #tpu.memory_space<vmem>> -> memref<128xi32, #tpu.memory_space<vmem>>
        %dma_wait3A_222 = arith.constant 0 : i32
        %dma_wait3A_223 = tpu.memref_slice %arg2[%add3A_217, %dma_wait3A_222] : memref<2528x128xi32, #tpu.memory_space<hbm>> -> memref<1x128xi32, #tpu.memory_space<hbm>>
        %dma_wait3A_224 = tpu.memref_squeeze %dma_wait3A_223 : memref<1x128xi32, #tpu.memory_space<hbm>> -> memref<128xi32, #tpu.memory_space<hbm>>
        %dma_wait3A_225 = arith.constant 0 : i32
        %dma_wait3A_226 = tpu.memref_slice %arg8[%dma_wait3A_218, %dma_wait3A_225] : memref<4x128xi32, #tpu.memory_space<vmem>> -> memref<1x128xi32, #tpu.memory_space<vmem>>
        %dma_wait3A_227 = tpu.memref_squeeze %dma_wait3A_226 : memref<1x128xi32, #tpu.memory_space<vmem>> -> memref<128xi32, #tpu.memory_space<vmem>>
        %dma_wait3A_228 = arith.constant 0 : i32
        %dma_wait3A_229 = tpu.memref_slice %arg2[%add3A_217, %dma_wait3A_228] : memref<2528x128xi32, #tpu.memory_space<hbm>> -> memref<1x128xi32, #tpu.memory_space<hbm>>
        %dma_wait3A_230 = tpu.memref_squeeze %dma_wait3A_229 : memref<1x128xi32, #tpu.memory_space<hbm>> -> memref<128xi32, #tpu.memory_space<hbm>>
        tpu.wait_dma2 semaphore(%arg15 : memref<!tpu.dma_semaphore, #tpu.memory_space<semaphore_mem>>) src(%dma_wait3A_230 : memref<128xi32, #tpu.memory_space<hbm>>) dst(%dma_wait3A_227 : memref<128xi32, #tpu.memory_space<vmem>>)
        %add3A_231 = arith.constant 1 : i32
        %add3A_232 = arith.addi %add3A_150, %add3A_231 : i32
        %dma_start3A_233 = arith.constant 2 : i32
        %dma_start3A_234 = arith.constant 0 : i32
        %dma_start3A_235 = arith.constant 0 : i32
        %dma_start3A_236 = arith.constant 0 : i32
        %dma_start3A_237 = tpu.memref_slice %arg9[%dma_start3A_234, %dma_start3A_235, %dma_start3A_236] : memref<2x128x128xf32, #tpu.memory_space<vmem>> -> memref<1x128x128xf32, #tpu.memory_space<vmem>>
        %dma_start3A_238 = tpu.memref_squeeze %dma_start3A_237 : memref<1x128x128xf32, #tpu.memory_space<vmem>> -> memref<128x128xf32, #tpu.memory_space<vmem>>
        %dma_start3A_239 = arith.constant 0 : i32
        %dma_start3A_240 = tpu.memref_slice %arg8[%dma_start3A_233, %dma_start3A_239] : memref<4x128xi32, #tpu.memory_space<vmem>> -> memref<1x128xi32, #tpu.memory_space<vmem>>
        %dma_start3A_241 = tpu.memref_squeeze %dma_start3A_240 : memref<1x128xi32, #tpu.memory_space<vmem>> -> memref<128xi32, #tpu.memory_space<vmem>>
        %dma_start3A_242 = arith.constant 0 : i32
        %dma_start3A_243 = arith.constant 0 : i32
        %dma_start3A_244 = tpu.memref_slice %arg4[%dma_start3A_242, %dma_start3A_243] : memref<10240x128xf32, #tpu.memory_space<hbm>> -> memref<10240x128xf32, #tpu.memory_space<hbm>>
        tpu.enqueue_indirect_dma source(%dma_start3A_244 : memref<10240x128xf32, #tpu.memory_space<hbm>>) target(%dma_start3A_238 : memref<128x128xf32, #tpu.memory_space<vmem>>) offsets(%dma_start3A_241 : memref<128xi32, #tpu.memory_space<vmem>>) semaphore(%arg11 : memref<!tpu.dma_semaphore, #tpu.memory_space<semaphore_mem>>)
      } else {
      }
      %lt3A_158 = arith.constant 79 : i32
      %lt3A_159 = arith.cmpi slt, %add3A_150, %lt3A_158 : i32
      %convert_element_type3A_160 = arith.extui %lt3A_159 : i1 to i32
      %cond3A_161 = arith.constant 0 : i32
      %cond3A_162 = arith.cmpi ne, %convert_element_type3A_160, %cond3A_161 : i32
      scf.if %cond3A_162 {
        %dma_wait3A_213 = arith.constant 1 : i32
        %dma_wait3A_214 = arith.constant 1 : i32
        %dma_wait3A_215 = arith.constant 0 : i32
        %dma_wait3A_216 = arith.constant 0 : i32
        %dma_wait3A_217 = tpu.memref_slice %arg9[%dma_wait3A_214, %dma_wait3A_215, %dma_wait3A_216] : memref<2x128x128xf32, #tpu.memory_space<vmem>> -> memref<1x128x128xf32, #tpu.memory_space<vmem>>
        %dma_wait3A_218 = tpu.memref_squeeze %dma_wait3A_217 : memref<1x128x128xf32, #tpu.memory_space<vmem>> -> memref<128x128xf32, #tpu.memory_space<vmem>>
        %dma_wait3A_219 = arith.constant 0 : i32
        %dma_wait3A_220 = tpu.memref_slice %arg8[%dma_wait3A_213, %dma_wait3A_219] : memref<4x128xi32, #tpu.memory_space<vmem>> -> memref<1x128xi32, #tpu.memory_space<vmem>>
        %dma_wait3A_221 = tpu.memref_squeeze %dma_wait3A_220 : memref<1x128xi32, #tpu.memory_space<vmem>> -> memref<128xi32, #tpu.memory_space<vmem>>
        %dma_wait3A_222 = arith.constant 0 : i32
        %dma_wait3A_223 = arith.constant 0 : i32
        %dma_wait3A_224 = tpu.memref_slice %arg4[%dma_wait3A_222, %dma_wait3A_223] : memref<10240x128xf32, #tpu.memory_space<hbm>> -> memref<10240x128xf32, #tpu.memory_space<hbm>>
        tpu.wait_indirect_dma semaphore(%arg12 : memref<!tpu.dma_semaphore, #tpu.memory_space<semaphore_mem>>) src(%dma_wait3A_224 : memref<10240x128xf32, #tpu.memory_space<hbm>>) dst(%dma_wait3A_218 : memref<128x128xf32, #tpu.memory_space<vmem>>)
        %run_scoped3A = arith.constant 1 : i32
        "tpu.region"() ({
          %run_scoped3A_225 = tpu.sem_alloc : memref<!tpu.dma_semaphore, #tpu.memory_space<semaphore_mem>>
          %dma_start3A_226 = arith.constant 0 : i32
          %dma_start3A_227 = arith.constant 0 : i32
          %dma_start3A_228 = tpu.memref_slice %arg9[%run_scoped3A, %dma_start3A_226, %dma_start3A_227] : memref<2x128x128xf32, #tpu.memory_space<vmem>> -> memref<1x128x128xf32, #tpu.memory_space<vmem>>
          %dma_start3A_229 = tpu.memref_squeeze %dma_start3A_228 : memref<1x128x128xf32, #tpu.memory_space<vmem>> -> memref<128x128xf32, #tpu.memory_space<vmem>>
          %dma_start3A_230 = arith.constant 0 : i32
          %dma_start3A_231 = tpu.memref_slice %arg7[%add3A_150, %dma_start3A_230] : memref<79x128xi32, #tpu.memory_space<vmem>> -> memref<1x128xi32, #tpu.memory_space<vmem>>
          %dma_start3A_232 = tpu.memref_squeeze %dma_start3A_231 : memref<1x128xi32, #tpu.memory_space<vmem>> -> memref<128xi32, #tpu.memory_space<vmem>>
          %dma_start3A_233 = arith.constant 0 : i32
          %dma_start3A_234 = arith.constant 0 : i32
          %dma_start3A_235 = tpu.memref_slice %arg10[%dma_start3A_233, %dma_start3A_234] : memref<10240x128xf32, #tpu.memory_space<vmem_shared>> -> memref<10240x128xf32, #tpu.memory_space<vmem_shared>>
          tpu.enqueue_indirect_dma source(%dma_start3A_229 : memref<128x128xf32, #tpu.memory_space<vmem>>) target(%dma_start3A_235 : memref<10240x128xf32, #tpu.memory_space<vmem_shared>>) offsets(%dma_start3A_232 : memref<128xi32, #tpu.memory_space<vmem>>) semaphore(%run_scoped3A_225 : memref<!tpu.dma_semaphore, #tpu.memory_space<semaphore_mem>>) {add = true}
          %dma_wait3A_236 = arith.constant 0 : i32
          %dma_wait3A_237 = arith.constant 0 : i32
          %dma_wait3A_238 = tpu.memref_slice %arg9[%run_scoped3A, %dma_wait3A_236, %dma_wait3A_237] : memref<2x128x128xf32, #tpu.memory_space<vmem>> -> memref<1x128x128xf32, #tpu.memory_space<vmem>>
          %dma_wait3A_239 = tpu.memref_squeeze %dma_wait3A_238 : memref<1x128x128xf32, #tpu.memory_space<vmem>> -> memref<128x128xf32, #tpu.memory_space<vmem>>
          %dma_wait3A_240 = arith.constant 0 : i32
          %dma_wait3A_241 = tpu.memref_slice %arg7[%add3A_150, %dma_wait3A_240] : memref<79x128xi32, #tpu.memory_space<vmem>> -> memref<1x128xi32, #tpu.memory_space<vmem>>
          %dma_wait3A_242 = tpu.memref_squeeze %dma_wait3A_241 : memref<1x128xi32, #tpu.memory_space<vmem>> -> memref<128xi32, #tpu.memory_space<vmem>>
          %dma_wait3A_243 = arith.constant 0 : i32
          %dma_wait3A_244 = arith.constant 0 : i32
          %dma_wait3A_245 = tpu.memref_slice %arg10[%dma_wait3A_243, %dma_wait3A_244] : memref<10240x128xf32, #tpu.memory_space<vmem_shared>> -> memref<10240x128xf32, #tpu.memory_space<vmem_shared>>
          tpu.wait_indirect_dma semaphore(%run_scoped3A_225 : memref<!tpu.dma_semaphore, #tpu.memory_space<semaphore_mem>>) src(%dma_wait3A_239 : memref<128x128xf32, #tpu.memory_space<vmem>>) dst(%dma_wait3A_245 : memref<10240x128xf32, #tpu.memory_space<vmem_shared>>)
          tpu.yield
        }) : () -> ()
      } else {
      }
      %add3A_163 = arith.constant 4 : i32
      %add3A_164 = arith.addi %add3A_150, %add3A_163 : i32
      %lt3A_165 = arith.constant 79 : i32
      %lt3A_166 = arith.cmpi slt, %add3A_164, %lt3A_165 : i32
      %convert_element_type3A_167 = arith.extui %lt3A_166 : i1 to i32
      %cond3A_168 = arith.constant 0 : i32
      %cond3A_169 = arith.cmpi ne, %convert_element_type3A_167, %cond3A_168 : i32
      scf.if %cond3A_169 {
        %add3A_213 = arith.constant 4 : i32
        %add3A_214 = arith.addi %add3A_150, %add3A_213 : i32
        %mul3A_215 = arith.constant 79 : i32
        %mul3A_216 = arith.muli %add3A, %mul3A_215 : i32
        %add3A_217 = arith.addi %mul3A_216, %add3A_214 : i32
        %dma_start3A_218 = arith.constant 1 : i32
        %dma_start3A_219 = arith.constant 0 : i32
        %dma_start3A_220 = tpu.memref_slice %arg8[%dma_start3A_218, %dma_start3A_219] : memref<4x128xi32, #tpu.memory_space<vmem>> -> memref<1x128xi32, #tpu.memory_space<vmem>>
        %dma_start3A_221 = tpu.memref_squeeze %dma_start3A_220 : memref<1x128xi32, #tpu.memory_space<vmem>> -> memref<128xi32, #tpu.memory_space<vmem>>
        %dma_start3A_222 = arith.constant 0 : i32
        %dma_start3A_223 = tpu.memref_slice %arg2[%add3A_217, %dma_start3A_222] : memref<2528x128xi32, #tpu.memory_space<hbm>> -> memref<1x128xi32, #tpu.memory_space<hbm>>
        %dma_start3A_224 = tpu.memref_squeeze %dma_start3A_223 : memref<1x128xi32, #tpu.memory_space<hbm>> -> memref<128xi32, #tpu.memory_space<hbm>>
        %dma_start3A_225 = arith.constant 0 : i32
        %dma_start3A_226 = tpu.memref_slice %arg8[%dma_start3A_218, %dma_start3A_225] : memref<4x128xi32, #tpu.memory_space<vmem>> -> memref<1x128xi32, #tpu.memory_space<vmem>>
        %dma_start3A_227 = tpu.memref_squeeze %dma_start3A_226 : memref<1x128xi32, #tpu.memory_space<vmem>> -> memref<128xi32, #tpu.memory_space<vmem>>
        %dma_start3A_228 = arith.constant 0 : i32
        %dma_start3A_229 = tpu.memref_slice %arg2[%add3A_217, %dma_start3A_228] : memref<2528x128xi32, #tpu.memory_space<hbm>> -> memref<1x128xi32, #tpu.memory_space<hbm>>
        %dma_start3A_230 = tpu.memref_squeeze %dma_start3A_229 : memref<1x128xi32, #tpu.memory_space<hbm>> -> memref<128xi32, #tpu.memory_space<hbm>>
        tpu.enqueue_dma source(%dma_start3A_230 : memref<128xi32, #tpu.memory_space<hbm>>) target(%dma_start3A_227 : memref<128xi32, #tpu.memory_space<vmem>>) target_semaphore(%arg14 : memref<!tpu.dma_semaphore, #tpu.memory_space<semaphore_mem>>)
      } else {
      }
      %add3A_170 = arith.constant 2 : i32
      %add3A_171 = arith.addi %mul3A_128, %add3A_170 : i32
      %add3A_172 = arith.constant 1 : i32
      %add3A_173 = arith.addi %add3A_171, %add3A_172 : i32
      %lt3A_174 = arith.constant 79 : i32
      %lt3A_175 = arith.cmpi slt, %add3A_173, %lt3A_174 : i32
      %convert_element_type3A_176 = arith.extui %lt3A_175 : i1 to i32
      %cond3A_177 = arith.constant 0 : i32
      %cond3A_178 = arith.cmpi ne, %convert_element_type3A_176, %cond3A_177 : i32
      scf.if %cond3A_178 {
        %add3A_213 = arith.constant 1 : i32
        %add3A_214 = arith.addi %add3A_171, %add3A_213 : i32
        %mul3A_215 = arith.constant 79 : i32
        %mul3A_216 = arith.muli %add3A, %mul3A_215 : i32
        %add3A_217 = arith.addi %mul3A_216, %add3A_214 : i32
        %dma_wait3A_218 = arith.constant 3 : i32
        %dma_wait3A_219 = arith.constant 0 : i32
        %dma_wait3A_220 = tpu.memref_slice %arg8[%dma_wait3A_218, %dma_wait3A_219] : memref<4x128xi32, #tpu.memory_space<vmem>> -> memref<1x128xi32, #tpu.memory_space<vmem>>
        %dma_wait3A_221 = tpu.memref_squeeze %dma_wait3A_220 : memref<1x128xi32, #tpu.memory_space<vmem>> -> memref<128xi32, #tpu.memory_space<vmem>>
        %dma_wait3A_222 = arith.constant 0 : i32
        %dma_wait3A_223 = tpu.memref_slice %arg2[%add3A_217, %dma_wait3A_222] : memref<2528x128xi32, #tpu.memory_space<hbm>> -> memref<1x128xi32, #tpu.memory_space<hbm>>
        %dma_wait3A_224 = tpu.memref_squeeze %dma_wait3A_223 : memref<1x128xi32, #tpu.memory_space<hbm>> -> memref<128xi32, #tpu.memory_space<hbm>>
        %dma_wait3A_225 = arith.constant 0 : i32
        %dma_wait3A_226 = tpu.memref_slice %arg8[%dma_wait3A_218, %dma_wait3A_225] : memref<4x128xi32, #tpu.memory_space<vmem>> -> memref<1x128xi32, #tpu.memory_space<vmem>>
        %dma_wait3A_227 = tpu.memref_squeeze %dma_wait3A_226 : memref<1x128xi32, #tpu.memory_space<vmem>> -> memref<128xi32, #tpu.memory_space<vmem>>
        %dma_wait3A_228 = arith.constant 0 : i32
        %dma_wait3A_229 = tpu.memref_slice %arg2[%add3A_217, %dma_wait3A_228] : memref<2528x128xi32, #tpu.memory_space<hbm>> -> memref<1x128xi32, #tpu.memory_space<hbm>>
        %dma_wait3A_230 = tpu.memref_squeeze %dma_wait3A_229 : memref<1x128xi32, #tpu.memory_space<hbm>> -> memref<128xi32, #tpu.memory_space<hbm>>
        tpu.wait_dma2 semaphore(%arg16 : memref<!tpu.dma_semaphore, #tpu.memory_space<semaphore_mem>>) src(%dma_wait3A_230 : memref<128xi32, #tpu.memory_space<hbm>>) dst(%dma_wait3A_227 : memref<128xi32, #tpu.memory_space<vmem>>)
        %add3A_231 = arith.constant 1 : i32
        %add3A_232 = arith.addi %add3A_171, %add3A_231 : i32
        %dma_start3A_233 = arith.constant 3 : i32
        %dma_start3A_234 = arith.constant 1 : i32
        %dma_start3A_235 = arith.constant 0 : i32
        %dma_start3A_236 = arith.constant 0 : i32
        %dma_start3A_237 = tpu.memref_slice %arg9[%dma_start3A_234, %dma_start3A_235, %dma_start3A_236] : memref<2x128x128xf32, #tpu.memory_space<vmem>> -> memref<1x128x128xf32, #tpu.memory_space<vmem>>
        %dma_start3A_238 = tpu.memref_squeeze %dma_start3A_237 : memref<1x128x128xf32, #tpu.memory_space<vmem>> -> memref<128x128xf32, #tpu.memory_space<vmem>>
        %dma_start3A_239 = arith.constant 0 : i32
        %dma_start3A_240 = tpu.memref_slice %arg8[%dma_start3A_233, %dma_start3A_239] : memref<4x128xi32, #tpu.memory_space<vmem>> -> memref<1x128xi32, #tpu.memory_space<vmem>>
        %dma_start3A_241 = tpu.memref_squeeze %dma_start3A_240 : memref<1x128xi32, #tpu.memory_space<vmem>> -> memref<128xi32, #tpu.memory_space<vmem>>
        %dma_start3A_242 = arith.constant 0 : i32
        %dma_start3A_243 = arith.constant 0 : i32
        %dma_start3A_244 = tpu.memref_slice %arg4[%dma_start3A_242, %dma_start3A_243] : memref<10240x128xf32, #tpu.memory_space<hbm>> -> memref<10240x128xf32, #tpu.memory_space<hbm>>
        tpu.enqueue_indirect_dma source(%dma_start3A_244 : memref<10240x128xf32, #tpu.memory_space<hbm>>) target(%dma_start3A_238 : memref<128x128xf32, #tpu.memory_space<vmem>>) offsets(%dma_start3A_241 : memref<128xi32, #tpu.memory_space<vmem>>) semaphore(%arg12 : memref<!tpu.dma_semaphore, #tpu.memory_space<semaphore_mem>>)
      } else {
      }
      %lt3A_179 = arith.constant 79 : i32
      %lt3A_180 = arith.cmpi slt, %add3A_171, %lt3A_179 : i32
      %convert_element_type3A_181 = arith.extui %lt3A_180 : i1 to i32
      %cond3A_182 = arith.constant 0 : i32
      %cond3A_183 = arith.cmpi ne, %convert_element_type3A_181, %cond3A_182 : i32
      scf.if %cond3A_183 {
        %dma_wait3A_213 = arith.constant 2 : i32
        %dma_wait3A_214 = arith.constant 0 : i32
        %dma_wait3A_215 = arith.constant 0 : i32
        %dma_wait3A_216 = arith.constant 0 : i32
        %dma_wait3A_217 = tpu.memref_slice %arg9[%dma_wait3A_214, %dma_wait3A_215, %dma_wait3A_216] : memref<2x128x128xf32, #tpu.memory_space<vmem>> -> memref<1x128x128xf32, #tpu.memory_space<vmem>>
        %dma_wait3A_218 = tpu.memref_squeeze %dma_wait3A_217 : memref<1x128x128xf32, #tpu.memory_space<vmem>> -> memref<128x128xf32, #tpu.memory_space<vmem>>
        %dma_wait3A_219 = arith.constant 0 : i32
        %dma_wait3A_220 = tpu.memref_slice %arg8[%dma_wait3A_213, %dma_wait3A_219] : memref<4x128xi32, #tpu.memory_space<vmem>> -> memref<1x128xi32, #tpu.memory_space<vmem>>
        %dma_wait3A_221 = tpu.memref_squeeze %dma_wait3A_220 : memref<1x128xi32, #tpu.memory_space<vmem>> -> memref<128xi32, #tpu.memory_space<vmem>>
        %dma_wait3A_222 = arith.constant 0 : i32
        %dma_wait3A_223 = arith.constant 0 : i32
        %dma_wait3A_224 = tpu.memref_slice %arg4[%dma_wait3A_222, %dma_wait3A_223] : memref<10240x128xf32, #tpu.memory_space<hbm>> -> memref<10240x128xf32, #tpu.memory_space<hbm>>
        tpu.wait_indirect_dma semaphore(%arg11 : memref<!tpu.dma_semaphore, #tpu.memory_space<semaphore_mem>>) src(%dma_wait3A_224 : memref<10240x128xf32, #tpu.memory_space<hbm>>) dst(%dma_wait3A_218 : memref<128x128xf32, #tpu.memory_space<vmem>>)
        %run_scoped3A = arith.constant 0 : i32
        "tpu.region"() ({
          %run_scoped3A_225 = tpu.sem_alloc : memref<!tpu.dma_semaphore, #tpu.memory_space<semaphore_mem>>
          %dma_start3A_226 = arith.constant 0 : i32
          %dma_start3A_227 = arith.constant 0 : i32
          %dma_start3A_228 = tpu.memref_slice %arg9[%run_scoped3A, %dma_start3A_226, %dma_start3A_227] : memref<2x128x128xf32, #tpu.memory_space<vmem>> -> memref<1x128x128xf32, #tpu.memory_space<vmem>>
          %dma_start3A_229 = tpu.memref_squeeze %dma_start3A_228 : memref<1x128x128xf32, #tpu.memory_space<vmem>> -> memref<128x128xf32, #tpu.memory_space<vmem>>
          %dma_start3A_230 = arith.constant 0 : i32
          %dma_start3A_231 = tpu.memref_slice %arg7[%add3A_171, %dma_start3A_230] : memref<79x128xi32, #tpu.memory_space<vmem>> -> memref<1x128xi32, #tpu.memory_space<vmem>>
          %dma_start3A_232 = tpu.memref_squeeze %dma_start3A_231 : memref<1x128xi32, #tpu.memory_space<vmem>> -> memref<128xi32, #tpu.memory_space<vmem>>
          %dma_start3A_233 = arith.constant 0 : i32
          %dma_start3A_234 = arith.constant 0 : i32
          %dma_start3A_235 = tpu.memref_slice %arg10[%dma_start3A_233, %dma_start3A_234] : memref<10240x128xf32, #tpu.memory_space<vmem_shared>> -> memref<10240x128xf32, #tpu.memory_space<vmem_shared>>
          tpu.enqueue_indirect_dma source(%dma_start3A_229 : memref<128x128xf32, #tpu.memory_space<vmem>>) target(%dma_start3A_235 : memref<10240x128xf32, #tpu.memory_space<vmem_shared>>) offsets(%dma_start3A_232 : memref<128xi32, #tpu.memory_space<vmem>>) semaphore(%run_scoped3A_225 : memref<!tpu.dma_semaphore, #tpu.memory_space<semaphore_mem>>) {add = true}
          %dma_wait3A_236 = arith.constant 0 : i32
          %dma_wait3A_237 = arith.constant 0 : i32
          %dma_wait3A_238 = tpu.memref_slice %arg9[%run_scoped3A, %dma_wait3A_236, %dma_wait3A_237] : memref<2x128x128xf32, #tpu.memory_space<vmem>> -> memref<1x128x128xf32, #tpu.memory_space<vmem>>
          %dma_wait3A_239 = tpu.memref_squeeze %dma_wait3A_238 : memref<1x128x128xf32, #tpu.memory_space<vmem>> -> memref<128x128xf32, #tpu.memory_space<vmem>>
          %dma_wait3A_240 = arith.constant 0 : i32
          %dma_wait3A_241 = tpu.memref_slice %arg7[%add3A_171, %dma_wait3A_240] : memref<79x128xi32, #tpu.memory_space<vmem>> -> memref<1x128xi32, #tpu.memory_space<vmem>>
          %dma_wait3A_242 = tpu.memref_squeeze %dma_wait3A_241 : memref<1x128xi32, #tpu.memory_space<vmem>> -> memref<128xi32, #tpu.memory_space<vmem>>
          %dma_wait3A_243 = arith.constant 0 : i32
          %dma_wait3A_244 = arith.constant 0 : i32
          %dma_wait3A_245 = tpu.memref_slice %arg10[%dma_wait3A_243, %dma_wait3A_244] : memref<10240x128xf32, #tpu.memory_space<vmem_shared>> -> memref<10240x128xf32, #tpu.memory_space<vmem_shared>>
          tpu.wait_indirect_dma semaphore(%run_scoped3A_225 : memref<!tpu.dma_semaphore, #tpu.memory_space<semaphore_mem>>) src(%dma_wait3A_239 : memref<128x128xf32, #tpu.memory_space<vmem>>) dst(%dma_wait3A_245 : memref<10240x128xf32, #tpu.memory_space<vmem_shared>>)
          tpu.yield
        }) : () -> ()
      } else {
      }
      %add3A_184 = arith.constant 4 : i32
      %add3A_185 = arith.addi %add3A_171, %add3A_184 : i32
      %lt3A_186 = arith.constant 79 : i32
      %lt3A_187 = arith.cmpi slt, %add3A_185, %lt3A_186 : i32
      %convert_element_type3A_188 = arith.extui %lt3A_187 : i1 to i32
      %cond3A_189 = arith.constant 0 : i32
      %cond3A_190 = arith.cmpi ne, %convert_element_type3A_188, %cond3A_189 : i32
      scf.if %cond3A_190 {
        %add3A_213 = arith.constant 4 : i32
        %add3A_214 = arith.addi %add3A_171, %add3A_213 : i32
        %mul3A_215 = arith.constant 79 : i32
        %mul3A_216 = arith.muli %add3A, %mul3A_215 : i32
        %add3A_217 = arith.addi %mul3A_216, %add3A_214 : i32
        %dma_start3A_218 = arith.constant 2 : i32
        %dma_start3A_219 = arith.constant 0 : i32
        %dma_start3A_220 = tpu.memref_slice %arg8[%dma_start3A_218, %dma_start3A_219] : memref<4x128xi32, #tpu.memory_space<vmem>> -> memref<1x128xi32, #tpu.memory_space<vmem>>
        %dma_start3A_221 = tpu.memref_squeeze %dma_start3A_220 : memref<1x128xi32, #tpu.memory_space<vmem>> -> memref<128xi32, #tpu.memory_space<vmem>>
        %dma_start3A_222 = arith.constant 0 : i32
        %dma_start3A_223 = tpu.memref_slice %arg2[%add3A_217, %dma_start3A_222] : memref<2528x128xi32, #tpu.memory_space<hbm>> -> memref<1x128xi32, #tpu.memory_space<hbm>>
        %dma_start3A_224 = tpu.memref_squeeze %dma_start3A_223 : memref<1x128xi32, #tpu.memory_space<hbm>> -> memref<128xi32, #tpu.memory_space<hbm>>
        %dma_start3A_225 = arith.constant 0 : i32
        %dma_start3A_226 = tpu.memref_slice %arg8[%dma_start3A_218, %dma_start3A_225] : memref<4x128xi32, #tpu.memory_space<vmem>> -> memref<1x128xi32, #tpu.memory_space<vmem>>
        %dma_start3A_227 = tpu.memref_squeeze %dma_start3A_226 : memref<1x128xi32, #tpu.memory_space<vmem>> -> memref<128xi32, #tpu.memory_space<vmem>>
        %dma_start3A_228 = arith.constant 0 : i32
        %dma_start3A_229 = tpu.memref_slice %arg2[%add3A_217, %dma_start3A_228] : memref<2528x128xi32, #tpu.memory_space<hbm>> -> memref<1x128xi32, #tpu.memory_space<hbm>>
        %dma_start3A_230 = tpu.memref_squeeze %dma_start3A_229 : memref<1x128xi32, #tpu.memory_space<hbm>> -> memref<128xi32, #tpu.memory_space<hbm>>
        tpu.enqueue_dma source(%dma_start3A_230 : memref<128xi32, #tpu.memory_space<hbm>>) target(%dma_start3A_227 : memref<128xi32, #tpu.memory_space<vmem>>) target_semaphore(%arg15 : memref<!tpu.dma_semaphore, #tpu.memory_space<semaphore_mem>>)
      } else {
      }
      %add3A_191 = arith.constant 3 : i32
      %add3A_192 = arith.addi %mul3A_128, %add3A_191 : i32
      %add3A_193 = arith.constant 1 : i32
      %add3A_194 = arith.addi %add3A_192, %add3A_193 : i32
      %lt3A_195 = arith.constant 79 : i32
      %lt3A_196 = arith.cmpi slt, %add3A_194, %lt3A_195 : i32
      %convert_element_type3A_197 = arith.extui %lt3A_196 : i1 to i32
      %cond3A_198 = arith.constant 0 : i32
      %cond3A_199 = arith.cmpi ne, %convert_element_type3A_197, %cond3A_198 : i32
      scf.if %cond3A_199 {
        %add3A_213 = arith.constant 1 : i32
        %add3A_214 = arith.addi %add3A_192, %add3A_213 : i32
        %mul3A_215 = arith.constant 79 : i32
        %mul3A_216 = arith.muli %add3A, %mul3A_215 : i32
        %add3A_217 = arith.addi %mul3A_216, %add3A_214 : i32
        %dma_wait3A_218 = arith.constant 0 : i32
        %dma_wait3A_219 = arith.constant 0 : i32
        %dma_wait3A_220 = tpu.memref_slice %arg8[%dma_wait3A_218, %dma_wait3A_219] : memref<4x128xi32, #tpu.memory_space<vmem>> -> memref<1x128xi32, #tpu.memory_space<vmem>>
        %dma_wait3A_221 = tpu.memref_squeeze %dma_wait3A_220 : memref<1x128xi32, #tpu.memory_space<vmem>> -> memref<128xi32, #tpu.memory_space<vmem>>
        %dma_wait3A_222 = arith.constant 0 : i32
        %dma_wait3A_223 = tpu.memref_slice %arg2[%add3A_217, %dma_wait3A_222] : memref<2528x128xi32, #tpu.memory_space<hbm>> -> memref<1x128xi32, #tpu.memory_space<hbm>>
        %dma_wait3A_224 = tpu.memref_squeeze %dma_wait3A_223 : memref<1x128xi32, #tpu.memory_space<hbm>> -> memref<128xi32, #tpu.memory_space<hbm>>
        %dma_wait3A_225 = arith.constant 0 : i32
        %dma_wait3A_226 = tpu.memref_slice %arg8[%dma_wait3A_218, %dma_wait3A_225] : memref<4x128xi32, #tpu.memory_space<vmem>> -> memref<1x128xi32, #tpu.memory_space<vmem>>
        %dma_wait3A_227 = tpu.memref_squeeze %dma_wait3A_226 : memref<1x128xi32, #tpu.memory_space<vmem>> -> memref<128xi32, #tpu.memory_space<vmem>>
        %dma_wait3A_228 = arith.constant 0 : i32
        %dma_wait3A_229 = tpu.memref_slice %arg2[%add3A_217, %dma_wait3A_228] : memref<2528x128xi32, #tpu.memory_space<hbm>> -> memref<1x128xi32, #tpu.memory_space<hbm>>
        %dma_wait3A_230 = tpu.memref_squeeze %dma_wait3A_229 : memref<1x128xi32, #tpu.memory_space<hbm>> -> memref<128xi32, #tpu.memory_space<hbm>>
        tpu.wait_dma2 semaphore(%arg13 : memref<!tpu.dma_semaphore, #tpu.memory_space<semaphore_mem>>) src(%dma_wait3A_230 : memref<128xi32, #tpu.memory_space<hbm>>) dst(%dma_wait3A_227 : memref<128xi32, #tpu.memory_space<vmem>>)
        %add3A_231 = arith.constant 1 : i32
        %add3A_232 = arith.addi %add3A_192, %add3A_231 : i32
        %dma_start3A_233 = arith.constant 0 : i32
        %dma_start3A_234 = arith.constant 0 : i32
        %dma_start3A_235 = arith.constant 0 : i32
        %dma_start3A_236 = arith.constant 0 : i32
        %dma_start3A_237 = tpu.memref_slice %arg9[%dma_start3A_234, %dma_start3A_235, %dma_start3A_236] : memref<2x128x128xf32, #tpu.memory_space<vmem>> -> memref<1x128x128xf32, #tpu.memory_space<vmem>>
        %dma_start3A_238 = tpu.memref_squeeze %dma_start3A_237 : memref<1x128x128xf32, #tpu.memory_space<vmem>> -> memref<128x128xf32, #tpu.memory_space<vmem>>
        %dma_start3A_239 = arith.constant 0 : i32
        %dma_start3A_240 = tpu.memref_slice %arg8[%dma_start3A_233, %dma_start3A_239] : memref<4x128xi32, #tpu.memory_space<vmem>> -> memref<1x128xi32, #tpu.memory_space<vmem>>
        %dma_start3A_241 = tpu.memref_squeeze %dma_start3A_240 : memref<1x128xi32, #tpu.memory_space<vmem>> -> memref<128xi32, #tpu.memory_space<vmem>>
        %dma_start3A_242 = arith.constant 0 : i32
        %dma_start3A_243 = arith.constant 0 : i32
        %dma_start3A_244 = tpu.memref_slice %arg4[%dma_start3A_242, %dma_start3A_243] : memref<10240x128xf32, #tpu.memory_space<hbm>> -> memref<10240x128xf32, #tpu.memory_space<hbm>>
        tpu.enqueue_indirect_dma source(%dma_start3A_244 : memref<10240x128xf32, #tpu.memory_space<hbm>>) target(%dma_start3A_238 : memref<128x128xf32, #tpu.memory_space<vmem>>) offsets(%dma_start3A_241 : memref<128xi32, #tpu.memory_space<vmem>>) semaphore(%arg11 : memref<!tpu.dma_semaphore, #tpu.memory_space<semaphore_mem>>)
      } else {
      }
      %lt3A_200 = arith.constant 79 : i32
      %lt3A_201 = arith.cmpi slt, %add3A_192, %lt3A_200 : i32
      %convert_element_type3A_202 = arith.extui %lt3A_201 : i1 to i32
      %cond3A_203 = arith.constant 0 : i32
      %cond3A_204 = arith.cmpi ne, %convert_element_type3A_202, %cond3A_203 : i32
      scf.if %cond3A_204 {
        %dma_wait3A_213 = arith.constant 3 : i32
        %dma_wait3A_214 = arith.constant 1 : i32
        %dma_wait3A_215 = arith.constant 0 : i32
        %dma_wait3A_216 = arith.constant 0 : i32
        %dma_wait3A_217 = tpu.memref_slice %arg9[%dma_wait3A_214, %dma_wait3A_215, %dma_wait3A_216] : memref<2x128x128xf32, #tpu.memory_space<vmem>> -> memref<1x128x128xf32, #tpu.memory_space<vmem>>
        %dma_wait3A_218 = tpu.memref_squeeze %dma_wait3A_217 : memref<1x128x128xf32, #tpu.memory_space<vmem>> -> memref<128x128xf32, #tpu.memory_space<vmem>>
        %dma_wait3A_219 = arith.constant 0 : i32
        %dma_wait3A_220 = tpu.memref_slice %arg8[%dma_wait3A_213, %dma_wait3A_219] : memref<4x128xi32, #tpu.memory_space<vmem>> -> memref<1x128xi32, #tpu.memory_space<vmem>>
        %dma_wait3A_221 = tpu.memref_squeeze %dma_wait3A_220 : memref<1x128xi32, #tpu.memory_space<vmem>> -> memref<128xi32, #tpu.memory_space<vmem>>
        %dma_wait3A_222 = arith.constant 0 : i32
        %dma_wait3A_223 = arith.constant 0 : i32
        %dma_wait3A_224 = tpu.memref_slice %arg4[%dma_wait3A_222, %dma_wait3A_223] : memref<10240x128xf32, #tpu.memory_space<hbm>> -> memref<10240x128xf32, #tpu.memory_space<hbm>>
        tpu.wait_indirect_dma semaphore(%arg12 : memref<!tpu.dma_semaphore, #tpu.memory_space<semaphore_mem>>) src(%dma_wait3A_224 : memref<10240x128xf32, #tpu.memory_space<hbm>>) dst(%dma_wait3A_218 : memref<128x128xf32, #tpu.memory_space<vmem>>)
        %run_scoped3A = arith.constant 1 : i32
        "tpu.region"() ({
          %run_scoped3A_225 = tpu.sem_alloc : memref<!tpu.dma_semaphore, #tpu.memory_space<semaphore_mem>>
          %dma_start3A_226 = arith.constant 0 : i32
          %dma_start3A_227 = arith.constant 0 : i32
          %dma_start3A_228 = tpu.memref_slice %arg9[%run_scoped3A, %dma_start3A_226, %dma_start3A_227] : memref<2x128x128xf32, #tpu.memory_space<vmem>> -> memref<1x128x128xf32, #tpu.memory_space<vmem>>
          %dma_start3A_229 = tpu.memref_squeeze %dma_start3A_228 : memref<1x128x128xf32, #tpu.memory_space<vmem>> -> memref<128x128xf32, #tpu.memory_space<vmem>>
          %dma_start3A_230 = arith.constant 0 : i32
          %dma_start3A_231 = tpu.memref_slice %arg7[%add3A_192, %dma_start3A_230] : memref<79x128xi32, #tpu.memory_space<vmem>> -> memref<1x128xi32, #tpu.memory_space<vmem>>
          %dma_start3A_232 = tpu.memref_squeeze %dma_start3A_231 : memref<1x128xi32, #tpu.memory_space<vmem>> -> memref<128xi32, #tpu.memory_space<vmem>>
          %dma_start3A_233 = arith.constant 0 : i32
          %dma_start3A_234 = arith.constant 0 : i32
          %dma_start3A_235 = tpu.memref_slice %arg10[%dma_start3A_233, %dma_start3A_234] : memref<10240x128xf32, #tpu.memory_space<vmem_shared>> -> memref<10240x128xf32, #tpu.memory_space<vmem_shared>>
          tpu.enqueue_indirect_dma source(%dma_start3A_229 : memref<128x128xf32, #tpu.memory_space<vmem>>) target(%dma_start3A_235 : memref<10240x128xf32, #tpu.memory_space<vmem_shared>>) offsets(%dma_start3A_232 : memref<128xi32, #tpu.memory_space<vmem>>) semaphore(%run_scoped3A_225 : memref<!tpu.dma_semaphore, #tpu.memory_space<semaphore_mem>>) {add = true}
          %dma_wait3A_236 = arith.constant 0 : i32
          %dma_wait3A_237 = arith.constant 0 : i32
          %dma_wait3A_238 = tpu.memref_slice %arg9[%run_scoped3A, %dma_wait3A_236, %dma_wait3A_237] : memref<2x128x128xf32, #tpu.memory_space<vmem>> -> memref<1x128x128xf32, #tpu.memory_space<vmem>>
          %dma_wait3A_239 = tpu.memref_squeeze %dma_wait3A_238 : memref<1x128x128xf32, #tpu.memory_space<vmem>> -> memref<128x128xf32, #tpu.memory_space<vmem>>
          %dma_wait3A_240 = arith.constant 0 : i32
          %dma_wait3A_241 = tpu.memref_slice %arg7[%add3A_192, %dma_wait3A_240] : memref<79x128xi32, #tpu.memory_space<vmem>> -> memref<1x128xi32, #tpu.memory_space<vmem>>
          %dma_wait3A_242 = tpu.memref_squeeze %dma_wait3A_241 : memref<1x128xi32, #tpu.memory_space<vmem>> -> memref<128xi32, #tpu.memory_space<vmem>>
          %dma_wait3A_243 = arith.constant 0 : i32
          %dma_wait3A_244 = arith.constant 0 : i32
          %dma_wait3A_245 = tpu.memref_slice %arg10[%dma_wait3A_243, %dma_wait3A_244] : memref<10240x128xf32, #tpu.memory_space<vmem_shared>> -> memref<10240x128xf32, #tpu.memory_space<vmem_shared>>
          tpu.wait_indirect_dma semaphore(%run_scoped3A_225 : memref<!tpu.dma_semaphore, #tpu.memory_space<semaphore_mem>>) src(%dma_wait3A_239 : memref<128x128xf32, #tpu.memory_space<vmem>>) dst(%dma_wait3A_245 : memref<10240x128xf32, #tpu.memory_space<vmem_shared>>)
          tpu.yield
        }) : () -> ()
      } else {
      }
      %add3A_205 = arith.constant 4 : i32
      %add3A_206 = arith.addi %add3A_192, %add3A_205 : i32
      %lt3A_207 = arith.constant 79 : i32
      %lt3A_208 = arith.cmpi slt, %add3A_206, %lt3A_207 : i32
      %convert_element_type3A_209 = arith.extui %lt3A_208 : i1 to i32
      %cond3A_210 = arith.constant 0 : i32
      %cond3A_211 = arith.cmpi ne, %convert_element_type3A_209, %cond3A_210 : i32
      scf.if %cond3A_211 {
        %add3A_213 = arith.constant 4 : i32
        %add3A_214 = arith.addi %add3A_192, %add3A_213 : i32
        %mul3A_215 = arith.constant 79 : i32
        %mul3A_216 = arith.muli %add3A, %mul3A_215 : i32
        %add3A_217 = arith.addi %mul3A_216, %add3A_214 : i32
        %dma_start3A_218 = arith.constant 3 : i32
        %dma_start3A_219 = arith.constant 0 : i32
        %dma_start3A_220 = tpu.memref_slice %arg8[%dma_start3A_218, %dma_start3A_219] : memref<4x128xi32, #tpu.memory_space<vmem>> -> memref<1x128xi32, #tpu.memory_space<vmem>>
        %dma_start3A_221 = tpu.memref_squeeze %dma_start3A_220 : memref<1x128xi32, #tpu.memory_space<vmem>> -> memref<128xi32, #tpu.memory_space<vmem>>
        %dma_start3A_222 = arith.constant 0 : i32
        %dma_start3A_223 = tpu.memref_slice %arg2[%add3A_217, %dma_start3A_222] : memref<2528x128xi32, #tpu.memory_space<hbm>> -> memref<1x128xi32, #tpu.memory_space<hbm>>
        %dma_start3A_224 = tpu.memref_squeeze %dma_start3A_223 : memref<1x128xi32, #tpu.memory_space<hbm>> -> memref<128xi32, #tpu.memory_space<hbm>>
        %dma_start3A_225 = arith.constant 0 : i32
        %dma_start3A_226 = tpu.memref_slice %arg8[%dma_start3A_218, %dma_start3A_225] : memref<4x128xi32, #tpu.memory_space<vmem>> -> memref<1x128xi32, #tpu.memory_space<vmem>>
        %dma_start3A_227 = tpu.memref_squeeze %dma_start3A_226 : memref<1x128xi32, #tpu.memory_space<vmem>> -> memref<128xi32, #tpu.memory_space<vmem>>
        %dma_start3A_228 = arith.constant 0 : i32
        %dma_start3A_229 = tpu.memref_slice %arg2[%add3A_217, %dma_start3A_228] : memref<2528x128xi32, #tpu.memory_space<hbm>> -> memref<1x128xi32, #tpu.memory_space<hbm>>
        %dma_start3A_230 = tpu.memref_squeeze %dma_start3A_229 : memref<1x128xi32, #tpu.memory_space<hbm>> -> memref<128xi32, #tpu.memory_space<hbm>>
        tpu.enqueue_dma source(%dma_start3A_230 : memref<128xi32, #tpu.memory_space<hbm>>) target(%dma_start3A_227 : memref<128xi32, #tpu.memory_space<vmem>>) target_semaphore(%arg16 : memref<!tpu.dma_semaphore, #tpu.memory_space<semaphore_mem>>)
      } else {
      }
      %scan3A_212 = arith.constant 0 : i32
      scf.yield %scan3A_212 : i32
    }
    %scan3A_116 = arith.constant 20 : i32
    %barrier3A_117 = arith.constant 0 : index
    tpu.barrier barrier_id(%barrier3A_117)
    %eq3A = arith.constant 0 : i32
    %eq3A_118 = arith.cmpi eq, %arg0, %eq3A : i32
    %convert_element_type3A = arith.extui %eq3A_118 : i1 to i32
    %cond3A = arith.constant 0 : i32
    %cond3A_119 = arith.cmpi ne, %convert_element_type3A, %cond3A : i32
    scf.if %cond3A_119 {
      %mul3A_125 = arith.constant 640 : i32
      %mul3A_126 = arith.muli %arg1, %mul3A_125 : i32
      %mul3A_127 = arith.constant 640 : i32
      %mul3A_128 = arith.muli %arg1, %mul3A_127 : i32
      "tpu.region"() ({
        %run_scoped3A = tpu.sem_alloc : memref<!tpu.dma_semaphore, #tpu.memory_space<semaphore_mem>>
        %dma_start3A_129 = arith.constant 0 : i32
        %dma_start3A_130 = tpu.memref_slice %arg5[%mul3A_128, %dma_start3A_129] : memref<10240x128xf32, #tpu.memory_space<hbm>> -> memref<640x128xf32, #tpu.memory_space<hbm>>
        %dma_start3A_131 = arith.constant 0 : i32
        %dma_start3A_132 = tpu.memref_slice %arg10[%mul3A_126, %dma_start3A_131] : memref<10240x128xf32, #tpu.memory_space<vmem_shared>> -> memref<640x128xf32, #tpu.memory_space<vmem_shared>>
        tpu.enqueue_dma source(%dma_start3A_132 : memref<640x128xf32, #tpu.memory_space<vmem_shared>>) target(%dma_start3A_130 : memref<640x128xf32, #tpu.memory_space<hbm>>) target_semaphore(%run_scoped3A : memref<!tpu.dma_semaphore, #tpu.memory_space<semaphore_mem>>)
        %dma_wait3A_133 = arith.constant 0 : i32
        %dma_wait3A_134 = tpu.memref_slice %arg5[%mul3A_128, %dma_wait3A_133] : memref<10240x128xf32, #tpu.memory_space<hbm>> -> memref<640x128xf32, #tpu.memory_space<hbm>>
        %dma_wait3A_135 = arith.constant 0 : i32
        %dma_wait3A_136 = tpu.memref_slice %arg10[%mul3A_126, %dma_wait3A_135] : memref<10240x128xf32, #tpu.memory_space<vmem_shared>> -> memref<640x128xf32, #tpu.memory_space<vmem_shared>>
        tpu.wait_dma2 semaphore(%run_scoped3A : memref<!tpu.dma_semaphore, #tpu.memory_space<semaphore_mem>>) src(%dma_wait3A_136 : memref<640x128xf32, #tpu.memory_space<vmem_shared>>) dst(%dma_wait3A_134 : memref<640x128xf32, #tpu.memory_space<hbm>>)
        tpu.yield
      }) : () -> ()
    } else {
    }
    %eq3A_120 = arith.constant 1 : i32
    %eq3A_121 = arith.cmpi eq, %arg0, %eq3A_120 : i32
    %convert_element_type3A_122 = arith.extui %eq3A_121 : i1 to i32
    %cond3A_123 = arith.constant 0 : i32
    %cond3A_124 = arith.cmpi ne, %convert_element_type3A_122, %cond3A_123 : i32
    scf.if %cond3A_124 {
      %mul3A_125 = arith.constant 640 : i32
      %mul3A_126 = arith.muli %arg1, %mul3A_125 : i32
      %mul3A_127 = arith.constant 640 : i32
      %mul3A_128 = arith.muli %arg1, %mul3A_127 : i32
      "tpu.region"() ({
        %run_scoped3A = tpu.sem_alloc : memref<!tpu.dma_semaphore, #tpu.memory_space<semaphore_mem>>
        %dma_start3A_129 = arith.constant 0 : i32
        %dma_start3A_130 = tpu.memref_slice %arg6[%mul3A_128, %dma_start3A_129] : memref<10240x128xf32, #tpu.memory_space<hbm>> -> memref<640x128xf32, #tpu.memory_space<hbm>>
        %dma_start3A_131 = arith.constant 0 : i32
        %dma_start3A_132 = tpu.memref_slice %arg10[%mul3A_126, %dma_start3A_131] : memref<10240x128xf32, #tpu.memory_space<vmem_shared>> -> memref<640x128xf32, #tpu.memory_space<vmem_shared>>
        tpu.enqueue_dma source(%dma_start3A_132 : memref<640x128xf32, #tpu.memory_space<vmem_shared>>) target(%dma_start3A_130 : memref<640x128xf32, #tpu.memory_space<hbm>>) target_semaphore(%run_scoped3A : memref<!tpu.dma_semaphore, #tpu.memory_space<semaphore_mem>>)
        %dma_wait3A_133 = arith.constant 0 : i32
        %dma_wait3A_134 = tpu.memref_slice %arg6[%mul3A_128, %dma_wait3A_133] : memref<10240x128xf32, #tpu.memory_space<hbm>> -> memref<640x128xf32, #tpu.memory_space<hbm>>
        %dma_wait3A_135 = arith.constant 0 : i32
        %dma_wait3A_136 = tpu.memref_slice %arg10[%mul3A_126, %dma_wait3A_135] : memref<10240x128xf32, #tpu.memory_space<vmem_shared>> -> memref<640x128xf32, #tpu.memory_space<vmem_shared>>
        tpu.wait_dma2 semaphore(%run_scoped3A : memref<!tpu.dma_semaphore, #tpu.memory_space<semaphore_mem>>) src(%dma_wait3A_136 : memref<640x128xf32, #tpu.memory_space<vmem_shared>>) dst(%dma_wait3A_134 : memref<640x128xf32, #tpu.memory_space<hbm>>)
        tpu.yield
      }) : () -> ()
    } else {
    }
    return
  }
}

#map = affine_map<(d0, d1) -> (0, 0, 0)>
#map1 = affine_map<(d0, d1) -> (0, 0)>
module attributes {stable_mosaic.version = 14 : i64} {
  func.func @deg_kernel(%arg0: i32, %arg1: i32, %arg2: memref<32x79x128xi32, #tpu.memory_space<hbm>>, %arg3: memref<10240x16xf32, #tpu.memory_space<hbm>>, %arg4: memref<10240x16xf32, #tpu.memory_space<hbm>>, %arg5: memref<79x128xi32, #tpu.memory_space<vmem>>, %arg6: memref<128x16xf32, #tpu.memory_space<vmem>>, %arg7: memref<16x16xf32, #tpu.memory_space<vmem>>, %arg8: memref<10240x16xf32, #tpu.memory_space<vmem_shared>>) attributes {dimension_semantics = [#tpu.dimension_semantics<core_parallel>, #tpu.dimension_semantics<subcore_parallel>], iteration_bounds = array<i64: 2, 16>, scalar_prefetch = 0 : i64, scratch_operands = 4 : i64, tpu.core_type = #tpu.core_type<sc_vector_subcore>, window_params = [{transform_indices = #map}, {transform_indices = #map1}, {transform_indices = #map1}]} {
    %mul3A = arith.constant 16 : i32
    %mul3A_0 = arith.muli %arg0, %mul3A : i32
    %add3A = arith.addi %mul3A_0, %arg1 : i32
    %broadcast_in_dim3A = arith.constant 1.000000e+00 : f32
    %broadcast_in_dim3A_1 = vector.broadcast %broadcast_in_dim3A : f32 to vector<16xf32>
    %scan3A = arith.constant 0 : i32
    %scan3A_2 = arith.constant 0 : i32
    %scan3A_3 = arith.constant 128 : i32
    %scan3A_4 = arith.addi %scan3A_2, %scan3A_3 : i32
    %scan3A_5 = arith.constant 1 : i32
    %scan3A_6 = scf.for %scan3A_39 = %scan3A_2 to %scan3A_4 step %scan3A_5 iter_args(%scan3A_40 = %scan3A) -> (i32)  : i32 {
      %swap3A = arith.index_cast %scan3A_39 : i32 to index
      %swap3A_41 = arith.constant 0 : index
      %swap3A_42 = tpu.vector_load %arg6[%swap3A, %swap3A_41] {strides = array<i32>} : memref<128x16xf32, #tpu.memory_space<vmem>>, vector<1x16xf32>,
      %swap3A_43 = vector.shape_cast %swap3A_42 : vector<1x16xf32> to vector<16xf32>
      %swap3A_44 = vector.shape_cast %broadcast_in_dim3A_1 : vector<16xf32> to vector<1x16xf32>
      tpu.vector_store %arg6[%swap3A, %swap3A_41], %swap3A_44 {strides = array<i32>} : memref<128x16xf32, #tpu.memory_space<vmem>>, vector<1x16xf32>,
      %scan3A_45 = arith.constant 0 : i32
      scf.yield %scan3A_45 : i32
    }
    %scan3A_7 = arith.constant 128 : i32
    %broadcast_in_dim3A_8 = arith.constant 0.000000e+00 : f32
    %broadcast_in_dim3A_9 = vector.broadcast %broadcast_in_dim3A_8 : f32 to vector<16xf32>
    %scan3A_10 = arith.constant 0 : i32
    %scan3A_11 = arith.constant 0 : i32
    %scan3A_12 = arith.constant 16 : i32
    %scan3A_13 = arith.addi %scan3A_11, %scan3A_12 : i32
    %scan3A_14 = arith.constant 1 : i32
    %scan3A_15 = scf.for %scan3A_39 = %scan3A_11 to %scan3A_13 step %scan3A_14 iter_args(%scan3A_40 = %scan3A_10) -> (i32)  : i32 {
      %swap3A = arith.index_cast %scan3A_39 : i32 to index
      %swap3A_41 = arith.constant 0 : index
      %swap3A_42 = tpu.vector_load %arg7[%swap3A, %swap3A_41] {strides = array<i32>} : memref<16x16xf32, #tpu.memory_space<vmem>>, vector<1x16xf32>,
      %swap3A_43 = vector.shape_cast %swap3A_42 : vector<1x16xf32> to vector<16xf32>
      %swap3A_44 = vector.shape_cast %broadcast_in_dim3A_9 : vector<16xf32> to vector<1x16xf32>
      tpu.vector_store %arg7[%swap3A, %swap3A_41], %swap3A_44 {strides = array<i32>} : memref<16x16xf32, #tpu.memory_space<vmem>>, vector<1x16xf32>,
      %scan3A_45 = arith.constant 0 : i32
      scf.yield %scan3A_45 : i32
    }
    %scan3A_16 = arith.constant 16 : i32
    %scan3A_17 = arith.constant 0 : i32
    %scan3A_18 = arith.constant 0 : i32
    %scan3A_19 = arith.constant 40 : i32
    %scan3A_20 = arith.addi %scan3A_18, %scan3A_19 : i32
    %scan3A_21 = arith.constant 1 : i32
    %scan3A_22 = scf.for %scan3A_39 = %scan3A_18 to %scan3A_20 step %scan3A_21 iter_args(%scan3A_40 = %scan3A_17) -> (i32)  : i32 {
      %mul3A_41 = arith.constant 640 : i32
      %mul3A_42 = arith.muli %arg1, %mul3A_41 : i32
      %mul3A_43 = arith.constant 16 : i32
      %mul3A_44 = arith.muli %scan3A_39, %mul3A_43 : i32
      %add3A_45 = arith.addi %mul3A_42, %mul3A_44 : i32
      "tpu.region"() ({
        %run_scoped3A = tpu.sem_alloc : memref<!tpu.dma_semaphore, #tpu.memory_space<semaphore_mem>>
        %dma_start3A = arith.constant 0 : i32
        %dma_start3A_47 = tpu.memref_slice %arg8[%add3A_45, %dma_start3A] : memref<10240x16xf32, #tpu.memory_space<vmem_shared>> -> memref<16x16xf32, #tpu.memory_space<vmem_shared>>
        %dma_start3A_48 = arith.constant 0 : i32
        %dma_start3A_49 = tpu.memref_slice %arg8[%add3A_45, %dma_start3A_48] : memref<10240x16xf32, #tpu.memory_space<vmem_shared>> -> memref<16x16xf32, #tpu.memory_space<vmem_shared>>
        tpu.enqueue_dma source(%arg7 : memref<16x16xf32, #tpu.memory_space<vmem>>) target(%dma_start3A_49 : memref<16x16xf32, #tpu.memory_space<vmem_shared>>) target_semaphore(%run_scoped3A : memref<!tpu.dma_semaphore, #tpu.memory_space<semaphore_mem>>)
        %dma_wait3A = arith.constant 0 : i32
        %dma_wait3A_50 = tpu.memref_slice %arg8[%add3A_45, %dma_wait3A] : memref<10240x16xf32, #tpu.memory_space<vmem_shared>> -> memref<16x16xf32, #tpu.memory_space<vmem_shared>>
        %dma_wait3A_51 = arith.constant 0 : i32
        %dma_wait3A_52 = tpu.memref_slice %arg8[%add3A_45, %dma_wait3A_51] : memref<10240x16xf32, #tpu.memory_space<vmem_shared>> -> memref<16x16xf32, #tpu.memory_space<vmem_shared>>
        tpu.wait_dma2 semaphore(%run_scoped3A : memref<!tpu.dma_semaphore, #tpu.memory_space<semaphore_mem>>) src(%arg7 : memref<16x16xf32, #tpu.memory_space<vmem>>) dst(%dma_wait3A_52 : memref<16x16xf32, #tpu.memory_space<vmem_shared>>)
        tpu.yield
      }) : () -> ()
      %scan3A_46 = arith.constant 0 : i32
      scf.yield %scan3A_46 : i32
    }
    %scan3A_23 = arith.constant 40 : i32
    %barrier3A = arith.constant 0 : index
    tpu.barrier barrier_id(%barrier3A)
    "tpu.region"() ({
      %run_scoped3A = tpu.sem_alloc : memref<!tpu.dma_semaphore, #tpu.memory_space<semaphore_mem>>
      %dma_start3A = arith.constant 0 : i32
      %dma_start3A_39 = arith.constant 0 : i32
      %dma_start3A_40 = tpu.memref_slice %arg2[%add3A, %dma_start3A, %dma_start3A_39] : memref<32x79x128xi32, #tpu.memory_space<hbm>> -> memref<1x79x128xi32, #tpu.memory_space<hbm>>
      %dma_start3A_41 = tpu.memref_squeeze %dma_start3A_40 : memref<1x79x128xi32, #tpu.memory_space<hbm>> -> memref<79x128xi32, #tpu.memory_space<hbm>>
      %dma_start3A_42 = arith.constant 0 : i32
      %dma_start3A_43 = arith.constant 0 : i32
      %dma_start3A_44 = tpu.memref_slice %arg2[%add3A, %dma_start3A_42, %dma_start3A_43] : memref<32x79x128xi32, #tpu.memory_space<hbm>> -> memref<1x79x128xi32, #tpu.memory_space<hbm>>
      %dma_start3A_45 = tpu.memref_squeeze %dma_start3A_44 : memref<1x79x128xi32, #tpu.memory_space<hbm>> -> memref<79x128xi32, #tpu.memory_space<hbm>>
      tpu.enqueue_dma source(%dma_start3A_45 : memref<79x128xi32, #tpu.memory_space<hbm>>) target(%arg5 : memref<79x128xi32, #tpu.memory_space<vmem>>) target_semaphore(%run_scoped3A : memref<!tpu.dma_semaphore, #tpu.memory_space<semaphore_mem>>)
      %dma_wait3A = arith.constant 0 : i32
      %dma_wait3A_46 = arith.constant 0 : i32
      %dma_wait3A_47 = tpu.memref_slice %arg2[%add3A, %dma_wait3A, %dma_wait3A_46] : memref<32x79x128xi32, #tpu.memory_space<hbm>> -> memref<1x79x128xi32, #tpu.memory_space<hbm>>
      %dma_wait3A_48 = tpu.memref_squeeze %dma_wait3A_47 : memref<1x79x128xi32, #tpu.memory_space<hbm>> -> memref<79x128xi32, #tpu.memory_space<hbm>>
      %dma_wait3A_49 = arith.constant 0 : i32
      %dma_wait3A_50 = arith.constant 0 : i32
      %dma_wait3A_51 = tpu.memref_slice %arg2[%add3A, %dma_wait3A_49, %dma_wait3A_50] : memref<32x79x128xi32, #tpu.memory_space<hbm>> -> memref<1x79x128xi32, #tpu.memory_space<hbm>>
      %dma_wait3A_52 = tpu.memref_squeeze %dma_wait3A_51 : memref<1x79x128xi32, #tpu.memory_space<hbm>> -> memref<79x128xi32, #tpu.memory_space<hbm>>
      tpu.wait_dma2 semaphore(%run_scoped3A : memref<!tpu.dma_semaphore, #tpu.memory_space<semaphore_mem>>) src(%dma_wait3A_52 : memref<79x128xi32, #tpu.memory_space<hbm>>) dst(%arg5 : memref<79x128xi32, #tpu.memory_space<vmem>>)
      tpu.yield
    }) : () -> ()
    %scan3A_24 = arith.constant 0 : i32
    %scan3A_25 = arith.constant 0 : i32
    %scan3A_26 = arith.constant 79 : i32
    %scan3A_27 = arith.addi %scan3A_25, %scan3A_26 : i32
    %scan3A_28 = arith.constant 1 : i32
    %scan3A_29 = scf.for %scan3A_39 = %scan3A_25 to %scan3A_27 step %scan3A_28 iter_args(%scan3A_40 = %scan3A_24) -> (i32)  : i32 {
      "tpu.region"() ({
        %run_scoped3A = tpu.sem_alloc : memref<!tpu.dma_semaphore, #tpu.memory_space<semaphore_mem>>
        %dma_start3A = arith.constant 0 : i32
        %dma_start3A_42 = tpu.memref_slice %arg5[%scan3A_39, %dma_start3A] : memref<79x128xi32, #tpu.memory_space<vmem>> -> memref<1x128xi32, #tpu.memory_space<vmem>>
        %dma_start3A_43 = tpu.memref_squeeze %dma_start3A_42 : memref<1x128xi32, #tpu.memory_space<vmem>> -> memref<128xi32, #tpu.memory_space<vmem>>
        %dma_start3A_44 = arith.constant 0 : i32
        %dma_start3A_45 = arith.constant 0 : i32
        %dma_start3A_46 = tpu.memref_slice %arg8[%dma_start3A_44, %dma_start3A_45] : memref<10240x16xf32, #tpu.memory_space<vmem_shared>> -> memref<10240x16xf32, #tpu.memory_space<vmem_shared>>
        tpu.enqueue_indirect_dma source(%arg6 : memref<128x16xf32, #tpu.memory_space<vmem>>) target(%dma_start3A_46 : memref<10240x16xf32, #tpu.memory_space<vmem_shared>>) offsets(%dma_start3A_43 : memref<128xi32, #tpu.memory_space<vmem>>) semaphore(%run_scoped3A : memref<!tpu.dma_semaphore, #tpu.memory_space<semaphore_mem>>) {add = true}
        %dma_wait3A = arith.constant 0 : i32
        %dma_wait3A_47 = tpu.memref_slice %arg5[%scan3A_39, %dma_wait3A] : memref<79x128xi32, #tpu.memory_space<vmem>> -> memref<1x128xi32, #tpu.memory_space<vmem>>
        %dma_wait3A_48 = tpu.memref_squeeze %dma_wait3A_47 : memref<1x128xi32, #tpu.memory_space<vmem>> -> memref<128xi32, #tpu.memory_space<vmem>>
        %dma_wait3A_49 = arith.constant 0 : i32
        %dma_wait3A_50 = arith.constant 0 : i32
        %dma_wait3A_51 = tpu.memref_slice %arg8[%dma_wait3A_49, %dma_wait3A_50] : memref<10240x16xf32, #tpu.memory_space<vmem_shared>> -> memref<10240x16xf32, #tpu.memory_space<vmem_shared>>
        tpu.wait_indirect_dma semaphore(%run_scoped3A : memref<!tpu.dma_semaphore, #tpu.memory_space<semaphore_mem>>) src(%arg6 : memref<128x16xf32, #tpu.memory_space<vmem>>) dst(%dma_wait3A_51 : memref<10240x16xf32, #tpu.memory_space<vmem_shared>>)
        tpu.yield
      }) : () -> ()
      %scan3A_41 = arith.constant 0 : i32
      scf.yield %scan3A_41 : i32
    }
    %scan3A_30 = arith.constant 79 : i32
    %barrier3A_31 = arith.constant 0 : index
    tpu.barrier barrier_id(%barrier3A_31)
    %eq3A = arith.constant 0 : i32
    %eq3A_32 = arith.cmpi eq, %arg0, %eq3A : i32
    %convert_element_type3A = arith.extui %eq3A_32 : i1 to i32
    %cond3A = arith.constant 0 : i32
    %cond3A_33 = arith.cmpi ne, %convert_element_type3A, %cond3A : i32
    scf.if %cond3A_33 {
      %mul3A_39 = arith.constant 640 : i32
      %mul3A_40 = arith.muli %arg1, %mul3A_39 : i32
      %mul3A_41 = arith.constant 640 : i32
      %mul3A_42 = arith.muli %arg1, %mul3A_41 : i32
      "tpu.region"() ({
        %run_scoped3A = tpu.sem_alloc : memref<!tpu.dma_semaphore, #tpu.memory_space<semaphore_mem>>
        %dma_start3A = arith.constant 0 : i32
        %dma_start3A_43 = tpu.memref_slice %arg3[%mul3A_42, %dma_start3A] : memref<10240x16xf32, #tpu.memory_space<hbm>> -> memref<640x16xf32, #tpu.memory_space<hbm>>
        %dma_start3A_44 = arith.constant 0 : i32
        %dma_start3A_45 = tpu.memref_slice %arg8[%mul3A_40, %dma_start3A_44] : memref<10240x16xf32, #tpu.memory_space<vmem_shared>> -> memref<640x16xf32, #tpu.memory_space<vmem_shared>>
        tpu.enqueue_dma source(%dma_start3A_45 : memref<640x16xf32, #tpu.memory_space<vmem_shared>>) target(%dma_start3A_43 : memref<640x16xf32, #tpu.memory_space<hbm>>) target_semaphore(%run_scoped3A : memref<!tpu.dma_semaphore, #tpu.memory_space<semaphore_mem>>)
        %dma_wait3A = arith.constant 0 : i32
        %dma_wait3A_46 = tpu.memref_slice %arg3[%mul3A_42, %dma_wait3A] : memref<10240x16xf32, #tpu.memory_space<hbm>> -> memref<640x16xf32, #tpu.memory_space<hbm>>
        %dma_wait3A_47 = arith.constant 0 : i32
        %dma_wait3A_48 = tpu.memref_slice %arg8[%mul3A_40, %dma_wait3A_47] : memref<10240x16xf32, #tpu.memory_space<vmem_shared>> -> memref<640x16xf32, #tpu.memory_space<vmem_shared>>
        tpu.wait_dma2 semaphore(%run_scoped3A : memref<!tpu.dma_semaphore, #tpu.memory_space<semaphore_mem>>) src(%dma_wait3A_48 : memref<640x16xf32, #tpu.memory_space<vmem_shared>>) dst(%dma_wait3A_46 : memref<640x16xf32, #tpu.memory_space<hbm>>)
        tpu.yield
      }) : () -> ()
    } else {
    }
    %eq3A_34 = arith.constant 1 : i32
    %eq3A_35 = arith.cmpi eq, %arg0, %eq3A_34 : i32
    %convert_element_type3A_36 = arith.extui %eq3A_35 : i1 to i32
    %cond3A_37 = arith.constant 0 : i32
    %cond3A_38 = arith.cmpi ne, %convert_element_type3A_36, %cond3A_37 : i32
    scf.if %cond3A_38 {
      %mul3A_39 = arith.constant 640 : i32
      %mul3A_40 = arith.muli %arg1, %mul3A_39 : i32
      %mul3A_41 = arith.constant 640 : i32
      %mul3A_42 = arith.muli %arg1, %mul3A_41 : i32
      "tpu.region"() ({
        %run_scoped3A = tpu.sem_alloc : memref<!tpu.dma_semaphore, #tpu.memory_space<semaphore_mem>>
        %dma_start3A = arith.constant 0 : i32
        %dma_start3A_43 = tpu.memref_slice %arg4[%mul3A_42, %dma_start3A] : memref<10240x16xf32, #tpu.memory_space<hbm>> -> memref<640x16xf32, #tpu.memory_space<hbm>>
        %dma_start3A_44 = arith.constant 0 : i32
        %dma_start3A_45 = tpu.memref_slice %arg8[%mul3A_40, %dma_start3A_44] : memref<10240x16xf32, #tpu.memory_space<vmem_shared>> -> memref<640x16xf32, #tpu.memory_space<vmem_shared>>
        tpu.enqueue_dma source(%dma_start3A_45 : memref<640x16xf32, #tpu.memory_space<vmem_shared>>) target(%dma_start3A_43 : memref<640x16xf32, #tpu.memory_space<hbm>>) target_semaphore(%run_scoped3A : memref<!tpu.dma_semaphore, #tpu.memory_space<semaphore_mem>>)
        %dma_wait3A = arith.constant 0 : i32
        %dma_wait3A_46 = tpu.memref_slice %arg4[%mul3A_42, %dma_wait3A] : memref<10240x16xf32, #tpu.memory_space<hbm>> -> memref<640x16xf32, #tpu.memory_space<hbm>>
        %dma_wait3A_47 = arith.constant 0 : i32
        %dma_wait3A_48 = tpu.memref_slice %arg8[%mul3A_40, %dma_wait3A_47] : memref<10240x16xf32, #tpu.memory_space<vmem_shared>> -> memref<640x16xf32, #tpu.memory_space<vmem_shared>>
        tpu.wait_dma2 semaphore(%run_scoped3A : memref<!tpu.dma_semaphore, #tpu.memory_space<semaphore_mem>>) src(%dma_wait3A_48 : memref<640x16xf32, #tpu.memory_space<vmem_shared>>) dst(%dma_wait3A_46 : memref<640x16xf32, #tpu.memory_space<hbm>>)
        tpu.yield
      }) : () -> ()
    } else {
    }
    return
  }
}

#map = affine_map<(d0, d1) -> (0, 0)>
#map1 = affine_map<(d0, d1) -> (0, 0, 0)>
module attributes {stable_mosaic.version = 14 : i64} {
  func.func @prop_kernel(%arg0: i32, %arg1: i32, %arg2: memref<2528x128xi32, #tpu.memory_space<hbm>>, %arg3: memref<32x79x128xi32, #tpu.memory_space<hbm>>, %arg4: memref<10240x128xf32, #tpu.memory_space<hbm>>, %arg5: memref<10240x128xf32, #tpu.memory_space<hbm>>, %arg6: memref<10240x128xf32, #tpu.memory_space<hbm>>, %arg7: memref<79x128xi32, #tpu.memory_space<vmem>>, %arg8: memref<4x128xi32, #tpu.memory_space<vmem>>, %arg9: memref<2x128x128xf32, #tpu.memory_space<vmem>>, %arg10: memref<10240x128xf32, #tpu.memory_space<vmem_shared>>, %arg11: memref<!tpu.dma_semaphore, #tpu.memory_space<semaphore_mem>>, %arg12: memref<!tpu.dma_semaphore, #tpu.memory_space<semaphore_mem>>, %arg13: memref<!tpu.dma_semaphore, #tpu.memory_space<semaphore_mem>>, %arg14: memref<!tpu.dma_semaphore, #tpu.memory_space<semaphore_mem>>, %arg15: memref<!tpu.dma_semaphore, #tpu.memory_space<semaphore_mem>>, %arg16: memref<!tpu.dma_semaphore, #tpu.memory_space<semaphore_mem>>, %arg17: memref<!tpu.dma_semaphore, #tpu.memory_space<semaphore_mem>>, %arg18: memref<!tpu.dma_semaphore, #tpu.memory_space<semaphore_mem>>) attributes {dimension_semantics = [#tpu.dimension_semantics<core_parallel>, #tpu.dimension_semantics<subcore_parallel>], iteration_bounds = array<i64: 2, 16>, scalar_prefetch = 0 : i64, scratch_operands = 12 : i64, tpu.core_type = #tpu.core_type<sc_vector_subcore>, window_params = [{transform_indices = #map}, {transform_indices = #map1}, {transform_indices = #map}, {transform_indices = #map}, {transform_indices = #map}]} {
    %mul3A = arith.constant 16 : i32
    %mul3A_0 = arith.muli %arg0, %mul3A : i32
    %add3A = arith.addi %mul3A_0, %arg1 : i32
    "tpu.region"() ({
      %run_scoped3A = tpu.sem_alloc : memref<!tpu.dma_semaphore, #tpu.memory_space<semaphore_mem>>
      %dma_start3A_125 = arith.constant 0 : i32
      %dma_start3A_126 = arith.constant 0 : i32
      %dma_start3A_127 = tpu.memref_slice %arg3[%add3A, %dma_start3A_125, %dma_start3A_126] : memref<32x79x128xi32, #tpu.memory_space<hbm>> -> memref<1x79x128xi32, #tpu.memory_space<hbm>>
      %dma_start3A_128 = tpu.memref_squeeze %dma_start3A_127 : memref<1x79x128xi32, #tpu.memory_space<hbm>> -> memref<79x128xi32, #tpu.memory_space<hbm>>
      %dma_start3A_129 = arith.constant 0 : i32
      %dma_start3A_130 = arith.constant 0 : i32
      %dma_start3A_131 = tpu.memref_slice %arg3[%add3A, %dma_start3A_129, %dma_start3A_130] : memref<32x79x128xi32, #tpu.memory_space<hbm>> -> memref<1x79x128xi32, #tpu.memory_space<hbm>>
      %dma_start3A_132 = tpu.memref_squeeze %dma_start3A_131 : memref<1x79x128xi32, #tpu.memory_space<hbm>> -> memref<79x128xi32, #tpu.memory_space<hbm>>
      tpu.enqueue_dma source(%dma_start3A_132 : memref<79x128xi32, #tpu.memory_space<hbm>>) target(%arg7 : memref<79x128xi32, #tpu.memory_space<vmem>>) target_semaphore(%run_scoped3A : memref<!tpu.dma_semaphore, #tpu.memory_space<semaphore_mem>>)
      %dma_wait3A_133 = arith.constant 0 : i32
      %dma_wait3A_134 = arith.constant 0 : i32
      %dma_wait3A_135 = tpu.memref_slice %arg3[%add3A, %dma_wait3A_133, %dma_wait3A_134] : memref<32x79x128xi32, #tpu.memory_space<hbm>> -> memref<1x79x128xi32, #tpu.memory_space<hbm>>
      %dma_wait3A_136 = tpu.memref_squeeze %dma_wait3A_135 : memref<1x79x128xi32, #tpu.memory_space<hbm>> -> memref<79x128xi32, #tpu.memory_space<hbm>>
      %dma_wait3A_137 = arith.constant 0 : i32
      %dma_wait3A_138 = arith.constant 0 : i32
      %dma_wait3A_139 = tpu.memref_slice %arg3[%add3A, %dma_wait3A_137, %dma_wait3A_138] : memref<32x79x128xi32, #tpu.memory_space<hbm>> -> memref<1x79x128xi32, #tpu.memory_space<hbm>>
      %dma_wait3A_140 = tpu.memref_squeeze %dma_wait3A_139 : memref<1x79x128xi32, #tpu.memory_space<hbm>> -> memref<79x128xi32, #tpu.memory_space<hbm>>
      tpu.wait_dma2 semaphore(%run_scoped3A : memref<!tpu.dma_semaphore, #tpu.memory_space<semaphore_mem>>) src(%dma_wait3A_140 : memref<79x128xi32, #tpu.memory_space<hbm>>) dst(%arg7 : memref<79x128xi32, #tpu.memory_space<vmem>>)
      tpu.yield
    }) : () -> ()
    %broadcast_in_dim3A = arith.constant 0.000000e+00 : f32
    %broadcast_in_dim3A_1 = vector.broadcast %broadcast_in_dim3A : f32 to vector<16xf32>
    %scan3A = arith.constant 0 : i32
    %scan3A_2 = arith.constant 0 : i32
    %scan3A_3 = arith.constant 1024 : i32
    %scan3A_4 = arith.addi %scan3A_2, %scan3A_3 : i32
    %scan3A_5 = arith.constant 1 : i32
    %scan3A_6 = scf.for %scan3A_125 = %scan3A_2 to %scan3A_4 step %scan3A_5 iter_args(%scan3A_126 = %scan3A) -> (i32)  : i32 {
      %jit3A = arith.constant 8 : i32
      %div3A = arith.divsi %scan3A_125, %jit3A : i32
      %sign3A = arith.constant 0 : i32
      %sign3A_127 = arith.cmpi sgt, %scan3A_125, %sign3A : i32
      %sign3A_128 = arith.extui %sign3A_127 : i1 to i32
      %sign3A_129 = arith.constant 0 : i32
      %sign3A_130 = arith.cmpi slt, %scan3A_125, %sign3A_129 : i32
      %sign3A_131 = arith.extui %sign3A_130 : i1 to i32
      %sign3A_132 = arith.subi %sign3A_128, %sign3A_131 : i32
      %sign3A_133 = arith.constant 0 : i32
      %sign3A_134 = arith.cmpi sgt, %jit3A, %sign3A_133 : i32
      %sign3A_135 = arith.extui %sign3A_134 : i1 to i32
      %sign3A_136 = arith.constant 0 : i32
      %sign3A_137 = arith.cmpi slt, %jit3A, %sign3A_136 : i32
      %sign3A_138 = arith.extui %sign3A_137 : i1 to i32
      %sign3A_139 = arith.subi %sign3A_135, %sign3A_138 : i32
      %ne3A = arith.cmpi ne, %sign3A_132, %sign3A_139 : i32
      %rem3A = arith.remsi %scan3A_125, %jit3A : i32
      %ne3A_140 = arith.constant 0 : i32
      %ne3A_141 = arith.cmpi ne, %rem3A, %ne3A_140 : i32
      %and3A = arith.andi %ne3A, %ne3A_141 : i1
      %sub3A = arith.constant 1 : i32
      %sub3A_142 = arith.subi %div3A, %sub3A : i32
      %select_n3A = arith.select %and3A, %sub3A_142, %div3A : i32
      %jit3A_143 = arith.constant 8 : i32
      %eq3A_144 = arith.constant 0 : i32
      %eq3A_145 = arith.cmpi eq, %jit3A_143, %eq3A_144 : i32
      %jit3A_146 = arith.constant 1 : i32
      %select_n3A_147 = arith.select %eq3A_145, %jit3A_146, %jit3A_143 : i32
      %rem3A_148 = arith.remsi %scan3A_125, %select_n3A_147 : i32
      %ne3A_149 = arith.constant 0 : i32
      %ne3A_150 = arith.cmpi ne, %rem3A_148, %ne3A_149 : i32
      %lt3A = arith.constant 0 : i32
      %lt3A_151 = arith.cmpi slt, %rem3A_148, %lt3A : i32
      %lt3A_152 = arith.constant 0 : i32
      %lt3A_153 = arith.cmpi slt, %select_n3A_147, %lt3A_152 : i32
      %ne3A_154 = arith.xori %lt3A_151, %lt3A_153 : i1
      %and3A_155 = arith.andi %ne3A_154, %ne3A_150 : i1
      %add3A_156 = arith.addi %rem3A_148, %select_n3A_147 : i32
      %select_n3A_157 = arith.select %and3A_155, %add3A_156, %rem3A_148 : i32
      %mul3A_158 = arith.constant 16 : i32
      %mul3A_159 = arith.muli %select_n3A_157, %mul3A_158 : i32
      %swap3A = arith.constant 0 : i32
      %swap3A_160 = arith.index_cast %swap3A : i32 to index
      %swap3A_161 = arith.index_cast %select_n3A : i32 to index
      %swap3A_162 = arith.index_cast %mul3A_159 : i32 to index
      %swap3A_163 = tpu.vector_load %arg9[%swap3A_160, %swap3A_161, %swap3A_162] {strides = array<i32>} : memref<2x128x128xf32, #tpu.memory_space<vmem>>, vector<1x1x16xf32>,
      %swap3A_164 = vector.shape_cast %swap3A_163 : vector<1x1x16xf32> to vector<16xf32>
      %swap3A_165 = vector.shape_cast %broadcast_in_dim3A_1 : vector<16xf32> to vector<1x1x16xf32>
      tpu.vector_store %arg9[%swap3A_160, %swap3A_161, %swap3A_162], %swap3A_165 {strides = array<i32>} : memref<2x128x128xf32, #tpu.memory_space<vmem>>, vector<1x1x16xf32>,
      %scan3A_166 = arith.constant 0 : i32
      scf.yield %scan3A_166 : i32
    }
    %scan3A_7 = arith.constant 1024 : i32
    %scan3A_8 = arith.constant 0 : i32
    %scan3A_9 = arith.constant 0 : i32
    %scan3A_10 = arith.constant 5 : i32
    %scan3A_11 = arith.addi %scan3A_9, %scan3A_10 : i32
    %scan3A_12 = arith.constant 1 : i32
    %scan3A_13 = scf.for %scan3A_125 = %scan3A_9 to %scan3A_11 step %scan3A_12 iter_args(%scan3A_126 = %scan3A_8) -> (i32)  : i32 {
      %mul3A_127 = arith.constant 640 : i32
      %mul3A_128 = arith.muli %arg1, %mul3A_127 : i32
      %mul3A_129 = arith.constant 128 : i32
      %mul3A_130 = arith.muli %scan3A_125, %mul3A_129 : i32
      %add3A_131 = arith.addi %mul3A_128, %mul3A_130 : i32
      %run_scoped3A = arith.constant 0 : i32
      "tpu.region"() ({
        %run_scoped3A_133 = tpu.sem_alloc : memref<!tpu.dma_semaphore, #tpu.memory_space<semaphore_mem>>
        %dma_start3A_134 = arith.constant 0 : i32
        %dma_start3A_135 = arith.constant 0 : i32
        %dma_start3A_136 = tpu.memref_slice %arg9[%run_scoped3A, %dma_start3A_134, %dma_start3A_135] : memref<2x128x128xf32, #tpu.memory_space<vmem>> -> memref<1x128x128xf32, #tpu.memory_space<vmem>>
        %dma_start3A_137 = tpu.memref_squeeze %dma_start3A_136 : memref<1x128x128xf32, #tpu.memory_space<vmem>> -> memref<128x128xf32, #tpu.memory_space<vmem>>
        %dma_start3A_138 = arith.constant 0 : i32
        %dma_start3A_139 = tpu.memref_slice %arg10[%add3A_131, %dma_start3A_138] : memref<10240x128xf32, #tpu.memory_space<vmem_shared>> -> memref<128x128xf32, #tpu.memory_space<vmem_shared>>
        %dma_start3A_140 = arith.constant 0 : i32
        %dma_start3A_141 = tpu.memref_slice %arg10[%add3A_131, %dma_start3A_140] : memref<10240x128xf32, #tpu.memory_space<vmem_shared>> -> memref<128x128xf32, #tpu.memory_space<vmem_shared>>
        %dma_start3A_142 = arith.constant 0 : i32
        %dma_start3A_143 = arith.constant 0 : i32
        %dma_start3A_144 = tpu.memref_slice %arg9[%run_scoped3A, %dma_start3A_142, %dma_start3A_143] : memref<2x128x128xf32, #tpu.memory_space<vmem>> -> memref<1x128x128xf32, #tpu.memory_space<vmem>>
        %dma_start3A_145 = tpu.memref_squeeze %dma_start3A_144 : memref<1x128x128xf32, #tpu.memory_space<vmem>> -> memref<128x128xf32, #tpu.memory_space<vmem>>
        tpu.enqueue_dma source(%dma_start3A_145 : memref<128x128xf32, #tpu.memory_space<vmem>>) target(%dma_start3A_141 : memref<128x128xf32, #tpu.memory_space<vmem_shared>>) target_semaphore(%run_scoped3A_133 : memref<!tpu.dma_semaphore, #tpu.memory_space<semaphore_mem>>)
        %dma_wait3A_146 = arith.constant 0 : i32
        %dma_wait3A_147 = arith.constant 0 : i32
        %dma_wait3A_148 = tpu.memref_slice %arg9[%run_scoped3A, %dma_wait3A_146, %dma_wait3A_147] : memref<2x128x128xf32, #tpu.memory_space<vmem>> -> memref<1x128x128xf32, #tpu.memory_space<vmem>>
        %dma_wait3A_149 = tpu.memref_squeeze %dma_wait3A_148 : memref<1x128x128xf32, #tpu.memory_space<vmem>> -> memref<128x128xf32, #tpu.memory_space<vmem>>
        %dma_wait3A_150 = arith.constant 0 : i32
        %dma_wait3A_151 = tpu.memref_slice %arg10[%add3A_131, %dma_wait3A_150] : memref<10240x128xf32, #tpu.memory_space<vmem_shared>> -> memref<128x128xf32, #tpu.memory_space<vmem_shared>>
        %dma_wait3A_152 = arith.constant 0 : i32
        %dma_wait3A_153 = tpu.memref_slice %arg10[%add3A_131, %dma_wait3A_152] : memref<10240x128xf32, #tpu.memory_space<vmem_shared>> -> memref<128x128xf32, #tpu.memory_space<vmem_shared>>
        %dma_wait3A_154 = arith.constant 0 : i32
        %dma_wait3A_155 = arith.constant 0 : i32
        %dma_wait3A_156 = tpu.memref_slice %arg9[%run_scoped3A, %dma_wait3A_154, %dma_wait3A_155] : memref<2x128x128xf32, #tpu.memory_space<vmem>> -> memref<1x128x128xf32, #tpu.memory_space<vmem>>
        %dma_wait3A_157 = tpu.memref_squeeze %dma_wait3A_156 : memref<1x128x128xf32, #tpu.memory_space<vmem>> -> memref<128x128xf32, #tpu.memory_space<vmem>>
        tpu.wait_dma2 semaphore(%run_scoped3A_133 : memref<!tpu.dma_semaphore, #tpu.memory_space<semaphore_mem>>) src(%dma_wait3A_157 : memref<128x128xf32, #tpu.memory_space<vmem>>) dst(%dma_wait3A_153 : memref<128x128xf32, #tpu.memory_space<vmem_shared>>)
        tpu.yield
      }) : () -> ()
      %scan3A_132 = arith.constant 0 : i32
      scf.yield %scan3A_132 : i32
    }
    %scan3A_14 = arith.constant 5 : i32
    %mul3A_15 = arith.constant 79 : i32
    %mul3A_16 = arith.muli %add3A, %mul3A_15 : i32
    %add3A_17 = arith.constant 0 : i32
    %add3A_18 = arith.addi %mul3A_16, %add3A_17 : i32
    %dma_start3A = arith.constant 0 : i32
    %dma_start3A_19 = arith.constant 0 : i32
    %dma_start3A_20 = tpu.memref_slice %arg8[%dma_start3A, %dma_start3A_19] : memref<4x128xi32, #tpu.memory_space<vmem>> -> memref<1x128xi32, #tpu.memory_space<vmem>>
    %dma_start3A_21 = tpu.memref_squeeze %dma_start3A_20 : memref<1x128xi32, #tpu.memory_space<vmem>> -> memref<128xi32, #tpu.memory_space<vmem>>
    %dma_start3A_22 = arith.constant 0 : i32
    %dma_start3A_23 = tpu.memref_slice %arg2[%add3A_18, %dma_start3A_22] : memref<2528x128xi32, #tpu.memory_space<hbm>> -> memref<1x128xi32, #tpu.memory_space<hbm>>
    %dma_start3A_24 = tpu.memref_squeeze %dma_start3A_23 : memref<1x128xi32, #tpu.memory_space<hbm>> -> memref<128xi32, #tpu.memory_space<hbm>>
    %dma_start3A_25 = arith.constant 0 : i32
    %dma_start3A_26 = tpu.memref_slice %arg8[%dma_start3A, %dma_start3A_25] : memref<4x128xi32, #tpu.memory_space<vmem>> -> memref<1x128xi32, #tpu.memory_space<vmem>>
    %dma_start3A_27 = tpu.memref_squeeze %dma_start3A_26 : memref<1x128xi32, #tpu.memory_space<vmem>> -> memref<128xi32, #tpu.memory_space<vmem>>
    %dma_start3A_28 = arith.constant 0 : i32
    %dma_start3A_29 = tpu.memref_slice %arg2[%add3A_18, %dma_start3A_28] : memref<2528x128xi32, #tpu.memory_space<hbm>> -> memref<1x128xi32, #tpu.memory_space<hbm>>
    %dma_start3A_30 = tpu.memref_squeeze %dma_start3A_29 : memref<1x128xi32, #tpu.memory_space<hbm>> -> memref<128xi32, #tpu.memory_space<hbm>>
    tpu.enqueue_dma source(%dma_start3A_30 : memref<128xi32, #tpu.memory_space<hbm>>) target(%dma_start3A_27 : memref<128xi32, #tpu.memory_space<vmem>>) target_semaphore(%arg13 : memref<!tpu.dma_semaphore, #tpu.memory_space<semaphore_mem>>)
    %mul3A_31 = arith.constant 79 : i32
    %mul3A_32 = arith.muli %add3A, %mul3A_31 : i32
    %add3A_33 = arith.constant 1 : i32
    %add3A_34 = arith.addi %mul3A_32, %add3A_33 : i32
    %dma_start3A_35 = arith.constant 1 : i32
    %dma_start3A_36 = arith.constant 0 : i32
    %dma_start3A_37 = tpu.memref_slice %arg8[%dma_start3A_35, %dma_start3A_36] : memref<4x128xi32, #tpu.memory_space<vmem>> -> memref<1x128xi32, #tpu.memory_space<vmem>>
    %dma_start3A_38 = tpu.memref_squeeze %dma_start3A_37 : memref<1x128xi32, #tpu.memory_space<vmem>> -> memref<128xi32, #tpu.memory_space<vmem>>
    %dma_start3A_39 = arith.constant 0 : i32
    %dma_start3A_40 = tpu.memref_slice %arg2[%add3A_34, %dma_start3A_39] : memref<2528x128xi32, #tpu.memory_space<hbm>> -> memref<1x128xi32, #tpu.memory_space<hbm>>
    %dma_start3A_41 = tpu.memref_squeeze %dma_start3A_40 : memref<1x128xi32, #tpu.memory_space<hbm>> -> memref<128xi32, #tpu.memory_space<hbm>>
    %dma_start3A_42 = arith.constant 0 : i32
    %dma_start3A_43 = tpu.memref_slice %arg8[%dma_start3A_35, %dma_start3A_42] : memref<4x128xi32, #tpu.memory_space<vmem>> -> memref<1x128xi32, #tpu.memory_space<vmem>>
    %dma_start3A_44 = tpu.memref_squeeze %dma_start3A_43 : memref<1x128xi32, #tpu.memory_space<vmem>> -> memref<128xi32, #tpu.memory_space<vmem>>
    %dma_start3A_45 = arith.constant 0 : i32
    %dma_start3A_46 = tpu.memref_slice %arg2[%add3A_34, %dma_start3A_45] : memref<2528x128xi32, #tpu.memory_space<hbm>> -> memref<1x128xi32, #tpu.memory_space<hbm>>
    %dma_start3A_47 = tpu.memref_squeeze %dma_start3A_46 : memref<1x128xi32, #tpu.memory_space<hbm>> -> memref<128xi32, #tpu.memory_space<hbm>>
    tpu.enqueue_dma source(%dma_start3A_47 : memref<128xi32, #tpu.memory_space<hbm>>) target(%dma_start3A_44 : memref<128xi32, #tpu.memory_space<vmem>>) target_semaphore(%arg14 : memref<!tpu.dma_semaphore, #tpu.memory_space<semaphore_mem>>)
    %mul3A_48 = arith.constant 79 : i32
    %mul3A_49 = arith.muli %add3A, %mul3A_48 : i32
    %add3A_50 = arith.constant 2 : i32
    %add3A_51 = arith.addi %mul3A_49, %add3A_50 : i32
    %dma_start3A_52 = arith.constant 2 : i32
    %dma_start3A_53 = arith.constant 0 : i32
    %dma_start3A_54 = tpu.memref_slice %arg8[%dma_start3A_52, %dma_start3A_53] : memref<4x128xi32, #tpu.memory_space<vmem>> -> memref<1x128xi32, #tpu.memory_space<vmem>>
    %dma_start3A_55 = tpu.memref_squeeze %dma_start3A_54 : memref<1x128xi32, #tpu.memory_space<vmem>> -> memref<128xi32, #tpu.memory_space<vmem>>
    %dma_start3A_56 = arith.constant 0 : i32
    %dma_start3A_57 = tpu.memref_slice %arg2[%add3A_51, %dma_start3A_56] : memref<2528x128xi32, #tpu.memory_space<hbm>> -> memref<1x128xi32, #tpu.memory_space<hbm>>
    %dma_start3A_58 = tpu.memref_squeeze %dma_start3A_57 : memref<1x128xi32, #tpu.memory_space<hbm>> -> memref<128xi32, #tpu.memory_space<hbm>>
    %dma_start3A_59 = arith.constant 0 : i32
    %dma_start3A_60 = tpu.memref_slice %arg8[%dma_start3A_52, %dma_start3A_59] : memref<4x128xi32, #tpu.memory_space<vmem>> -> memref<1x128xi32, #tpu.memory_space<vmem>>
    %dma_start3A_61 = tpu.memref_squeeze %dma_start3A_60 : memref<1x128xi32, #tpu.memory_space<vmem>> -> memref<128xi32, #tpu.memory_space<vmem>>
    %dma_start3A_62 = arith.constant 0 : i32
    %dma_start3A_63 = tpu.memref_slice %arg2[%add3A_51, %dma_start3A_62] : memref<2528x128xi32, #tpu.memory_space<hbm>> -> memref<1x128xi32, #tpu.memory_space<hbm>>
    %dma_start3A_64 = tpu.memref_squeeze %dma_start3A_63 : memref<1x128xi32, #tpu.memory_space<hbm>> -> memref<128xi32, #tpu.memory_space<hbm>>
    tpu.enqueue_dma source(%dma_start3A_64 : memref<128xi32, #tpu.memory_space<hbm>>) target(%dma_start3A_61 : memref<128xi32, #tpu.memory_space<vmem>>) target_semaphore(%arg15 : memref<!tpu.dma_semaphore, #tpu.memory_space<semaphore_mem>>)
    %mul3A_65 = arith.constant 79 : i32
    %mul3A_66 = arith.muli %add3A, %mul3A_65 : i32
    %add3A_67 = arith.constant 3 : i32
    %add3A_68 = arith.addi %mul3A_66, %add3A_67 : i32
    %dma_start3A_69 = arith.constant 3 : i32
    %dma_start3A_70 = arith.constant 0 : i32
    %dma_start3A_71 = tpu.memref_slice %arg8[%dma_start3A_69, %dma_start3A_70] : memref<4x128xi32, #tpu.memory_space<vmem>> -> memref<1x128xi32, #tpu.memory_space<vmem>>
    %dma_start3A_72 = tpu.memref_squeeze %dma_start3A_71 : memref<1x128xi32, #tpu.memory_space<vmem>> -> memref<128xi32, #tpu.memory_space<vmem>>
    %dma_start3A_73 = arith.constant 0 : i32
    %dma_start3A_74 = tpu.memref_slice %arg2[%add3A_68, %dma_start3A_73] : memref<2528x128xi32, #tpu.memory_space<hbm>> -> memref<1x128xi32, #tpu.memory_space<hbm>>
    %dma_start3A_75 = tpu.memref_squeeze %dma_start3A_74 : memref<1x128xi32, #tpu.memory_space<hbm>> -> memref<128xi32, #tpu.memory_space<hbm>>
    %dma_start3A_76 = arith.constant 0 : i32
    %dma_start3A_77 = tpu.memref_slice %arg8[%dma_start3A_69, %dma_start3A_76] : memref<4x128xi32, #tpu.memory_space<vmem>> -> memref<1x128xi32, #tpu.memory_space<vmem>>
    %dma_start3A_78 = tpu.memref_squeeze %dma_start3A_77 : memref<1x128xi32, #tpu.memory_space<vmem>> -> memref<128xi32, #tpu.memory_space<vmem>>
    %dma_start3A_79 = arith.constant 0 : i32
    %dma_start3A_80 = tpu.memref_slice %arg2[%add3A_68, %dma_start3A_79] : memref<2528x128xi32, #tpu.memory_space<hbm>> -> memref<1x128xi32, #tpu.memory_space<hbm>>
    %dma_start3A_81 = tpu.memref_squeeze %dma_start3A_80 : memref<1x128xi32, #tpu.memory_space<hbm>> -> memref<128xi32, #tpu.memory_space<hbm>>
    tpu.enqueue_dma source(%dma_start3A_81 : memref<128xi32, #tpu.memory_space<hbm>>) target(%dma_start3A_78 : memref<128xi32, #tpu.memory_space<vmem>>) target_semaphore(%arg16 : memref<!tpu.dma_semaphore, #tpu.memory_space<semaphore_mem>>)
    %mul3A_82 = arith.constant 79 : i32
    %mul3A_83 = arith.muli %add3A, %mul3A_82 : i32
    %add3A_84 = arith.constant 0 : i32
    %add3A_85 = arith.addi %mul3A_83, %add3A_84 : i32
    %dma_wait3A = arith.constant 0 : i32
    %dma_wait3A_86 = arith.constant 0 : i32
    %dma_wait3A_87 = tpu.memref_slice %arg8[%dma_wait3A, %dma_wait3A_86] : memref<4x128xi32, #tpu.memory_space<vmem>> -> memref<1x128xi32, #tpu.memory_space<vmem>>
    %dma_wait3A_88 = tpu.memref_squeeze %dma_wait3A_87 : memref<1x128xi32, #tpu.memory_space<vmem>> -> memref<128xi32, #tpu.memory_space<vmem>>
    %dma_wait3A_89 = arith.constant 0 : i32
    %dma_wait3A_90 = tpu.memref_slice %arg2[%add3A_85, %dma_wait3A_89] : memref<2528x128xi32, #tpu.memory_space<hbm>> -> memref<1x128xi32, #tpu.memory_space<hbm>>
    %dma_wait3A_91 = tpu.memref_squeeze %dma_wait3A_90 : memref<1x128xi32, #tpu.memory_space<hbm>> -> memref<128xi32, #tpu.memory_space<hbm>>
    %dma_wait3A_92 = arith.constant 0 : i32
    %dma_wait3A_93 = tpu.memref_slice %arg8[%dma_wait3A, %dma_wait3A_92] : memref<4x128xi32, #tpu.memory_space<vmem>> -> memref<1x128xi32, #tpu.memory_space<vmem>>
    %dma_wait3A_94 = tpu.memref_squeeze %dma_wait3A_93 : memref<1x128xi32, #tpu.memory_space<vmem>> -> memref<128xi32, #tpu.memory_space<vmem>>
    %dma_wait3A_95 = arith.constant 0 : i32
    %dma_wait3A_96 = tpu.memref_slice %arg2[%add3A_85, %dma_wait3A_95] : memref<2528x128xi32, #tpu.memory_space<hbm>> -> memref<1x128xi32, #tpu.memory_space<hbm>>
    %dma_wait3A_97 = tpu.memref_squeeze %dma_wait3A_96 : memref<1x128xi32, #tpu.memory_space<hbm>> -> memref<128xi32, #tpu.memory_space<hbm>>
    tpu.wait_dma2 semaphore(%arg13 : memref<!tpu.dma_semaphore, #tpu.memory_space<semaphore_mem>>) src(%dma_wait3A_97 : memref<128xi32, #tpu.memory_space<hbm>>) dst(%dma_wait3A_94 : memref<128xi32, #tpu.memory_space<vmem>>)
    %barrier3A = arith.constant 0 : index
    tpu.barrier barrier_id(%barrier3A)
    %dma_start3A_98 = arith.constant 0 : i32
    %dma_start3A_99 = arith.constant 0 : i32
    %dma_start3A_100 = arith.constant 0 : i32
    %dma_start3A_101 = arith.constant 0 : i32
    %dma_start3A_102 = tpu.memref_slice %arg9[%dma_start3A_99, %dma_start3A_100, %dma_start3A_101] : memref<2x128x128xf32, #tpu.memory_space<vmem>> -> memref<1x128x128xf32, #tpu.memory_space<vmem>>
    %dma_start3A_103 = tpu.memref_squeeze %dma_start3A_102 : memref<1x128x128xf32, #tpu.memory_space<vmem>> -> memref<128x128xf32, #tpu.memory_space<vmem>>
    %dma_start3A_104 = arith.constant 0 : i32
    %dma_start3A_105 = tpu.memref_slice %arg8[%dma_start3A_98, %dma_start3A_104] : memref<4x128xi32, #tpu.memory_space<vmem>> -> memref<1x128xi32, #tpu.memory_space<vmem>>
    %dma_start3A_106 = tpu.memref_squeeze %dma_start3A_105 : memref<1x128xi32, #tpu.memory_space<vmem>> -> memref<128xi32, #tpu.memory_space<vmem>>
    %dma_start3A_107 = arith.constant 0 : i32
    %dma_start3A_108 = arith.constant 0 : i32
    %dma_start3A_109 = tpu.memref_slice %arg4[%dma_start3A_107, %dma_start3A_108] : memref<10240x128xf32, #tpu.memory_space<hbm>> -> memref<10240x128xf32, #tpu.memory_space<hbm>>
    tpu.enqueue_indirect_dma source(%dma_start3A_109 : memref<10240x128xf32, #tpu.memory_space<hbm>>) target(%dma_start3A_103 : memref<128x128xf32, #tpu.memory_space<vmem>>) offsets(%dma_start3A_106 : memref<128xi32, #tpu.memory_space<vmem>>) semaphore(%arg11 : memref<!tpu.dma_semaphore, #tpu.memory_space<semaphore_mem>>)
    %scan3A_110 = arith.constant 0 : i32
    %scan3A_111 = arith.constant 0 : i32
    %scan3A_112 = arith.constant 20 : i32
    %scan3A_113 = arith.addi %scan3A_111, %scan3A_112 : i32
    %scan3A_114 = arith.constant 1 : i32
    %scan3A_115 = scf.for %scan3A_125 = %scan3A_111 to %scan3A_113 step %scan3A_114 iter_args(%scan3A_126 = %scan3A_110) -> (i32)  : i32 {
      %mul3A_127 = arith.constant 4 : i32
      %mul3A_128 = arith.muli %scan3A_125, %mul3A_127 : i32
      %add3A_129 = arith.constant 0 : i32
      %add3A_130 = arith.addi %mul3A_128, %add3A_129 : i32
      %add3A_131 = arith.constant 1 : i32
      %add3A_132 = arith.addi %add3A_130, %add3A_131 : i32
      %lt3A = arith.constant 79 : i32
      %lt3A_133 = arith.cmpi slt, %add3A_132, %lt3A : i32
      %convert_element_type3A_134 = arith.extui %lt3A_133 : i1 to i32
      %cond3A_135 = arith.constant 0 : i32
      %cond3A_136 = arith.cmpi ne, %convert_element_type3A_134, %cond3A_135 : i32
      scf.if %cond3A_136 {
        %add3A_213 = arith.constant 1 : i32
        %add3A_214 = arith.addi %add3A_130, %add3A_213 : i32
        %mul3A_215 = arith.constant 79 : i32
        %mul3A_216 = arith.muli %add3A, %mul3A_215 : i32
        %add3A_217 = arith.addi %mul3A_216, %add3A_214 : i32
        %dma_wait3A_218 = arith.constant 1 : i32
        %dma_wait3A_219 = arith.constant 0 : i32
        %dma_wait3A_220 = tpu.memref_slice %arg8[%dma_wait3A_218, %dma_wait3A_219] : memref<4x128xi32, #tpu.memory_space<vmem>> -> memref<1x128xi32, #tpu.memory_space<vmem>>
        %dma_wait3A_221 = tpu.memref_squeeze %dma_wait3A_220 : memref<1x128xi32, #tpu.memory_space<vmem>> -> memref<128xi32, #tpu.memory_space<vmem>>
        %dma_wait3A_222 = arith.constant 0 : i32
        %dma_wait3A_223 = tpu.memref_slice %arg2[%add3A_217, %dma_wait3A_222] : memref<2528x128xi32, #tpu.memory_space<hbm>> -> memref<1x128xi32, #tpu.memory_space<hbm>>
        %dma_wait3A_224 = tpu.memref_squeeze %dma_wait3A_223 : memref<1x128xi32, #tpu.memory_space<hbm>> -> memref<128xi32, #tpu.memory_space<hbm>>
        %dma_wait3A_225 = arith.constant 0 : i32
        %dma_wait3A_226 = tpu.memref_slice %arg8[%dma_wait3A_218, %dma_wait3A_225] : memref<4x128xi32, #tpu.memory_space<vmem>> -> memref<1x128xi32, #tpu.memory_space<vmem>>
        %dma_wait3A_227 = tpu.memref_squeeze %dma_wait3A_226 : memref<1x128xi32, #tpu.memory_space<vmem>> -> memref<128xi32, #tpu.memory_space<vmem>>
        %dma_wait3A_228 = arith.constant 0 : i32
        %dma_wait3A_229 = tpu.memref_slice %arg2[%add3A_217, %dma_wait3A_228] : memref<2528x128xi32, #tpu.memory_space<hbm>> -> memref<1x128xi32, #tpu.memory_space<hbm>>
        %dma_wait3A_230 = tpu.memref_squeeze %dma_wait3A_229 : memref<1x128xi32, #tpu.memory_space<hbm>> -> memref<128xi32, #tpu.memory_space<hbm>>
        tpu.wait_dma2 semaphore(%arg14 : memref<!tpu.dma_semaphore, #tpu.memory_space<semaphore_mem>>) src(%dma_wait3A_230 : memref<128xi32, #tpu.memory_space<hbm>>) dst(%dma_wait3A_227 : memref<128xi32, #tpu.memory_space<vmem>>)
        %add3A_231 = arith.constant 1 : i32
        %add3A_232 = arith.addi %add3A_130, %add3A_231 : i32
        %dma_start3A_233 = arith.constant 1 : i32
        %dma_start3A_234 = arith.constant 1 : i32
        %dma_start3A_235 = arith.constant 0 : i32
        %dma_start3A_236 = arith.constant 0 : i32
        %dma_start3A_237 = tpu.memref_slice %arg9[%dma_start3A_234, %dma_start3A_235, %dma_start3A_236] : memref<2x128x128xf32, #tpu.memory_space<vmem>> -> memref<1x128x128xf32, #tpu.memory_space<vmem>>
        %dma_start3A_238 = tpu.memref_squeeze %dma_start3A_237 : memref<1x128x128xf32, #tpu.memory_space<vmem>> -> memref<128x128xf32, #tpu.memory_space<vmem>>
        %dma_start3A_239 = arith.constant 0 : i32
        %dma_start3A_240 = tpu.memref_slice %arg8[%dma_start3A_233, %dma_start3A_239] : memref<4x128xi32, #tpu.memory_space<vmem>> -> memref<1x128xi32, #tpu.memory_space<vmem>>
        %dma_start3A_241 = tpu.memref_squeeze %dma_start3A_240 : memref<1x128xi32, #tpu.memory_space<vmem>> -> memref<128xi32, #tpu.memory_space<vmem>>
        %dma_start3A_242 = arith.constant 0 : i32
        %dma_start3A_243 = arith.constant 0 : i32
        %dma_start3A_244 = tpu.memref_slice %arg4[%dma_start3A_242, %dma_start3A_243] : memref<10240x128xf32, #tpu.memory_space<hbm>> -> memref<10240x128xf32, #tpu.memory_space<hbm>>
        tpu.enqueue_indirect_dma source(%dma_start3A_244 : memref<10240x128xf32, #tpu.memory_space<hbm>>) target(%dma_start3A_238 : memref<128x128xf32, #tpu.memory_space<vmem>>) offsets(%dma_start3A_241 : memref<128xi32, #tpu.memory_space<vmem>>) semaphore(%arg12 : memref<!tpu.dma_semaphore, #tpu.memory_space<semaphore_mem>>)
      } else {
      }
      %lt3A_137 = arith.constant 79 : i32
      %lt3A_138 = arith.cmpi slt, %add3A_130, %lt3A_137 : i32
      %convert_element_type3A_139 = arith.extui %lt3A_138 : i1 to i32
      %cond3A_140 = arith.constant 0 : i32
      %cond3A_141 = arith.cmpi ne, %convert_element_type3A_139, %cond3A_140 : i32
      scf.if %cond3A_141 {
        %dma_wait3A_213 = arith.constant 0 : i32
        %dma_wait3A_214 = arith.constant 0 : i32
        %dma_wait3A_215 = arith.constant 0 : i32
        %dma_wait3A_216 = arith.constant 0 : i32
        %dma_wait3A_217 = tpu.memref_slice %arg9[%dma_wait3A_214, %dma_wait3A_215, %dma_wait3A_216] : memref<2x128x128xf32, #tpu.memory_space<vmem>> -> memref<1x128x128xf32, #tpu.memory_space<vmem>>
        %dma_wait3A_218 = tpu.memref_squeeze %dma_wait3A_217 : memref<1x128x128xf32, #tpu.memory_space<vmem>> -> memref<128x128xf32, #tpu.memory_space<vmem>>
        %dma_wait3A_219 = arith.constant 0 : i32
        %dma_wait3A_220 = tpu.memref_slice %arg8[%dma_wait3A_213, %dma_wait3A_219] : memref<4x128xi32, #tpu.memory_space<vmem>> -> memref<1x128xi32, #tpu.memory_space<vmem>>
        %dma_wait3A_221 = tpu.memref_squeeze %dma_wait3A_220 : memref<1x128xi32, #tpu.memory_space<vmem>> -> memref<128xi32, #tpu.memory_space<vmem>>
        %dma_wait3A_222 = arith.constant 0 : i32
        %dma_wait3A_223 = arith.constant 0 : i32
        %dma_wait3A_224 = tpu.memref_slice %arg4[%dma_wait3A_222, %dma_wait3A_223] : memref<10240x128xf32, #tpu.memory_space<hbm>> -> memref<10240x128xf32, #tpu.memory_space<hbm>>
        tpu.wait_indirect_dma semaphore(%arg11 : memref<!tpu.dma_semaphore, #tpu.memory_space<semaphore_mem>>) src(%dma_wait3A_224 : memref<10240x128xf32, #tpu.memory_space<hbm>>) dst(%dma_wait3A_218 : memref<128x128xf32, #tpu.memory_space<vmem>>)
        %run_scoped3A = arith.constant 0 : i32
        "tpu.region"() ({
          %run_scoped3A_225 = tpu.sem_alloc : memref<!tpu.dma_semaphore, #tpu.memory_space<semaphore_mem>>
          %dma_start3A_226 = arith.constant 0 : i32
          %dma_start3A_227 = arith.constant 0 : i32
          %dma_start3A_228 = tpu.memref_slice %arg9[%run_scoped3A, %dma_start3A_226, %dma_start3A_227] : memref<2x128x128xf32, #tpu.memory_space<vmem>> -> memref<1x128x128xf32, #tpu.memory_space<vmem>>
          %dma_start3A_229 = tpu.memref_squeeze %dma_start3A_228 : memref<1x128x128xf32, #tpu.memory_space<vmem>> -> memref<128x128xf32, #tpu.memory_space<vmem>>
          %dma_start3A_230 = arith.constant 0 : i32
          %dma_start3A_231 = tpu.memref_slice %arg7[%add3A_130, %dma_start3A_230] : memref<79x128xi32, #tpu.memory_space<vmem>> -> memref<1x128xi32, #tpu.memory_space<vmem>>
          %dma_start3A_232 = tpu.memref_squeeze %dma_start3A_231 : memref<1x128xi32, #tpu.memory_space<vmem>> -> memref<128xi32, #tpu.memory_space<vmem>>
          %dma_start3A_233 = arith.constant 0 : i32
          %dma_start3A_234 = arith.constant 0 : i32
          %dma_start3A_235 = tpu.memref_slice %arg10[%dma_start3A_233, %dma_start3A_234] : memref<10240x128xf32, #tpu.memory_space<vmem_shared>> -> memref<10240x128xf32, #tpu.memory_space<vmem_shared>>
          tpu.enqueue_indirect_dma source(%dma_start3A_229 : memref<128x128xf32, #tpu.memory_space<vmem>>) target(%dma_start3A_235 : memref<10240x128xf32, #tpu.memory_space<vmem_shared>>) offsets(%dma_start3A_232 : memref<128xi32, #tpu.memory_space<vmem>>) semaphore(%run_scoped3A_225 : memref<!tpu.dma_semaphore, #tpu.memory_space<semaphore_mem>>) {add = true}
          %dma_wait3A_236 = arith.constant 0 : i32
          %dma_wait3A_237 = arith.constant 0 : i32
          %dma_wait3A_238 = tpu.memref_slice %arg9[%run_scoped3A, %dma_wait3A_236, %dma_wait3A_237] : memref<2x128x128xf32, #tpu.memory_space<vmem>> -> memref<1x128x128xf32, #tpu.memory_space<vmem>>
          %dma_wait3A_239 = tpu.memref_squeeze %dma_wait3A_238 : memref<1x128x128xf32, #tpu.memory_space<vmem>> -> memref<128x128xf32, #tpu.memory_space<vmem>>
          %dma_wait3A_240 = arith.constant 0 : i32
          %dma_wait3A_241 = tpu.memref_slice %arg7[%add3A_130, %dma_wait3A_240] : memref<79x128xi32, #tpu.memory_space<vmem>> -> memref<1x128xi32, #tpu.memory_space<vmem>>
          %dma_wait3A_242 = tpu.memref_squeeze %dma_wait3A_241 : memref<1x128xi32, #tpu.memory_space<vmem>> -> memref<128xi32, #tpu.memory_space<vmem>>
          %dma_wait3A_243 = arith.constant 0 : i32
          %dma_wait3A_244 = arith.constant 0 : i32
          %dma_wait3A_245 = tpu.memref_slice %arg10[%dma_wait3A_243, %dma_wait3A_244] : memref<10240x128xf32, #tpu.memory_space<vmem_shared>> -> memref<10240x128xf32, #tpu.memory_space<vmem_shared>>
          tpu.wait_indirect_dma semaphore(%run_scoped3A_225 : memref<!tpu.dma_semaphore, #tpu.memory_space<semaphore_mem>>) src(%dma_wait3A_239 : memref<128x128xf32, #tpu.memory_space<vmem>>) dst(%dma_wait3A_245 : memref<10240x128xf32, #tpu.memory_space<vmem_shared>>)
          tpu.yield
        }) : () -> ()
      } else {
      }
      %add3A_142 = arith.constant 4 : i32
      %add3A_143 = arith.addi %add3A_130, %add3A_142 : i32
      %lt3A_144 = arith.constant 79 : i32
      %lt3A_145 = arith.cmpi slt, %add3A_143, %lt3A_144 : i32
      %convert_element_type3A_146 = arith.extui %lt3A_145 : i1 to i32
      %cond3A_147 = arith.constant 0 : i32
      %cond3A_148 = arith.cmpi ne, %convert_element_type3A_146, %cond3A_147 : i32
      scf.if %cond3A_148 {
        %add3A_213 = arith.constant 4 : i32
        %add3A_214 = arith.addi %add3A_130, %add3A_213 : i32
        %mul3A_215 = arith.constant 79 : i32
        %mul3A_216 = arith.muli %add3A, %mul3A_215 : i32
        %add3A_217 = arith.addi %mul3A_216, %add3A_214 : i32
        %dma_start3A_218 = arith.constant 0 : i32
        %dma_start3A_219 = arith.constant 0 : i32
        %dma_start3A_220 = tpu.memref_slice %arg8[%dma_start3A_218, %dma_start3A_219] : memref<4x128xi32, #tpu.memory_space<vmem>> -> memref<1x128xi32, #tpu.memory_space<vmem>>
        %dma_start3A_221 = tpu.memref_squeeze %dma_start3A_220 : memref<1x128xi32, #tpu.memory_space<vmem>> -> memref<128xi32, #tpu.memory_space<vmem>>
        %dma_start3A_222 = arith.constant 0 : i32
        %dma_start3A_223 = tpu.memref_slice %arg2[%add3A_217, %dma_start3A_222] : memref<2528x128xi32, #tpu.memory_space<hbm>> -> memref<1x128xi32, #tpu.memory_space<hbm>>
        %dma_start3A_224 = tpu.memref_squeeze %dma_start3A_223 : memref<1x128xi32, #tpu.memory_space<hbm>> -> memref<128xi32, #tpu.memory_space<hbm>>
        %dma_start3A_225 = arith.constant 0 : i32
        %dma_start3A_226 = tpu.memref_slice %arg8[%dma_start3A_218, %dma_start3A_225] : memref<4x128xi32, #tpu.memory_space<vmem>> -> memref<1x128xi32, #tpu.memory_space<vmem>>
        %dma_start3A_227 = tpu.memref_squeeze %dma_start3A_226 : memref<1x128xi32, #tpu.memory_space<vmem>> -> memref<128xi32, #tpu.memory_space<vmem>>
        %dma_start3A_228 = arith.constant 0 : i32
        %dma_start3A_229 = tpu.memref_slice %arg2[%add3A_217, %dma_start3A_228] : memref<2528x128xi32, #tpu.memory_space<hbm>> -> memref<1x128xi32, #tpu.memory_space<hbm>>
        %dma_start3A_230 = tpu.memref_squeeze %dma_start3A_229 : memref<1x128xi32, #tpu.memory_space<hbm>> -> memref<128xi32, #tpu.memory_space<hbm>>
        tpu.enqueue_dma source(%dma_start3A_230 : memref<128xi32, #tpu.memory_space<hbm>>) target(%dma_start3A_227 : memref<128xi32, #tpu.memory_space<vmem>>) target_semaphore(%arg13 : memref<!tpu.dma_semaphore, #tpu.memory_space<semaphore_mem>>)
      } else {
      }
      %add3A_149 = arith.constant 1 : i32
      %add3A_150 = arith.addi %mul3A_128, %add3A_149 : i32
      %add3A_151 = arith.constant 1 : i32
      %add3A_152 = arith.addi %add3A_150, %add3A_151 : i32
      %lt3A_153 = arith.constant 79 : i32
      %lt3A_154 = arith.cmpi slt, %add3A_152, %lt3A_153 : i32
      %convert_element_type3A_155 = arith.extui %lt3A_154 : i1 to i32
      %cond3A_156 = arith.constant 0 : i32
      %cond3A_157 = arith.cmpi ne, %convert_element_type3A_155, %cond3A_156 : i32
      scf.if %cond3A_157 {
        %add3A_213 = arith.constant 1 : i32
        %add3A_214 = arith.addi %add3A_150, %add3A_213 : i32
        %mul3A_215 = arith.constant 79 : i32
        %mul3A_216 = arith.muli %add3A, %mul3A_215 : i32
        %add3A_217 = arith.addi %mul3A_216, %add3A_214 : i32
        %dma_wait3A_218 = arith.constant 2 : i32
        %dma_wait3A_219 = arith.constant 0 : i32
        %dma_wait3A_220 = tpu.memref_slice %arg8[%dma_wait3A_218, %dma_wait3A_219] : memref<4x128xi32, #tpu.memory_space<vmem>> -> memref<1x128xi32, #tpu.memory_space<vmem>>
        %dma_wait3A_221 = tpu.memref_squeeze %dma_wait3A_220 : memref<1x128xi32, #tpu.memory_space<vmem>> -> memref<128xi32, #tpu.memory_space<vmem>>
        %dma_wait3A_222 = arith.constant 0 : i32
        %dma_wait3A_223 = tpu.memref_slice %arg2[%add3A_217, %dma_wait3A_222] : memref<2528x128xi32, #tpu.memory_space<hbm>> -> memref<1x128xi32, #tpu.memory_space<hbm>>
        %dma_wait3A_224 = tpu.memref_squeeze %dma_wait3A_223 : memref<1x128xi32, #tpu.memory_space<hbm>> -> memref<128xi32, #tpu.memory_space<hbm>>
        %dma_wait3A_225 = arith.constant 0 : i32
        %dma_wait3A_226 = tpu.memref_slice %arg8[%dma_wait3A_218, %dma_wait3A_225] : memref<4x128xi32, #tpu.memory_space<vmem>> -> memref<1x128xi32, #tpu.memory_space<vmem>>
        %dma_wait3A_227 = tpu.memref_squeeze %dma_wait3A_226 : memref<1x128xi32, #tpu.memory_space<vmem>> -> memref<128xi32, #tpu.memory_space<vmem>>
        %dma_wait3A_228 = arith.constant 0 : i32
        %dma_wait3A_229 = tpu.memref_slice %arg2[%add3A_217, %dma_wait3A_228] : memref<2528x128xi32, #tpu.memory_space<hbm>> -> memref<1x128xi32, #tpu.memory_space<hbm>>
        %dma_wait3A_230 = tpu.memref_squeeze %dma_wait3A_229 : memref<1x128xi32, #tpu.memory_space<hbm>> -> memref<128xi32, #tpu.memory_space<hbm>>
        tpu.wait_dma2 semaphore(%arg15 : memref<!tpu.dma_semaphore, #tpu.memory_space<semaphore_mem>>) src(%dma_wait3A_230 : memref<128xi32, #tpu.memory_space<hbm>>) dst(%dma_wait3A_227 : memref<128xi32, #tpu.memory_space<vmem>>)
        %add3A_231 = arith.constant 1 : i32
        %add3A_232 = arith.addi %add3A_150, %add3A_231 : i32
        %dma_start3A_233 = arith.constant 2 : i32
        %dma_start3A_234 = arith.constant 0 : i32
        %dma_start3A_235 = arith.constant 0 : i32
        %dma_start3A_236 = arith.constant 0 : i32
        %dma_start3A_237 = tpu.memref_slice %arg9[%dma_start3A_234, %dma_start3A_235, %dma_start3A_236] : memref<2x128x128xf32, #tpu.memory_space<vmem>> -> memref<1x128x128xf32, #tpu.memory_space<vmem>>
        %dma_start3A_238 = tpu.memref_squeeze %dma_start3A_237 : memref<1x128x128xf32, #tpu.memory_space<vmem>> -> memref<128x128xf32, #tpu.memory_space<vmem>>
        %dma_start3A_239 = arith.constant 0 : i32
        %dma_start3A_240 = tpu.memref_slice %arg8[%dma_start3A_233, %dma_start3A_239] : memref<4x128xi32, #tpu.memory_space<vmem>> -> memref<1x128xi32, #tpu.memory_space<vmem>>
        %dma_start3A_241 = tpu.memref_squeeze %dma_start3A_240 : memref<1x128xi32, #tpu.memory_space<vmem>> -> memref<128xi32, #tpu.memory_space<vmem>>
        %dma_start3A_242 = arith.constant 0 : i32
        %dma_start3A_243 = arith.constant 0 : i32
        %dma_start3A_244 = tpu.memref_slice %arg4[%dma_start3A_242, %dma_start3A_243] : memref<10240x128xf32, #tpu.memory_space<hbm>> -> memref<10240x128xf32, #tpu.memory_space<hbm>>
        tpu.enqueue_indirect_dma source(%dma_start3A_244 : memref<10240x128xf32, #tpu.memory_space<hbm>>) target(%dma_start3A_238 : memref<128x128xf32, #tpu.memory_space<vmem>>) offsets(%dma_start3A_241 : memref<128xi32, #tpu.memory_space<vmem>>) semaphore(%arg11 : memref<!tpu.dma_semaphore, #tpu.memory_space<semaphore_mem>>)
      } else {
      }
      %lt3A_158 = arith.constant 79 : i32
      %lt3A_159 = arith.cmpi slt, %add3A_150, %lt3A_158 : i32
      %convert_element_type3A_160 = arith.extui %lt3A_159 : i1 to i32
      %cond3A_161 = arith.constant 0 : i32
      %cond3A_162 = arith.cmpi ne, %convert_element_type3A_160, %cond3A_161 : i32
      scf.if %cond3A_162 {
        %dma_wait3A_213 = arith.constant 1 : i32
        %dma_wait3A_214 = arith.constant 1 : i32
        %dma_wait3A_215 = arith.constant 0 : i32
        %dma_wait3A_216 = arith.constant 0 : i32
        %dma_wait3A_217 = tpu.memref_slice %arg9[%dma_wait3A_214, %dma_wait3A_215, %dma_wait3A_216] : memref<2x128x128xf32, #tpu.memory_space<vmem>> -> memref<1x128x128xf32, #tpu.memory_space<vmem>>
        %dma_wait3A_218 = tpu.memref_squeeze %dma_wait3A_217 : memref<1x128x128xf32, #tpu.memory_space<vmem>> -> memref<128x128xf32, #tpu.memory_space<vmem>>
        %dma_wait3A_219 = arith.constant 0 : i32
        %dma_wait3A_220 = tpu.memref_slice %arg8[%dma_wait3A_213, %dma_wait3A_219] : memref<4x128xi32, #tpu.memory_space<vmem>> -> memref<1x128xi32, #tpu.memory_space<vmem>>
        %dma_wait3A_221 = tpu.memref_squeeze %dma_wait3A_220 : memref<1x128xi32, #tpu.memory_space<vmem>> -> memref<128xi32, #tpu.memory_space<vmem>>
        %dma_wait3A_222 = arith.constant 0 : i32
        %dma_wait3A_223 = arith.constant 0 : i32
        %dma_wait3A_224 = tpu.memref_slice %arg4[%dma_wait3A_222, %dma_wait3A_223] : memref<10240x128xf32, #tpu.memory_space<hbm>> -> memref<10240x128xf32, #tpu.memory_space<hbm>>
        tpu.wait_indirect_dma semaphore(%arg12 : memref<!tpu.dma_semaphore, #tpu.memory_space<semaphore_mem>>) src(%dma_wait3A_224 : memref<10240x128xf32, #tpu.memory_space<hbm>>) dst(%dma_wait3A_218 : memref<128x128xf32, #tpu.memory_space<vmem>>)
        %run_scoped3A = arith.constant 1 : i32
        "tpu.region"() ({
          %run_scoped3A_225 = tpu.sem_alloc : memref<!tpu.dma_semaphore, #tpu.memory_space<semaphore_mem>>
          %dma_start3A_226 = arith.constant 0 : i32
          %dma_start3A_227 = arith.constant 0 : i32
          %dma_start3A_228 = tpu.memref_slice %arg9[%run_scoped3A, %dma_start3A_226, %dma_start3A_227] : memref<2x128x128xf32, #tpu.memory_space<vmem>> -> memref<1x128x128xf32, #tpu.memory_space<vmem>>
          %dma_start3A_229 = tpu.memref_squeeze %dma_start3A_228 : memref<1x128x128xf32, #tpu.memory_space<vmem>> -> memref<128x128xf32, #tpu.memory_space<vmem>>
          %dma_start3A_230 = arith.constant 0 : i32
          %dma_start3A_231 = tpu.memref_slice %arg7[%add3A_150, %dma_start3A_230] : memref<79x128xi32, #tpu.memory_space<vmem>> -> memref<1x128xi32, #tpu.memory_space<vmem>>
          %dma_start3A_232 = tpu.memref_squeeze %dma_start3A_231 : memref<1x128xi32, #tpu.memory_space<vmem>> -> memref<128xi32, #tpu.memory_space<vmem>>
          %dma_start3A_233 = arith.constant 0 : i32
          %dma_start3A_234 = arith.constant 0 : i32
          %dma_start3A_235 = tpu.memref_slice %arg10[%dma_start3A_233, %dma_start3A_234] : memref<10240x128xf32, #tpu.memory_space<vmem_shared>> -> memref<10240x128xf32, #tpu.memory_space<vmem_shared>>
          tpu.enqueue_indirect_dma source(%dma_start3A_229 : memref<128x128xf32, #tpu.memory_space<vmem>>) target(%dma_start3A_235 : memref<10240x128xf32, #tpu.memory_space<vmem_shared>>) offsets(%dma_start3A_232 : memref<128xi32, #tpu.memory_space<vmem>>) semaphore(%run_scoped3A_225 : memref<!tpu.dma_semaphore, #tpu.memory_space<semaphore_mem>>) {add = true}
          %dma_wait3A_236 = arith.constant 0 : i32
          %dma_wait3A_237 = arith.constant 0 : i32
          %dma_wait3A_238 = tpu.memref_slice %arg9[%run_scoped3A, %dma_wait3A_236, %dma_wait3A_237] : memref<2x128x128xf32, #tpu.memory_space<vmem>> -> memref<1x128x128xf32, #tpu.memory_space<vmem>>
          %dma_wait3A_239 = tpu.memref_squeeze %dma_wait3A_238 : memref<1x128x128xf32, #tpu.memory_space<vmem>> -> memref<128x128xf32, #tpu.memory_space<vmem>>
          %dma_wait3A_240 = arith.constant 0 : i32
          %dma_wait3A_241 = tpu.memref_slice %arg7[%add3A_150, %dma_wait3A_240] : memref<79x128xi32, #tpu.memory_space<vmem>> -> memref<1x128xi32, #tpu.memory_space<vmem>>
          %dma_wait3A_242 = tpu.memref_squeeze %dma_wait3A_241 : memref<1x128xi32, #tpu.memory_space<vmem>> -> memref<128xi32, #tpu.memory_space<vmem>>
          %dma_wait3A_243 = arith.constant 0 : i32
          %dma_wait3A_244 = arith.constant 0 : i32
          %dma_wait3A_245 = tpu.memref_slice %arg10[%dma_wait3A_243, %dma_wait3A_244] : memref<10240x128xf32, #tpu.memory_space<vmem_shared>> -> memref<10240x128xf32, #tpu.memory_space<vmem_shared>>
          tpu.wait_indirect_dma semaphore(%run_scoped3A_225 : memref<!tpu.dma_semaphore, #tpu.memory_space<semaphore_mem>>) src(%dma_wait3A_239 : memref<128x128xf32, #tpu.memory_space<vmem>>) dst(%dma_wait3A_245 : memref<10240x128xf32, #tpu.memory_space<vmem_shared>>)
          tpu.yield
        }) : () -> ()
      } else {
      }
      %add3A_163 = arith.constant 4 : i32
      %add3A_164 = arith.addi %add3A_150, %add3A_163 : i32
      %lt3A_165 = arith.constant 79 : i32
      %lt3A_166 = arith.cmpi slt, %add3A_164, %lt3A_165 : i32
      %convert_element_type3A_167 = arith.extui %lt3A_166 : i1 to i32
      %cond3A_168 = arith.constant 0 : i32
      %cond3A_169 = arith.cmpi ne, %convert_element_type3A_167, %cond3A_168 : i32
      scf.if %cond3A_169 {
        %add3A_213 = arith.constant 4 : i32
        %add3A_214 = arith.addi %add3A_150, %add3A_213 : i32
        %mul3A_215 = arith.constant 79 : i32
        %mul3A_216 = arith.muli %add3A, %mul3A_215 : i32
        %add3A_217 = arith.addi %mul3A_216, %add3A_214 : i32
        %dma_start3A_218 = arith.constant 1 : i32
        %dma_start3A_219 = arith.constant 0 : i32
        %dma_start3A_220 = tpu.memref_slice %arg8[%dma_start3A_218, %dma_start3A_219] : memref<4x128xi32, #tpu.memory_space<vmem>> -> memref<1x128xi32, #tpu.memory_space<vmem>>
        %dma_start3A_221 = tpu.memref_squeeze %dma_start3A_220 : memref<1x128xi32, #tpu.memory_space<vmem>> -> memref<128xi32, #tpu.memory_space<vmem>>
        %dma_start3A_222 = arith.constant 0 : i32
        %dma_start3A_223 = tpu.memref_slice %arg2[%add3A_217, %dma_start3A_222] : memref<2528x128xi32, #tpu.memory_space<hbm>> -> memref<1x128xi32, #tpu.memory_space<hbm>>
        %dma_start3A_224 = tpu.memref_squeeze %dma_start3A_223 : memref<1x128xi32, #tpu.memory_space<hbm>> -> memref<128xi32, #tpu.memory_space<hbm>>
        %dma_start3A_225 = arith.constant 0 : i32
        %dma_start3A_226 = tpu.memref_slice %arg8[%dma_start3A_218, %dma_start3A_225] : memref<4x128xi32, #tpu.memory_space<vmem>> -> memref<1x128xi32, #tpu.memory_space<vmem>>
        %dma_start3A_227 = tpu.memref_squeeze %dma_start3A_226 : memref<1x128xi32, #tpu.memory_space<vmem>> -> memref<128xi32, #tpu.memory_space<vmem>>
        %dma_start3A_228 = arith.constant 0 : i32
        %dma_start3A_229 = tpu.memref_slice %arg2[%add3A_217, %dma_start3A_228] : memref<2528x128xi32, #tpu.memory_space<hbm>> -> memref<1x128xi32, #tpu.memory_space<hbm>>
        %dma_start3A_230 = tpu.memref_squeeze %dma_start3A_229 : memref<1x128xi32, #tpu.memory_space<hbm>> -> memref<128xi32, #tpu.memory_space<hbm>>
        tpu.enqueue_dma source(%dma_start3A_230 : memref<128xi32, #tpu.memory_space<hbm>>) target(%dma_start3A_227 : memref<128xi32, #tpu.memory_space<vmem>>) target_semaphore(%arg14 : memref<!tpu.dma_semaphore, #tpu.memory_space<semaphore_mem>>)
      } else {
      }
      %add3A_170 = arith.constant 2 : i32
      %add3A_171 = arith.addi %mul3A_128, %add3A_170 : i32
      %add3A_172 = arith.constant 1 : i32
      %add3A_173 = arith.addi %add3A_171, %add3A_172 : i32
      %lt3A_174 = arith.constant 79 : i32
      %lt3A_175 = arith.cmpi slt, %add3A_173, %lt3A_174 : i32
      %convert_element_type3A_176 = arith.extui %lt3A_175 : i1 to i32
      %cond3A_177 = arith.constant 0 : i32
      %cond3A_178 = arith.cmpi ne, %convert_element_type3A_176, %cond3A_177 : i32
      scf.if %cond3A_178 {
        %add3A_213 = arith.constant 1 : i32
        %add3A_214 = arith.addi %add3A_171, %add3A_213 : i32
        %mul3A_215 = arith.constant 79 : i32
        %mul3A_216 = arith.muli %add3A, %mul3A_215 : i32
        %add3A_217 = arith.addi %mul3A_216, %add3A_214 : i32
        %dma_wait3A_218 = arith.constant 3 : i32
        %dma_wait3A_219 = arith.constant 0 : i32
        %dma_wait3A_220 = tpu.memref_slice %arg8[%dma_wait3A_218, %dma_wait3A_219] : memref<4x128xi32, #tpu.memory_space<vmem>> -> memref<1x128xi32, #tpu.memory_space<vmem>>
        %dma_wait3A_221 = tpu.memref_squeeze %dma_wait3A_220 : memref<1x128xi32, #tpu.memory_space<vmem>> -> memref<128xi32, #tpu.memory_space<vmem>>
        %dma_wait3A_222 = arith.constant 0 : i32
        %dma_wait3A_223 = tpu.memref_slice %arg2[%add3A_217, %dma_wait3A_222] : memref<2528x128xi32, #tpu.memory_space<hbm>> -> memref<1x128xi32, #tpu.memory_space<hbm>>
        %dma_wait3A_224 = tpu.memref_squeeze %dma_wait3A_223 : memref<1x128xi32, #tpu.memory_space<hbm>> -> memref<128xi32, #tpu.memory_space<hbm>>
        %dma_wait3A_225 = arith.constant 0 : i32
        %dma_wait3A_226 = tpu.memref_slice %arg8[%dma_wait3A_218, %dma_wait3A_225] : memref<4x128xi32, #tpu.memory_space<vmem>> -> memref<1x128xi32, #tpu.memory_space<vmem>>
        %dma_wait3A_227 = tpu.memref_squeeze %dma_wait3A_226 : memref<1x128xi32, #tpu.memory_space<vmem>> -> memref<128xi32, #tpu.memory_space<vmem>>
        %dma_wait3A_228 = arith.constant 0 : i32
        %dma_wait3A_229 = tpu.memref_slice %arg2[%add3A_217, %dma_wait3A_228] : memref<2528x128xi32, #tpu.memory_space<hbm>> -> memref<1x128xi32, #tpu.memory_space<hbm>>
        %dma_wait3A_230 = tpu.memref_squeeze %dma_wait3A_229 : memref<1x128xi32, #tpu.memory_space<hbm>> -> memref<128xi32, #tpu.memory_space<hbm>>
        tpu.wait_dma2 semaphore(%arg16 : memref<!tpu.dma_semaphore, #tpu.memory_space<semaphore_mem>>) src(%dma_wait3A_230 : memref<128xi32, #tpu.memory_space<hbm>>) dst(%dma_wait3A_227 : memref<128xi32, #tpu.memory_space<vmem>>)
        %add3A_231 = arith.constant 1 : i32
        %add3A_232 = arith.addi %add3A_171, %add3A_231 : i32
        %dma_start3A_233 = arith.constant 3 : i32
        %dma_start3A_234 = arith.constant 1 : i32
        %dma_start3A_235 = arith.constant 0 : i32
        %dma_start3A_236 = arith.constant 0 : i32
        %dma_start3A_237 = tpu.memref_slice %arg9[%dma_start3A_234, %dma_start3A_235, %dma_start3A_236] : memref<2x128x128xf32, #tpu.memory_space<vmem>> -> memref<1x128x128xf32, #tpu.memory_space<vmem>>
        %dma_start3A_238 = tpu.memref_squeeze %dma_start3A_237 : memref<1x128x128xf32, #tpu.memory_space<vmem>> -> memref<128x128xf32, #tpu.memory_space<vmem>>
        %dma_start3A_239 = arith.constant 0 : i32
        %dma_start3A_240 = tpu.memref_slice %arg8[%dma_start3A_233, %dma_start3A_239] : memref<4x128xi32, #tpu.memory_space<vmem>> -> memref<1x128xi32, #tpu.memory_space<vmem>>
        %dma_start3A_241 = tpu.memref_squeeze %dma_start3A_240 : memref<1x128xi32, #tpu.memory_space<vmem>> -> memref<128xi32, #tpu.memory_space<vmem>>
        %dma_start3A_242 = arith.constant 0 : i32
        %dma_start3A_243 = arith.constant 0 : i32
        %dma_start3A_244 = tpu.memref_slice %arg4[%dma_start3A_242, %dma_start3A_243] : memref<10240x128xf32, #tpu.memory_space<hbm>> -> memref<10240x128xf32, #tpu.memory_space<hbm>>
        tpu.enqueue_indirect_dma source(%dma_start3A_244 : memref<10240x128xf32, #tpu.memory_space<hbm>>) target(%dma_start3A_238 : memref<128x128xf32, #tpu.memory_space<vmem>>) offsets(%dma_start3A_241 : memref<128xi32, #tpu.memory_space<vmem>>) semaphore(%arg12 : memref<!tpu.dma_semaphore, #tpu.memory_space<semaphore_mem>>)
      } else {
      }
      %lt3A_179 = arith.constant 79 : i32
      %lt3A_180 = arith.cmpi slt, %add3A_171, %lt3A_179 : i32
      %convert_element_type3A_181 = arith.extui %lt3A_180 : i1 to i32
      %cond3A_182 = arith.constant 0 : i32
      %cond3A_183 = arith.cmpi ne, %convert_element_type3A_181, %cond3A_182 : i32
      scf.if %cond3A_183 {
        %dma_wait3A_213 = arith.constant 2 : i32
        %dma_wait3A_214 = arith.constant 0 : i32
        %dma_wait3A_215 = arith.constant 0 : i32
        %dma_wait3A_216 = arith.constant 0 : i32
        %dma_wait3A_217 = tpu.memref_slice %arg9[%dma_wait3A_214, %dma_wait3A_215, %dma_wait3A_216] : memref<2x128x128xf32, #tpu.memory_space<vmem>> -> memref<1x128x128xf32, #tpu.memory_space<vmem>>
        %dma_wait3A_218 = tpu.memref_squeeze %dma_wait3A_217 : memref<1x128x128xf32, #tpu.memory_space<vmem>> -> memref<128x128xf32, #tpu.memory_space<vmem>>
        %dma_wait3A_219 = arith.constant 0 : i32
        %dma_wait3A_220 = tpu.memref_slice %arg8[%dma_wait3A_213, %dma_wait3A_219] : memref<4x128xi32, #tpu.memory_space<vmem>> -> memref<1x128xi32, #tpu.memory_space<vmem>>
        %dma_wait3A_221 = tpu.memref_squeeze %dma_wait3A_220 : memref<1x128xi32, #tpu.memory_space<vmem>> -> memref<128xi32, #tpu.memory_space<vmem>>
        %dma_wait3A_222 = arith.constant 0 : i32
        %dma_wait3A_223 = arith.constant 0 : i32
        %dma_wait3A_224 = tpu.memref_slice %arg4[%dma_wait3A_222, %dma_wait3A_223] : memref<10240x128xf32, #tpu.memory_space<hbm>> -> memref<10240x128xf32, #tpu.memory_space<hbm>>
        tpu.wait_indirect_dma semaphore(%arg11 : memref<!tpu.dma_semaphore, #tpu.memory_space<semaphore_mem>>) src(%dma_wait3A_224 : memref<10240x128xf32, #tpu.memory_space<hbm>>) dst(%dma_wait3A_218 : memref<128x128xf32, #tpu.memory_space<vmem>>)
        %run_scoped3A = arith.constant 0 : i32
        "tpu.region"() ({
          %run_scoped3A_225 = tpu.sem_alloc : memref<!tpu.dma_semaphore, #tpu.memory_space<semaphore_mem>>
          %dma_start3A_226 = arith.constant 0 : i32
          %dma_start3A_227 = arith.constant 0 : i32
          %dma_start3A_228 = tpu.memref_slice %arg9[%run_scoped3A, %dma_start3A_226, %dma_start3A_227] : memref<2x128x128xf32, #tpu.memory_space<vmem>> -> memref<1x128x128xf32, #tpu.memory_space<vmem>>
          %dma_start3A_229 = tpu.memref_squeeze %dma_start3A_228 : memref<1x128x128xf32, #tpu.memory_space<vmem>> -> memref<128x128xf32, #tpu.memory_space<vmem>>
          %dma_start3A_230 = arith.constant 0 : i32
          %dma_start3A_231 = tpu.memref_slice %arg7[%add3A_171, %dma_start3A_230] : memref<79x128xi32, #tpu.memory_space<vmem>> -> memref<1x128xi32, #tpu.memory_space<vmem>>
          %dma_start3A_232 = tpu.memref_squeeze %dma_start3A_231 : memref<1x128xi32, #tpu.memory_space<vmem>> -> memref<128xi32, #tpu.memory_space<vmem>>
          %dma_start3A_233 = arith.constant 0 : i32
          %dma_start3A_234 = arith.constant 0 : i32
          %dma_start3A_235 = tpu.memref_slice %arg10[%dma_start3A_233, %dma_start3A_234] : memref<10240x128xf32, #tpu.memory_space<vmem_shared>> -> memref<10240x128xf32, #tpu.memory_space<vmem_shared>>
          tpu.enqueue_indirect_dma source(%dma_start3A_229 : memref<128x128xf32, #tpu.memory_space<vmem>>) target(%dma_start3A_235 : memref<10240x128xf32, #tpu.memory_space<vmem_shared>>) offsets(%dma_start3A_232 : memref<128xi32, #tpu.memory_space<vmem>>) semaphore(%run_scoped3A_225 : memref<!tpu.dma_semaphore, #tpu.memory_space<semaphore_mem>>) {add = true}
          %dma_wait3A_236 = arith.constant 0 : i32
          %dma_wait3A_237 = arith.constant 0 : i32
          %dma_wait3A_238 = tpu.memref_slice %arg9[%run_scoped3A, %dma_wait3A_236, %dma_wait3A_237] : memref<2x128x128xf32, #tpu.memory_space<vmem>> -> memref<1x128x128xf32, #tpu.memory_space<vmem>>
          %dma_wait3A_239 = tpu.memref_squeeze %dma_wait3A_238 : memref<1x128x128xf32, #tpu.memory_space<vmem>> -> memref<128x128xf32, #tpu.memory_space<vmem>>
          %dma_wait3A_240 = arith.constant 0 : i32
          %dma_wait3A_241 = tpu.memref_slice %arg7[%add3A_171, %dma_wait3A_240] : memref<79x128xi32, #tpu.memory_space<vmem>> -> memref<1x128xi32, #tpu.memory_space<vmem>>
          %dma_wait3A_242 = tpu.memref_squeeze %dma_wait3A_241 : memref<1x128xi32, #tpu.memory_space<vmem>> -> memref<128xi32, #tpu.memory_space<vmem>>
          %dma_wait3A_243 = arith.constant 0 : i32
          %dma_wait3A_244 = arith.constant 0 : i32
          %dma_wait3A_245 = tpu.memref_slice %arg10[%dma_wait3A_243, %dma_wait3A_244] : memref<10240x128xf32, #tpu.memory_space<vmem_shared>> -> memref<10240x128xf32, #tpu.memory_space<vmem_shared>>
          tpu.wait_indirect_dma semaphore(%run_scoped3A_225 : memref<!tpu.dma_semaphore, #tpu.memory_space<semaphore_mem>>) src(%dma_wait3A_239 : memref<128x128xf32, #tpu.memory_space<vmem>>) dst(%dma_wait3A_245 : memref<10240x128xf32, #tpu.memory_space<vmem_shared>>)
          tpu.yield
        }) : () -> ()
      } else {
      }
      %add3A_184 = arith.constant 4 : i32
      %add3A_185 = arith.addi %add3A_171, %add3A_184 : i32
      %lt3A_186 = arith.constant 79 : i32
      %lt3A_187 = arith.cmpi slt, %add3A_185, %lt3A_186 : i32
      %convert_element_type3A_188 = arith.extui %lt3A_187 : i1 to i32
      %cond3A_189 = arith.constant 0 : i32
      %cond3A_190 = arith.cmpi ne, %convert_element_type3A_188, %cond3A_189 : i32
      scf.if %cond3A_190 {
        %add3A_213 = arith.constant 4 : i32
        %add3A_214 = arith.addi %add3A_171, %add3A_213 : i32
        %mul3A_215 = arith.constant 79 : i32
        %mul3A_216 = arith.muli %add3A, %mul3A_215 : i32
        %add3A_217 = arith.addi %mul3A_216, %add3A_214 : i32
        %dma_start3A_218 = arith.constant 2 : i32
        %dma_start3A_219 = arith.constant 0 : i32
        %dma_start3A_220 = tpu.memref_slice %arg8[%dma_start3A_218, %dma_start3A_219] : memref<4x128xi32, #tpu.memory_space<vmem>> -> memref<1x128xi32, #tpu.memory_space<vmem>>
        %dma_start3A_221 = tpu.memref_squeeze %dma_start3A_220 : memref<1x128xi32, #tpu.memory_space<vmem>> -> memref<128xi32, #tpu.memory_space<vmem>>
        %dma_start3A_222 = arith.constant 0 : i32
        %dma_start3A_223 = tpu.memref_slice %arg2[%add3A_217, %dma_start3A_222] : memref<2528x128xi32, #tpu.memory_space<hbm>> -> memref<1x128xi32, #tpu.memory_space<hbm>>
        %dma_start3A_224 = tpu.memref_squeeze %dma_start3A_223 : memref<1x128xi32, #tpu.memory_space<hbm>> -> memref<128xi32, #tpu.memory_space<hbm>>
        %dma_start3A_225 = arith.constant 0 : i32
        %dma_start3A_226 = tpu.memref_slice %arg8[%dma_start3A_218, %dma_start3A_225] : memref<4x128xi32, #tpu.memory_space<vmem>> -> memref<1x128xi32, #tpu.memory_space<vmem>>
        %dma_start3A_227 = tpu.memref_squeeze %dma_start3A_226 : memref<1x128xi32, #tpu.memory_space<vmem>> -> memref<128xi32, #tpu.memory_space<vmem>>
        %dma_start3A_228 = arith.constant 0 : i32
        %dma_start3A_229 = tpu.memref_slice %arg2[%add3A_217, %dma_start3A_228] : memref<2528x128xi32, #tpu.memory_space<hbm>> -> memref<1x128xi32, #tpu.memory_space<hbm>>
        %dma_start3A_230 = tpu.memref_squeeze %dma_start3A_229 : memref<1x128xi32, #tpu.memory_space<hbm>> -> memref<128xi32, #tpu.memory_space<hbm>>
        tpu.enqueue_dma source(%dma_start3A_230 : memref<128xi32, #tpu.memory_space<hbm>>) target(%dma_start3A_227 : memref<128xi32, #tpu.memory_space<vmem>>) target_semaphore(%arg15 : memref<!tpu.dma_semaphore, #tpu.memory_space<semaphore_mem>>)
      } else {
      }
      %add3A_191 = arith.constant 3 : i32
      %add3A_192 = arith.addi %mul3A_128, %add3A_191 : i32
      %add3A_193 = arith.constant 1 : i32
      %add3A_194 = arith.addi %add3A_192, %add3A_193 : i32
      %lt3A_195 = arith.constant 79 : i32
      %lt3A_196 = arith.cmpi slt, %add3A_194, %lt3A_195 : i32
      %convert_element_type3A_197 = arith.extui %lt3A_196 : i1 to i32
      %cond3A_198 = arith.constant 0 : i32
      %cond3A_199 = arith.cmpi ne, %convert_element_type3A_197, %cond3A_198 : i32
      scf.if %cond3A_199 {
        %add3A_213 = arith.constant 1 : i32
        %add3A_214 = arith.addi %add3A_192, %add3A_213 : i32
        %mul3A_215 = arith.constant 79 : i32
        %mul3A_216 = arith.muli %add3A, %mul3A_215 : i32
        %add3A_217 = arith.addi %mul3A_216, %add3A_214 : i32
        %dma_wait3A_218 = arith.constant 0 : i32
        %dma_wait3A_219 = arith.constant 0 : i32
        %dma_wait3A_220 = tpu.memref_slice %arg8[%dma_wait3A_218, %dma_wait3A_219] : memref<4x128xi32, #tpu.memory_space<vmem>> -> memref<1x128xi32, #tpu.memory_space<vmem>>
        %dma_wait3A_221 = tpu.memref_squeeze %dma_wait3A_220 : memref<1x128xi32, #tpu.memory_space<vmem>> -> memref<128xi32, #tpu.memory_space<vmem>>
        %dma_wait3A_222 = arith.constant 0 : i32
        %dma_wait3A_223 = tpu.memref_slice %arg2[%add3A_217, %dma_wait3A_222] : memref<2528x128xi32, #tpu.memory_space<hbm>> -> memref<1x128xi32, #tpu.memory_space<hbm>>
        %dma_wait3A_224 = tpu.memref_squeeze %dma_wait3A_223 : memref<1x128xi32, #tpu.memory_space<hbm>> -> memref<128xi32, #tpu.memory_space<hbm>>
        %dma_wait3A_225 = arith.constant 0 : i32
        %dma_wait3A_226 = tpu.memref_slice %arg8[%dma_wait3A_218, %dma_wait3A_225] : memref<4x128xi32, #tpu.memory_space<vmem>> -> memref<1x128xi32, #tpu.memory_space<vmem>>
        %dma_wait3A_227 = tpu.memref_squeeze %dma_wait3A_226 : memref<1x128xi32, #tpu.memory_space<vmem>> -> memref<128xi32, #tpu.memory_space<vmem>>
        %dma_wait3A_228 = arith.constant 0 : i32
        %dma_wait3A_229 = tpu.memref_slice %arg2[%add3A_217, %dma_wait3A_228] : memref<2528x128xi32, #tpu.memory_space<hbm>> -> memref<1x128xi32, #tpu.memory_space<hbm>>
        %dma_wait3A_230 = tpu.memref_squeeze %dma_wait3A_229 : memref<1x128xi32, #tpu.memory_space<hbm>> -> memref<128xi32, #tpu.memory_space<hbm>>
        tpu.wait_dma2 semaphore(%arg13 : memref<!tpu.dma_semaphore, #tpu.memory_space<semaphore_mem>>) src(%dma_wait3A_230 : memref<128xi32, #tpu.memory_space<hbm>>) dst(%dma_wait3A_227 : memref<128xi32, #tpu.memory_space<vmem>>)
        %add3A_231 = arith.constant 1 : i32
        %add3A_232 = arith.addi %add3A_192, %add3A_231 : i32
        %dma_start3A_233 = arith.constant 0 : i32
        %dma_start3A_234 = arith.constant 0 : i32
        %dma_start3A_235 = arith.constant 0 : i32
        %dma_start3A_236 = arith.constant 0 : i32
        %dma_start3A_237 = tpu.memref_slice %arg9[%dma_start3A_234, %dma_start3A_235, %dma_start3A_236] : memref<2x128x128xf32, #tpu.memory_space<vmem>> -> memref<1x128x128xf32, #tpu.memory_space<vmem>>
        %dma_start3A_238 = tpu.memref_squeeze %dma_start3A_237 : memref<1x128x128xf32, #tpu.memory_space<vmem>> -> memref<128x128xf32, #tpu.memory_space<vmem>>
        %dma_start3A_239 = arith.constant 0 : i32
        %dma_start3A_240 = tpu.memref_slice %arg8[%dma_start3A_233, %dma_start3A_239] : memref<4x128xi32, #tpu.memory_space<vmem>> -> memref<1x128xi32, #tpu.memory_space<vmem>>
        %dma_start3A_241 = tpu.memref_squeeze %dma_start3A_240 : memref<1x128xi32, #tpu.memory_space<vmem>> -> memref<128xi32, #tpu.memory_space<vmem>>
        %dma_start3A_242 = arith.constant 0 : i32
        %dma_start3A_243 = arith.constant 0 : i32
        %dma_start3A_244 = tpu.memref_slice %arg4[%dma_start3A_242, %dma_start3A_243] : memref<10240x128xf32, #tpu.memory_space<hbm>> -> memref<10240x128xf32, #tpu.memory_space<hbm>>
        tpu.enqueue_indirect_dma source(%dma_start3A_244 : memref<10240x128xf32, #tpu.memory_space<hbm>>) target(%dma_start3A_238 : memref<128x128xf32, #tpu.memory_space<vmem>>) offsets(%dma_start3A_241 : memref<128xi32, #tpu.memory_space<vmem>>) semaphore(%arg11 : memref<!tpu.dma_semaphore, #tpu.memory_space<semaphore_mem>>)
      } else {
      }
      %lt3A_200 = arith.constant 79 : i32
      %lt3A_201 = arith.cmpi slt, %add3A_192, %lt3A_200 : i32
      %convert_element_type3A_202 = arith.extui %lt3A_201 : i1 to i32
      %cond3A_203 = arith.constant 0 : i32
      %cond3A_204 = arith.cmpi ne, %convert_element_type3A_202, %cond3A_203 : i32
      scf.if %cond3A_204 {
        %dma_wait3A_213 = arith.constant 3 : i32
        %dma_wait3A_214 = arith.constant 1 : i32
        %dma_wait3A_215 = arith.constant 0 : i32
        %dma_wait3A_216 = arith.constant 0 : i32
        %dma_wait3A_217 = tpu.memref_slice %arg9[%dma_wait3A_214, %dma_wait3A_215, %dma_wait3A_216] : memref<2x128x128xf32, #tpu.memory_space<vmem>> -> memref<1x128x128xf32, #tpu.memory_space<vmem>>
        %dma_wait3A_218 = tpu.memref_squeeze %dma_wait3A_217 : memref<1x128x128xf32, #tpu.memory_space<vmem>> -> memref<128x128xf32, #tpu.memory_space<vmem>>
        %dma_wait3A_219 = arith.constant 0 : i32
        %dma_wait3A_220 = tpu.memref_slice %arg8[%dma_wait3A_213, %dma_wait3A_219] : memref<4x128xi32, #tpu.memory_space<vmem>> -> memref<1x128xi32, #tpu.memory_space<vmem>>
        %dma_wait3A_221 = tpu.memref_squeeze %dma_wait3A_220 : memref<1x128xi32, #tpu.memory_space<vmem>> -> memref<128xi32, #tpu.memory_space<vmem>>
        %dma_wait3A_222 = arith.constant 0 : i32
        %dma_wait3A_223 = arith.constant 0 : i32
        %dma_wait3A_224 = tpu.memref_slice %arg4[%dma_wait3A_222, %dma_wait3A_223] : memref<10240x128xf32, #tpu.memory_space<hbm>> -> memref<10240x128xf32, #tpu.memory_space<hbm>>
        tpu.wait_indirect_dma semaphore(%arg12 : memref<!tpu.dma_semaphore, #tpu.memory_space<semaphore_mem>>) src(%dma_wait3A_224 : memref<10240x128xf32, #tpu.memory_space<hbm>>) dst(%dma_wait3A_218 : memref<128x128xf32, #tpu.memory_space<vmem>>)
        %run_scoped3A = arith.constant 1 : i32
        "tpu.region"() ({
          %run_scoped3A_225 = tpu.sem_alloc : memref<!tpu.dma_semaphore, #tpu.memory_space<semaphore_mem>>
          %dma_start3A_226 = arith.constant 0 : i32
          %dma_start3A_227 = arith.constant 0 : i32
          %dma_start3A_228 = tpu.memref_slice %arg9[%run_scoped3A, %dma_start3A_226, %dma_start3A_227] : memref<2x128x128xf32, #tpu.memory_space<vmem>> -> memref<1x128x128xf32, #tpu.memory_space<vmem>>
          %dma_start3A_229 = tpu.memref_squeeze %dma_start3A_228 : memref<1x128x128xf32, #tpu.memory_space<vmem>> -> memref<128x128xf32, #tpu.memory_space<vmem>>
          %dma_start3A_230 = arith.constant 0 : i32
          %dma_start3A_231 = tpu.memref_slice %arg7[%add3A_192, %dma_start3A_230] : memref<79x128xi32, #tpu.memory_space<vmem>> -> memref<1x128xi32, #tpu.memory_space<vmem>>
          %dma_start3A_232 = tpu.memref_squeeze %dma_start3A_231 : memref<1x128xi32, #tpu.memory_space<vmem>> -> memref<128xi32, #tpu.memory_space<vmem>>
          %dma_start3A_233 = arith.constant 0 : i32
          %dma_start3A_234 = arith.constant 0 : i32
          %dma_start3A_235 = tpu.memref_slice %arg10[%dma_start3A_233, %dma_start3A_234] : memref<10240x128xf32, #tpu.memory_space<vmem_shared>> -> memref<10240x128xf32, #tpu.memory_space<vmem_shared>>
          tpu.enqueue_indirect_dma source(%dma_start3A_229 : memref<128x128xf32, #tpu.memory_space<vmem>>) target(%dma_start3A_235 : memref<10240x128xf32, #tpu.memory_space<vmem_shared>>) offsets(%dma_start3A_232 : memref<128xi32, #tpu.memory_space<vmem>>) semaphore(%run_scoped3A_225 : memref<!tpu.dma_semaphore, #tpu.memory_space<semaphore_mem>>) {add = true}
          %dma_wait3A_236 = arith.constant 0 : i32
          %dma_wait3A_237 = arith.constant 0 : i32
          %dma_wait3A_238 = tpu.memref_slice %arg9[%run_scoped3A, %dma_wait3A_236, %dma_wait3A_237] : memref<2x128x128xf32, #tpu.memory_space<vmem>> -> memref<1x128x128xf32, #tpu.memory_space<vmem>>
          %dma_wait3A_239 = tpu.memref_squeeze %dma_wait3A_238 : memref<1x128x128xf32, #tpu.memory_space<vmem>> -> memref<128x128xf32, #tpu.memory_space<vmem>>
          %dma_wait3A_240 = arith.constant 0 : i32
          %dma_wait3A_241 = tpu.memref_slice %arg7[%add3A_192, %dma_wait3A_240] : memref<79x128xi32, #tpu.memory_space<vmem>> -> memref<1x128xi32, #tpu.memory_space<vmem>>
          %dma_wait3A_242 = tpu.memref_squeeze %dma_wait3A_241 : memref<1x128xi32, #tpu.memory_space<vmem>> -> memref<128xi32, #tpu.memory_space<vmem>>
          %dma_wait3A_243 = arith.constant 0 : i32
          %dma_wait3A_244 = arith.constant 0 : i32
          %dma_wait3A_245 = tpu.memref_slice %arg10[%dma_wait3A_243, %dma_wait3A_244] : memref<10240x128xf32, #tpu.memory_space<vmem_shared>> -> memref<10240x128xf32, #tpu.memory_space<vmem_shared>>
          tpu.wait_indirect_dma semaphore(%run_scoped3A_225 : memref<!tpu.dma_semaphore, #tpu.memory_space<semaphore_mem>>) src(%dma_wait3A_239 : memref<128x128xf32, #tpu.memory_space<vmem>>) dst(%dma_wait3A_245 : memref<10240x128xf32, #tpu.memory_space<vmem_shared>>)
          tpu.yield
        }) : () -> ()
      } else {
      }
      %add3A_205 = arith.constant 4 : i32
      %add3A_206 = arith.addi %add3A_192, %add3A_205 : i32
      %lt3A_207 = arith.constant 79 : i32
      %lt3A_208 = arith.cmpi slt, %add3A_206, %lt3A_207 : i32
      %convert_element_type3A_209 = arith.extui %lt3A_208 : i1 to i32
      %cond3A_210 = arith.constant 0 : i32
      %cond3A_211 = arith.cmpi ne, %convert_element_type3A_209, %cond3A_210 : i32
      scf.if %cond3A_211 {
        %add3A_213 = arith.constant 4 : i32
        %add3A_214 = arith.addi %add3A_192, %add3A_213 : i32
        %mul3A_215 = arith.constant 79 : i32
        %mul3A_216 = arith.muli %add3A, %mul3A_215 : i32
        %add3A_217 = arith.addi %mul3A_216, %add3A_214 : i32
        %dma_start3A_218 = arith.constant 3 : i32
        %dma_start3A_219 = arith.constant 0 : i32
        %dma_start3A_220 = tpu.memref_slice %arg8[%dma_start3A_218, %dma_start3A_219] : memref<4x128xi32, #tpu.memory_space<vmem>> -> memref<1x128xi32, #tpu.memory_space<vmem>>
        %dma_start3A_221 = tpu.memref_squeeze %dma_start3A_220 : memref<1x128xi32, #tpu.memory_space<vmem>> -> memref<128xi32, #tpu.memory_space<vmem>>
        %dma_start3A_222 = arith.constant 0 : i32
        %dma_start3A_223 = tpu.memref_slice %arg2[%add3A_217, %dma_start3A_222] : memref<2528x128xi32, #tpu.memory_space<hbm>> -> memref<1x128xi32, #tpu.memory_space<hbm>>
        %dma_start3A_224 = tpu.memref_squeeze %dma_start3A_223 : memref<1x128xi32, #tpu.memory_space<hbm>> -> memref<128xi32, #tpu.memory_space<hbm>>
        %dma_start3A_225 = arith.constant 0 : i32
        %dma_start3A_226 = tpu.memref_slice %arg8[%dma_start3A_218, %dma_start3A_225] : memref<4x128xi32, #tpu.memory_space<vmem>> -> memref<1x128xi32, #tpu.memory_space<vmem>>
        %dma_start3A_227 = tpu.memref_squeeze %dma_start3A_226 : memref<1x128xi32, #tpu.memory_space<vmem>> -> memref<128xi32, #tpu.memory_space<vmem>>
        %dma_start3A_228 = arith.constant 0 : i32
        %dma_start3A_229 = tpu.memref_slice %arg2[%add3A_217, %dma_start3A_228] : memref<2528x128xi32, #tpu.memory_space<hbm>> -> memref<1x128xi32, #tpu.memory_space<hbm>>
        %dma_start3A_230 = tpu.memref_squeeze %dma_start3A_229 : memref<1x128xi32, #tpu.memory_space<hbm>> -> memref<128xi32, #tpu.memory_space<hbm>>
        tpu.enqueue_dma source(%dma_start3A_230 : memref<128xi32, #tpu.memory_space<hbm>>) target(%dma_start3A_227 : memref<128xi32, #tpu.memory_space<vmem>>) target_semaphore(%arg16 : memref<!tpu.dma_semaphore, #tpu.memory_space<semaphore_mem>>)
      } else {
      }
      %scan3A_212 = arith.constant 0 : i32
      scf.yield %scan3A_212 : i32
    }
    %scan3A_116 = arith.constant 20 : i32
    %barrier3A_117 = arith.constant 0 : index
    tpu.barrier barrier_id(%barrier3A_117)
    %eq3A = arith.constant 0 : i32
    %eq3A_118 = arith.cmpi eq, %arg0, %eq3A : i32
    %convert_element_type3A = arith.extui %eq3A_118 : i1 to i32
    %cond3A = arith.constant 0 : i32
    %cond3A_119 = arith.cmpi ne, %convert_element_type3A, %cond3A : i32
    scf.if %cond3A_119 {
      %mul3A_125 = arith.constant 640 : i32
      %mul3A_126 = arith.muli %arg1, %mul3A_125 : i32
      %mul3A_127 = arith.constant 640 : i32
      %mul3A_128 = arith.muli %arg1, %mul3A_127 : i32
      "tpu.region"() ({
        %run_scoped3A = tpu.sem_alloc : memref<!tpu.dma_semaphore, #tpu.memory_space<semaphore_mem>>
        %dma_start3A_129 = arith.constant 0 : i32
        %dma_start3A_130 = tpu.memref_slice %arg5[%mul3A_128, %dma_start3A_129] : memref<10240x128xf32, #tpu.memory_space<hbm>> -> memref<640x128xf32, #tpu.memory_space<hbm>>
        %dma_start3A_131 = arith.constant 0 : i32
        %dma_start3A_132 = tpu.memref_slice %arg10[%mul3A_126, %dma_start3A_131] : memref<10240x128xf32, #tpu.memory_space<vmem_shared>> -> memref<640x128xf32, #tpu.memory_space<vmem_shared>>
        tpu.enqueue_dma source(%dma_start3A_132 : memref<640x128xf32, #tpu.memory_space<vmem_shared>>) target(%dma_start3A_130 : memref<640x128xf32, #tpu.memory_space<hbm>>) target_semaphore(%run_scoped3A : memref<!tpu.dma_semaphore, #tpu.memory_space<semaphore_mem>>)
        %dma_wait3A_133 = arith.constant 0 : i32
        %dma_wait3A_134 = tpu.memref_slice %arg5[%mul3A_128, %dma_wait3A_133] : memref<10240x128xf32, #tpu.memory_space<hbm>> -> memref<640x128xf32, #tpu.memory_space<hbm>>
        %dma_wait3A_135 = arith.constant 0 : i32
        %dma_wait3A_136 = tpu.memref_slice %arg10[%mul3A_126, %dma_wait3A_135] : memref<10240x128xf32, #tpu.memory_space<vmem_shared>> -> memref<640x128xf32, #tpu.memory_space<vmem_shared>>
        tpu.wait_dma2 semaphore(%run_scoped3A : memref<!tpu.dma_semaphore, #tpu.memory_space<semaphore_mem>>) src(%dma_wait3A_136 : memref<640x128xf32, #tpu.memory_space<vmem_shared>>) dst(%dma_wait3A_134 : memref<640x128xf32, #tpu.memory_space<hbm>>)
        tpu.yield
      }) : () -> ()
    } else {
    }
    %eq3A_120 = arith.constant 1 : i32
    %eq3A_121 = arith.cmpi eq, %arg0, %eq3A_120 : i32
    %convert_element_type3A_122 = arith.extui %eq3A_121 : i1 to i32
    %cond3A_123 = arith.constant 0 : i32
    %cond3A_124 = arith.cmpi ne, %convert_element_type3A_122, %cond3A_123 : i32
    scf.if %cond3A_124 {
      %mul3A_125 = arith.constant 640 : i32
      %mul3A_126 = arith.muli %arg1, %mul3A_125 : i32
      %mul3A_127 = arith.constant 640 : i32
      %mul3A_128 = arith.muli %arg1, %mul3A_127 : i32
      "tpu.region"() ({
        %run_scoped3A = tpu.sem_alloc : memref<!tpu.dma_semaphore, #tpu.memory_space<semaphore_mem>>
        %dma_start3A_129 = arith.constant 0 : i32
        %dma_start3A_130 = tpu.memref_slice %arg6[%mul3A_128, %dma_start3A_129] : memref<10240x128xf32, #tpu.memory_space<hbm>> -> memref<640x128xf32, #tpu.memory_space<hbm>>
        %dma_start3A_131 = arith.constant 0 : i32
        %dma_start3A_132 = tpu.memref_slice %arg10[%mul3A_126, %dma_start3A_131] : memref<10240x128xf32, #tpu.memory_space<vmem_shared>> -> memref<640x128xf32, #tpu.memory_space<vmem_shared>>
        tpu.enqueue_dma source(%dma_start3A_132 : memref<640x128xf32, #tpu.memory_space<vmem_shared>>) target(%dma_start3A_130 : memref<640x128xf32, #tpu.memory_space<hbm>>) target_semaphore(%run_scoped3A : memref<!tpu.dma_semaphore, #tpu.memory_space<semaphore_mem>>)
        %dma_wait3A_133 = arith.constant 0 : i32
        %dma_wait3A_134 = tpu.memref_slice %arg6[%mul3A_128, %dma_wait3A_133] : memref<10240x128xf32, #tpu.memory_space<hbm>> -> memref<640x128xf32, #tpu.memory_space<hbm>>
        %dma_wait3A_135 = arith.constant 0 : i32
        %dma_wait3A_136 = tpu.memref_slice %arg10[%mul3A_126, %dma_wait3A_135] : memref<10240x128xf32, #tpu.memory_space<vmem_shared>> -> memref<640x128xf32, #tpu.memory_space<vmem_shared>>
        tpu.wait_dma2 semaphore(%run_scoped3A : memref<!tpu.dma_semaphore, #tpu.memory_space<semaphore_mem>>) src(%dma_wait3A_136 : memref<640x128xf32, #tpu.memory_space<vmem_shared>>) dst(%dma_wait3A_134 : memref<640x128xf32, #tpu.memory_space<hbm>>)
        tpu.yield
      }) : () -> ()
    } else {
    }
    return
  }
}

#map = affine_map<(d0, d1) -> (0, 0)>
#map1 = affine_map<(d0, d1) -> (0, 0, 0)>
module attributes {stable_mosaic.version = 14 : i64} {
  func.func @prop_kernel(%arg0: i32, %arg1: i32, %arg2: memref<2528x128xi32, #tpu.memory_space<hbm>>, %arg3: memref<32x79x128xi32, #tpu.memory_space<hbm>>, %arg4: memref<10240x128xf32, #tpu.memory_space<hbm>>, %arg5: memref<10240x128xf32, #tpu.memory_space<hbm>>, %arg6: memref<10240x128xf32, #tpu.memory_space<hbm>>, %arg7: memref<79x128xi32, #tpu.memory_space<vmem>>, %arg8: memref<4x128xi32, #tpu.memory_space<vmem>>, %arg9: memref<2x128x128xf32, #tpu.memory_space<vmem>>, %arg10: memref<10240x128xf32, #tpu.memory_space<vmem_shared>>, %arg11: memref<!tpu.dma_semaphore, #tpu.memory_space<semaphore_mem>>, %arg12: memref<!tpu.dma_semaphore, #tpu.memory_space<semaphore_mem>>, %arg13: memref<!tpu.dma_semaphore, #tpu.memory_space<semaphore_mem>>, %arg14: memref<!tpu.dma_semaphore, #tpu.memory_space<semaphore_mem>>, %arg15: memref<!tpu.dma_semaphore, #tpu.memory_space<semaphore_mem>>, %arg16: memref<!tpu.dma_semaphore, #tpu.memory_space<semaphore_mem>>, %arg17: memref<!tpu.dma_semaphore, #tpu.memory_space<semaphore_mem>>, %arg18: memref<!tpu.dma_semaphore, #tpu.memory_space<semaphore_mem>>) attributes {dimension_semantics = [#tpu.dimension_semantics<core_parallel>, #tpu.dimension_semantics<subcore_parallel>], iteration_bounds = array<i64: 2, 16>, scalar_prefetch = 0 : i64, scratch_operands = 12 : i64, tpu.core_type = #tpu.core_type<sc_vector_subcore>, window_params = [{transform_indices = #map}, {transform_indices = #map1}, {transform_indices = #map}, {transform_indices = #map}, {transform_indices = #map}]} {
    %mul3A = arith.constant 16 : i32
    %mul3A_0 = arith.muli %arg0, %mul3A : i32
    %add3A = arith.addi %mul3A_0, %arg1 : i32
    "tpu.region"() ({
      %run_scoped3A = tpu.sem_alloc : memref<!tpu.dma_semaphore, #tpu.memory_space<semaphore_mem>>
      %dma_start3A_125 = arith.constant 0 : i32
      %dma_start3A_126 = arith.constant 0 : i32
      %dma_start3A_127 = tpu.memref_slice %arg3[%add3A, %dma_start3A_125, %dma_start3A_126] : memref<32x79x128xi32, #tpu.memory_space<hbm>> -> memref<1x79x128xi32, #tpu.memory_space<hbm>>
      %dma_start3A_128 = tpu.memref_squeeze %dma_start3A_127 : memref<1x79x128xi32, #tpu.memory_space<hbm>> -> memref<79x128xi32, #tpu.memory_space<hbm>>
      %dma_start3A_129 = arith.constant 0 : i32
      %dma_start3A_130 = arith.constant 0 : i32
      %dma_start3A_131 = tpu.memref_slice %arg3[%add3A, %dma_start3A_129, %dma_start3A_130] : memref<32x79x128xi32, #tpu.memory_space<hbm>> -> memref<1x79x128xi32, #tpu.memory_space<hbm>>
      %dma_start3A_132 = tpu.memref_squeeze %dma_start3A_131 : memref<1x79x128xi32, #tpu.memory_space<hbm>> -> memref<79x128xi32, #tpu.memory_space<hbm>>
      tpu.enqueue_dma source(%dma_start3A_132 : memref<79x128xi32, #tpu.memory_space<hbm>>) target(%arg7 : memref<79x128xi32, #tpu.memory_space<vmem>>) target_semaphore(%run_scoped3A : memref<!tpu.dma_semaphore, #tpu.memory_space<semaphore_mem>>)
      %dma_wait3A_133 = arith.constant 0 : i32
      %dma_wait3A_134 = arith.constant 0 : i32
      %dma_wait3A_135 = tpu.memref_slice %arg3[%add3A, %dma_wait3A_133, %dma_wait3A_134] : memref<32x79x128xi32, #tpu.memory_space<hbm>> -> memref<1x79x128xi32, #tpu.memory_space<hbm>>
      %dma_wait3A_136 = tpu.memref_squeeze %dma_wait3A_135 : memref<1x79x128xi32, #tpu.memory_space<hbm>> -> memref<79x128xi32, #tpu.memory_space<hbm>>
      %dma_wait3A_137 = arith.constant 0 : i32
      %dma_wait3A_138 = arith.constant 0 : i32
      %dma_wait3A_139 = tpu.memref_slice %arg3[%add3A, %dma_wait3A_137, %dma_wait3A_138] : memref<32x79x128xi32, #tpu.memory_space<hbm>> -> memref<1x79x128xi32, #tpu.memory_space<hbm>>
      %dma_wait3A_140 = tpu.memref_squeeze %dma_wait3A_139 : memref<1x79x128xi32, #tpu.memory_space<hbm>> -> memref<79x128xi32, #tpu.memory_space<hbm>>
      tpu.wait_dma2 semaphore(%run_scoped3A : memref<!tpu.dma_semaphore, #tpu.memory_space<semaphore_mem>>) src(%dma_wait3A_140 : memref<79x128xi32, #tpu.memory_space<hbm>>) dst(%arg7 : memref<79x128xi32, #tpu.memory_space<vmem>>)
      tpu.yield
    }) : () -> ()
    %broadcast_in_dim3A = arith.constant 0.000000e+00 : f32
    %broadcast_in_dim3A_1 = vector.broadcast %broadcast_in_dim3A : f32 to vector<16xf32>
    %scan3A = arith.constant 0 : i32
    %scan3A_2 = arith.constant 0 : i32
    %scan3A_3 = arith.constant 1024 : i32
    %scan3A_4 = arith.addi %scan3A_2, %scan3A_3 : i32
    %scan3A_5 = arith.constant 1 : i32
    %scan3A_6 = scf.for %scan3A_125 = %scan3A_2 to %scan3A_4 step %scan3A_5 iter_args(%scan3A_126 = %scan3A) -> (i32)  : i32 {
      %jit3A = arith.constant 8 : i32
      %div3A = arith.divsi %scan3A_125, %jit3A : i32
      %sign3A = arith.constant 0 : i32
      %sign3A_127 = arith.cmpi sgt, %scan3A_125, %sign3A : i32
      %sign3A_128 = arith.extui %sign3A_127 : i1 to i32
      %sign3A_129 = arith.constant 0 : i32
      %sign3A_130 = arith.cmpi slt, %scan3A_125, %sign3A_129 : i32
      %sign3A_131 = arith.extui %sign3A_130 : i1 to i32
      %sign3A_132 = arith.subi %sign3A_128, %sign3A_131 : i32
      %sign3A_133 = arith.constant 0 : i32
      %sign3A_134 = arith.cmpi sgt, %jit3A, %sign3A_133 : i32
      %sign3A_135 = arith.extui %sign3A_134 : i1 to i32
      %sign3A_136 = arith.constant 0 : i32
      %sign3A_137 = arith.cmpi slt, %jit3A, %sign3A_136 : i32
      %sign3A_138 = arith.extui %sign3A_137 : i1 to i32
      %sign3A_139 = arith.subi %sign3A_135, %sign3A_138 : i32
      %ne3A = arith.cmpi ne, %sign3A_132, %sign3A_139 : i32
      %rem3A = arith.remsi %scan3A_125, %jit3A : i32
      %ne3A_140 = arith.constant 0 : i32
      %ne3A_141 = arith.cmpi ne, %rem3A, %ne3A_140 : i32
      %and3A = arith.andi %ne3A, %ne3A_141 : i1
      %sub3A = arith.constant 1 : i32
      %sub3A_142 = arith.subi %div3A, %sub3A : i32
      %select_n3A = arith.select %and3A, %sub3A_142, %div3A : i32
      %jit3A_143 = arith.constant 8 : i32
      %eq3A_144 = arith.constant 0 : i32
      %eq3A_145 = arith.cmpi eq, %jit3A_143, %eq3A_144 : i32
      %jit3A_146 = arith.constant 1 : i32
      %select_n3A_147 = arith.select %eq3A_145, %jit3A_146, %jit3A_143 : i32
      %rem3A_148 = arith.remsi %scan3A_125, %select_n3A_147 : i32
      %ne3A_149 = arith.constant 0 : i32
      %ne3A_150 = arith.cmpi ne, %rem3A_148, %ne3A_149 : i32
      %lt3A = arith.constant 0 : i32
      %lt3A_151 = arith.cmpi slt, %rem3A_148, %lt3A : i32
      %lt3A_152 = arith.constant 0 : i32
      %lt3A_153 = arith.cmpi slt, %select_n3A_147, %lt3A_152 : i32
      %ne3A_154 = arith.xori %lt3A_151, %lt3A_153 : i1
      %and3A_155 = arith.andi %ne3A_154, %ne3A_150 : i1
      %add3A_156 = arith.addi %rem3A_148, %select_n3A_147 : i32
      %select_n3A_157 = arith.select %and3A_155, %add3A_156, %rem3A_148 : i32
      %mul3A_158 = arith.constant 16 : i32
      %mul3A_159 = arith.muli %select_n3A_157, %mul3A_158 : i32
      %swap3A = arith.constant 0 : i32
      %swap3A_160 = arith.index_cast %swap3A : i32 to index
      %swap3A_161 = arith.index_cast %select_n3A : i32 to index
      %swap3A_162 = arith.index_cast %mul3A_159 : i32 to index
      %swap3A_163 = tpu.vector_load %arg9[%swap3A_160, %swap3A_161, %swap3A_162] {strides = array<i32>} : memref<2x128x128xf32, #tpu.memory_space<vmem>>, vector<1x1x16xf32>,
      %swap3A_164 = vector.shape_cast %swap3A_163 : vector<1x1x16xf32> to vector<16xf32>
      %swap3A_165 = vector.shape_cast %broadcast_in_dim3A_1 : vector<16xf32> to vector<1x1x16xf32>
      tpu.vector_store %arg9[%swap3A_160, %swap3A_161, %swap3A_162], %swap3A_165 {strides = array<i32>} : memref<2x128x128xf32, #tpu.memory_space<vmem>>, vector<1x1x16xf32>,
      %scan3A_166 = arith.constant 0 : i32
      scf.yield %scan3A_166 : i32
    }
    %scan3A_7 = arith.constant 1024 : i32
    %scan3A_8 = arith.constant 0 : i32
    %scan3A_9 = arith.constant 0 : i32
    %scan3A_10 = arith.constant 5 : i32
    %scan3A_11 = arith.addi %scan3A_9, %scan3A_10 : i32
    %scan3A_12 = arith.constant 1 : i32
    %scan3A_13 = scf.for %scan3A_125 = %scan3A_9 to %scan3A_11 step %scan3A_12 iter_args(%scan3A_126 = %scan3A_8) -> (i32)  : i32 {
      %mul3A_127 = arith.constant 640 : i32
      %mul3A_128 = arith.muli %arg1, %mul3A_127 : i32
      %mul3A_129 = arith.constant 128 : i32
      %mul3A_130 = arith.muli %scan3A_125, %mul3A_129 : i32
      %add3A_131 = arith.addi %mul3A_128, %mul3A_130 : i32
      %run_scoped3A = arith.constant 0 : i32
      "tpu.region"() ({
        %run_scoped3A_133 = tpu.sem_alloc : memref<!tpu.dma_semaphore, #tpu.memory_space<semaphore_mem>>
        %dma_start3A_134 = arith.constant 0 : i32
        %dma_start3A_135 = arith.constant 0 : i32
        %dma_start3A_136 = tpu.memref_slice %arg9[%run_scoped3A, %dma_start3A_134, %dma_start3A_135] : memref<2x128x128xf32, #tpu.memory_space<vmem>> -> memref<1x128x128xf32, #tpu.memory_space<vmem>>
        %dma_start3A_137 = tpu.memref_squeeze %dma_start3A_136 : memref<1x128x128xf32, #tpu.memory_space<vmem>> -> memref<128x128xf32, #tpu.memory_space<vmem>>
        %dma_start3A_138 = arith.constant 0 : i32
        %dma_start3A_139 = tpu.memref_slice %arg10[%add3A_131, %dma_start3A_138] : memref<10240x128xf32, #tpu.memory_space<vmem_shared>> -> memref<128x128xf32, #tpu.memory_space<vmem_shared>>
        %dma_start3A_140 = arith.constant 0 : i32
        %dma_start3A_141 = tpu.memref_slice %arg10[%add3A_131, %dma_start3A_140] : memref<10240x128xf32, #tpu.memory_space<vmem_shared>> -> memref<128x128xf32, #tpu.memory_space<vmem_shared>>
        %dma_start3A_142 = arith.constant 0 : i32
        %dma_start3A_143 = arith.constant 0 : i32
        %dma_start3A_144 = tpu.memref_slice %arg9[%run_scoped3A, %dma_start3A_142, %dma_start3A_143] : memref<2x128x128xf32, #tpu.memory_space<vmem>> -> memref<1x128x128xf32, #tpu.memory_space<vmem>>
        %dma_start3A_145 = tpu.memref_squeeze %dma_start3A_144 : memref<1x128x128xf32, #tpu.memory_space<vmem>> -> memref<128x128xf32, #tpu.memory_space<vmem>>
        tpu.enqueue_dma source(%dma_start3A_145 : memref<128x128xf32, #tpu.memory_space<vmem>>) target(%dma_start3A_141 : memref<128x128xf32, #tpu.memory_space<vmem_shared>>) target_semaphore(%run_scoped3A_133 : memref<!tpu.dma_semaphore, #tpu.memory_space<semaphore_mem>>)
        %dma_wait3A_146 = arith.constant 0 : i32
        %dma_wait3A_147 = arith.constant 0 : i32
        %dma_wait3A_148 = tpu.memref_slice %arg9[%run_scoped3A, %dma_wait3A_146, %dma_wait3A_147] : memref<2x128x128xf32, #tpu.memory_space<vmem>> -> memref<1x128x128xf32, #tpu.memory_space<vmem>>
        %dma_wait3A_149 = tpu.memref_squeeze %dma_wait3A_148 : memref<1x128x128xf32, #tpu.memory_space<vmem>> -> memref<128x128xf32, #tpu.memory_space<vmem>>
        %dma_wait3A_150 = arith.constant 0 : i32
        %dma_wait3A_151 = tpu.memref_slice %arg10[%add3A_131, %dma_wait3A_150] : memref<10240x128xf32, #tpu.memory_space<vmem_shared>> -> memref<128x128xf32, #tpu.memory_space<vmem_shared>>
        %dma_wait3A_152 = arith.constant 0 : i32
        %dma_wait3A_153 = tpu.memref_slice %arg10[%add3A_131, %dma_wait3A_152] : memref<10240x128xf32, #tpu.memory_space<vmem_shared>> -> memref<128x128xf32, #tpu.memory_space<vmem_shared>>
        %dma_wait3A_154 = arith.constant 0 : i32
        %dma_wait3A_155 = arith.constant 0 : i32
        %dma_wait3A_156 = tpu.memref_slice %arg9[%run_scoped3A, %dma_wait3A_154, %dma_wait3A_155] : memref<2x128x128xf32, #tpu.memory_space<vmem>> -> memref<1x128x128xf32, #tpu.memory_space<vmem>>
        %dma_wait3A_157 = tpu.memref_squeeze %dma_wait3A_156 : memref<1x128x128xf32, #tpu.memory_space<vmem>> -> memref<128x128xf32, #tpu.memory_space<vmem>>
        tpu.wait_dma2 semaphore(%run_scoped3A_133 : memref<!tpu.dma_semaphore, #tpu.memory_space<semaphore_mem>>) src(%dma_wait3A_157 : memref<128x128xf32, #tpu.memory_space<vmem>>) dst(%dma_wait3A_153 : memref<128x128xf32, #tpu.memory_space<vmem_shared>>)
        tpu.yield
      }) : () -> ()
      %scan3A_132 = arith.constant 0 : i32
      scf.yield %scan3A_132 : i32
    }
    %scan3A_14 = arith.constant 5 : i32
    %mul3A_15 = arith.constant 79 : i32
    %mul3A_16 = arith.muli %add3A, %mul3A_15 : i32
    %add3A_17 = arith.constant 0 : i32
    %add3A_18 = arith.addi %mul3A_16, %add3A_17 : i32
    %dma_start3A = arith.constant 0 : i32
    %dma_start3A_19 = arith.constant 0 : i32
    %dma_start3A_20 = tpu.memref_slice %arg8[%dma_start3A, %dma_start3A_19] : memref<4x128xi32, #tpu.memory_space<vmem>> -> memref<1x128xi32, #tpu.memory_space<vmem>>
    %dma_start3A_21 = tpu.memref_squeeze %dma_start3A_20 : memref<1x128xi32, #tpu.memory_space<vmem>> -> memref<128xi32, #tpu.memory_space<vmem>>
    %dma_start3A_22 = arith.constant 0 : i32
    %dma_start3A_23 = tpu.memref_slice %arg2[%add3A_18, %dma_start3A_22] : memref<2528x128xi32, #tpu.memory_space<hbm>> -> memref<1x128xi32, #tpu.memory_space<hbm>>
    %dma_start3A_24 = tpu.memref_squeeze %dma_start3A_23 : memref<1x128xi32, #tpu.memory_space<hbm>> -> memref<128xi32, #tpu.memory_space<hbm>>
    %dma_start3A_25 = arith.constant 0 : i32
    %dma_start3A_26 = tpu.memref_slice %arg8[%dma_start3A, %dma_start3A_25] : memref<4x128xi32, #tpu.memory_space<vmem>> -> memref<1x128xi32, #tpu.memory_space<vmem>>
    %dma_start3A_27 = tpu.memref_squeeze %dma_start3A_26 : memref<1x128xi32, #tpu.memory_space<vmem>> -> memref<128xi32, #tpu.memory_space<vmem>>
    %dma_start3A_28 = arith.constant 0 : i32
    %dma_start3A_29 = tpu.memref_slice %arg2[%add3A_18, %dma_start3A_28] : memref<2528x128xi32, #tpu.memory_space<hbm>> -> memref<1x128xi32, #tpu.memory_space<hbm>>
    %dma_start3A_30 = tpu.memref_squeeze %dma_start3A_29 : memref<1x128xi32, #tpu.memory_space<hbm>> -> memref<128xi32, #tpu.memory_space<hbm>>
    tpu.enqueue_dma source(%dma_start3A_30 : memref<128xi32, #tpu.memory_space<hbm>>) target(%dma_start3A_27 : memref<128xi32, #tpu.memory_space<vmem>>) target_semaphore(%arg13 : memref<!tpu.dma_semaphore, #tpu.memory_space<semaphore_mem>>)
    %mul3A_31 = arith.constant 79 : i32
    %mul3A_32 = arith.muli %add3A, %mul3A_31 : i32
    %add3A_33 = arith.constant 1 : i32
    %add3A_34 = arith.addi %mul3A_32, %add3A_33 : i32
    %dma_start3A_35 = arith.constant 1 : i32
    %dma_start3A_36 = arith.constant 0 : i32
    %dma_start3A_37 = tpu.memref_slice %arg8[%dma_start3A_35, %dma_start3A_36] : memref<4x128xi32, #tpu.memory_space<vmem>> -> memref<1x128xi32, #tpu.memory_space<vmem>>
    %dma_start3A_38 = tpu.memref_squeeze %dma_start3A_37 : memref<1x128xi32, #tpu.memory_space<vmem>> -> memref<128xi32, #tpu.memory_space<vmem>>
    %dma_start3A_39 = arith.constant 0 : i32
    %dma_start3A_40 = tpu.memref_slice %arg2[%add3A_34, %dma_start3A_39] : memref<2528x128xi32, #tpu.memory_space<hbm>> -> memref<1x128xi32, #tpu.memory_space<hbm>>
    %dma_start3A_41 = tpu.memref_squeeze %dma_start3A_40 : memref<1x128xi32, #tpu.memory_space<hbm>> -> memref<128xi32, #tpu.memory_space<hbm>>
    %dma_start3A_42 = arith.constant 0 : i32
    %dma_start3A_43 = tpu.memref_slice %arg8[%dma_start3A_35, %dma_start3A_42] : memref<4x128xi32, #tpu.memory_space<vmem>> -> memref<1x128xi32, #tpu.memory_space<vmem>>
    %dma_start3A_44 = tpu.memref_squeeze %dma_start3A_43 : memref<1x128xi32, #tpu.memory_space<vmem>> -> memref<128xi32, #tpu.memory_space<vmem>>
    %dma_start3A_45 = arith.constant 0 : i32
    %dma_start3A_46 = tpu.memref_slice %arg2[%add3A_34, %dma_start3A_45] : memref<2528x128xi32, #tpu.memory_space<hbm>> -> memref<1x128xi32, #tpu.memory_space<hbm>>
    %dma_start3A_47 = tpu.memref_squeeze %dma_start3A_46 : memref<1x128xi32, #tpu.memory_space<hbm>> -> memref<128xi32, #tpu.memory_space<hbm>>
    tpu.enqueue_dma source(%dma_start3A_47 : memref<128xi32, #tpu.memory_space<hbm>>) target(%dma_start3A_44 : memref<128xi32, #tpu.memory_space<vmem>>) target_semaphore(%arg14 : memref<!tpu.dma_semaphore, #tpu.memory_space<semaphore_mem>>)
    %mul3A_48 = arith.constant 79 : i32
    %mul3A_49 = arith.muli %add3A, %mul3A_48 : i32
    %add3A_50 = arith.constant 2 : i32
    %add3A_51 = arith.addi %mul3A_49, %add3A_50 : i32
    %dma_start3A_52 = arith.constant 2 : i32
    %dma_start3A_53 = arith.constant 0 : i32
    %dma_start3A_54 = tpu.memref_slice %arg8[%dma_start3A_52, %dma_start3A_53] : memref<4x128xi32, #tpu.memory_space<vmem>> -> memref<1x128xi32, #tpu.memory_space<vmem>>
    %dma_start3A_55 = tpu.memref_squeeze %dma_start3A_54 : memref<1x128xi32, #tpu.memory_space<vmem>> -> memref<128xi32, #tpu.memory_space<vmem>>
    %dma_start3A_56 = arith.constant 0 : i32
    %dma_start3A_57 = tpu.memref_slice %arg2[%add3A_51, %dma_start3A_56] : memref<2528x128xi32, #tpu.memory_space<hbm>> -> memref<1x128xi32, #tpu.memory_space<hbm>>
    %dma_start3A_58 = tpu.memref_squeeze %dma_start3A_57 : memref<1x128xi32, #tpu.memory_space<hbm>> -> memref<128xi32, #tpu.memory_space<hbm>>
    %dma_start3A_59 = arith.constant 0 : i32
    %dma_start3A_60 = tpu.memref_slice %arg8[%dma_start3A_52, %dma_start3A_59] : memref<4x128xi32, #tpu.memory_space<vmem>> -> memref<1x128xi32, #tpu.memory_space<vmem>>
    %dma_start3A_61 = tpu.memref_squeeze %dma_start3A_60 : memref<1x128xi32, #tpu.memory_space<vmem>> -> memref<128xi32, #tpu.memory_space<vmem>>
    %dma_start3A_62 = arith.constant 0 : i32
    %dma_start3A_63 = tpu.memref_slice %arg2[%add3A_51, %dma_start3A_62] : memref<2528x128xi32, #tpu.memory_space<hbm>> -> memref<1x128xi32, #tpu.memory_space<hbm>>
    %dma_start3A_64 = tpu.memref_squeeze %dma_start3A_63 : memref<1x128xi32, #tpu.memory_space<hbm>> -> memref<128xi32, #tpu.memory_space<hbm>>
    tpu.enqueue_dma source(%dma_start3A_64 : memref<128xi32, #tpu.memory_space<hbm>>) target(%dma_start3A_61 : memref<128xi32, #tpu.memory_space<vmem>>) target_semaphore(%arg15 : memref<!tpu.dma_semaphore, #tpu.memory_space<semaphore_mem>>)
    %mul3A_65 = arith.constant 79 : i32
    %mul3A_66 = arith.muli %add3A, %mul3A_65 : i32
    %add3A_67 = arith.constant 3 : i32
    %add3A_68 = arith.addi %mul3A_66, %add3A_67 : i32
    %dma_start3A_69 = arith.constant 3 : i32
    %dma_start3A_70 = arith.constant 0 : i32
    %dma_start3A_71 = tpu.memref_slice %arg8[%dma_start3A_69, %dma_start3A_70] : memref<4x128xi32, #tpu.memory_space<vmem>> -> memref<1x128xi32, #tpu.memory_space<vmem>>
    %dma_start3A_72 = tpu.memref_squeeze %dma_start3A_71 : memref<1x128xi32, #tpu.memory_space<vmem>> -> memref<128xi32, #tpu.memory_space<vmem>>
    %dma_start3A_73 = arith.constant 0 : i32
    %dma_start3A_74 = tpu.memref_slice %arg2[%add3A_68, %dma_start3A_73] : memref<2528x128xi32, #tpu.memory_space<hbm>> -> memref<1x128xi32, #tpu.memory_space<hbm>>
    %dma_start3A_75 = tpu.memref_squeeze %dma_start3A_74 : memref<1x128xi32, #tpu.memory_space<hbm>> -> memref<128xi32, #tpu.memory_space<hbm>>
    %dma_start3A_76 = arith.constant 0 : i32
    %dma_start3A_77 = tpu.memref_slice %arg8[%dma_start3A_69, %dma_start3A_76] : memref<4x128xi32, #tpu.memory_space<vmem>> -> memref<1x128xi32, #tpu.memory_space<vmem>>
    %dma_start3A_78 = tpu.memref_squeeze %dma_start3A_77 : memref<1x128xi32, #tpu.memory_space<vmem>> -> memref<128xi32, #tpu.memory_space<vmem>>
    %dma_start3A_79 = arith.constant 0 : i32
    %dma_start3A_80 = tpu.memref_slice %arg2[%add3A_68, %dma_start3A_79] : memref<2528x128xi32, #tpu.memory_space<hbm>> -> memref<1x128xi32, #tpu.memory_space<hbm>>
    %dma_start3A_81 = tpu.memref_squeeze %dma_start3A_80 : memref<1x128xi32, #tpu.memory_space<hbm>> -> memref<128xi32, #tpu.memory_space<hbm>>
    tpu.enqueue_dma source(%dma_start3A_81 : memref<128xi32, #tpu.memory_space<hbm>>) target(%dma_start3A_78 : memref<128xi32, #tpu.memory_space<vmem>>) target_semaphore(%arg16 : memref<!tpu.dma_semaphore, #tpu.memory_space<semaphore_mem>>)
    %mul3A_82 = arith.constant 79 : i32
    %mul3A_83 = arith.muli %add3A, %mul3A_82 : i32
    %add3A_84 = arith.constant 0 : i32
    %add3A_85 = arith.addi %mul3A_83, %add3A_84 : i32
    %dma_wait3A = arith.constant 0 : i32
    %dma_wait3A_86 = arith.constant 0 : i32
    %dma_wait3A_87 = tpu.memref_slice %arg8[%dma_wait3A, %dma_wait3A_86] : memref<4x128xi32, #tpu.memory_space<vmem>> -> memref<1x128xi32, #tpu.memory_space<vmem>>
    %dma_wait3A_88 = tpu.memref_squeeze %dma_wait3A_87 : memref<1x128xi32, #tpu.memory_space<vmem>> -> memref<128xi32, #tpu.memory_space<vmem>>
    %dma_wait3A_89 = arith.constant 0 : i32
    %dma_wait3A_90 = tpu.memref_slice %arg2[%add3A_85, %dma_wait3A_89] : memref<2528x128xi32, #tpu.memory_space<hbm>> -> memref<1x128xi32, #tpu.memory_space<hbm>>
    %dma_wait3A_91 = tpu.memref_squeeze %dma_wait3A_90 : memref<1x128xi32, #tpu.memory_space<hbm>> -> memref<128xi32, #tpu.memory_space<hbm>>
    %dma_wait3A_92 = arith.constant 0 : i32
    %dma_wait3A_93 = tpu.memref_slice %arg8[%dma_wait3A, %dma_wait3A_92] : memref<4x128xi32, #tpu.memory_space<vmem>> -> memref<1x128xi32, #tpu.memory_space<vmem>>
    %dma_wait3A_94 = tpu.memref_squeeze %dma_wait3A_93 : memref<1x128xi32, #tpu.memory_space<vmem>> -> memref<128xi32, #tpu.memory_space<vmem>>
    %dma_wait3A_95 = arith.constant 0 : i32
    %dma_wait3A_96 = tpu.memref_slice %arg2[%add3A_85, %dma_wait3A_95] : memref<2528x128xi32, #tpu.memory_space<hbm>> -> memref<1x128xi32, #tpu.memory_space<hbm>>
    %dma_wait3A_97 = tpu.memref_squeeze %dma_wait3A_96 : memref<1x128xi32, #tpu.memory_space<hbm>> -> memref<128xi32, #tpu.memory_space<hbm>>
    tpu.wait_dma2 semaphore(%arg13 : memref<!tpu.dma_semaphore, #tpu.memory_space<semaphore_mem>>) src(%dma_wait3A_97 : memref<128xi32, #tpu.memory_space<hbm>>) dst(%dma_wait3A_94 : memref<128xi32, #tpu.memory_space<vmem>>)
    %barrier3A = arith.constant 0 : index
    tpu.barrier barrier_id(%barrier3A)
    %dma_start3A_98 = arith.constant 0 : i32
    %dma_start3A_99 = arith.constant 0 : i32
    %dma_start3A_100 = arith.constant 0 : i32
    %dma_start3A_101 = arith.constant 0 : i32
    %dma_start3A_102 = tpu.memref_slice %arg9[%dma_start3A_99, %dma_start3A_100, %dma_start3A_101] : memref<2x128x128xf32, #tpu.memory_space<vmem>> -> memref<1x128x128xf32, #tpu.memory_space<vmem>>
    %dma_start3A_103 = tpu.memref_squeeze %dma_start3A_102 : memref<1x128x128xf32, #tpu.memory_space<vmem>> -> memref<128x128xf32, #tpu.memory_space<vmem>>
    %dma_start3A_104 = arith.constant 0 : i32
    %dma_start3A_105 = tpu.memref_slice %arg8[%dma_start3A_98, %dma_start3A_104] : memref<4x128xi32, #tpu.memory_space<vmem>> -> memref<1x128xi32, #tpu.memory_space<vmem>>
    %dma_start3A_106 = tpu.memref_squeeze %dma_start3A_105 : memref<1x128xi32, #tpu.memory_space<vmem>> -> memref<128xi32, #tpu.memory_space<vmem>>
    %dma_start3A_107 = arith.constant 0 : i32
    %dma_start3A_108 = arith.constant 0 : i32
    %dma_start3A_109 = tpu.memref_slice %arg4[%dma_start3A_107, %dma_start3A_108] : memref<10240x128xf32, #tpu.memory_space<hbm>> -> memref<10240x128xf32, #tpu.memory_space<hbm>>
    tpu.enqueue_indirect_dma source(%dma_start3A_109 : memref<10240x128xf32, #tpu.memory_space<hbm>>) target(%dma_start3A_103 : memref<128x128xf32, #tpu.memory_space<vmem>>) offsets(%dma_start3A_106 : memref<128xi32, #tpu.memory_space<vmem>>) semaphore(%arg11 : memref<!tpu.dma_semaphore, #tpu.memory_space<semaphore_mem>>)
    %scan3A_110 = arith.constant 0 : i32
    %scan3A_111 = arith.constant 0 : i32
    %scan3A_112 = arith.constant 20 : i32
    %scan3A_113 = arith.addi %scan3A_111, %scan3A_112 : i32
    %scan3A_114 = arith.constant 1 : i32
    %scan3A_115 = scf.for %scan3A_125 = %scan3A_111 to %scan3A_113 step %scan3A_114 iter_args(%scan3A_126 = %scan3A_110) -> (i32)  : i32 {
      %mul3A_127 = arith.constant 4 : i32
      %mul3A_128 = arith.muli %scan3A_125, %mul3A_127 : i32
      %add3A_129 = arith.constant 0 : i32
      %add3A_130 = arith.addi %mul3A_128, %add3A_129 : i32
      %add3A_131 = arith.constant 1 : i32
      %add3A_132 = arith.addi %add3A_130, %add3A_131 : i32
      %lt3A = arith.constant 79 : i32
      %lt3A_133 = arith.cmpi slt, %add3A_132, %lt3A : i32
      %convert_element_type3A_134 = arith.extui %lt3A_133 : i1 to i32
      %cond3A_135 = arith.constant 0 : i32
      %cond3A_136 = arith.cmpi ne, %convert_element_type3A_134, %cond3A_135 : i32
      scf.if %cond3A_136 {
        %add3A_213 = arith.constant 1 : i32
        %add3A_214 = arith.addi %add3A_130, %add3A_213 : i32
        %mul3A_215 = arith.constant 79 : i32
        %mul3A_216 = arith.muli %add3A, %mul3A_215 : i32
        %add3A_217 = arith.addi %mul3A_216, %add3A_214 : i32
        %dma_wait3A_218 = arith.constant 1 : i32
        %dma_wait3A_219 = arith.constant 0 : i32
        %dma_wait3A_220 = tpu.memref_slice %arg8[%dma_wait3A_218, %dma_wait3A_219] : memref<4x128xi32, #tpu.memory_space<vmem>> -> memref<1x128xi32, #tpu.memory_space<vmem>>
        %dma_wait3A_221 = tpu.memref_squeeze %dma_wait3A_220 : memref<1x128xi32, #tpu.memory_space<vmem>> -> memref<128xi32, #tpu.memory_space<vmem>>
        %dma_wait3A_222 = arith.constant 0 : i32
        %dma_wait3A_223 = tpu.memref_slice %arg2[%add3A_217, %dma_wait3A_222] : memref<2528x128xi32, #tpu.memory_space<hbm>> -> memref<1x128xi32, #tpu.memory_space<hbm>>
        %dma_wait3A_224 = tpu.memref_squeeze %dma_wait3A_223 : memref<1x128xi32, #tpu.memory_space<hbm>> -> memref<128xi32, #tpu.memory_space<hbm>>
        %dma_wait3A_225 = arith.constant 0 : i32
        %dma_wait3A_226 = tpu.memref_slice %arg8[%dma_wait3A_218, %dma_wait3A_225] : memref<4x128xi32, #tpu.memory_space<vmem>> -> memref<1x128xi32, #tpu.memory_space<vmem>>
        %dma_wait3A_227 = tpu.memref_squeeze %dma_wait3A_226 : memref<1x128xi32, #tpu.memory_space<vmem>> -> memref<128xi32, #tpu.memory_space<vmem>>
        %dma_wait3A_228 = arith.constant 0 : i32
        %dma_wait3A_229 = tpu.memref_slice %arg2[%add3A_217, %dma_wait3A_228] : memref<2528x128xi32, #tpu.memory_space<hbm>> -> memref<1x128xi32, #tpu.memory_space<hbm>>
        %dma_wait3A_230 = tpu.memref_squeeze %dma_wait3A_229 : memref<1x128xi32, #tpu.memory_space<hbm>> -> memref<128xi32, #tpu.memory_space<hbm>>
        tpu.wait_dma2 semaphore(%arg14 : memref<!tpu.dma_semaphore, #tpu.memory_space<semaphore_mem>>) src(%dma_wait3A_230 : memref<128xi32, #tpu.memory_space<hbm>>) dst(%dma_wait3A_227 : memref<128xi32, #tpu.memory_space<vmem>>)
        %add3A_231 = arith.constant 1 : i32
        %add3A_232 = arith.addi %add3A_130, %add3A_231 : i32
        %dma_start3A_233 = arith.constant 1 : i32
        %dma_start3A_234 = arith.constant 1 : i32
        %dma_start3A_235 = arith.constant 0 : i32
        %dma_start3A_236 = arith.constant 0 : i32
        %dma_start3A_237 = tpu.memref_slice %arg9[%dma_start3A_234, %dma_start3A_235, %dma_start3A_236] : memref<2x128x128xf32, #tpu.memory_space<vmem>> -> memref<1x128x128xf32, #tpu.memory_space<vmem>>
        %dma_start3A_238 = tpu.memref_squeeze %dma_start3A_237 : memref<1x128x128xf32, #tpu.memory_space<vmem>> -> memref<128x128xf32, #tpu.memory_space<vmem>>
        %dma_start3A_239 = arith.constant 0 : i32
        %dma_start3A_240 = tpu.memref_slice %arg8[%dma_start3A_233, %dma_start3A_239] : memref<4x128xi32, #tpu.memory_space<vmem>> -> memref<1x128xi32, #tpu.memory_space<vmem>>
        %dma_start3A_241 = tpu.memref_squeeze %dma_start3A_240 : memref<1x128xi32, #tpu.memory_space<vmem>> -> memref<128xi32, #tpu.memory_space<vmem>>
        %dma_start3A_242 = arith.constant 0 : i32
        %dma_start3A_243 = arith.constant 0 : i32
        %dma_start3A_244 = tpu.memref_slice %arg4[%dma_start3A_242, %dma_start3A_243] : memref<10240x128xf32, #tpu.memory_space<hbm>> -> memref<10240x128xf32, #tpu.memory_space<hbm>>
        tpu.enqueue_indirect_dma source(%dma_start3A_244 : memref<10240x128xf32, #tpu.memory_space<hbm>>) target(%dma_start3A_238 : memref<128x128xf32, #tpu.memory_space<vmem>>) offsets(%dma_start3A_241 : memref<128xi32, #tpu.memory_space<vmem>>) semaphore(%arg12 : memref<!tpu.dma_semaphore, #tpu.memory_space<semaphore_mem>>)
      } else {
      }
      %lt3A_137 = arith.constant 79 : i32
      %lt3A_138 = arith.cmpi slt, %add3A_130, %lt3A_137 : i32
      %convert_element_type3A_139 = arith.extui %lt3A_138 : i1 to i32
      %cond3A_140 = arith.constant 0 : i32
      %cond3A_141 = arith.cmpi ne, %convert_element_type3A_139, %cond3A_140 : i32
      scf.if %cond3A_141 {
        %dma_wait3A_213 = arith.constant 0 : i32
        %dma_wait3A_214 = arith.constant 0 : i32
        %dma_wait3A_215 = arith.constant 0 : i32
        %dma_wait3A_216 = arith.constant 0 : i32
        %dma_wait3A_217 = tpu.memref_slice %arg9[%dma_wait3A_214, %dma_wait3A_215, %dma_wait3A_216] : memref<2x128x128xf32, #tpu.memory_space<vmem>> -> memref<1x128x128xf32, #tpu.memory_space<vmem>>
        %dma_wait3A_218 = tpu.memref_squeeze %dma_wait3A_217 : memref<1x128x128xf32, #tpu.memory_space<vmem>> -> memref<128x128xf32, #tpu.memory_space<vmem>>
        %dma_wait3A_219 = arith.constant 0 : i32
        %dma_wait3A_220 = tpu.memref_slice %arg8[%dma_wait3A_213, %dma_wait3A_219] : memref<4x128xi32, #tpu.memory_space<vmem>> -> memref<1x128xi32, #tpu.memory_space<vmem>>
        %dma_wait3A_221 = tpu.memref_squeeze %dma_wait3A_220 : memref<1x128xi32, #tpu.memory_space<vmem>> -> memref<128xi32, #tpu.memory_space<vmem>>
        %dma_wait3A_222 = arith.constant 0 : i32
        %dma_wait3A_223 = arith.constant 0 : i32
        %dma_wait3A_224 = tpu.memref_slice %arg4[%dma_wait3A_222, %dma_wait3A_223] : memref<10240x128xf32, #tpu.memory_space<hbm>> -> memref<10240x128xf32, #tpu.memory_space<hbm>>
        tpu.wait_indirect_dma semaphore(%arg11 : memref<!tpu.dma_semaphore, #tpu.memory_space<semaphore_mem>>) src(%dma_wait3A_224 : memref<10240x128xf32, #tpu.memory_space<hbm>>) dst(%dma_wait3A_218 : memref<128x128xf32, #tpu.memory_space<vmem>>)
        %run_scoped3A = arith.constant 0 : i32
        "tpu.region"() ({
          %run_scoped3A_225 = tpu.sem_alloc : memref<!tpu.dma_semaphore, #tpu.memory_space<semaphore_mem>>
          %dma_start3A_226 = arith.constant 0 : i32
          %dma_start3A_227 = arith.constant 0 : i32
          %dma_start3A_228 = tpu.memref_slice %arg9[%run_scoped3A, %dma_start3A_226, %dma_start3A_227] : memref<2x128x128xf32, #tpu.memory_space<vmem>> -> memref<1x128x128xf32, #tpu.memory_space<vmem>>
          %dma_start3A_229 = tpu.memref_squeeze %dma_start3A_228 : memref<1x128x128xf32, #tpu.memory_space<vmem>> -> memref<128x128xf32, #tpu.memory_space<vmem>>
          %dma_start3A_230 = arith.constant 0 : i32
          %dma_start3A_231 = tpu.memref_slice %arg7[%add3A_130, %dma_start3A_230] : memref<79x128xi32, #tpu.memory_space<vmem>> -> memref<1x128xi32, #tpu.memory_space<vmem>>
          %dma_start3A_232 = tpu.memref_squeeze %dma_start3A_231 : memref<1x128xi32, #tpu.memory_space<vmem>> -> memref<128xi32, #tpu.memory_space<vmem>>
          %dma_start3A_233 = arith.constant 0 : i32
          %dma_start3A_234 = arith.constant 0 : i32
          %dma_start3A_235 = tpu.memref_slice %arg10[%dma_start3A_233, %dma_start3A_234] : memref<10240x128xf32, #tpu.memory_space<vmem_shared>> -> memref<10240x128xf32, #tpu.memory_space<vmem_shared>>
          tpu.enqueue_indirect_dma source(%dma_start3A_229 : memref<128x128xf32, #tpu.memory_space<vmem>>) target(%dma_start3A_235 : memref<10240x128xf32, #tpu.memory_space<vmem_shared>>) offsets(%dma_start3A_232 : memref<128xi32, #tpu.memory_space<vmem>>) semaphore(%run_scoped3A_225 : memref<!tpu.dma_semaphore, #tpu.memory_space<semaphore_mem>>) {add = true}
          %dma_wait3A_236 = arith.constant 0 : i32
          %dma_wait3A_237 = arith.constant 0 : i32
          %dma_wait3A_238 = tpu.memref_slice %arg9[%run_scoped3A, %dma_wait3A_236, %dma_wait3A_237] : memref<2x128x128xf32, #tpu.memory_space<vmem>> -> memref<1x128x128xf32, #tpu.memory_space<vmem>>
          %dma_wait3A_239 = tpu.memref_squeeze %dma_wait3A_238 : memref<1x128x128xf32, #tpu.memory_space<vmem>> -> memref<128x128xf32, #tpu.memory_space<vmem>>
          %dma_wait3A_240 = arith.constant 0 : i32
          %dma_wait3A_241 = tpu.memref_slice %arg7[%add3A_130, %dma_wait3A_240] : memref<79x128xi32, #tpu.memory_space<vmem>> -> memref<1x128xi32, #tpu.memory_space<vmem>>
          %dma_wait3A_242 = tpu.memref_squeeze %dma_wait3A_241 : memref<1x128xi32, #tpu.memory_space<vmem>> -> memref<128xi32, #tpu.memory_space<vmem>>
          %dma_wait3A_243 = arith.constant 0 : i32
          %dma_wait3A_244 = arith.constant 0 : i32
          %dma_wait3A_245 = tpu.memref_slice %arg10[%dma_wait3A_243, %dma_wait3A_244] : memref<10240x128xf32, #tpu.memory_space<vmem_shared>> -> memref<10240x128xf32, #tpu.memory_space<vmem_shared>>
          tpu.wait_indirect_dma semaphore(%run_scoped3A_225 : memref<!tpu.dma_semaphore, #tpu.memory_space<semaphore_mem>>) src(%dma_wait3A_239 : memref<128x128xf32, #tpu.memory_space<vmem>>) dst(%dma_wait3A_245 : memref<10240x128xf32, #tpu.memory_space<vmem_shared>>)
          tpu.yield
        }) : () -> ()
      } else {
      }
      %add3A_142 = arith.constant 4 : i32
      %add3A_143 = arith.addi %add3A_130, %add3A_142 : i32
      %lt3A_144 = arith.constant 79 : i32
      %lt3A_145 = arith.cmpi slt, %add3A_143, %lt3A_144 : i32
      %convert_element_type3A_146 = arith.extui %lt3A_145 : i1 to i32
      %cond3A_147 = arith.constant 0 : i32
      %cond3A_148 = arith.cmpi ne, %convert_element_type3A_146, %cond3A_147 : i32
      scf.if %cond3A_148 {
        %add3A_213 = arith.constant 4 : i32
        %add3A_214 = arith.addi %add3A_130, %add3A_213 : i32
        %mul3A_215 = arith.constant 79 : i32
        %mul3A_216 = arith.muli %add3A, %mul3A_215 : i32
        %add3A_217 = arith.addi %mul3A_216, %add3A_214 : i32
        %dma_start3A_218 = arith.constant 0 : i32
        %dma_start3A_219 = arith.constant 0 : i32
        %dma_start3A_220 = tpu.memref_slice %arg8[%dma_start3A_218, %dma_start3A_219] : memref<4x128xi32, #tpu.memory_space<vmem>> -> memref<1x128xi32, #tpu.memory_space<vmem>>
        %dma_start3A_221 = tpu.memref_squeeze %dma_start3A_220 : memref<1x128xi32, #tpu.memory_space<vmem>> -> memref<128xi32, #tpu.memory_space<vmem>>
        %dma_start3A_222 = arith.constant 0 : i32
        %dma_start3A_223 = tpu.memref_slice %arg2[%add3A_217, %dma_start3A_222] : memref<2528x128xi32, #tpu.memory_space<hbm>> -> memref<1x128xi32, #tpu.memory_space<hbm>>
        %dma_start3A_224 = tpu.memref_squeeze %dma_start3A_223 : memref<1x128xi32, #tpu.memory_space<hbm>> -> memref<128xi32, #tpu.memory_space<hbm>>
        %dma_start3A_225 = arith.constant 0 : i32
        %dma_start3A_226 = tpu.memref_slice %arg8[%dma_start3A_218, %dma_start3A_225] : memref<4x128xi32, #tpu.memory_space<vmem>> -> memref<1x128xi32, #tpu.memory_space<vmem>>
        %dma_start3A_227 = tpu.memref_squeeze %dma_start3A_226 : memref<1x128xi32, #tpu.memory_space<vmem>> -> memref<128xi32, #tpu.memory_space<vmem>>
        %dma_start3A_228 = arith.constant 0 : i32
        %dma_start3A_229 = tpu.memref_slice %arg2[%add3A_217, %dma_start3A_228] : memref<2528x128xi32, #tpu.memory_space<hbm>> -> memref<1x128xi32, #tpu.memory_space<hbm>>
        %dma_start3A_230 = tpu.memref_squeeze %dma_start3A_229 : memref<1x128xi32, #tpu.memory_space<hbm>> -> memref<128xi32, #tpu.memory_space<hbm>>
        tpu.enqueue_dma source(%dma_start3A_230 : memref<128xi32, #tpu.memory_space<hbm>>) target(%dma_start3A_227 : memref<128xi32, #tpu.memory_space<vmem>>) target_semaphore(%arg13 : memref<!tpu.dma_semaphore, #tpu.memory_space<semaphore_mem>>)
      } else {
      }
      %add3A_149 = arith.constant 1 : i32
      %add3A_150 = arith.addi %mul3A_128, %add3A_149 : i32
      %add3A_151 = arith.constant 1 : i32
      %add3A_152 = arith.addi %add3A_150, %add3A_151 : i32
      %lt3A_153 = arith.constant 79 : i32
      %lt3A_154 = arith.cmpi slt, %add3A_152, %lt3A_153 : i32
      %convert_element_type3A_155 = arith.extui %lt3A_154 : i1 to i32
      %cond3A_156 = arith.constant 0 : i32
      %cond3A_157 = arith.cmpi ne, %convert_element_type3A_155, %cond3A_156 : i32
      scf.if %cond3A_157 {
        %add3A_213 = arith.constant 1 : i32
        %add3A_214 = arith.addi %add3A_150, %add3A_213 : i32
        %mul3A_215 = arith.constant 79 : i32
        %mul3A_216 = arith.muli %add3A, %mul3A_215 : i32
        %add3A_217 = arith.addi %mul3A_216, %add3A_214 : i32
        %dma_wait3A_218 = arith.constant 2 : i32
        %dma_wait3A_219 = arith.constant 0 : i32
        %dma_wait3A_220 = tpu.memref_slice %arg8[%dma_wait3A_218, %dma_wait3A_219] : memref<4x128xi32, #tpu.memory_space<vmem>> -> memref<1x128xi32, #tpu.memory_space<vmem>>
        %dma_wait3A_221 = tpu.memref_squeeze %dma_wait3A_220 : memref<1x128xi32, #tpu.memory_space<vmem>> -> memref<128xi32, #tpu.memory_space<vmem>>
        %dma_wait3A_222 = arith.constant 0 : i32
        %dma_wait3A_223 = tpu.memref_slice %arg2[%add3A_217, %dma_wait3A_222] : memref<2528x128xi32, #tpu.memory_space<hbm>> -> memref<1x128xi32, #tpu.memory_space<hbm>>
        %dma_wait3A_224 = tpu.memref_squeeze %dma_wait3A_223 : memref<1x128xi32, #tpu.memory_space<hbm>> -> memref<128xi32, #tpu.memory_space<hbm>>
        %dma_wait3A_225 = arith.constant 0 : i32
        %dma_wait3A_226 = tpu.memref_slice %arg8[%dma_wait3A_218, %dma_wait3A_225] : memref<4x128xi32, #tpu.memory_space<vmem>> -> memref<1x128xi32, #tpu.memory_space<vmem>>
        %dma_wait3A_227 = tpu.memref_squeeze %dma_wait3A_226 : memref<1x128xi32, #tpu.memory_space<vmem>> -> memref<128xi32, #tpu.memory_space<vmem>>
        %dma_wait3A_228 = arith.constant 0 : i32
        %dma_wait3A_229 = tpu.memref_slice %arg2[%add3A_217, %dma_wait3A_228] : memref<2528x128xi32, #tpu.memory_space<hbm>> -> memref<1x128xi32, #tpu.memory_space<hbm>>
        %dma_wait3A_230 = tpu.memref_squeeze %dma_wait3A_229 : memref<1x128xi32, #tpu.memory_space<hbm>> -> memref<128xi32, #tpu.memory_space<hbm>>
        tpu.wait_dma2 semaphore(%arg15 : memref<!tpu.dma_semaphore, #tpu.memory_space<semaphore_mem>>) src(%dma_wait3A_230 : memref<128xi32, #tpu.memory_space<hbm>>) dst(%dma_wait3A_227 : memref<128xi32, #tpu.memory_space<vmem>>)
        %add3A_231 = arith.constant 1 : i32
        %add3A_232 = arith.addi %add3A_150, %add3A_231 : i32
        %dma_start3A_233 = arith.constant 2 : i32
        %dma_start3A_234 = arith.constant 0 : i32
        %dma_start3A_235 = arith.constant 0 : i32
        %dma_start3A_236 = arith.constant 0 : i32
        %dma_start3A_237 = tpu.memref_slice %arg9[%dma_start3A_234, %dma_start3A_235, %dma_start3A_236] : memref<2x128x128xf32, #tpu.memory_space<vmem>> -> memref<1x128x128xf32, #tpu.memory_space<vmem>>
        %dma_start3A_238 = tpu.memref_squeeze %dma_start3A_237 : memref<1x128x128xf32, #tpu.memory_space<vmem>> -> memref<128x128xf32, #tpu.memory_space<vmem>>
        %dma_start3A_239 = arith.constant 0 : i32
        %dma_start3A_240 = tpu.memref_slice %arg8[%dma_start3A_233, %dma_start3A_239] : memref<4x128xi32, #tpu.memory_space<vmem>> -> memref<1x128xi32, #tpu.memory_space<vmem>>
        %dma_start3A_241 = tpu.memref_squeeze %dma_start3A_240 : memref<1x128xi32, #tpu.memory_space<vmem>> -> memref<128xi32, #tpu.memory_space<vmem>>
        %dma_start3A_242 = arith.constant 0 : i32
        %dma_start3A_243 = arith.constant 0 : i32
        %dma_start3A_244 = tpu.memref_slice %arg4[%dma_start3A_242, %dma_start3A_243] : memref<10240x128xf32, #tpu.memory_space<hbm>> -> memref<10240x128xf32, #tpu.memory_space<hbm>>
        tpu.enqueue_indirect_dma source(%dma_start3A_244 : memref<10240x128xf32, #tpu.memory_space<hbm>>) target(%dma_start3A_238 : memref<128x128xf32, #tpu.memory_space<vmem>>) offsets(%dma_start3A_241 : memref<128xi32, #tpu.memory_space<vmem>>) semaphore(%arg11 : memref<!tpu.dma_semaphore, #tpu.memory_space<semaphore_mem>>)
      } else {
      }
      %lt3A_158 = arith.constant 79 : i32
      %lt3A_159 = arith.cmpi slt, %add3A_150, %lt3A_158 : i32
      %convert_element_type3A_160 = arith.extui %lt3A_159 : i1 to i32
      %cond3A_161 = arith.constant 0 : i32
      %cond3A_162 = arith.cmpi ne, %convert_element_type3A_160, %cond3A_161 : i32
      scf.if %cond3A_162 {
        %dma_wait3A_213 = arith.constant 1 : i32
        %dma_wait3A_214 = arith.constant 1 : i32
        %dma_wait3A_215 = arith.constant 0 : i32
        %dma_wait3A_216 = arith.constant 0 : i32
        %dma_wait3A_217 = tpu.memref_slice %arg9[%dma_wait3A_214, %dma_wait3A_215, %dma_wait3A_216] : memref<2x128x128xf32, #tpu.memory_space<vmem>> -> memref<1x128x128xf32, #tpu.memory_space<vmem>>
        %dma_wait3A_218 = tpu.memref_squeeze %dma_wait3A_217 : memref<1x128x128xf32, #tpu.memory_space<vmem>> -> memref<128x128xf32, #tpu.memory_space<vmem>>
        %dma_wait3A_219 = arith.constant 0 : i32
        %dma_wait3A_220 = tpu.memref_slice %arg8[%dma_wait3A_213, %dma_wait3A_219] : memref<4x128xi32, #tpu.memory_space<vmem>> -> memref<1x128xi32, #tpu.memory_space<vmem>>
        %dma_wait3A_221 = tpu.memref_squeeze %dma_wait3A_220 : memref<1x128xi32, #tpu.memory_space<vmem>> -> memref<128xi32, #tpu.memory_space<vmem>>
        %dma_wait3A_222 = arith.constant 0 : i32
        %dma_wait3A_223 = arith.constant 0 : i32
        %dma_wait3A_224 = tpu.memref_slice %arg4[%dma_wait3A_222, %dma_wait3A_223] : memref<10240x128xf32, #tpu.memory_space<hbm>> -> memref<10240x128xf32, #tpu.memory_space<hbm>>
        tpu.wait_indirect_dma semaphore(%arg12 : memref<!tpu.dma_semaphore, #tpu.memory_space<semaphore_mem>>) src(%dma_wait3A_224 : memref<10240x128xf32, #tpu.memory_space<hbm>>) dst(%dma_wait3A_218 : memref<128x128xf32, #tpu.memory_space<vmem>>)
        %run_scoped3A = arith.constant 1 : i32
        "tpu.region"() ({
          %run_scoped3A_225 = tpu.sem_alloc : memref<!tpu.dma_semaphore, #tpu.memory_space<semaphore_mem>>
          %dma_start3A_226 = arith.constant 0 : i32
          %dma_start3A_227 = arith.constant 0 : i32
          %dma_start3A_228 = tpu.memref_slice %arg9[%run_scoped3A, %dma_start3A_226, %dma_start3A_227] : memref<2x128x128xf32, #tpu.memory_space<vmem>> -> memref<1x128x128xf32, #tpu.memory_space<vmem>>
          %dma_start3A_229 = tpu.memref_squeeze %dma_start3A_228 : memref<1x128x128xf32, #tpu.memory_space<vmem>> -> memref<128x128xf32, #tpu.memory_space<vmem>>
          %dma_start3A_230 = arith.constant 0 : i32
          %dma_start3A_231 = tpu.memref_slice %arg7[%add3A_150, %dma_start3A_230] : memref<79x128xi32, #tpu.memory_space<vmem>> -> memref<1x128xi32, #tpu.memory_space<vmem>>
          %dma_start3A_232 = tpu.memref_squeeze %dma_start3A_231 : memref<1x128xi32, #tpu.memory_space<vmem>> -> memref<128xi32, #tpu.memory_space<vmem>>
          %dma_start3A_233 = arith.constant 0 : i32
          %dma_start3A_234 = arith.constant 0 : i32
          %dma_start3A_235 = tpu.memref_slice %arg10[%dma_start3A_233, %dma_start3A_234] : memref<10240x128xf32, #tpu.memory_space<vmem_shared>> -> memref<10240x128xf32, #tpu.memory_space<vmem_shared>>
          tpu.enqueue_indirect_dma source(%dma_start3A_229 : memref<128x128xf32, #tpu.memory_space<vmem>>) target(%dma_start3A_235 : memref<10240x128xf32, #tpu.memory_space<vmem_shared>>) offsets(%dma_start3A_232 : memref<128xi32, #tpu.memory_space<vmem>>) semaphore(%run_scoped3A_225 : memref<!tpu.dma_semaphore, #tpu.memory_space<semaphore_mem>>) {add = true}
          %dma_wait3A_236 = arith.constant 0 : i32
          %dma_wait3A_237 = arith.constant 0 : i32
          %dma_wait3A_238 = tpu.memref_slice %arg9[%run_scoped3A, %dma_wait3A_236, %dma_wait3A_237] : memref<2x128x128xf32, #tpu.memory_space<vmem>> -> memref<1x128x128xf32, #tpu.memory_space<vmem>>
          %dma_wait3A_239 = tpu.memref_squeeze %dma_wait3A_238 : memref<1x128x128xf32, #tpu.memory_space<vmem>> -> memref<128x128xf32, #tpu.memory_space<vmem>>
          %dma_wait3A_240 = arith.constant 0 : i32
          %dma_wait3A_241 = tpu.memref_slice %arg7[%add3A_150, %dma_wait3A_240] : memref<79x128xi32, #tpu.memory_space<vmem>> -> memref<1x128xi32, #tpu.memory_space<vmem>>
          %dma_wait3A_242 = tpu.memref_squeeze %dma_wait3A_241 : memref<1x128xi32, #tpu.memory_space<vmem>> -> memref<128xi32, #tpu.memory_space<vmem>>
          %dma_wait3A_243 = arith.constant 0 : i32
          %dma_wait3A_244 = arith.constant 0 : i32
          %dma_wait3A_245 = tpu.memref_slice %arg10[%dma_wait3A_243, %dma_wait3A_244] : memref<10240x128xf32, #tpu.memory_space<vmem_shared>> -> memref<10240x128xf32, #tpu.memory_space<vmem_shared>>
          tpu.wait_indirect_dma semaphore(%run_scoped3A_225 : memref<!tpu.dma_semaphore, #tpu.memory_space<semaphore_mem>>) src(%dma_wait3A_239 : memref<128x128xf32, #tpu.memory_space<vmem>>) dst(%dma_wait3A_245 : memref<10240x128xf32, #tpu.memory_space<vmem_shared>>)
          tpu.yield
        }) : () -> ()
      } else {
      }
      %add3A_163 = arith.constant 4 : i32
      %add3A_164 = arith.addi %add3A_150, %add3A_163 : i32
      %lt3A_165 = arith.constant 79 : i32
      %lt3A_166 = arith.cmpi slt, %add3A_164, %lt3A_165 : i32
      %convert_element_type3A_167 = arith.extui %lt3A_166 : i1 to i32
      %cond3A_168 = arith.constant 0 : i32
      %cond3A_169 = arith.cmpi ne, %convert_element_type3A_167, %cond3A_168 : i32
      scf.if %cond3A_169 {
        %add3A_213 = arith.constant 4 : i32
        %add3A_214 = arith.addi %add3A_150, %add3A_213 : i32
        %mul3A_215 = arith.constant 79 : i32
        %mul3A_216 = arith.muli %add3A, %mul3A_215 : i32
        %add3A_217 = arith.addi %mul3A_216, %add3A_214 : i32
        %dma_start3A_218 = arith.constant 1 : i32
        %dma_start3A_219 = arith.constant 0 : i32
        %dma_start3A_220 = tpu.memref_slice %arg8[%dma_start3A_218, %dma_start3A_219] : memref<4x128xi32, #tpu.memory_space<vmem>> -> memref<1x128xi32, #tpu.memory_space<vmem>>
        %dma_start3A_221 = tpu.memref_squeeze %dma_start3A_220 : memref<1x128xi32, #tpu.memory_space<vmem>> -> memref<128xi32, #tpu.memory_space<vmem>>
        %dma_start3A_222 = arith.constant 0 : i32
        %dma_start3A_223 = tpu.memref_slice %arg2[%add3A_217, %dma_start3A_222] : memref<2528x128xi32, #tpu.memory_space<hbm>> -> memref<1x128xi32, #tpu.memory_space<hbm>>
        %dma_start3A_224 = tpu.memref_squeeze %dma_start3A_223 : memref<1x128xi32, #tpu.memory_space<hbm>> -> memref<128xi32, #tpu.memory_space<hbm>>
        %dma_start3A_225 = arith.constant 0 : i32
        %dma_start3A_226 = tpu.memref_slice %arg8[%dma_start3A_218, %dma_start3A_225] : memref<4x128xi32, #tpu.memory_space<vmem>> -> memref<1x128xi32, #tpu.memory_space<vmem>>
        %dma_start3A_227 = tpu.memref_squeeze %dma_start3A_226 : memref<1x128xi32, #tpu.memory_space<vmem>> -> memref<128xi32, #tpu.memory_space<vmem>>
        %dma_start3A_228 = arith.constant 0 : i32
        %dma_start3A_229 = tpu.memref_slice %arg2[%add3A_217, %dma_start3A_228] : memref<2528x128xi32, #tpu.memory_space<hbm>> -> memref<1x128xi32, #tpu.memory_space<hbm>>
        %dma_start3A_230 = tpu.memref_squeeze %dma_start3A_229 : memref<1x128xi32, #tpu.memory_space<hbm>> -> memref<128xi32, #tpu.memory_space<hbm>>
        tpu.enqueue_dma source(%dma_start3A_230 : memref<128xi32, #tpu.memory_space<hbm>>) target(%dma_start3A_227 : memref<128xi32, #tpu.memory_space<vmem>>) target_semaphore(%arg14 : memref<!tpu.dma_semaphore, #tpu.memory_space<semaphore_mem>>)
      } else {
      }
      %add3A_170 = arith.constant 2 : i32
      %add3A_171 = arith.addi %mul3A_128, %add3A_170 : i32
      %add3A_172 = arith.constant 1 : i32
      %add3A_173 = arith.addi %add3A_171, %add3A_172 : i32
      %lt3A_174 = arith.constant 79 : i32
      %lt3A_175 = arith.cmpi slt, %add3A_173, %lt3A_174 : i32
      %convert_element_type3A_176 = arith.extui %lt3A_175 : i1 to i32
      %cond3A_177 = arith.constant 0 : i32
      %cond3A_178 = arith.cmpi ne, %convert_element_type3A_176, %cond3A_177 : i32
      scf.if %cond3A_178 {
        %add3A_213 = arith.constant 1 : i32
        %add3A_214 = arith.addi %add3A_171, %add3A_213 : i32
        %mul3A_215 = arith.constant 79 : i32
        %mul3A_216 = arith.muli %add3A, %mul3A_215 : i32
        %add3A_217 = arith.addi %mul3A_216, %add3A_214 : i32
        %dma_wait3A_218 = arith.constant 3 : i32
        %dma_wait3A_219 = arith.constant 0 : i32
        %dma_wait3A_220 = tpu.memref_slice %arg8[%dma_wait3A_218, %dma_wait3A_219] : memref<4x128xi32, #tpu.memory_space<vmem>> -> memref<1x128xi32, #tpu.memory_space<vmem>>
        %dma_wait3A_221 = tpu.memref_squeeze %dma_wait3A_220 : memref<1x128xi32, #tpu.memory_space<vmem>> -> memref<128xi32, #tpu.memory_space<vmem>>
        %dma_wait3A_222 = arith.constant 0 : i32
        %dma_wait3A_223 = tpu.memref_slice %arg2[%add3A_217, %dma_wait3A_222] : memref<2528x128xi32, #tpu.memory_space<hbm>> -> memref<1x128xi32, #tpu.memory_space<hbm>>
        %dma_wait3A_224 = tpu.memref_squeeze %dma_wait3A_223 : memref<1x128xi32, #tpu.memory_space<hbm>> -> memref<128xi32, #tpu.memory_space<hbm>>
        %dma_wait3A_225 = arith.constant 0 : i32
        %dma_wait3A_226 = tpu.memref_slice %arg8[%dma_wait3A_218, %dma_wait3A_225] : memref<4x128xi32, #tpu.memory_space<vmem>> -> memref<1x128xi32, #tpu.memory_space<vmem>>
        %dma_wait3A_227 = tpu.memref_squeeze %dma_wait3A_226 : memref<1x128xi32, #tpu.memory_space<vmem>> -> memref<128xi32, #tpu.memory_space<vmem>>
        %dma_wait3A_228 = arith.constant 0 : i32
        %dma_wait3A_229 = tpu.memref_slice %arg2[%add3A_217, %dma_wait3A_228] : memref<2528x128xi32, #tpu.memory_space<hbm>> -> memref<1x128xi32, #tpu.memory_space<hbm>>
        %dma_wait3A_230 = tpu.memref_squeeze %dma_wait3A_229 : memref<1x128xi32, #tpu.memory_space<hbm>> -> memref<128xi32, #tpu.memory_space<hbm>>
        tpu.wait_dma2 semaphore(%arg16 : memref<!tpu.dma_semaphore, #tpu.memory_space<semaphore_mem>>) src(%dma_wait3A_230 : memref<128xi32, #tpu.memory_space<hbm>>) dst(%dma_wait3A_227 : memref<128xi32, #tpu.memory_space<vmem>>)
        %add3A_231 = arith.constant 1 : i32
        %add3A_232 = arith.addi %add3A_171, %add3A_231 : i32
        %dma_start3A_233 = arith.constant 3 : i32
        %dma_start3A_234 = arith.constant 1 : i32
        %dma_start3A_235 = arith.constant 0 : i32
        %dma_start3A_236 = arith.constant 0 : i32
        %dma_start3A_237 = tpu.memref_slice %arg9[%dma_start3A_234, %dma_start3A_235, %dma_start3A_236] : memref<2x128x128xf32, #tpu.memory_space<vmem>> -> memref<1x128x128xf32, #tpu.memory_space<vmem>>
        %dma_start3A_238 = tpu.memref_squeeze %dma_start3A_237 : memref<1x128x128xf32, #tpu.memory_space<vmem>> -> memref<128x128xf32, #tpu.memory_space<vmem>>
        %dma_start3A_239 = arith.constant 0 : i32
        %dma_start3A_240 = tpu.memref_slice %arg8[%dma_start3A_233, %dma_start3A_239] : memref<4x128xi32, #tpu.memory_space<vmem>> -> memref<1x128xi32, #tpu.memory_space<vmem>>
        %dma_start3A_241 = tpu.memref_squeeze %dma_start3A_240 : memref<1x128xi32, #tpu.memory_space<vmem>> -> memref<128xi32, #tpu.memory_space<vmem>>
        %dma_start3A_242 = arith.constant 0 : i32
        %dma_start3A_243 = arith.constant 0 : i32
        %dma_start3A_244 = tpu.memref_slice %arg4[%dma_start3A_242, %dma_start3A_243] : memref<10240x128xf32, #tpu.memory_space<hbm>> -> memref<10240x128xf32, #tpu.memory_space<hbm>>
        tpu.enqueue_indirect_dma source(%dma_start3A_244 : memref<10240x128xf32, #tpu.memory_space<hbm>>) target(%dma_start3A_238 : memref<128x128xf32, #tpu.memory_space<vmem>>) offsets(%dma_start3A_241 : memref<128xi32, #tpu.memory_space<vmem>>) semaphore(%arg12 : memref<!tpu.dma_semaphore, #tpu.memory_space<semaphore_mem>>)
      } else {
      }
      %lt3A_179 = arith.constant 79 : i32
      %lt3A_180 = arith.cmpi slt, %add3A_171, %lt3A_179 : i32
      %convert_element_type3A_181 = arith.extui %lt3A_180 : i1 to i32
      %cond3A_182 = arith.constant 0 : i32
      %cond3A_183 = arith.cmpi ne, %convert_element_type3A_181, %cond3A_182 : i32
      scf.if %cond3A_183 {
        %dma_wait3A_213 = arith.constant 2 : i32
        %dma_wait3A_214 = arith.constant 0 : i32
        %dma_wait3A_215 = arith.constant 0 : i32
        %dma_wait3A_216 = arith.constant 0 : i32
        %dma_wait3A_217 = tpu.memref_slice %arg9[%dma_wait3A_214, %dma_wait3A_215, %dma_wait3A_216] : memref<2x128x128xf32, #tpu.memory_space<vmem>> -> memref<1x128x128xf32, #tpu.memory_space<vmem>>
        %dma_wait3A_218 = tpu.memref_squeeze %dma_wait3A_217 : memref<1x128x128xf32, #tpu.memory_space<vmem>> -> memref<128x128xf32, #tpu.memory_space<vmem>>
        %dma_wait3A_219 = arith.constant 0 : i32
        %dma_wait3A_220 = tpu.memref_slice %arg8[%dma_wait3A_213, %dma_wait3A_219] : memref<4x128xi32, #tpu.memory_space<vmem>> -> memref<1x128xi32, #tpu.memory_space<vmem>>
        %dma_wait3A_221 = tpu.memref_squeeze %dma_wait3A_220 : memref<1x128xi32, #tpu.memory_space<vmem>> -> memref<128xi32, #tpu.memory_space<vmem>>
        %dma_wait3A_222 = arith.constant 0 : i32
        %dma_wait3A_223 = arith.constant 0 : i32
        %dma_wait3A_224 = tpu.memref_slice %arg4[%dma_wait3A_222, %dma_wait3A_223] : memref<10240x128xf32, #tpu.memory_space<hbm>> -> memref<10240x128xf32, #tpu.memory_space<hbm>>
        tpu.wait_indirect_dma semaphore(%arg11 : memref<!tpu.dma_semaphore, #tpu.memory_space<semaphore_mem>>) src(%dma_wait3A_224 : memref<10240x128xf32, #tpu.memory_space<hbm>>) dst(%dma_wait3A_218 : memref<128x128xf32, #tpu.memory_space<vmem>>)
        %run_scoped3A = arith.constant 0 : i32
        "tpu.region"() ({
          %run_scoped3A_225 = tpu.sem_alloc : memref<!tpu.dma_semaphore, #tpu.memory_space<semaphore_mem>>
          %dma_start3A_226 = arith.constant 0 : i32
          %dma_start3A_227 = arith.constant 0 : i32
          %dma_start3A_228 = tpu.memref_slice %arg9[%run_scoped3A, %dma_start3A_226, %dma_start3A_227] : memref<2x128x128xf32, #tpu.memory_space<vmem>> -> memref<1x128x128xf32, #tpu.memory_space<vmem>>
          %dma_start3A_229 = tpu.memref_squeeze %dma_start3A_228 : memref<1x128x128xf32, #tpu.memory_space<vmem>> -> memref<128x128xf32, #tpu.memory_space<vmem>>
          %dma_start3A_230 = arith.constant 0 : i32
          %dma_start3A_231 = tpu.memref_slice %arg7[%add3A_171, %dma_start3A_230] : memref<79x128xi32, #tpu.memory_space<vmem>> -> memref<1x128xi32, #tpu.memory_space<vmem>>
          %dma_start3A_232 = tpu.memref_squeeze %dma_start3A_231 : memref<1x128xi32, #tpu.memory_space<vmem>> -> memref<128xi32, #tpu.memory_space<vmem>>
          %dma_start3A_233 = arith.constant 0 : i32
          %dma_start3A_234 = arith.constant 0 : i32
          %dma_start3A_235 = tpu.memref_slice %arg10[%dma_start3A_233, %dma_start3A_234] : memref<10240x128xf32, #tpu.memory_space<vmem_shared>> -> memref<10240x128xf32, #tpu.memory_space<vmem_shared>>
          tpu.enqueue_indirect_dma source(%dma_start3A_229 : memref<128x128xf32, #tpu.memory_space<vmem>>) target(%dma_start3A_235 : memref<10240x128xf32, #tpu.memory_space<vmem_shared>>) offsets(%dma_start3A_232 : memref<128xi32, #tpu.memory_space<vmem>>) semaphore(%run_scoped3A_225 : memref<!tpu.dma_semaphore, #tpu.memory_space<semaphore_mem>>) {add = true}
          %dma_wait3A_236 = arith.constant 0 : i32
          %dma_wait3A_237 = arith.constant 0 : i32
          %dma_wait3A_238 = tpu.memref_slice %arg9[%run_scoped3A, %dma_wait3A_236, %dma_wait3A_237] : memref<2x128x128xf32, #tpu.memory_space<vmem>> -> memref<1x128x128xf32, #tpu.memory_space<vmem>>
          %dma_wait3A_239 = tpu.memref_squeeze %dma_wait3A_238 : memref<1x128x128xf32, #tpu.memory_space<vmem>> -> memref<128x128xf32, #tpu.memory_space<vmem>>
          %dma_wait3A_240 = arith.constant 0 : i32
          %dma_wait3A_241 = tpu.memref_slice %arg7[%add3A_171, %dma_wait3A_240] : memref<79x128xi32, #tpu.memory_space<vmem>> -> memref<1x128xi32, #tpu.memory_space<vmem>>
          %dma_wait3A_242 = tpu.memref_squeeze %dma_wait3A_241 : memref<1x128xi32, #tpu.memory_space<vmem>> -> memref<128xi32, #tpu.memory_space<vmem>>
          %dma_wait3A_243 = arith.constant 0 : i32
          %dma_wait3A_244 = arith.constant 0 : i32
          %dma_wait3A_245 = tpu.memref_slice %arg10[%dma_wait3A_243, %dma_wait3A_244] : memref<10240x128xf32, #tpu.memory_space<vmem_shared>> -> memref<10240x128xf32, #tpu.memory_space<vmem_shared>>
          tpu.wait_indirect_dma semaphore(%run_scoped3A_225 : memref<!tpu.dma_semaphore, #tpu.memory_space<semaphore_mem>>) src(%dma_wait3A_239 : memref<128x128xf32, #tpu.memory_space<vmem>>) dst(%dma_wait3A_245 : memref<10240x128xf32, #tpu.memory_space<vmem_shared>>)
          tpu.yield
        }) : () -> ()
      } else {
      }
      %add3A_184 = arith.constant 4 : i32
      %add3A_185 = arith.addi %add3A_171, %add3A_184 : i32
      %lt3A_186 = arith.constant 79 : i32
      %lt3A_187 = arith.cmpi slt, %add3A_185, %lt3A_186 : i32
      %convert_element_type3A_188 = arith.extui %lt3A_187 : i1 to i32
      %cond3A_189 = arith.constant 0 : i32
      %cond3A_190 = arith.cmpi ne, %convert_element_type3A_188, %cond3A_189 : i32
      scf.if %cond3A_190 {
        %add3A_213 = arith.constant 4 : i32
        %add3A_214 = arith.addi %add3A_171, %add3A_213 : i32
        %mul3A_215 = arith.constant 79 : i32
        %mul3A_216 = arith.muli %add3A, %mul3A_215 : i32
        %add3A_217 = arith.addi %mul3A_216, %add3A_214 : i32
        %dma_start3A_218 = arith.constant 2 : i32
        %dma_start3A_219 = arith.constant 0 : i32
        %dma_start3A_220 = tpu.memref_slice %arg8[%dma_start3A_218, %dma_start3A_219] : memref<4x128xi32, #tpu.memory_space<vmem>> -> memref<1x128xi32, #tpu.memory_space<vmem>>
        %dma_start3A_221 = tpu.memref_squeeze %dma_start3A_220 : memref<1x128xi32, #tpu.memory_space<vmem>> -> memref<128xi32, #tpu.memory_space<vmem>>
        %dma_start3A_222 = arith.constant 0 : i32
        %dma_start3A_223 = tpu.memref_slice %arg2[%add3A_217, %dma_start3A_222] : memref<2528x128xi32, #tpu.memory_space<hbm>> -> memref<1x128xi32, #tpu.memory_space<hbm>>
        %dma_start3A_224 = tpu.memref_squeeze %dma_start3A_223 : memref<1x128xi32, #tpu.memory_space<hbm>> -> memref<128xi32, #tpu.memory_space<hbm>>
        %dma_start3A_225 = arith.constant 0 : i32
        %dma_start3A_226 = tpu.memref_slice %arg8[%dma_start3A_218, %dma_start3A_225] : memref<4x128xi32, #tpu.memory_space<vmem>> -> memref<1x128xi32, #tpu.memory_space<vmem>>
        %dma_start3A_227 = tpu.memref_squeeze %dma_start3A_226 : memref<1x128xi32, #tpu.memory_space<vmem>> -> memref<128xi32, #tpu.memory_space<vmem>>
        %dma_start3A_228 = arith.constant 0 : i32
        %dma_start3A_229 = tpu.memref_slice %arg2[%add3A_217, %dma_start3A_228] : memref<2528x128xi32, #tpu.memory_space<hbm>> -> memref<1x128xi32, #tpu.memory_space<hbm>>
        %dma_start3A_230 = tpu.memref_squeeze %dma_start3A_229 : memref<1x128xi32, #tpu.memory_space<hbm>> -> memref<128xi32, #tpu.memory_space<hbm>>
        tpu.enqueue_dma source(%dma_start3A_230 : memref<128xi32, #tpu.memory_space<hbm>>) target(%dma_start3A_227 : memref<128xi32, #tpu.memory_space<vmem>>) target_semaphore(%arg15 : memref<!tpu.dma_semaphore, #tpu.memory_space<semaphore_mem>>)
      } else {
      }
      %add3A_191 = arith.constant 3 : i32
      %add3A_192 = arith.addi %mul3A_128, %add3A_191 : i32
      %add3A_193 = arith.constant 1 : i32
      %add3A_194 = arith.addi %add3A_192, %add3A_193 : i32
      %lt3A_195 = arith.constant 79 : i32
      %lt3A_196 = arith.cmpi slt, %add3A_194, %lt3A_195 : i32
      %convert_element_type3A_197 = arith.extui %lt3A_196 : i1 to i32
      %cond3A_198 = arith.constant 0 : i32
      %cond3A_199 = arith.cmpi ne, %convert_element_type3A_197, %cond3A_198 : i32
      scf.if %cond3A_199 {
        %add3A_213 = arith.constant 1 : i32
        %add3A_214 = arith.addi %add3A_192, %add3A_213 : i32
        %mul3A_215 = arith.constant 79 : i32
        %mul3A_216 = arith.muli %add3A, %mul3A_215 : i32
        %add3A_217 = arith.addi %mul3A_216, %add3A_214 : i32
        %dma_wait3A_218 = arith.constant 0 : i32
        %dma_wait3A_219 = arith.constant 0 : i32
        %dma_wait3A_220 = tpu.memref_slice %arg8[%dma_wait3A_218, %dma_wait3A_219] : memref<4x128xi32, #tpu.memory_space<vmem>> -> memref<1x128xi32, #tpu.memory_space<vmem>>
        %dma_wait3A_221 = tpu.memref_squeeze %dma_wait3A_220 : memref<1x128xi32, #tpu.memory_space<vmem>> -> memref<128xi32, #tpu.memory_space<vmem>>
        %dma_wait3A_222 = arith.constant 0 : i32
        %dma_wait3A_223 = tpu.memref_slice %arg2[%add3A_217, %dma_wait3A_222] : memref<2528x128xi32, #tpu.memory_space<hbm>> -> memref<1x128xi32, #tpu.memory_space<hbm>>
        %dma_wait3A_224 = tpu.memref_squeeze %dma_wait3A_223 : memref<1x128xi32, #tpu.memory_space<hbm>> -> memref<128xi32, #tpu.memory_space<hbm>>
        %dma_wait3A_225 = arith.constant 0 : i32
        %dma_wait3A_226 = tpu.memref_slice %arg8[%dma_wait3A_218, %dma_wait3A_225] : memref<4x128xi32, #tpu.memory_space<vmem>> -> memref<1x128xi32, #tpu.memory_space<vmem>>
        %dma_wait3A_227 = tpu.memref_squeeze %dma_wait3A_226 : memref<1x128xi32, #tpu.memory_space<vmem>> -> memref<128xi32, #tpu.memory_space<vmem>>
        %dma_wait3A_228 = arith.constant 0 : i32
        %dma_wait3A_229 = tpu.memref_slice %arg2[%add3A_217, %dma_wait3A_228] : memref<2528x128xi32, #tpu.memory_space<hbm>> -> memref<1x128xi32, #tpu.memory_space<hbm>>
        %dma_wait3A_230 = tpu.memref_squeeze %dma_wait3A_229 : memref<1x128xi32, #tpu.memory_space<hbm>> -> memref<128xi32, #tpu.memory_space<hbm>>
        tpu.wait_dma2 semaphore(%arg13 : memref<!tpu.dma_semaphore, #tpu.memory_space<semaphore_mem>>) src(%dma_wait3A_230 : memref<128xi32, #tpu.memory_space<hbm>>) dst(%dma_wait3A_227 : memref<128xi32, #tpu.memory_space<vmem>>)
        %add3A_231 = arith.constant 1 : i32
        %add3A_232 = arith.addi %add3A_192, %add3A_231 : i32
        %dma_start3A_233 = arith.constant 0 : i32
        %dma_start3A_234 = arith.constant 0 : i32
        %dma_start3A_235 = arith.constant 0 : i32
        %dma_start3A_236 = arith.constant 0 : i32
        %dma_start3A_237 = tpu.memref_slice %arg9[%dma_start3A_234, %dma_start3A_235, %dma_start3A_236] : memref<2x128x128xf32, #tpu.memory_space<vmem>> -> memref<1x128x128xf32, #tpu.memory_space<vmem>>
        %dma_start3A_238 = tpu.memref_squeeze %dma_start3A_237 : memref<1x128x128xf32, #tpu.memory_space<vmem>> -> memref<128x128xf32, #tpu.memory_space<vmem>>
        %dma_start3A_239 = arith.constant 0 : i32
        %dma_start3A_240 = tpu.memref_slice %arg8[%dma_start3A_233, %dma_start3A_239] : memref<4x128xi32, #tpu.memory_space<vmem>> -> memref<1x128xi32, #tpu.memory_space<vmem>>
        %dma_start3A_241 = tpu.memref_squeeze %dma_start3A_240 : memref<1x128xi32, #tpu.memory_space<vmem>> -> memref<128xi32, #tpu.memory_space<vmem>>
        %dma_start3A_242 = arith.constant 0 : i32
        %dma_start3A_243 = arith.constant 0 : i32
        %dma_start3A_244 = tpu.memref_slice %arg4[%dma_start3A_242, %dma_start3A_243] : memref<10240x128xf32, #tpu.memory_space<hbm>> -> memref<10240x128xf32, #tpu.memory_space<hbm>>
        tpu.enqueue_indirect_dma source(%dma_start3A_244 : memref<10240x128xf32, #tpu.memory_space<hbm>>) target(%dma_start3A_238 : memref<128x128xf32, #tpu.memory_space<vmem>>) offsets(%dma_start3A_241 : memref<128xi32, #tpu.memory_space<vmem>>) semaphore(%arg11 : memref<!tpu.dma_semaphore, #tpu.memory_space<semaphore_mem>>)
      } else {
      }
      %lt3A_200 = arith.constant 79 : i32
      %lt3A_201 = arith.cmpi slt, %add3A_192, %lt3A_200 : i32
      %convert_element_type3A_202 = arith.extui %lt3A_201 : i1 to i32
      %cond3A_203 = arith.constant 0 : i32
      %cond3A_204 = arith.cmpi ne, %convert_element_type3A_202, %cond3A_203 : i32
      scf.if %cond3A_204 {
        %dma_wait3A_213 = arith.constant 3 : i32
        %dma_wait3A_214 = arith.constant 1 : i32
        %dma_wait3A_215 = arith.constant 0 : i32
        %dma_wait3A_216 = arith.constant 0 : i32
        %dma_wait3A_217 = tpu.memref_slice %arg9[%dma_wait3A_214, %dma_wait3A_215, %dma_wait3A_216] : memref<2x128x128xf32, #tpu.memory_space<vmem>> -> memref<1x128x128xf32, #tpu.memory_space<vmem>>
        %dma_wait3A_218 = tpu.memref_squeeze %dma_wait3A_217 : memref<1x128x128xf32, #tpu.memory_space<vmem>> -> memref<128x128xf32, #tpu.memory_space<vmem>>
        %dma_wait3A_219 = arith.constant 0 : i32
        %dma_wait3A_220 = tpu.memref_slice %arg8[%dma_wait3A_213, %dma_wait3A_219] : memref<4x128xi32, #tpu.memory_space<vmem>> -> memref<1x128xi32, #tpu.memory_space<vmem>>
        %dma_wait3A_221 = tpu.memref_squeeze %dma_wait3A_220 : memref<1x128xi32, #tpu.memory_space<vmem>> -> memref<128xi32, #tpu.memory_space<vmem>>
        %dma_wait3A_222 = arith.constant 0 : i32
        %dma_wait3A_223 = arith.constant 0 : i32
        %dma_wait3A_224 = tpu.memref_slice %arg4[%dma_wait3A_222, %dma_wait3A_223] : memref<10240x128xf32, #tpu.memory_space<hbm>> -> memref<10240x128xf32, #tpu.memory_space<hbm>>
        tpu.wait_indirect_dma semaphore(%arg12 : memref<!tpu.dma_semaphore, #tpu.memory_space<semaphore_mem>>) src(%dma_wait3A_224 : memref<10240x128xf32, #tpu.memory_space<hbm>>) dst(%dma_wait3A_218 : memref<128x128xf32, #tpu.memory_space<vmem>>)
        %run_scoped3A = arith.constant 1 : i32
        "tpu.region"() ({
          %run_scoped3A_225 = tpu.sem_alloc : memref<!tpu.dma_semaphore, #tpu.memory_space<semaphore_mem>>
          %dma_start3A_226 = arith.constant 0 : i32
          %dma_start3A_227 = arith.constant 0 : i32
          %dma_start3A_228 = tpu.memref_slice %arg9[%run_scoped3A, %dma_start3A_226, %dma_start3A_227] : memref<2x128x128xf32, #tpu.memory_space<vmem>> -> memref<1x128x128xf32, #tpu.memory_space<vmem>>
          %dma_start3A_229 = tpu.memref_squeeze %dma_start3A_228 : memref<1x128x128xf32, #tpu.memory_space<vmem>> -> memref<128x128xf32, #tpu.memory_space<vmem>>
          %dma_start3A_230 = arith.constant 0 : i32
          %dma_start3A_231 = tpu.memref_slice %arg7[%add3A_192, %dma_start3A_230] : memref<79x128xi32, #tpu.memory_space<vmem>> -> memref<1x128xi32, #tpu.memory_space<vmem>>
          %dma_start3A_232 = tpu.memref_squeeze %dma_start3A_231 : memref<1x128xi32, #tpu.memory_space<vmem>> -> memref<128xi32, #tpu.memory_space<vmem>>
          %dma_start3A_233 = arith.constant 0 : i32
          %dma_start3A_234 = arith.constant 0 : i32
          %dma_start3A_235 = tpu.memref_slice %arg10[%dma_start3A_233, %dma_start3A_234] : memref<10240x128xf32, #tpu.memory_space<vmem_shared>> -> memref<10240x128xf32, #tpu.memory_space<vmem_shared>>
          tpu.enqueue_indirect_dma source(%dma_start3A_229 : memref<128x128xf32, #tpu.memory_space<vmem>>) target(%dma_start3A_235 : memref<10240x128xf32, #tpu.memory_space<vmem_shared>>) offsets(%dma_start3A_232 : memref<128xi32, #tpu.memory_space<vmem>>) semaphore(%run_scoped3A_225 : memref<!tpu.dma_semaphore, #tpu.memory_space<semaphore_mem>>) {add = true}
          %dma_wait3A_236 = arith.constant 0 : i32
          %dma_wait3A_237 = arith.constant 0 : i32
          %dma_wait3A_238 = tpu.memref_slice %arg9[%run_scoped3A, %dma_wait3A_236, %dma_wait3A_237] : memref<2x128x128xf32, #tpu.memory_space<vmem>> -> memref<1x128x128xf32, #tpu.memory_space<vmem>>
          %dma_wait3A_239 = tpu.memref_squeeze %dma_wait3A_238 : memref<1x128x128xf32, #tpu.memory_space<vmem>> -> memref<128x128xf32, #tpu.memory_space<vmem>>
          %dma_wait3A_240 = arith.constant 0 : i32
          %dma_wait3A_241 = tpu.memref_slice %arg7[%add3A_192, %dma_wait3A_240] : memref<79x128xi32, #tpu.memory_space<vmem>> -> memref<1x128xi32, #tpu.memory_space<vmem>>
          %dma_wait3A_242 = tpu.memref_squeeze %dma_wait3A_241 : memref<1x128xi32, #tpu.memory_space<vmem>> -> memref<128xi32, #tpu.memory_space<vmem>>
          %dma_wait3A_243 = arith.constant 0 : i32
          %dma_wait3A_244 = arith.constant 0 : i32
          %dma_wait3A_245 = tpu.memref_slice %arg10[%dma_wait3A_243, %dma_wait3A_244] : memref<10240x128xf32, #tpu.memory_space<vmem_shared>> -> memref<10240x128xf32, #tpu.memory_space<vmem_shared>>
          tpu.wait_indirect_dma semaphore(%run_scoped3A_225 : memref<!tpu.dma_semaphore, #tpu.memory_space<semaphore_mem>>) src(%dma_wait3A_239 : memref<128x128xf32, #tpu.memory_space<vmem>>) dst(%dma_wait3A_245 : memref<10240x128xf32, #tpu.memory_space<vmem_shared>>)
          tpu.yield
        }) : () -> ()
      } else {
      }
      %add3A_205 = arith.constant 4 : i32
      %add3A_206 = arith.addi %add3A_192, %add3A_205 : i32
      %lt3A_207 = arith.constant 79 : i32
      %lt3A_208 = arith.cmpi slt, %add3A_206, %lt3A_207 : i32
      %convert_element_type3A_209 = arith.extui %lt3A_208 : i1 to i32
      %cond3A_210 = arith.constant 0 : i32
      %cond3A_211 = arith.cmpi ne, %convert_element_type3A_209, %cond3A_210 : i32
      scf.if %cond3A_211 {
        %add3A_213 = arith.constant 4 : i32
        %add3A_214 = arith.addi %add3A_192, %add3A_213 : i32
        %mul3A_215 = arith.constant 79 : i32
        %mul3A_216 = arith.muli %add3A, %mul3A_215 : i32
        %add3A_217 = arith.addi %mul3A_216, %add3A_214 : i32
        %dma_start3A_218 = arith.constant 3 : i32
        %dma_start3A_219 = arith.constant 0 : i32
        %dma_start3A_220 = tpu.memref_slice %arg8[%dma_start3A_218, %dma_start3A_219] : memref<4x128xi32, #tpu.memory_space<vmem>> -> memref<1x128xi32, #tpu.memory_space<vmem>>
        %dma_start3A_221 = tpu.memref_squeeze %dma_start3A_220 : memref<1x128xi32, #tpu.memory_space<vmem>> -> memref<128xi32, #tpu.memory_space<vmem>>
        %dma_start3A_222 = arith.constant 0 : i32
        %dma_start3A_223 = tpu.memref_slice %arg2[%add3A_217, %dma_start3A_222] : memref<2528x128xi32, #tpu.memory_space<hbm>> -> memref<1x128xi32, #tpu.memory_space<hbm>>
        %dma_start3A_224 = tpu.memref_squeeze %dma_start3A_223 : memref<1x128xi32, #tpu.memory_space<hbm>> -> memref<128xi32, #tpu.memory_space<hbm>>
        %dma_start3A_225 = arith.constant 0 : i32
        %dma_start3A_226 = tpu.memref_slice %arg8[%dma_start3A_218, %dma_start3A_225] : memref<4x128xi32, #tpu.memory_space<vmem>> -> memref<1x128xi32, #tpu.memory_space<vmem>>
        %dma_start3A_227 = tpu.memref_squeeze %dma_start3A_226 : memref<1x128xi32, #tpu.memory_space<vmem>> -> memref<128xi32, #tpu.memory_space<vmem>>
        %dma_start3A_228 = arith.constant 0 : i32
        %dma_start3A_229 = tpu.memref_slice %arg2[%add3A_217, %dma_start3A_228] : memref<2528x128xi32, #tpu.memory_space<hbm>> -> memref<1x128xi32, #tpu.memory_space<hbm>>
        %dma_start3A_230 = tpu.memref_squeeze %dma_start3A_229 : memref<1x128xi32, #tpu.memory_space<hbm>> -> memref<128xi32, #tpu.memory_space<hbm>>
        tpu.enqueue_dma source(%dma_start3A_230 : memref<128xi32, #tpu.memory_space<hbm>>) target(%dma_start3A_227 : memref<128xi32, #tpu.memory_space<vmem>>) target_semaphore(%arg16 : memref<!tpu.dma_semaphore, #tpu.memory_space<semaphore_mem>>)
      } else {
      }
      %scan3A_212 = arith.constant 0 : i32
      scf.yield %scan3A_212 : i32
    }
    %scan3A_116 = arith.constant 20 : i32
    %barrier3A_117 = arith.constant 0 : index
    tpu.barrier barrier_id(%barrier3A_117)
    %eq3A = arith.constant 0 : i32
    %eq3A_118 = arith.cmpi eq, %arg0, %eq3A : i32
    %convert_element_type3A = arith.extui %eq3A_118 : i1 to i32
    %cond3A = arith.constant 0 : i32
    %cond3A_119 = arith.cmpi ne, %convert_element_type3A, %cond3A : i32
    scf.if %cond3A_119 {
      %mul3A_125 = arith.constant 640 : i32
      %mul3A_126 = arith.muli %arg1, %mul3A_125 : i32
      %mul3A_127 = arith.constant 640 : i32
      %mul3A_128 = arith.muli %arg1, %mul3A_127 : i32
      "tpu.region"() ({
        %run_scoped3A = tpu.sem_alloc : memref<!tpu.dma_semaphore, #tpu.memory_space<semaphore_mem>>
        %dma_start3A_129 = arith.constant 0 : i32
        %dma_start3A_130 = tpu.memref_slice %arg5[%mul3A_128, %dma_start3A_129] : memref<10240x128xf32, #tpu.memory_space<hbm>> -> memref<640x128xf32, #tpu.memory_space<hbm>>
        %dma_start3A_131 = arith.constant 0 : i32
        %dma_start3A_132 = tpu.memref_slice %arg10[%mul3A_126, %dma_start3A_131] : memref<10240x128xf32, #tpu.memory_space<vmem_shared>> -> memref<640x128xf32, #tpu.memory_space<vmem_shared>>
        tpu.enqueue_dma source(%dma_start3A_132 : memref<640x128xf32, #tpu.memory_space<vmem_shared>>) target(%dma_start3A_130 : memref<640x128xf32, #tpu.memory_space<hbm>>) target_semaphore(%run_scoped3A : memref<!tpu.dma_semaphore, #tpu.memory_space<semaphore_mem>>)
        %dma_wait3A_133 = arith.constant 0 : i32
        %dma_wait3A_134 = tpu.memref_slice %arg5[%mul3A_128, %dma_wait3A_133] : memref<10240x128xf32, #tpu.memory_space<hbm>> -> memref<640x128xf32, #tpu.memory_space<hbm>>
        %dma_wait3A_135 = arith.constant 0 : i32
        %dma_wait3A_136 = tpu.memref_slice %arg10[%mul3A_126, %dma_wait3A_135] : memref<10240x128xf32, #tpu.memory_space<vmem_shared>> -> memref<640x128xf32, #tpu.memory_space<vmem_shared>>
        tpu.wait_dma2 semaphore(%run_scoped3A : memref<!tpu.dma_semaphore, #tpu.memory_space<semaphore_mem>>) src(%dma_wait3A_136 : memref<640x128xf32, #tpu.memory_space<vmem_shared>>) dst(%dma_wait3A_134 : memref<640x128xf32, #tpu.memory_space<hbm>>)
        tpu.yield
      }) : () -> ()
    } else {
    }
    %eq3A_120 = arith.constant 1 : i32
    %eq3A_121 = arith.cmpi eq, %arg0, %eq3A_120 : i32
    %convert_element_type3A_122 = arith.extui %eq3A_121 : i1 to i32
    %cond3A_123 = arith.constant 0 : i32
    %cond3A_124 = arith.cmpi ne, %convert_element_type3A_122, %cond3A_123 : i32
    scf.if %cond3A_124 {
      %mul3A_125 = arith.constant 640 : i32
      %mul3A_126 = arith.muli %arg1, %mul3A_125 : i32
      %mul3A_127 = arith.constant 640 : i32
      %mul3A_128 = arith.muli %arg1, %mul3A_127 : i32
      "tpu.region"() ({
        %run_scoped3A = tpu.sem_alloc : memref<!tpu.dma_semaphore, #tpu.memory_space<semaphore_mem>>
        %dma_start3A_129 = arith.constant 0 : i32
        %dma_start3A_130 = tpu.memref_slice %arg6[%mul3A_128, %dma_start3A_129] : memref<10240x128xf32, #tpu.memory_space<hbm>> -> memref<640x128xf32, #tpu.memory_space<hbm>>
        %dma_start3A_131 = arith.constant 0 : i32
        %dma_start3A_132 = tpu.memref_slice %arg10[%mul3A_126, %dma_start3A_131] : memref<10240x128xf32, #tpu.memory_space<vmem_shared>> -> memref<640x128xf32, #tpu.memory_space<vmem_shared>>
        tpu.enqueue_dma source(%dma_start3A_132 : memref<640x128xf32, #tpu.memory_space<vmem_shared>>) target(%dma_start3A_130 : memref<640x128xf32, #tpu.memory_space<hbm>>) target_semaphore(%run_scoped3A : memref<!tpu.dma_semaphore, #tpu.memory_space<semaphore_mem>>)
        %dma_wait3A_133 = arith.constant 0 : i32
        %dma_wait3A_134 = tpu.memref_slice %arg6[%mul3A_128, %dma_wait3A_133] : memref<10240x128xf32, #tpu.memory_space<hbm>> -> memref<640x128xf32, #tpu.memory_space<hbm>>
        %dma_wait3A_135 = arith.constant 0 : i32
        %dma_wait3A_136 = tpu.memref_slice %arg10[%mul3A_126, %dma_wait3A_135] : memref<10240x128xf32, #tpu.memory_space<vmem_shared>> -> memref<640x128xf32, #tpu.memory_space<vmem_shared>>
        tpu.wait_dma2 semaphore(%run_scoped3A : memref<!tpu.dma_semaphore, #tpu.memory_space<semaphore_mem>>) src(%dma_wait3A_136 : memref<640x128xf32, #tpu.memory_space<vmem_shared>>) dst(%dma_wait3A_134 : memref<640x128xf32, #tpu.memory_space<hbm>>)
        tpu.yield
      }) : () -> ()
    } else {
    }
    return
  }
}

module attributes {stable_mosaic.version = 14 : i64} {
  func.func @_mm_plain(%arg0: i32, %arg1: memref<512x128xf32, #tpu.memory_space<vmem>>, %arg2: memref<128x128xf32, #tpu.memory_space<vmem>>, %arg3: memref<512x128xf32, #tpu.memory_space<vmem>>) attributes {dimension_semantics = [#tpu.dimension_semantics<arbitrary>], iteration_bounds = array<i64: 20>, scalar_prefetch = 0 : i64, scratch_operands = 0 : i64, tpu.core_type = #tpu.core_type<tc>, window_params = [{transform_indices = @transform_0, window_bounds = array<i64: 512, 128>}, {pipeline_mode = #tpu.pipeline_mode<synchronous>, transform_indices = @transform_1, window_bounds = array<i64: 128, 128>}, {transform_indices = @transform_2, window_bounds = array<i64: 512, 128>}]} {
    %get3A = arith.constant 0 : index
    %get3A_0 = arith.constant 0 : index
    %get3A_1 = vector.load %arg1[%get3A, %get3A_0] : memref<512x128xf32, #tpu.memory_space<vmem>>, vector<512x128xf32>
    %get3A_2 = arith.constant 0 : index
    %get3A_3 = arith.constant 0 : index
    %get3A_4 = vector.load %arg2[%get3A_2, %get3A_3] : memref<128x128xf32, #tpu.memory_space<vmem>>, vector<128x128xf32>
    %dot_general3A = arith.constant dense<0.000000e+00> : vector<512x128xf32>
    %dot_general3A_5 = tpu.matmul %get3A_1, %get3A_4, %dot_general3A {dimension_numbers = #tpu.dot_dimension_numbers<[1], [0], [0], [1], [0, 0, 1, 1], [], []>, transpose_lhs_hint = false} : vector<512x128xf32>, vector<128x128xf32>, vector<512x128xf32> -> vector<512x128xf32>
    %swap3A = arith.constant 0 : index
    %swap3A_6 = arith.constant 0 : index
    %swap3A_7 = vector.load %arg3[%swap3A, %swap3A_6] : memref<512x128xf32, #tpu.memory_space<vmem>>, vector<512x128xf32>
    tpu.vector_store %arg3[%swap3A, %swap3A_6], %dot_general3A_5 {strides = array<i32>} : memref<512x128xf32, #tpu.memory_space<vmem>>, vector<512x128xf32>,
    return
  }
  func.func @transform_0(%arg0: i32) -> (i32, i32) {
    %c0_i32 = arith.constant 0 : i32
    %c0_i32_0 = arith.constant 0 : i32
    return %arg0, %c0_i32 : i32, i32
  }
  func.func @transform_1(%arg0: i32) -> (i32, i32) {
    %c0_i32 = arith.constant 0 : i32
    %c0_i32_0 = arith.constant 0 : i32
    %c0_i32_1 = arith.constant 0 : i32
    return %c0_i32, %c0_i32_0 : i32, i32
  }
  func.func @transform_2(%arg0: i32) -> (i32, i32) {
    %c0_i32 = arith.constant 0 : i32
    %c0_i32_0 = arith.constant 0 : i32
    return %arg0, %c0_i32 : i32, i32
  }
}

module attributes {stable_mosaic.version = 14 : i64} {
  func.func @_scale(%arg0: i32, %arg1: memref<512x128xf32, #tpu.memory_space<vmem>>, %arg2: memref<512x16xf32, #tpu.memory_space<vmem>>, %arg3: memref<512x16xf32, #tpu.memory_space<vmem>>, %arg4: memref<512x128xf32, #tpu.memory_space<vmem>>) attributes {dimension_semantics = [#tpu.dimension_semantics<arbitrary>], iteration_bounds = array<i64: 20>, scalar_prefetch = 0 : i64, scratch_operands = 0 : i64, tpu.core_type = #tpu.core_type<tc>, window_params = [{transform_indices = @transform_0, window_bounds = array<i64: 512, 128>}, {transform_indices = @transform_1, window_bounds = array<i64: 512, 16>}, {transform_indices = @transform_2, window_bounds = array<i64: 512, 16>}, {transform_indices = @transform_3, window_bounds = array<i64: 512, 128>}]} {
    %get3A = arith.constant 0 : index
    %get3A_0 = arith.constant 0 : index
    %get3A_1 = vector.load %arg1[%get3A, %get3A_0] : memref<512x128xf32, #tpu.memory_space<vmem>>, vector<512x128xf32>
    %get3A_2 = arith.constant 0 : index
    %get3A_3 = arith.constant 0 : index
    %get3A_4 = vector.load %arg2[%get3A_2, %get3A_3] : memref<512x16xf32, #tpu.memory_space<vmem>>, vector<512x16xf32>
    %get3A_5 = arith.constant 0 : index
    %get3A_6 = arith.constant 0 : index
    %get3A_7 = vector.load %arg3[%get3A_5, %get3A_6] : memref<512x16xf32, #tpu.memory_space<vmem>>, vector<512x16xf32>
    %slice3A = vector.extract_strided_slice %get3A_4 {offsets = [0, 0], sizes = [512, 1], strides = [1, 1]} : vector<512x16xf32> to vector<512x1xf32>
    %slice3A_8 = vector.extract_strided_slice %get3A_7 {offsets = [0, 0], sizes = [512, 1], strides = [1, 1]} : vector<512x16xf32> to vector<512x1xf32>
    %add3A = arith.addf %slice3A, %slice3A_8 : vector<512x1xf32>
    %add3A_9 = arith.constant 1.000000e+00 : f32
    %add3A_10 = vector.broadcast %add3A_9 : f32 to vector<512x1xf32>
    %add3A_11 = arith.addf %add3A, %add3A_10 : vector<512x1xf32>
    %rsqrt3A = math.rsqrt %add3A_11 : vector<512x1xf32>
    %mul3A = vector.broadcast %rsqrt3A : vector<512x1xf32> to vector<512x128xf32>
    %mul3A_12 = arith.mulf %get3A_1, %mul3A : vector<512x128xf32>
    %swap3A = arith.constant 0 : index
    %swap3A_13 = arith.constant 0 : index
    %swap3A_14 = vector.load %arg4[%swap3A, %swap3A_13] : memref<512x128xf32, #tpu.memory_space<vmem>>, vector<512x128xf32>
    tpu.vector_store %arg4[%swap3A, %swap3A_13], %mul3A_12 {strides = array<i32>} : memref<512x128xf32, #tpu.memory_space<vmem>>, vector<512x128xf32>,
    return
  }
  func.func @transform_0(%arg0: i32) -> (i32, i32) {
    %c0_i32 = arith.constant 0 : i32
    %c0_i32_0 = arith.constant 0 : i32
    return %arg0, %c0_i32 : i32, i32
  }
  func.func @transform_1(%arg0: i32) -> (i32, i32) {
    %c0_i32 = arith.constant 0 : i32
    %c0_i32_0 = arith.constant 0 : i32
    return %arg0, %c0_i32 : i32, i32
  }
  func.func @transform_2(%arg0: i32) -> (i32, i32) {
    %c0_i32 = arith.constant 0 : i32
    %c0_i32_0 = arith.constant 0 : i32
    return %arg0, %c0_i32 : i32, i32
  }
  func.func @transform_3(%arg0: i32) -> (i32, i32) {
    %c0_i32 = arith.constant 0 : i32
    %c0_i32_0 = arith.constant 0 : i32
    return %arg0, %c0_i32 : i32, i32
  }
}

module attributes {stable_mosaic.version = 14 : i64} {
  func.func @_mm_mid(%arg0: i32, %arg1: memref<512x128xf32, #tpu.memory_space<vmem>>, %arg2: memref<512x128xf32, #tpu.memory_space<vmem>>, %arg3: memref<512x128xf32, #tpu.memory_space<vmem>>, %arg4: memref<512x16xf32, #tpu.memory_space<vmem>>, %arg5: memref<512x16xf32, #tpu.memory_space<vmem>>, %arg6: memref<1x128xf32, #tpu.memory_space<vmem>>, %arg7: memref<128x128xf32, #tpu.memory_space<vmem>>, %arg8: memref<512x128xf32, #tpu.memory_space<vmem>>) attributes {dimension_semantics = [#tpu.dimension_semantics<arbitrary>], iteration_bounds = array<i64: 20>, scalar_prefetch = 0 : i64, scratch_operands = 0 : i64, tpu.core_type = #tpu.core_type<tc>, window_params = [{transform_indices = @transform_0, window_bounds = array<i64: 512, 128>}, {transform_indices = @transform_1, window_bounds = array<i64: 512, 128>}, {transform_indices = @transform_2, window_bounds = array<i64: 512, 128>}, {transform_indices = @transform_3, window_bounds = array<i64: 512, 16>}, {transform_indices = @transform_4, window_bounds = array<i64: 512, 16>}, {pipeline_mode = #tpu.pipeline_mode<synchronous>, transform_indices = @transform_5, window_bounds = array<i64: 1, 128>}, {pipeline_mode = #tpu.pipeline_mode<synchronous>, transform_indices = @transform_6, window_bounds = array<i64: 128, 128>}, {transform_indices = @transform_7, window_bounds = array<i64: 512, 128>}]} {
    %get3A = arith.constant 0 : index
    %get3A_0 = arith.constant 0 : index
    %get3A_1 = vector.load %arg4[%get3A, %get3A_0] : memref<512x16xf32, #tpu.memory_space<vmem>>, vector<512x16xf32>
    %get3A_2 = arith.constant 0 : index
    %get3A_3 = arith.constant 0 : index
    %get3A_4 = vector.load %arg5[%get3A_2, %get3A_3] : memref<512x16xf32, #tpu.memory_space<vmem>>, vector<512x16xf32>
    %slice3A = vector.extract_strided_slice %get3A_1 {offsets = [0, 0], sizes = [512, 1], strides = [1, 1]} : vector<512x16xf32> to vector<512x1xf32>
    %slice3A_5 = vector.extract_strided_slice %get3A_4 {offsets = [0, 0], sizes = [512, 1], strides = [1, 1]} : vector<512x16xf32> to vector<512x1xf32>
    %add3A = arith.addf %slice3A, %slice3A_5 : vector<512x1xf32>
    %add3A_6 = arith.constant 1.000000e+00 : f32
    %add3A_7 = vector.broadcast %add3A_6 : f32 to vector<512x1xf32>
    %add3A_8 = arith.addf %add3A, %add3A_7 : vector<512x1xf32>
    %rsqrt3A = math.rsqrt %add3A_8 : vector<512x1xf32>
    %get3A_9 = arith.constant 0 : index
    %get3A_10 = arith.constant 0 : index
    %get3A_11 = vector.load %arg1[%get3A_9, %get3A_10] : memref<512x128xf32, #tpu.memory_space<vmem>>, vector<512x128xf32>
    %get3A_12 = arith.constant 0 : index
    %get3A_13 = arith.constant 0 : index
    %get3A_14 = vector.load %arg2[%get3A_12, %get3A_13] : memref<512x128xf32, #tpu.memory_space<vmem>>, vector<512x128xf32>
    %add3A_15 = arith.addf %get3A_11, %get3A_14 : vector<512x128xf32>
    %get3A_16 = arith.constant 0 : index
    %get3A_17 = arith.constant 0 : index
    %get3A_18 = vector.load %arg3[%get3A_16, %get3A_17] : memref<512x128xf32, #tpu.memory_space<vmem>>, vector<512x128xf32>
    %add3A_19 = arith.addf %add3A_15, %get3A_18 : vector<512x128xf32>
    %mul3A = vector.broadcast %rsqrt3A : vector<512x1xf32> to vector<512x128xf32>
    %mul3A_20 = arith.mulf %add3A_19, %mul3A : vector<512x128xf32>
    %get3A_21 = arith.constant 0 : index
    %get3A_22 = arith.constant 0 : index
    %get3A_23 = vector.load %arg6[%get3A_21, %get3A_22] : memref<1x128xf32, #tpu.memory_space<vmem>>, vector<1x128xf32>
    %add3A_24 = vector.broadcast %get3A_23 : vector<1x128xf32> to vector<512x128xf32>
    %add3A_25 = arith.addf %mul3A_20, %add3A_24 : vector<512x128xf32>
    %max3A = arith.constant 0.000000e+00 : f32
    %max3A_26 = vector.broadcast %max3A : f32 to vector<512x128xf32>
    %max3A_27 = arith.maximumf %add3A_25, %max3A_26 : vector<512x128xf32>
    %get3A_28 = arith.constant 0 : index
    %get3A_29 = arith.constant 0 : index
    %get3A_30 = vector.load %arg7[%get3A_28, %get3A_29] : memref<128x128xf32, #tpu.memory_space<vmem>>, vector<128x128xf32>
    %dot_general3A = arith.constant dense<0.000000e+00> : vector<512x128xf32>
    %dot_general3A_31 = tpu.matmul %max3A_27, %get3A_30, %dot_general3A {dimension_numbers = #tpu.dot_dimension_numbers<[1], [0], [0], [1], [0, 0, 1, 1], [], []>, transpose_lhs_hint = false} : vector<512x128xf32>, vector<128x128xf32>, vector<512x128xf32> -> vector<512x128xf32>
    %mul3A_32 = vector.broadcast %rsqrt3A : vector<512x1xf32> to vector<512x128xf32>
    %mul3A_33 = arith.mulf %dot_general3A_31, %mul3A_32 : vector<512x128xf32>
    %swap3A = arith.constant 0 : index
    %swap3A_34 = arith.constant 0 : index
    %swap3A_35 = vector.load %arg8[%swap3A, %swap3A_34] : memref<512x128xf32, #tpu.memory_space<vmem>>, vector<512x128xf32>
    tpu.vector_store %arg8[%swap3A, %swap3A_34], %mul3A_33 {strides = array<i32>} : memref<512x128xf32, #tpu.memory_space<vmem>>, vector<512x128xf32>,
    return
  }
  func.func @transform_0(%arg0: i32) -> (i32, i32) {
    %c0_i32 = arith.constant 0 : i32
    %c0_i32_0 = arith.constant 0 : i32
    return %arg0, %c0_i32 : i32, i32
  }
  func.func @transform_1(%arg0: i32) -> (i32, i32) {
    %c0_i32 = arith.constant 0 : i32
    %c0_i32_0 = arith.constant 0 : i32
    return %arg0, %c0_i32 : i32, i32
  }
  func.func @transform_2(%arg0: i32) -> (i32, i32) {
    %c0_i32 = arith.constant 0 : i32
    %c0_i32_0 = arith.constant 0 : i32
    return %arg0, %c0_i32 : i32, i32
  }
  func.func @transform_3(%arg0: i32) -> (i32, i32) {
    %c0_i32 = arith.constant 0 : i32
    %c0_i32_0 = arith.constant 0 : i32
    return %arg0, %c0_i32 : i32, i32
  }
  func.func @transform_4(%arg0: i32) -> (i32, i32) {
    %c0_i32 = arith.constant 0 : i32
    %c0_i32_0 = arith.constant 0 : i32
    return %arg0, %c0_i32 : i32, i32
  }
  func.func @transform_5(%arg0: i32) -> (i32, i32) {
    %c0_i32 = arith.constant 0 : i32
    %c0_i32_0 = arith.constant 0 : i32
    %c0_i32_1 = arith.constant 0 : i32
    return %c0_i32, %c0_i32_0 : i32, i32
  }
  func.func @transform_6(%arg0: i32) -> (i32, i32) {
    %c0_i32 = arith.constant 0 : i32
    %c0_i32_0 = arith.constant 0 : i32
    %c0_i32_1 = arith.constant 0 : i32
    return %c0_i32, %c0_i32_0 : i32, i32
  }
  func.func @transform_7(%arg0: i32) -> (i32, i32) {
    %c0_i32 = arith.constant 0 : i32
    %c0_i32_0 = arith.constant 0 : i32
    return %arg0, %c0_i32 : i32, i32
  }
}

module attributes {stable_mosaic.version = 14 : i64} {
  func.func @_mm_final(%arg0: i32, %arg1: memref<512x128xf32, #tpu.memory_space<vmem>>, %arg2: memref<512x128xf32, #tpu.memory_space<vmem>>, %arg3: memref<512x128xf32, #tpu.memory_space<vmem>>, %arg4: memref<512x16xf32, #tpu.memory_space<vmem>>, %arg5: memref<512x16xf32, #tpu.memory_space<vmem>>, %arg6: memref<1x128xf32, #tpu.memory_space<vmem>>, %arg7: memref<512x40xf32, #tpu.memory_space<vmem>>) attributes {dimension_semantics = [#tpu.dimension_semantics<arbitrary>], iteration_bounds = array<i64: 20>, scalar_prefetch = 0 : i64, scratch_operands = 0 : i64, tpu.core_type = #tpu.core_type<tc>, window_params = [{transform_indices = @transform_0, window_bounds = array<i64: 512, 128>}, {transform_indices = @transform_1, window_bounds = array<i64: 512, 128>}, {transform_indices = @transform_2, window_bounds = array<i64: 512, 128>}, {transform_indices = @transform_3, window_bounds = array<i64: 512, 16>}, {transform_indices = @transform_4, window_bounds = array<i64: 512, 16>}, {pipeline_mode = #tpu.pipeline_mode<synchronous>, transform_indices = @transform_5, window_bounds = array<i64: 1, 128>}, {transform_indices = @transform_6, window_bounds = array<i64: 512, 40>}]} {
    %get3A = arith.constant 0 : index
    %get3A_0 = arith.constant 0 : index
    %get3A_1 = vector.load %arg4[%get3A, %get3A_0] : memref<512x16xf32, #tpu.memory_space<vmem>>, vector<512x16xf32>
    %get3A_2 = arith.constant 0 : index
    %get3A_3 = arith.constant 0 : index
    %get3A_4 = vector.load %arg5[%get3A_2, %get3A_3] : memref<512x16xf32, #tpu.memory_space<vmem>>, vector<512x16xf32>
    %slice3A = vector.extract_strided_slice %get3A_1 {offsets = [0, 0], sizes = [512, 1], strides = [1, 1]} : vector<512x16xf32> to vector<512x1xf32>
    %slice3A_5 = vector.extract_strided_slice %get3A_4 {offsets = [0, 0], sizes = [512, 1], strides = [1, 1]} : vector<512x16xf32> to vector<512x1xf32>
    %add3A = arith.addf %slice3A, %slice3A_5 : vector<512x1xf32>
    %add3A_6 = arith.constant 1.000000e+00 : f32
    %add3A_7 = vector.broadcast %add3A_6 : f32 to vector<512x1xf32>
    %add3A_8 = arith.addf %add3A, %add3A_7 : vector<512x1xf32>
    %rsqrt3A = math.rsqrt %add3A_8 : vector<512x1xf32>
    %get3A_9 = arith.constant 0 : index
    %get3A_10 = arith.constant 0 : index
    %get3A_11 = vector.load %arg1[%get3A_9, %get3A_10] : memref<512x128xf32, #tpu.memory_space<vmem>>, vector<512x128xf32>
    %get3A_12 = arith.constant 0 : index
    %get3A_13 = arith.constant 0 : index
    %get3A_14 = vector.load %arg2[%get3A_12, %get3A_13] : memref<512x128xf32, #tpu.memory_space<vmem>>, vector<512x128xf32>
    %add3A_15 = arith.addf %get3A_11, %get3A_14 : vector<512x128xf32>
    %get3A_16 = arith.constant 0 : index
    %get3A_17 = arith.constant 0 : index
    %get3A_18 = vector.load %arg3[%get3A_16, %get3A_17] : memref<512x128xf32, #tpu.memory_space<vmem>>, vector<512x128xf32>
    %add3A_19 = arith.addf %add3A_15, %get3A_18 : vector<512x128xf32>
    %mul3A = vector.broadcast %rsqrt3A : vector<512x1xf32> to vector<512x128xf32>
    %mul3A_20 = arith.mulf %add3A_19, %mul3A : vector<512x128xf32>
    %get3A_21 = arith.constant 0 : index
    %get3A_22 = arith.constant 0 : index
    %get3A_23 = vector.load %arg6[%get3A_21, %get3A_22] : memref<1x128xf32, #tpu.memory_space<vmem>>, vector<1x128xf32>
    %add3A_24 = vector.broadcast %get3A_23 : vector<1x128xf32> to vector<512x128xf32>
    %add3A_25 = arith.addf %mul3A_20, %add3A_24 : vector<512x128xf32>
    %slice3A_26 = vector.extract_strided_slice %add3A_25 {offsets = [0, 0], sizes = [512, 40], strides = [1, 1]} : vector<512x128xf32> to vector<512x40xf32>
    %swap3A = arith.constant 0 : index
    %swap3A_27 = arith.constant 0 : index
    %swap3A_28 = vector.load %arg7[%swap3A, %swap3A_27] : memref<512x40xf32, #tpu.memory_space<vmem>>, vector<512x40xf32>
    tpu.vector_store %arg7[%swap3A, %swap3A_27], %slice3A_26 {strides = array<i32>} : memref<512x40xf32, #tpu.memory_space<vmem>>, vector<512x40xf32>,
    return
  }
  func.func @transform_0(%arg0: i32) -> (i32, i32) {
    %c0_i32 = arith.constant 0 : i32
    %c0_i32_0 = arith.constant 0 : i32
    return %arg0, %c0_i32 : i32, i32
  }
  func.func @transform_1(%arg0: i32) -> (i32, i32) {
    %c0_i32 = arith.constant 0 : i32
    %c0_i32_0 = arith.constant 0 : i32
    return %arg0, %c0_i32 : i32, i32
  }
  func.func @transform_2(%arg0: i32) -> (i32, i32) {
    %c0_i32 = arith.constant 0 : i32
    %c0_i32_0 = arith.constant 0 : i32
    return %arg0, %c0_i32 : i32, i32
  }
  func.func @transform_3(%arg0: i32) -> (i32, i32) {
    %c0_i32 = arith.constant 0 : i32
    %c0_i32_0 = arith.constant 0 : i32
    return %arg0, %c0_i32 : i32, i32
  }
  func.func @transform_4(%arg0: i32) -> (i32, i32) {
    %c0_i32 = arith.constant 0 : i32
    %c0_i32_0 = arith.constant 0 : i32
    return %arg0, %c0_i32 : i32, i32
  }
  func.func @transform_5(%arg0: i32) -> (i32, i32) {
    %c0_i32 = arith.constant 0 : i32
    %c0_i32_0 = arith.constant 0 : i32
    %c0_i32_1 = arith.constant 0 : i32
    return %c0_i32, %c0_i32_0 : i32, i32
  }
  func.func @transform_6(%arg0: i32) -> (i32, i32) {
    %c0_i32 = arith.constant 0 : i32
    %c0_i32_0 = arith.constant 0 : i32
    return %arg0, %c0_i32 : i32, i32
  }
}

</mosaic_0001>

<sc_bundles>
// kernel: kernel.11.cloned.1.call-start
scs
__scs_entry_jumppad:
0x0: {  	(pc) =	sbr.rel $0x88, $3  }
0x1: {  	(tag) =	ssettag $0x0;
	lr =	simm.s32 $0x1  }
0x2: {  	[smem:$0x3F99] =	sst lr;
	_ =	strace $0xD0000000  }
0x3: {  	_ = 	snop  }
0x4: {  	_ = 	snop  }
0x5: {  	_ = 	snop  }
0x6: {  	_ = 	snop  }
0x7: {  	_ = 	snop  }
__scs_overlays_trampoline_lowered:
0x8: {  	[smem:$0x3FA8] =	sst s0  }
0x9: {  	[smem:$0x3FA9] =	sst s1  }
0xa: {  	[smem:$0x3FAA] =	sst s2  }
0xb: {  	[smem:$0x3FAB] =	sst s3  }
0xc: {  	[smem:$0x3FAC] =	sst s4  }
0xd: {  	[smem:$0x3FAD] =	sst s5  }
0xe: {  	[smem:$0x3FAE] =	sst s6  }
0xf: {  	[smem:$0x3FAF] =	sst s7  }
0x10: {  	[smem:$0x3FB0] =	sst s8  }
0x11: {  	[smem:$0x3FB1] =	sst s9;
	s0 =	simm.s32 @!p0 $0x0  }
0x12: {  	s1 =	sld [smem:$0x3F97];
	s0 =	simm.s32 @p0 $0x1  }
0x13: {  	[smem:$0x3FB2] =	sst s0;
	s0 =	simm.s32 @!p1 $0x0  }
0x14: {  	s2 =	sld [smem:$0x3F96];
	s0 =	simm.s32 @p1 $0x1  }
0x15: {  	[smem:$0x3FB3] =	sst s0;
	s0 =	simm.s32 @!p2 $0x0  }
0x16: {  	s3 =	sld [smem:$0x3FDB];
	s0 =	simm.s32 @p2 $0x1  }
0x17: {  	s4 =	simm.s32 $0x1BF5;
	[smem:$0x3FB5] =	sst s0  }
0x18: {  	s0 =	sld [smem:$0x3F98];
	_ =	swait.ge [sflag:s4], $0x0  }
0x19: {  	s7 =	sld [smem:$0x3F99]  }
0x1a: {  	s8 =	sadd.s32 $0xFFFFE003, lr  }
0x1b: {  	s9 =	sadd.s32 $0xFFFFFEF7, lr;
	s5 =	simm.s32 $0xFFFFFFFF;
	p2 =	slt.u32 s8, $0xFFFFF086  }
0x1c: {  	p1 =	slt.u32 s9, $0xF7A;
	s5 =	simm.s32 @!p2 $0x0  }
0x1d: {  	s5 =	simm.s32 @p1 $0x1;
	p0 =	seq.s32 s7, s2  }
0x1e: {  	s7 =	smul.u32 @!p0 $0xF7A, s2;
	p2 =	seq.s32 @!p0 s5, $0x0  }
0x1f: {  	s9 =	smul.u32 $0xF7A, s1;
	s8 =	simm.s32 @!p0 $0x1BF5;
	p2 =	por !p2, p0  }
0x20: {  	[sflag:s8] =	ssyncset.s32 @!p0 $0xFFFFF086;
	s6 =	sadd.s32 @!p0 s3, s7;
	s7 =	simm.s32 @!p0 $0x108  }
0x21: {  	s3 =	sadd.s32 s3, s9;
	s6 =	sadd.s32 @!p0 $0x88, s6;
	s7 =	simm.s32 @p2 $0x1082  }
0x22: {  	[simem:s7], [sflag:s8] =	dma.local @!p0 [hbm:s6], $0xF7A  }
0x23: {  	s9 =	sor.u32 $0xD0000000, s2;
	s6 =	simm.s32 $0x108;
	_ =	swait.ge @!p0 [sflag:s8], $0x0  }
0x24: {  	s3 =	sadd.s32 $0x88, s3;
	s6 =	simm.s32 @!p1 $0x1082;
	[sflag:s4] =	ssyncset.s32 $0xFFFFF086  }
0x25: {  	[simem:s6], [sflag:s4] =	dma.local [hbm:s3], $0xF7A  }
0x26: {  	[smem:$0x3F99] =	sst s1;
	(tag) =	ssettag s2;
	_ =	strace s9  }
0x27: {  	s1 =	sld [smem:$0x3FA9]  }
0x28: {  	s2 =	sld [smem:$0x3FAA]  }
0x29: {  	s4 =	sld [smem:$0x3FAC]  }
0x2a: {  	p0 =	seq.s32 s5, $0x0;
	s5 =	sld [smem:$0x3FAD]  }
0x2b: {  	s6 =	sld [smem:$0x3FAE]  }
0x2c: {  	s7 =	sld [smem:$0x3FAF]  }
0x2d: {  	s3 =	simm.s32 $0x108;
	s8 =	sld [smem:$0x3FB0]  }
0x2e: {  	s3 =	simm.s32 @!p0 $0x1082;
	s9 =	sld [smem:$0x3FB1]  }
0x2f: {  	lr =	sadd.s32 s0, s3;
	s0 =	sld [smem:$0x3FA8]  }
0x30: {  	s3 =	sld [smem:$0x3FAB]  }
0x31: {  	[smem:$0x3FB4] =	sst s10  }
0x32: {  	s10 =	sld [smem:$0x3FB2];
	_ =	sdelay $0x3  }
0x33: {  	p0 =	seq.s32 s10, $0x1;
	s10 =	sld [smem:$0x3FB4];
	_ =	sdelay $0x3  }
0x34: {  	[smem:$0x3FB4] =	sst s10  }
0x35: {  	s10 =	sld [smem:$0x3FB3];
	_ =	sdelay $0x3  }
0x36: {  	p1 =	seq.s32 s10, $0x1;
	s10 =	sld [smem:$0x3FB4];
	_ =	sdelay $0x3  }
0x37: {  	[smem:$0x3FB4] =	sst s10  }
0x38: {  	s10 =	sld [smem:$0x3FB5]  }
0x39: {  	_ = 	snop;
	(pc) =	sbr.ind lr, $3  }
0x3a: {  	_ = 	snop  }
0x3b: {  	_ = 	snop  }
0x3c: {  	p2 =	seq.s32 s10, $0x1;
	s10 =	sld [smem:$0x3FB4]  }
0x3d: {  	_ =	shalt  }
0x3e: {  	_ =	shalt  }
0x3f: {  	_ =	shalt  }
0x40: {  	_ =	shalt  }
0x41: {  	_ =	shalt  }
0x42: {  	_ =	shalt  }
0x43: {  	_ =	shalt  }
0x44: {  	_ =	shalt  }
0x45: {  	_ =	shalt  }
0x46: {  	_ =	shalt  }
0x47: {  	_ =	shalt  }
0x48: {  	_ =	shalt  }
0x49: {  	_ =	shalt  }
0x4a: {  	_ =	shalt  }
0x4b: {  	_ =	shalt  }
0x4c: {  	_ =	shalt  }
0x4d: {  	_ =	shalt  }
0x4e: {  	_ =	shalt  }
0x4f: {  	_ =	shalt  }
0x50: {  	_ =	shalt  }
0x51: {  	_ =	shalt  }
0x52: {  	_ =	shalt  }
0x53: {  	_ =	shalt  }
0x54: {  	_ =	shalt  }
0x55: {  	_ =	shalt  }
0x56: {  	_ =	shalt  }
0x57: {  	_ =	shalt  }
0x58: {  	_ =	shalt  }
0x59: {  	_ =	shalt  }
0x5a: {  	_ =	shalt  }
0x5b: {  	_ =	shalt  }
0x5c: {  	_ =	shalt  }
0x5d: {  	_ =	shalt  }
0x5e: {  	_ =	shalt  }
0x5f: {  	_ =	shalt  }
0x60: {  	_ =	shalt  }
0x61: {  	_ =	shalt  }
0x62: {  	_ =	shalt  }
0x63: {  	_ =	shalt  }
0x64: {  	_ =	shalt  }
0x65: {  	_ =	shalt  }
0x66: {  	_ =	shalt  }
0x67: {  	_ =	shalt  }
0x68: {  	_ =	shalt  }
0x69: {  	_ =	shalt  }
0x6a: {  	_ =	shalt  }
0x6b: {  	_ =	shalt  }
0x6c: {  	_ =	shalt  }
0x6d: {  	_ =	shalt  }
0x6e: {  	_ =	shalt  }
0x6f: {  	_ =	shalt  }
0x70: {  	_ =	shalt  }
0x71: {  	_ =	shalt  }
0x72: {  	_ =	shalt  }
0x73: {  	_ =	shalt  }
0x74: {  	_ =	shalt  }
0x75: {  	_ =	shalt  }
0x76: {  	_ =	shalt  }
0x77: {  	_ =	shalt  }
0x78: {  	_ =	shalt  }
0x79: {  	_ =	shalt  }
0x7a: {  	_ =	shalt  }
0x7b: {  	_ =	shalt  }
0x7c: {  	_ =	shalt  }
0x7d: {  	_ =	shalt  }
0x7e: {  	_ =	shalt  }
0x7f: {  	_ =	shalt  }
0x80: {  	_ =	shalt  }
0x81: {  	_ =	shalt  }
0x82: {  	_ =	shalt  }
0x83: {  	_ =	shalt  }
0x84: {  	_ =	shalt  }
0x85: {  	_ =	shalt  }
0x86: {  	_ =	shalt  }
0x87: {  	_ =	shalt  }
.Lfunc_end0:
.L_simem_size_0:
called_computation_lowered:
.L_overlay_start_0:
0x88: {  	s2 =	sld [smem:$0x3FD9]  }
0x89: {  	s3 =	sld [smem:$0x3FFE];
	_ =	sdelay $0x1  }
0x8a: {  	s1 =	srdreg.scid  }
0x8b: {  	s0 =	sand.u32 $0x1, s1  }
0x8c: {  	s17 =	sshll.u32 s0, $0xA;
	s2 =	sadd.s32 s3, s2  }
0x8d: {  	s2 =	sadd.s32 s2, s17  }
0x8e: {  	[smem:$0x3FC0] =	sst s2  }
0x8f: {  	_ = 	snop  }
0x90: {  	s2 =	sld [smem:$0x3FD0];
	(tm) =	ssettm $0x1  }
0x91: {  	s18 =	sld [smem:$0x3FFB];
	_ =	sdelay $0x3  }
0x92: {  	_ =	strace s18  }
0x93: {  	s3 =	sld [smem:$0x3FFC];
	_ =	sdelay $0x3  }
0x94: {  	_ =	strace s3  }
0x95: {  	s3 =	sld [smem:$0x3FFD];
	_ =	sdelay $0x3  }
0x96: {  	_ =	strace s3  }
0x97: {  	_ =	strace $0x8FFFFFFF  }
0x98: {  	s19 =	sld [smem:$0x3FDB];
	_ =	sdelay $0x1  }
0x99: {  	s4 =	simm.s32 $_scs_section_size  }
0x9a: {  	s5 =	simm.s32 $_size__tile_overlayer_lowered;
	s6 =	simm.s32 $_tile_overlayer_lowered  }
0x9b: {  	s22 =	simm.s32 $0x1BFF;
	s21 =	sshll.u32 s6, $0x1;
	s3 =	sadd.s32 s4, s19  }
0x9c: {  	s7 =	simm.s32 $0x0;
	s20 =	sshll.u32 s5, $0x1;
	s5 =	sadd.s32 s21, s3  }
0x9d: {  	[timem:s7], [sflag:s22] =	dma.local [hbm:s5], s20  }
0x9e: {  	_ =	swait.ge [sflag:s22], s20  }
0x9f: {  	s4 =	ssub.s32 $0x0, s20;
	[sflag:s22] =	ssyncset.done $0x0  }
0xa0: {  	[sflag:s22] =	ssyncadd.s32 s4;
	_ =	sdelay $0x1  }
0xa1: {  	s23 =	simm.s32 $0x1B8B  }
0xa2: {  	_ =	swait.ge [sflag:s23], $0x1  }
0xa3: {  	[sflag:s23] =	ssyncset.done $0x0  }
0xa4: {  	s25 =	simm.s32 $0x1B8E;
	s24 =	sld [smem:$0x3FFE];
	[sflag:s23] =	ssyncadd.s32 $0xFFFFFFFF  }
0xa5: {  	s26 =	simm.s32 $execute0_lowered;
	[smem:$0x3FD2] =	sst s25  }
0xa6: {  	s5 =	sshll.u32 s26, $0x1;
	_ =	strace $0x80000046;
	[dreg:$0x1] =	wrdreg $0xFFFFFFFF  }
0xa7: {  	s28 =	simm.s32 $_size_execute0_lowered;
	s3 =	sadd.s32 s3, s5;
	[dreg:$0x0] =	wrdreg $0x0  }
0xa8: {  	s5 =	sshll.u32 s28, $0x1;
	[dreg:$0x2] =	wrdreg s3  }
0xa9: {  	[dreg:$0x3] =	wrdreg s5  }
0xaa: {  	[dreg:$0x4] =	wrdreg $0xC0  }
0xab: {  	_ =	task [dreg:s7], $0x5FFFF  }
0xac: {  	[dreg:$0x1] =	wrdreg $0xFFFFFFFF  }
0xad: {  	[dreg:$0x0] =	wrdreg $0x60  }
0xae: {  	[dreg:$0x2] =	wrdreg s2  }
0xaf: {  	[dreg:$0x3] =	wrdreg s24  }
0xb0: {  	[dreg:$0x4] =	wrdreg $0x70000  }
0xb1: {  	[dreg:$0x5] =	wrdreg $0x9  }
0xb2: {  	_ =	task.clear_ibuf [dreg:s7], $0x6FFFF;
	_ =	strace $0x90000046  }
0xb3: {  	s29 =	simm.s32 $0x9;
	_ =	strace $0x80000048  }
0xb4: {  	_ =	swait.ge [sflag:s29], $0x1  }
0xb5: {  	[sflag:s29] =	ssyncadd.s32 $0xFFFFFFFF  }
0xb6: {  	_ =	strace $0x90000048  }
0xb7: {  	_ =	sfence  }
0xb8: {  	s30 =	sld [smem:$0x0];
	_ =	sdelay $0x2  }
0xb9: {  	s31 =	sshll.u32 s1, $0xD;
	s1 =	sshrl.u32 s1, $0x2  }
0xba: {  	s3 =	sand.u32 $0x4000, s31;
	s1 =	sadd.s32 s1, s30  }
0xbb: {  	s0 =	sor.u32 s3, s0;
	s1 =	sshll.u32 s1, $0x11  }
0xbc: {  	s0 =	sor.u32 s1, s0  }
0xbd: {  	s0 =	sadd.s32 $0x8F2B, s0  }
0xbe: {  	[sflag:s0] =	ssyncadd.remote.s32 $0x1  }
0xbf: {  	_ =	sfence.sel $0xFFFF  }
0xc0: {  	[dreg:$0x0] =	wrdreg $0xFFFFFFFF;
	(pc) =	sbr.abs _section_cstart, $3  }
0xc1: {  	[dreg:$0x1] =	wrdreg $0xFFFFFFFF  }
0xc2: {  	_ =	task.clear_ibuf [dreg:s7], $0x2FFFF;
	_ =	strace $0x9FFFFFFF  }
0xc3: {  	(tm) =	ssettm $0x7FFFFFFF  }
tec
execute0_lowered:
.L_overlay_start_1:
0x0: {  	(tag) =	ssettag $0x1  }
0x1: {  	s5 =	rddreg [dreg:$0x0]  }
0x2: {  	s6 =	rddreg [dreg:$0x1]  }
0x3: {  	s1 =	rddreg [dreg:$0x2]  }
0x4: {  	s0 =	rddreg [dreg:$0x3]  }
0x5: {  	s2 =	simm.s32 $0x0;
	s3 =	srdreg.scid;
	s10 =	simm.s32 $0x36E00  }
0x6: {  	s11 =	simm.s32 $0x2800;
	[smem:$0x7FF] =	sst s2;
	s4 =	sand.u32 $0x1, s3  }
0x7: {  	s3 =	stileid.u32;
	_ =	strace $0x80000047;
	s7 =	ssub.s32 $0x2, s4  }
0x8: {  	s9 =	sshll.u32 s4, $0x4;
	s28 =	smul.u32 $0x50000, s3;
	p0 =	seq.s32 s4, $0x1  }
0x9: {  	s30 =	smul.u32 $0x2800, s3;
	s12 =	sshll.u32 s3, $0x6;
	s8 =	sshrl.u32 s7, $0x1  }
0xa: {  	s26 =	sor.u32 s3, s9;
	s10 =	simm.s32 @!p0 $0xEE00;
	s9 =	simm.s32 $0x1  }
0xb: {  	s12 =	sor.u32 $0x1C01, s12;
	s7 =	ssub.s32 s7, s8;
	s8 =	smul.u32 $0x500, s26  }
0xc: {  	s29 =	sshrl.u32 s28, $0x2;
	s31 =	sadd.s32 s10, s6;
	s10 =	simm.s32 $0x80  }
0xd: {  	s4 =	sadd.s32 s29, s1;
	s6 =	smax.u32 s7, $0x1;
	s7 =	sadd.s32 s31, s30  }
0xe: {  	v0 =	vimm.f32 $1.000000000e+00;
	v1 =	vimm.f32 $0.0e+00;
	s5 =	sadd.s32 s5, s8;
	s8 =	simm.s32 $0x6800;
	s13 =	sshrl.u32 s4, $0x3  }
.LBB2_1:
0xf: {  	s14 =	simm.s32 $0x200;
	s15 =	simm.s32 $0x0  }
.LBB2_2:
0x10: {  	p0 =	sne.s32 s14, $0xFE00;
	[tilespmem:s15+$0x2800] =	vst v0;
	s15 =	smov.u32 s14;
	s14 =	sadd.s32 $0x200, s14  }
.Ltmp0:
0x11: {  	(pc) =	sbr.rel @p0 .LBB2_2-.Ltmp0, $2  }
0x12: {  	_ =	sdelay $0x2  }
0x13: {  	s15 =	sshra.s32 s15, $0x2  }
0x14: {  	[tilespmem:s15+$0x2800] =	vst v0  }
0x15: {  	[tilespmem:$0x6800] =	vst v1  }
0x16: {  	[tilespmem:$0x6880] =	vst v1  }
0x17: {  	[tilespmem:$0x6900] =	vst v1  }
0x18: {  	[tilespmem:$0x6980] =	vst v1  }
0x19: {  	[tilespmem:$0x6A00] =	vst v1  }
0x1a: {  	[tilespmem:$0x6A80] =	vst v1  }
0x1b: {  	[tilespmem:$0x6B00] =	vst v1  }
0x1c: {  	[tilespmem:$0x6B80] =	vst v1  }
0x1d: {  	[tilespmem:$0x6C00] =	vst v1  }
0x1e: {  	[tilespmem:$0x6C80] =	vst v1  }
0x1f: {  	[tilespmem:$0x6D00] =	vst v1  }
0x20: {  	[tilespmem:$0x6D80] =	vst v1  }
0x21: {  	[tilespmem:$0x6E00] =	vst v1  }
0x22: {  	[tilespmem:$0x6E80] =	vst v1  }
0x23: {  	[tilespmem:$0x6F00] =	vst v1  }
0x24: {  	s14 =	sadd.s32 $0x0, s4;
	[tilespmem:$0x6F80] =	vst v1  }
0x25: {  	[spmem:s14] =	stream.linear.scatter [tilespmem:s8], [sflag:$0x1], $0x800, $0x38;
	[tilespmem:$0x9800] =	vst v63  }
0x26: {  	s14 =	simm.s32 $0x2000;
	_ =	swait.ge [sflag:s9], $0x800  }
.LBB2_4:
0x27: {  	s15 =	sshra.s32 s14, $0x2;
	[sflag:s9] =	ssyncset.done $0x0;
	p0 =	sne.s32 s14, $0x4E000  }
.Ltmp1:
0x28: {  	s15 =	sadd.s32 s15, s4;
	[sflag:s9] =	ssyncadd.s32 $0xFFFFF800;
	(pc) =	sbr.rel @p0 .LBB2_4-.Ltmp1, $3  }
0x29: {  	[spmem:s15] =	stream.linear.scatter [tilespmem:s8], [sflag:$0x1], $0x800, $0x38;
	[tilespmem:$0x9800] =	vst v63  }
0x2a: {  	s14 =	sadd.s32 $0x2000, s14;
	_ =	sdelay $0x1  }
0x2b: {  	_ =	swait.ge [sflag:s9], $0x800  }
0x2c: {  	[sflag:s9] =	ssyncset.done $0x0  }
0x2d: {  	[sflag:s9] =	ssyncadd.s32 $0xFFFFF800  }
0x2e: {  	s14 =	simm.s32 $0x0;
	[bflag:$0x0] =	sbarrier.arrive $0xFFFF  }
0x2f: {  	[tilespmem:s14], [sflag:$0x1] =	stream.linear.gather [hbm4b:s5+s14], $0x2780, $0x38;
	[tilespmem:$0x9800] =	vst v63  }
0x30: {  	_ =	swait.ge [sflag:s9], $0x2780  }
0x31: {  	[sflag:s9] =	ssyncset.done $0x0  }
0x32: {  	s31 =	simm.s32 $0x0;
	[sflag:s9] =	ssyncadd.s32 $0xFFFFD880  }
0x33: {  	[spmem:s1] =	stream.indirect.scatter.add.f32 [tilespmem:s11], [sflag:$0x1], $0x10, s31, s10, $0xb8;
	[tilespmem:$0x9800] =	vst v63  }
0x34: {  	_ =	swait.ge [sflag:s9], $0x800  }
0x35: {  	s14 =	simm.s32 $0x200;
	[sflag:s9] =	ssyncset.done $0x0  }
.LBB2_6:
0x36: {  	s15 =	sshra.s32 s14, $0x2;
	[sflag:s9] =	ssyncadd.s32 $0xFFFFF800;
	p0 =	sne.s32 s14, $0x9C00  }
0x37: {  	[spmem:s1] =	stream.indirect.scatter.add.f32 [tilespmem:s11], [sflag:$0x1], $0x10, s15, s10, $0xb8;
	[tilespmem:$0x9800] =	vst v63  }
.Ltmp2:
0x38: {  	_ = 	snop;
	(pc) =	sbr.rel @p0 .LBB2_6-.Ltmp2, $4  }
0x39: {  	_ = 	snop  }
0x3a: {  	s14 =	sadd.s32 $0x200, s14  }
0x3b: {  	_ =	swait.ge [sflag:s9], $0x800  }
0x3c: {  	[sflag:s9] =	ssyncset.done $0x0  }
0x3d: {  	s2 =	sadd.s32 $0x1, s2  }
0x3e: {  	[sflag:s9] =	ssyncadd.s32 $0xFFFFF800;
	p0 =	sne.s32 s2, s6  }
.Ltmp3:
0x3f: {  	[bflag:$0x0] =	sbarrier.arrive $0xFFFF;
	(pc) =	sbr.rel @p0 .LBB2_1-.Ltmp3, $4  }
0x40: {  	[hbm:s7], [sflag:s12] =	dma.local [spmem:s13], $0x2800  }
0x41: {  	_ =	swait.ge [sflag:s9], $0x2800  }
0x42: {  	[sflag:s9] =	ssyncset.done $0x0  }
0x43: {  	[sflag:s9] =	ssyncadd.s32 $0xFFFFD800  }
0x44: {  	_ =	sfence.sel $0x180000  }
0x45: {  	[bflag:$0x0] =	sbarrier.arrive $0xFFFF  }
0x46: {  	p0 =	sne.s32 s3, $0x0;
	_ =	strace $0x90000047  }
0x47: {  	s0 =	sadd.s32 @!p0 $0x100000, s0;
	[bflag:$0x2] =	sbarrier.arrive $0xFFFF  }
0x48: {  	[sflag:s0] =	ssyncadd.tile.s32 @!p0 $0x1;
	_ =	shalt  }
.Lfunc_end2:
_tile_overlayer_lowered:
.L_overlay_start_2:
0x49: {  	(tag) =	ssettag $0x2  }
0x4a: {  	s0 =	rddreg [dreg:$0x0];
	s2 =	stileid.u32  }
0x4b: {  	s1 =	rddreg [dreg:$0x1];
	p0 =	sne.s32 s2, $0x0  }
0x4c: {  	s3 =	rddreg [dreg:$0x2];
	[bflag:$0x3] =	sbarrier.arrive $0xFFFF;
	s2 =	simm.s32 @!p0 $0x1C01  }
0x4d: {  	[timem:s3], [sflag:s2] =	dma.local @!p0 [hbm:s0], s1  }
0x4e: {  	s0 =	simm.s32 @!p0 $0x1  }
0x4f: {  	_ =	swait.ge @!p0 [sflag:s0], s1  }
0x50: {  	s1 =	ssub.s32 @!p0 $0x0, s1;
	[sflag:s0] =	ssyncset.done @!p0 $0x0  }
0x51: {  	[sflag:s0] =	ssyncadd.s32 @!p0 s1  }
0x52: {  	[bflag:$0x3] =	sbarrier.arrive $0xFFFF  }
0x53: {  	_ =	shalt  }

// kernel: kernel.14.cloned.1.call-start
scs
__scs_entry_jumppad:
0x0: {  	(pc) =	sbr.rel $0x88, $3  }
0x1: {  	(tag) =	ssettag $0x0;
	lr =	simm.s32 $0x1  }
0x2: {  	[smem:$0x3F99] =	sst lr;
	_ =	strace $0xD0000000  }
0x3: {  	_ = 	snop  }
0x4: {  	_ = 	snop  }
0x5: {  	_ = 	snop  }
0x6: {  	_ = 	snop  }
0x7: {  	_ = 	snop  }
__scs_overlays_trampoline_lowered:
0x8: {  	[smem:$0x3FA8] =	sst s0  }
0x9: {  	[smem:$0x3FA9] =	sst s1  }
0xa: {  	[smem:$0x3FAA] =	sst s2  }
0xb: {  	[smem:$0x3FAB] =	sst s3  }
0xc: {  	[smem:$0x3FAC] =	sst s4  }
0xd: {  	[smem:$0x3FAD] =	sst s5  }
0xe: {  	[smem:$0x3FAE] =	sst s6  }
0xf: {  	[smem:$0x3FAF] =	sst s7  }
0x10: {  	[smem:$0x3FB0] =	sst s8  }
0x11: {  	[smem:$0x3FB1] =	sst s9;
	s0 =	simm.s32 @!p0 $0x0  }
0x12: {  	s1 =	sld [smem:$0x3F97];
	s0 =	simm.s32 @p0 $0x1  }
0x13: {  	[smem:$0x3FB2] =	sst s0;
	s0 =	simm.s32 @!p1 $0x0  }
0x14: {  	s2 =	sld [smem:$0x3F96];
	s0 =	simm.s32 @p1 $0x1  }
0x15: {  	[smem:$0x3FB3] =	sst s0;
	s0 =	simm.s32 @!p2 $0x0  }
0x16: {  	s3 =	sld [smem:$0x3FDB];
	s0 =	simm.s32 @p2 $0x1  }
0x17: {  	s4 =	simm.s32 $0x1BF5;
	[smem:$0x3FB5] =	sst s0  }
0x18: {  	s0 =	sld [smem:$0x3F98];
	_ =	swait.ge [sflag:s4], $0x0  }
0x19: {  	s7 =	sld [smem:$0x3F99]  }
0x1a: {  	s8 =	sadd.s32 $0xFFFFE003, lr  }
0x1b: {  	s9 =	sadd.s32 $0xFFFFFEF7, lr;
	s5 =	simm.s32 $0xFFFFFFFF;
	p2 =	slt.u32 s8, $0xFFFFF086  }
0x1c: {  	p1 =	slt.u32 s9, $0xF7A;
	s5 =	simm.s32 @!p2 $0x0  }
0x1d: {  	s5 =	simm.s32 @p1 $0x1;
	p0 =	seq.s32 s7, s2  }
0x1e: {  	s7 =	smul.u32 @!p0 $0xF7A, s2;
	p2 =	seq.s32 @!p0 s5, $0x0  }
0x1f: {  	s9 =	smul.u32 $0xF7A, s1;
	s8 =	simm.s32 @!p0 $0x1BF5;
	p2 =	por !p2, p0  }
0x20: {  	[sflag:s8] =	ssyncset.s32 @!p0 $0xFFFFF086;
	s6 =	sadd.s32 @!p0 s3, s7;
	s7 =	simm.s32 @!p0 $0x108  }
0x21: {  	s3 =	sadd.s32 s3, s9;
	s6 =	sadd.s32 @!p0 $0x88, s6;
	s7 =	simm.s32 @p2 $0x1082  }
0x22: {  	[simem:s7], [sflag:s8] =	dma.local @!p0 [hbm:s6], $0xF7A  }
0x23: {  	s9 =	sor.u32 $0xD0000000, s2;
	s6 =	simm.s32 $0x108;
	_ =	swait.ge @!p0 [sflag:s8], $0x0  }
0x24: {  	s3 =	sadd.s32 $0x88, s3;
	s6 =	simm.s32 @!p1 $0x1082;
	[sflag:s4] =	ssyncset.s32 $0xFFFFF086  }
0x25: {  	[simem:s6], [sflag:s4] =	dma.local [hbm:s3], $0xF7A  }
0x26: {  	[smem:$0x3F99] =	sst s1;
	(tag) =	ssettag s2;
	_ =	strace s9  }
0x27: {  	s1 =	sld [smem:$0x3FA9]  }
0x28: {  	s2 =	sld [smem:$0x3FAA]  }
0x29: {  	s4 =	sld [smem:$0x3FAC]  }
0x2a: {  	p0 =	seq.s32 s5, $0x0;
	s5 =	sld [smem:$0x3FAD]  }
0x2b: {  	s6 =	sld [smem:$0x3FAE]  }
0x2c: {  	s7 =	sld [smem:$0x3FAF]  }
0x2d: {  	s3 =	simm.s32 $0x108;
	s8 =	sld [smem:$0x3FB0]  }
0x2e: {  	s3 =	simm.s32 @!p0 $0x1082;
	s9 =	sld [smem:$0x3FB1]  }
0x2f: {  	lr =	sadd.s32 s0, s3;
	s0 =	sld [smem:$0x3FA8]  }
0x30: {  	s3 =	sld [smem:$0x3FAB]  }
0x31: {  	[smem:$0x3FB4] =	sst s10  }
0x32: {  	s10 =	sld [smem:$0x3FB2];
	_ =	sdelay $0x3  }
0x33: {  	p0 =	seq.s32 s10, $0x1;
	s10 =	sld [smem:$0x3FB4];
	_ =	sdelay $0x3  }
0x34: {  	[smem:$0x3FB4] =	sst s10  }
0x35: {  	s10 =	sld [smem:$0x3FB3];
	_ =	sdelay $0x3  }
0x36: {  	p1 =	seq.s32 s10, $0x1;
	s10 =	sld [smem:$0x3FB4];
	_ =	sdelay $0x3  }
0x37: {  	[smem:$0x3FB4] =	sst s10  }
0x38: {  	s10 =	sld [smem:$0x3FB5]  }
0x39: {  	_ = 	snop;
	(pc) =	sbr.ind lr, $3  }
0x3a: {  	_ = 	snop  }
0x3b: {  	_ = 	snop  }
0x3c: {  	p2 =	seq.s32 s10, $0x1;
	s10 =	sld [smem:$0x3FB4]  }
0x3d: {  	_ =	shalt  }
0x3e: {  	_ =	shalt  }
0x3f: {  	_ =	shalt  }
0x40: {  	_ =	shalt  }
0x41: {  	_ =	shalt  }
0x42: {  	_ =	shalt  }
0x43: {  	_ =	shalt  }
0x44: {  	_ =	shalt  }
0x45: {  	_ =	shalt  }
0x46: {  	_ =	shalt  }
0x47: {  	_ =	shalt  }
0x48: {  	_ =	shalt  }
0x49: {  	_ =	shalt  }
0x4a: {  	_ =	shalt  }
0x4b: {  	_ =	shalt  }
0x4c: {  	_ =	shalt  }
0x4d: {  	_ =	shalt  }
0x4e: {  	_ =	shalt  }
0x4f: {  	_ =	shalt  }
0x50: {  	_ =	shalt  }
0x51: {  	_ =	shalt  }
0x52: {  	_ =	shalt  }
0x53: {  	_ =	shalt  }
0x54: {  	_ =	shalt  }
0x55: {  	_ =	shalt  }
0x56: {  	_ =	shalt  }
0x57: {  	_ =	shalt  }
0x58: {  	_ =	shalt  }
0x59: {  	_ =	shalt  }
0x5a: {  	_ =	shalt  }
0x5b: {  	_ =	shalt  }
0x5c: {  	_ =	shalt  }
0x5d: {  	_ =	shalt  }
0x5e: {  	_ =	shalt  }
0x5f: {  	_ =	shalt  }
0x60: {  	_ =	shalt  }
0x61: {  	_ =	shalt  }
0x62: {  	_ =	shalt  }
0x63: {  	_ =	shalt  }
0x64: {  	_ =	shalt  }
0x65: {  	_ =	shalt  }
0x66: {  	_ =	shalt  }
0x67: {  	_ =	shalt  }
0x68: {  	_ =	shalt  }
0x69: {  	_ =	shalt  }
0x6a: {  	_ =	shalt  }
0x6b: {  	_ =	shalt  }
0x6c: {  	_ =	shalt  }
0x6d: {  	_ =	shalt  }
0x6e: {  	_ =	shalt  }
0x6f: {  	_ =	shalt  }
0x70: {  	_ =	shalt  }
0x71: {  	_ =	shalt  }
0x72: {  	_ =	shalt  }
0x73: {  	_ =	shalt  }
0x74: {  	_ =	shalt  }
0x75: {  	_ =	shalt  }
0x76: {  	_ =	shalt  }
0x77: {  	_ =	shalt  }
0x78: {  	_ =	shalt  }
0x79: {  	_ =	shalt  }
0x7a: {  	_ =	shalt  }
0x7b: {  	_ =	shalt  }
0x7c: {  	_ =	shalt  }
0x7d: {  	_ =	shalt  }
0x7e: {  	_ =	shalt  }
0x7f: {  	_ =	shalt  }
0x80: {  	_ =	shalt  }
0x81: {  	_ =	shalt  }
0x82: {  	_ =	shalt  }
0x83: {  	_ =	shalt  }
0x84: {  	_ =	shalt  }
0x85: {  	_ =	shalt  }
0x86: {  	_ =	shalt  }
0x87: {  	_ =	shalt  }
.Lfunc_end0:
.L_simem_size_0:
called_computation.1_lowered:
.L_overlay_start_0:
0x88: {  	s2 =	sld [smem:$0x3FD9]  }
0x89: {  	s3 =	sld [smem:$0x3FFE];
	_ =	sdelay $0x1  }
0x8a: {  	s1 =	srdreg.scid  }
0x8b: {  	s0 =	sand.u32 $0x1, s1  }
0x8c: {  	s17 =	sshll.u32 s0, $0xA;
	s2 =	sadd.s32 s3, s2  }
0x8d: {  	s2 =	sadd.s32 s2, s17  }
0x8e: {  	[smem:$0x3FC0] =	sst s2  }
0x8f: {  	_ = 	snop  }
0x90: {  	s2 =	sld [smem:$0x3FD0];
	(tm) =	ssettm $0x1  }
0x91: {  	s18 =	sld [smem:$0x3FFB];
	_ =	sdelay $0x3  }
0x92: {  	_ =	strace s18  }
0x93: {  	s3 =	sld [smem:$0x3FFC];
	_ =	sdelay $0x3  }
0x94: {  	_ =	strace s3  }
0x95: {  	s3 =	sld [smem:$0x3FFD];
	_ =	sdelay $0x3  }
0x96: {  	_ =	strace s3  }
0x97: {  	_ =	strace $0x8FFFFFFF  }
0x98: {  	s19 =	sld [smem:$0x3FDB];
	_ =	sdelay $0x1  }
0x99: {  	s4 =	simm.s32 $_scs_section_size  }
0x9a: {  	s5 =	simm.s32 $_size__tile_overlayer_lowered;
	s6 =	simm.s32 $_tile_overlayer_lowered  }
0x9b: {  	s22 =	simm.s32 $0x1BFF;
	s21 =	sshll.u32 s6, $0x1;
	s3 =	sadd.s32 s4, s19  }
0x9c: {  	s7 =	simm.s32 $0x0;
	s20 =	sshll.u32 s5, $0x1;
	s5 =	sadd.s32 s21, s3  }
0x9d: {  	[timem:s7], [sflag:s22] =	dma.local [hbm:s5], s20  }
0x9e: {  	_ =	swait.ge [sflag:s22], s20  }
0x9f: {  	s4 =	ssub.s32 $0x0, s20;
	[sflag:s22] =	ssyncset.done $0x0  }
0xa0: {  	[sflag:s22] =	ssyncadd.s32 s4;
	_ =	sdelay $0x1  }
0xa1: {  	s23 =	simm.s32 $0x1B8B  }
0xa2: {  	_ =	swait.ge [sflag:s23], $0x1  }
0xa3: {  	[sflag:s23] =	ssyncset.done $0x0  }
0xa4: {  	s25 =	simm.s32 $0x1B8E;
	s24 =	sld [smem:$0x3FFE];
	[sflag:s23] =	ssyncadd.s32 $0xFFFFFFFF  }
0xa5: {  	s26 =	simm.s32 $execute0_lowered;
	[smem:$0x3FD2] =	sst s25  }
0xa6: {  	s5 =	sshll.u32 s26, $0x1;
	_ =	strace $0x80000049;
	[dreg:$0x1] =	wrdreg $0xFFFFFFFF  }
0xa7: {  	s28 =	simm.s32 $_size_execute0_lowered;
	s3 =	sadd.s32 s3, s5;
	[dreg:$0x0] =	wrdreg $0x0  }
0xa8: {  	s5 =	sshll.u32 s28, $0x1;
	[dreg:$0x2] =	wrdreg s3  }
0xa9: {  	[dreg:$0x3] =	wrdreg s5  }
0xaa: {  	[dreg:$0x4] =	wrdreg $0xC0  }
0xab: {  	_ =	task [dreg:s7], $0x5FFFF  }
0xac: {  	[dreg:$0x1] =	wrdreg $0xFFFFFFFF  }
0xad: {  	[dreg:$0x0] =	wrdreg $0x60  }
0xae: {  	[dreg:$0x2] =	wrdreg s24  }
0xaf: {  	[dreg:$0x3] =	wrdreg s2  }
0xb0: {  	[dreg:$0x4] =	wrdreg $0xAA000  }
0xb1: {  	[dreg:$0x5] =	wrdreg $0x9  }
0xb2: {  	_ =	task.clear_ibuf [dreg:s7], $0x6FFFF;
	_ =	strace $0x90000049  }
0xb3: {  	s29 =	simm.s32 $0x9;
	_ =	strace $0x8000004B  }
0xb4: {  	_ =	swait.ge [sflag:s29], $0x1  }
0xb5: {  	[sflag:s29] =	ssyncadd.s32 $0xFFFFFFFF  }
0xb6: {  	_ =	strace $0x9000004B  }
0xb7: {  	_ =	sfence  }
0xb8: {  	s30 =	sld [smem:$0x0];
	_ =	sdelay $0x2  }
0xb9: {  	s31 =	sshll.u32 s1, $0xD;
	s1 =	sshrl.u32 s1, $0x2  }
0xba: {  	s3 =	sand.u32 $0x4000, s31;
	s1 =	sadd.s32 s1, s30  }
0xbb: {  	s0 =	sor.u32 s3, s0;
	s1 =	sshll.u32 s1, $0x11  }
0xbc: {  	s0 =	sor.u32 s1, s0  }
0xbd: {  	s0 =	sadd.s32 $0x8F2B, s0  }
0xbe: {  	[sflag:s0] =	ssyncadd.remote.s32 $0x1  }
0xbf: {  	_ =	sfence.sel $0xFFFF  }
0xc0: {  	[dreg:$0x0] =	wrdreg $0xFFFFFFFF;
	(pc) =	sbr.abs _section_cstart, $3  }
0xc1: {  	[dreg:$0x1] =	wrdreg $0xFFFFFFFF  }
0xc2: {  	_ =	task.clear_ibuf [dreg:s7], $0x2FFFF;
	_ =	strace $0x9FFFFFFF  }
0xc3: {  	(tm) =	ssettm $0x7FFFFFFF  }
tec
execute0_lowered:
.L_overlay_start_1:
0x0: {  	(tag) =	ssettag $0x1  }
0x1: {  	s0 =	rddreg [dreg:$0x0]  }
0x2: {  	s2 =	rddreg [dreg:$0x1]  }
0x3: {  	s1 =	rddreg [dreg:$0x2]  }
0x4: {  	s3 =	srdreg.scid;
	s6 =	simm.s32 $0x0;
	s25 =	stileid.u32  }
0x5: {  	s28 =	simm.s32 $0x80;
	s29 =	simm.s32 $0x4;
	s30 =	simm.s32 $0x6A00  }
0x6: {  	s5 =	sand.u32 $0x1, s3;
	[smem:$0x7FF] =	sst s6;
	s12 =	smul.u32 $0x50000, s25  }
0x7: {  	s8 =	sadd.s32 $0x5000, s0;
	s17 =	smul.u32 $0x4F, s25;
	s4 =	sshll.u32 s5, $0x4  }
0x8: {  	s18 =	smul.u32 $0x2800, s25;
	s9 =	ssub.s32 $0x2, s5;
	s26 =	sor.u32 s25, s4  }
0x9: {  	_ =	strace $0x8000004A;
	s11 =	sshrl.u32 s9, $0x1;
	s7 =	smul.u32 $0x2780, s26  }
0xa: {  	p0 =	seq.s32 s5, $0x1;
	s10 =	smul.u32 $0x380, s26;
	s9 =	ssub.s32 s9, s11  }
0xb: {  	s4 =	sadd.s32 $0x5EE00, s0;
	s6 =	smul.u32 $0x500, s26;
	s19 =	smax.u32 s9, $0x1  }
0xc: {  	s9 =	simm.s32 $0xAEE00;
	s13 =	sand.u32 $0x7FC00, s7;
	s10 =	sand.u32 $0x380, s10  }
0xd: {  	s2 =	sadd.s32 s2, s6;
	s7 =	sshrl.u32 s7, $0x3;
	[dreg:$0x9] =	wrdreg s19  }
0xe: {  	s9 =	simm.s32 @!p0 $0x86E00;
	[dreg:$0x4] =	wrdreg s2;
	s14 =	sadd.s32 s8, s7  }
0xf: {  	s11 =	sor.u32 s10, s13;
	s13 =	sshrl.u32 s12, $0x2;
	s7 =	sadd.s32 $0x10, s14  }
0x10: {  	s0 =	sadd.s32 s9, s0;
	s15 =	sadd.s32 $0x20, s14;
	[dreg:$0x6] =	wrdreg s7  }
0x11: {  	s2 =	sshrl.u32 s11, $0x3;
	s0 =	sadd.s32 s0, s18;
	[dreg:$0x7] =	wrdreg s15  }
0x12: {  	s6 =	sadd.s32 s13, s1;
	s2 =	sadd.s32 s8, s2;
	[dreg:$0xe] =	wrdreg s0  }
0x13: {  	s16 =	smul.u32 $0x4F0, s5;
	s20 =	sadd.s32 $0x4000, s6;
	[dreg:$0x5] =	wrdreg s2  }
0x14: {  	s31 =	simm.s32 $0x1;
	s2 =	sadd.s32 $0x30, s14;
	[dreg:$0xa] =	wrdreg s20  }
0x15: {  	s21 =	sadd.s32 $0x8000, s6;
	[dreg:$0x8] =	wrdreg s2;
	s2 =	sadd.s32 s17, s16  }
0x16: {  	s22 =	sadd.s32 $0xC000, s6;
	[dreg:$0xb] =	wrdreg s21;
	s2 =	sshll.u32 s2, $0x4  }
0x17: {  	s23 =	sadd.s32 $0x10000, s6;
	[dreg:$0xc] =	wrdreg s22;
	s2 =	sadd.s32 s2, s8  }
0x18: {  	s0 =	simm.s32 $0x5;
	[dreg:$0xd] =	wrdreg s23;
	s24 =	sadd.s32 $0x60, s2  }
0x19: {  	s21 =	simm.s32 $0x7;
	s25 =	sadd.s32 $0x50, s2;
	[dreg:$0xf] =	wrdreg s24  }
0x1a: {  	s22 =	simm.s32 $0x2A00;
	s26 =	sadd.s32 $0x40, s2;
	[dreg:$0x10] =	wrdreg s25  }
0x1b: {  	s13 =	sadd.s32 $0x70, s2;
	s2 =	simm.s32 $0x2;
	[dreg:$0x11] =	wrdreg s26  }
0x1c: {  	v0 =	vimm.f32 $0.0e+00;
	s24 =	simm.s32 $0x2880;
	s25 =	simm.s32 $0x2900;
	s26 =	simm.s32 $0x0  }
.LBB2_1:
0x1d: {  	s3 =	simm.s32 $0x0;
	s5 =	rddreg [dreg:$0x4]  }
0x1e: {  	[tilespmem:s3], [sflag:$0x7] =	stream.linear.gather [hbm4b:s5+s3], $0x2780, $0x38;
	[tilespmem:$0x1EA00] =	vst v63  }
0x1f: {  	s23 =	sand.u32 $0xFE00, s3;
	s7 =	sand.u32 $0x70, s3;
	_ =	swait.ge [sflag:s21], $0x2780  }
0x20: {  	s5 =	simm.s32 $0x40;
	s8 =	sshrl.u32 s23, $0x2;
	[sflag:s21] =	ssyncset.done $0x0  }
0x21: {  	s8 =	sor.u32 s7, s8;
	s7 =	simm.s32 $0x0;
	[sflag:s21] =	ssyncadd.s32 $0xFFFFD880  }
.LBB2_2:
0x22: {  	p0 =	sne.s32 s5, $0xFFC0  }
0x23: {  	[tilespmem:s8+$0x2A00] =	vst v0;
	s7 =	sadd.s32 $0x10, s7;
	s8 =	smov.u32 s5;
	s5 =	sadd.s32 $0x40, s5  }
.Ltmp0:
0x24: {  	(pc) =	sbr.rel @p0 .LBB2_2-.Ltmp0, $4  }
0x25: {  	_ = 	snop  }
0x26: {  	s8 =	sand.u32 $0xFE00, s8  }
0x27: {  	s9 =	sand.u32 $0x70, s7;
	s8 =	sshrl.u32 s8, $0x2  }
0x28: {  	s8 =	sor.u32 s9, s8  }
0x29: {  	[tilespmem:s8+$0x2A00] =	vst v0  }
0x2a: {  	[spmem:s6] =	stream.linear.scatter [tilespmem:s22], [sflag:$0x7], $0x4000, $0x38;
	[tilespmem:$0x1EA00] =	vst v63  }
0x2b: {  	_ =	swait.ge [sflag:s21], $0x4000  }
0x2c: {  	[sflag:s21] =	ssyncset.done $0x0  }
0x2d: {  	s3 =	rddreg [dreg:$0xa];
	[sflag:s21] =	ssyncadd.s32 $0xFFFFC000  }
0x2e: {  	[spmem:s3] =	stream.linear.scatter [tilespmem:s22], [sflag:$0x7], $0x4000, $0x38;
	[tilespmem:$0x1EA00] =	vst v63  }
0x2f: {  	_ =	swait.ge [sflag:s21], $0x4000  }
0x30: {  	[sflag:s21] =	ssyncset.done $0x0  }
0x31: {  	s8 =	rddreg [dreg:$0xb];
	[sflag:s21] =	ssyncadd.s32 $0xFFFFC000  }
0x32: {  	[spmem:s8] =	stream.linear.scatter [tilespmem:s22], [sflag:$0x7], $0x4000, $0x38;
	[tilespmem:$0x1EA00] =	vst v63  }
0x33: {  	_ =	swait.ge [sflag:s21], $0x4000  }
0x34: {  	[sflag:s21] =	ssyncset.done $0x0  }
0x35: {  	s9 =	rddreg [dreg:$0xc];
	[sflag:s21] =	ssyncadd.s32 $0xFFFFC000  }
0x36: {  	[spmem:s9] =	stream.linear.scatter [tilespmem:s22], [sflag:$0x7], $0x4000, $0x38;
	[tilespmem:$0x1EA00] =	vst v63  }
0x37: {  	_ =	swait.ge [sflag:s21], $0x4000  }
0x38: {  	[sflag:s21] =	ssyncset.done $0x0  }
0x39: {  	s10 =	rddreg [dreg:$0xd];
	[sflag:s21] =	ssyncadd.s32 $0xFFFFC000  }
0x3a: {  	[spmem:s10] =	stream.linear.scatter [tilespmem:s22], [sflag:$0x7], $0x4000, $0x38;
	[tilespmem:$0x1EA00] =	vst v63  }
0x3b: {  	_ =	swait.ge [sflag:s21], $0x4000  }
0x3c: {  	s5 =	simm.s32 $0x0;
	[sflag:s21] =	ssyncset.done $0x0  }
0x3d: {  	s12 =	simm.s32 $0x2800;
	s11 =	rddreg [dreg:$0x5];
	[sflag:s21] =	ssyncadd.s32 $0xFFFFC000  }
0x3e: {  	[tilespmem:s12], [sflag:$0x3] =	stream.linear.gather [hbm4b:s11+s5], $0x80, $0x38;
	[tilespmem:$0x1EA00] =	vst v63  }
0x3f: {  	s14 =	rddreg [dreg:$0x6]  }
0x40: {  	[tilespmem:s24], [sflag:$0x4] =	stream.linear.gather [hbm4b:s14+s5], $0x80, $0x38;
	[tilespmem:$0x1EA00] =	vst v63  }
0x41: {  	s15 =	rddreg [dreg:$0x7]  }
0x42: {  	[tilespmem:s25], [sflag:$0x5] =	stream.linear.gather [hbm4b:s15+s5], $0x80, $0x38;
	[tilespmem:$0x1EA00] =	vst v63  }
0x43: {  	s7 =	simm.s32 $0x2980;
	s17 =	simm.s32 $0x3;
	s16 =	rddreg [dreg:$0x8]  }
0x44: {  	[tilespmem:s7], [sflag:$0x6] =	stream.linear.gather [hbm4b:s16+s5], $0x80, $0x38;
	[tilespmem:$0x1EA00] =	vst v63  }
0x45: {  	_ =	swait.ge [sflag:s17], $0x80  }
0x46: {  	[sflag:s17] =	ssyncset.done $0x0  }
0x47: {  	[sflag:s17] =	ssyncadd.s32 $0xFFFFFF80  }
0x48: {  	[bflag:$0x0] =	sbarrier.arrive $0xFFFF  }
0x49: {  	[tilespmem:s22], [sflag:$0x1] =	stream.indirect.gather [hbm4b:s4+s28], $0x80, s12, s28, $0xb8;
	[tilespmem:$0x1EA00] =	vst v63  }
0x4a: {  	_ =	swait.ge [sflag:s29], $0x80  }
0x4b: {  	[sflag:s29] =	ssyncset.done $0x0  }
0x4c: {  	[sflag:s29] =	ssyncadd.s32 $0xFFFFFF80  }
0x4d: {  	[tilespmem:s30], [sflag:$0x2] =	stream.indirect.gather [hbm4b:s4+s28], $0x80, s24, s28, $0xb8;
	[tilespmem:$0x1EA00] =	vst v63  }
0x4e: {  	_ =	swait.ge [sflag:s31], $0x4000  }
0x4f: {  	[sflag:s31] =	ssyncset.done $0x0  }
0x50: {  	s18 =	simm.s32 $0x0;
	[sflag:s31] =	ssyncadd.s32 $0xFFFFC000  }
0x51: {  	[spmem:s1] =	stream.indirect.scatter.add.f32 [tilespmem:s22], [sflag:$0x7], $0x80, s18, s28, $0xb8;
	[tilespmem:$0x1EA00] =	vst v63  }
0x52: {  	p0 =	por $0x0, $0x0;
	_ =	swait.ge [sflag:s21], $0x4000  }
0x53: {  	s9 =	simm.s32 @!p0 $0x0;
	[sflag:s21] =	ssyncset.done $0x0  }
0x54: {  	s10 =	simm.s32 @!p0 $0x2800;
	s16 =	rddreg [dreg:$0x11];
	[sflag:s21] =	ssyncadd.s32 $0xFFFFC000  }
0x55: {  	[tilespmem:s10], [sflag:$0x3] =	stream.linear.gather @!p0 [hbm4b:s16+s9], $0x80, $0x38;
	[tilespmem:$0x1EA00] =	vst v63  }
0x56: {  	_ =	swait.ge [sflag:s0], $0x80  }
0x57: {  	[sflag:s0] =	ssyncset.done $0x0  }
0x58: {  	[sflag:s0] =	ssyncadd.s32 $0xFFFFFF80  }
0x59: {  	[tilespmem:s22], [sflag:$0x1] =	stream.indirect.gather [hbm4b:s4+s28], $0x80, s25, s28, $0xb8;
	[tilespmem:$0x1EA00] =	vst v63  }
0x5a: {  	_ =	swait.ge [sflag:s2], $0x4000  }
0x5b: {  	[sflag:s2] =	ssyncset.done $0x0  }
0x5c: {  	s19 =	simm.s32 $0x80;
	p1 =	por @!p0 $0x0, $0x0;
	[sflag:s2] =	ssyncadd.s32 $0xFFFFC000  }
0x5d: {  	[spmem:s1] =	stream.indirect.scatter.add.f32 [tilespmem:s30], [sflag:$0x7], $0x80, s19, s28, $0xb8;
	[tilespmem:$0x1EA00] =	vst v63  }
0x5e: {  	s20 =	smov.u32 s6;
	p2 =	por p1, p0;
	_ =	swait.ge [sflag:s21], $0x4000  }
0x5f: {  	p4 =	por @!p0 $0x0, $0x0;
	s8 =	simm.s32 @!p2 $0x6;
	[sflag:s21] =	ssyncset.done $0x0  }
0x60: {  	s7 =	simm.s32 @!p0 $0x2880;
	s6 =	rddreg [dreg:$0x10];
	[sflag:s21] =	ssyncadd.s32 $0xFFFFC000  }
0x61: {  	[tilespmem:s7], [sflag:$0x4] =	stream.linear.gather @!p0 [hbm4b:s6+s9], $0x80, $0x38;
	[tilespmem:$0x1EA00] =	vst v63  }
0x62: {  	p1 =	por !p1, p0;
	p3 =	por @!p2 $0x1, $0x1;
	_ =	swait.ge @!p2 [sflag:s8], $0x80  }
0x63: {  	p3 =	por @!p1 p4, p4;
	s14 =	simm.s32 @!p2 $0x80;
	[sflag:s8] =	ssyncset.done @!p2 $0x0  }
0x64: {  	s15 =	simm.s32 @!p2 $0x2980;
	s7 =	simm.s32 @!p2 $0x6A00;
	[sflag:s8] =	ssyncadd.s32 @!p2 $0xFFFFFF80  }
0x65: {  	[tilespmem:s7], [sflag:$0x2] =	stream.indirect.gather @!p2 [hbm4b:s4+s14], $0x80, s15, s14, $0xb8;
	[tilespmem:$0x1EA00] =	vst v63  }
0x66: {  	s11 =	simm.s32 $0x600;
	s12 =	simm.s32 @!p0 $0x400;
	_ =	swait.ge [sflag:s31], $0x4000  }
0x67: {  	s11 =	simm.s32 @!p1 $0x9E00;
	s12 =	simm.s32 @p0 $0x9C00;
	[sflag:s31] =	ssyncset.done $0x0  }
0x68: {  	p1 =	por $0x0, $0x0;
	s23 =	sshra.s32 s12, $0x2;
	[sflag:s31] =	ssyncadd.s32 $0xFFFFC000  }
0x69: {  	[spmem:s1] =	stream.indirect.scatter.add.f32 [tilespmem:s22], [sflag:$0x7], $0x80, s23, s28, $0xb8;
	[tilespmem:$0x1EA00] =	vst v63  }
0x6a: {  	s11 =	simm.s32 @p0 $0x9E00;
	s17 =	smov.u32 s13;
	_ =	swait.ge [sflag:s21], $0x4000  }
0x6b: {  	s12 =	simm.s32 @!p0 $0x2900;
	s8 =	simm.s32 $0x7;
	[sflag:s21] =	ssyncset.done $0x0  }
0x6c: {  	s14 =	simm.s32 @!p0 $0x3;
	s3 =	rddreg [dreg:$0xf];
	[sflag:s21] =	ssyncadd.s32 $0xFFFFC000  }
0x6d: {  	[tilespmem:s12], [sflag:$0x5] =	stream.linear.gather @!p0 [hbm4b:s3+s9], $0x80, $0x38;
	[tilespmem:$0x1EA00] =	vst v63  }
0x6e: {  	s7 =	simm.s32 $0xE00;
	p2 =	por $0x0, $0x0;
	_ =	swait.ge @!p0 [sflag:s14], $0x80  }
0x6f: {  	s15 =	simm.s32 @!p0 $0x80;
	p2 =	por @!p0 p3, p3;
	[sflag:s14] =	ssyncset.done @!p0 $0x0  }
0x70: {  	s12 =	simm.s32 @!p0 $0x2A00;
	[sflag:s14] =	ssyncadd.s32 @!p0 $0xFFFFFF80;
	s14 =	simm.s32 @p2 $0x2  }
0x71: {  	[tilespmem:s12], [sflag:$0x1] =	stream.indirect.gather @!p0 [hbm4b:s4+s15], $0x80, s10, s15, $0xb8;
	[tilespmem:$0x1EA00] =	vst v63  }
0x72: {  	s9 =	sadd.s32 $0x40, s16;
	s16 =	sshra.s32 @p2 s11, $0x2;
	_ =	swait.ge @p2 [sflag:s14], $0x4000  }
0x73: {  	s11 =	sadd.s32 $0x40, s3;
	s12 =	simm.s32 @p2 $0x80;
	[sflag:s14] =	ssyncset.done @p2 $0x0  }
0x74: {  	s15 =	simm.s32 @p2 $0x6A00;
	[sflag:s14] =	ssyncadd.s32 @p2 $0xFFFFC000;
	s14 =	simm.s32 @p2 $0x7  }
0x75: {  	[spmem:s1] =	stream.indirect.scatter.add.f32 @p2 [tilespmem:s15], [sflag:$0x7], $0x80, s16, s12, $0xb8;
	[tilespmem:$0x1EA00] =	vst v63  }
0x76: {  	s10 =	sadd.s32 $0x40, s6;
	s12 =	sadd.s32 $0x40, s13;
	_ =	swait.ge @p2 [sflag:s14], $0x4000  }
0x77: {  	s15 =	simm.s32 @!p1 $0x0;
	s16 =	simm.s32 @!p1 $0x2980;
	[sflag:s14] =	ssyncset.done @p2 $0x0  }
.LBB2_4:
0x78: {  	[sflag:s14] =	ssyncadd.s32 @p2 $0xFFFFC000  }
0x79: {  	s5 =	sadd.s32 $0x1, s5;
	s14 =	smov.u32 s7;
	s7 =	sadd.s32 $0x800, s7  }
0x7a: {  	[tilespmem:s16], [sflag:$0x6] =	stream.linear.gather @!p1 [hbm4b:s17+s15], $0x80, $0x38;
	[tilespmem:$0x1EA00] =	vst v63  }
0x7b: {  	p0 =	sne.s32 s7, $0xA600;
	s17 =	smov.u32 s12;
	_ =	swait.ge [sflag:s29], $0x80  }
0x7c: {  	[sflag:s29] =	ssyncset.done $0x0  }
0x7d: {  	[sflag:s29] =	ssyncadd.s32 $0xFFFFFF80  }
0x7e: {  	[tilespmem:s30], [sflag:$0x2] =	stream.indirect.gather [hbm4b:s4+s28], $0x80, s24, s28, $0xb8;
	[tilespmem:$0x1EA00] =	vst v63  }
0x7f: {  	s23 =	sshra.s32 s14, $0x2;
	_ =	swait.ge [sflag:s31], $0x4000  }
0x80: {  	s15 =	sadd.s32 $0xFFFFFE80, s23;
	[sflag:s31] =	ssyncset.done $0x0  }
0x81: {  	[sflag:s31] =	ssyncadd.s32 $0xFFFFC000  }
0x82: {  	[spmem:s1] =	stream.indirect.scatter.add.f32 [tilespmem:s22], [sflag:$0x7], $0x80, s15, s28, $0xb8;
	[tilespmem:$0x1EA00] =	vst v63  }
0x83: {  	p1 =	seq.s32 s14, $0x9E00;
	_ =	swait.ge [sflag:s21], $0x4000  }
0x84: {  	s16 =	simm.s32 @!p1 $0x0;
	s15 =	simm.s32 @!p1 $0x2800;
	[sflag:s21] =	ssyncset.done $0x0  }
0x85: {  	s3 =	sadd.s32 @!p1 $0xFFFFFE00, s14;
	[sflag:s21] =	ssyncadd.s32 $0xFFFFC000  }
0x86: {  	[tilespmem:s15], [sflag:$0x3] =	stream.linear.gather @!p1 [hbm4b:s9+s16], $0x80, $0x38;
	[tilespmem:$0x1EA00] =	vst v63  }
0x87: {  	s3 =	simm.s32 @p1 $0x9C00;
	_ =	swait.ge [sflag:s0], $0x80  }
0x88: {  	[sflag:s0] =	ssyncset.done $0x0  }
0x89: {  	[sflag:s0] =	ssyncadd.s32 $0xFFFFFF80  }
0x8a: {  	[tilespmem:s22], [sflag:$0x1] =	stream.indirect.gather [hbm4b:s4+s28], $0x80, s25, s28, $0xb8;
	[tilespmem:$0x1EA00] =	vst v63  }
0x8b: {  	_ =	swait.ge [sflag:s2], $0x4000  }
0x8c: {  	s23 =	sadd.s32 $0xFFFFFF00, s23;
	[sflag:s2] =	ssyncset.done $0x0  }
0x8d: {  	[sflag:s2] =	ssyncadd.s32 $0xFFFFC000  }
0x8e: {  	[spmem:s1] =	stream.indirect.scatter.add.f32 [tilespmem:s30], [sflag:$0x7], $0x80, s23, s28, $0xb8;
	[tilespmem:$0x1EA00] =	vst v63  }
0x8f: {  	p5 =	sgt.u32 @!p1 s8, $0x4E;
	p2 =	por @!p1 $0x0, $0x0;
	_ =	swait.ge [sflag:s21], $0x4000  }
0x90: {  	p4 =	por p5, p1;
	s23 =	simm.s32 @!p1 $0x2880;
	[sflag:s21] =	ssyncset.done $0x0  }
0x91: {  	s6 =	simm.s32 @!p4 $0x6;
	p3 =	por @!p4 $0x1, $0x1;
	[sflag:s21] =	ssyncadd.s32 $0xFFFFC000  }
0x92: {  	[tilespmem:s23], [sflag:$0x4] =	stream.linear.gather @!p1 [hbm4b:s10+s16], $0x80, $0x38;
	[tilespmem:$0x1EA00] =	vst v63  }
0x93: {  	p5 =	por !p5, p1;
	s23 =	simm.s32 @!p4 $0x6A00;
	_ =	swait.ge @!p4 [sflag:s6], $0x80  }
0x94: {  	s18 =	simm.s32 @!p4 $0x80;
	s19 =	simm.s32 @!p4 $0x2980;
	[sflag:s6] =	ssyncset.done @!p4 $0x0  }
0x95: {  	s14 =	simm.s32 @!p5 $0x9E00;
	p3 =	por @!p5 p2, p2;
	[sflag:s6] =	ssyncadd.s32 @!p4 $0xFFFFFF80  }
0x96: {  	[tilespmem:s23], [sflag:$0x2] =	stream.indirect.gather @!p4 [hbm4b:s4+s18], $0x80, s19, s18, $0xb8;
	[tilespmem:$0x1EA00] =	vst v63  }
0x97: {  	s14 =	simm.s32 @p1 $0x9E00;
	_ =	swait.ge [sflag:s31], $0x4000  }
0x98: {  	s3 =	sshra.s32 s3, $0x2;
	[sflag:s31] =	ssyncset.done $0x0  }
0x99: {  	[sflag:s31] =	ssyncadd.s32 $0xFFFFC000  }
0x9a: {  	[spmem:s1] =	stream.indirect.scatter.add.f32 [tilespmem:s22], [sflag:$0x7], $0x80, s3, s28, $0xb8;
	[tilespmem:$0x1EA00] =	vst v63  }
0x9b: {  	_ =	swait.ge [sflag:s21], $0x4000  }
0x9c: {  	s8 =	sadd.s32 $0x4, s8;
	s3 =	simm.s32 @!p1 $0x2900;
	[sflag:s21] =	ssyncset.done $0x0  }
0x9d: {  	p2 =	por $0x0, $0x0;
	s6 =	simm.s32 @!p1 $0x3;
	[sflag:s21] =	ssyncadd.s32 $0xFFFFC000  }
0x9e: {  	[tilespmem:s3], [sflag:$0x5] =	stream.linear.gather @!p1 [hbm4b:s11+s16], $0x80, $0x38;
	[tilespmem:$0x1EA00] =	vst v63  }
0x9f: {  	s9 =	sadd.s32 $0x40, s9;
	s3 =	simm.s32 @!p1 $0x2A00;
	_ =	swait.ge @!p1 [sflag:s6], $0x80  }
0xa0: {  	p2 =	por @!p1 p3, p3;
	s16 =	simm.s32 @!p1 $0x80;
	[sflag:s6] =	ssyncset.done @!p1 $0x0  }
0xa1: {  	s10 =	sadd.s32 $0x40, s10;
	[sflag:s6] =	ssyncadd.s32 @!p1 $0xFFFFFF80;
	s6 =	simm.s32 @p2 $0x2  }
0xa2: {  	[tilespmem:s3], [sflag:$0x1] =	stream.indirect.gather @!p1 [hbm4b:s4+s16], $0x80, s15, s16, $0xb8;
	[tilespmem:$0x1EA00] =	vst v63  }
0xa3: {  	s3 =	simm.s32 @p2 $0x80;
	s15 =	simm.s32 @p2 $0x6A00;
	_ =	swait.ge @p2 [sflag:s6], $0x4000  }
.Ltmp1:
0xa4: {  	s16 =	sshra.s32 @p2 s14, $0x2;
	[sflag:s6] =	ssyncset.done @p2 $0x0;
	(pc) =	sbr.rel @p0 .LBB2_4-.Ltmp1, $4  }
0xa5: {  	s11 =	sadd.s32 $0x40, s11;
	s14 =	simm.s32 @p2 $0x7;
	[sflag:s6] =	ssyncadd.s32 @p2 $0xFFFFC000  }
0xa6: {  	[spmem:s1] =	stream.indirect.scatter.add.f32 @p2 [tilespmem:s15], [sflag:$0x7], $0x80, s16, s3, $0xb8;
	[tilespmem:$0x1EA00] =	vst v63  }
0xa7: {  	s12 =	sadd.s32 $0x40, s12;
	p1 =	sgt.u32 s5, $0x11;
	_ =	swait.ge @p2 [sflag:s14], $0x4000  }
0xa8: {  	s15 =	simm.s32 @!p1 $0x0;
	s16 =	simm.s32 @!p1 $0x2980;
	[sflag:s14] =	ssyncset.done @p2 $0x0  }
0xa9: {  	[sflag:s14] =	ssyncadd.s32 @p2 $0xFFFFC000;
	s3 =	stileid.u32  }
0xaa: {  	[tilespmem:s16], [sflag:$0x6] =	stream.linear.gather @!p1 [hbm4b:s17+s15], $0x80, $0x38;
	[tilespmem:$0x1EA00] =	vst v63  }
0xab: {  	s3 =	sshll.u32 s3, $0x6;
	[bflag:$0x0] =	sbarrier.arrive $0xFFFF  }
0xac: {  	s5 =	sshrl.u32 s20, $0x3;
	s3 =	sor.u32 $0x1C07, s3;
	s7 =	rddreg [dreg:$0xe]  }
0xad: {  	[hbm:s7], [sflag:s3] =	dma.local [spmem:s5], $0x2800  }
0xae: {  	_ =	swait.ge [sflag:s21], $0x2800  }
0xaf: {  	s26 =	sadd.s32 $0x1, s26;
	s23 =	rddreg [dreg:$0x9]  }
0xb0: {  	p0 =	sne.s32 s26, s23  }
.Ltmp2:
0xb1: {  	_ = 	snop;
	(pc) =	sbr.rel @p0 .LBB2_1-.Ltmp2, $3  }
0xb2: {  	_ =	sdelay $0x1  }
0xb3: {  	[sflag:s21] =	ssyncset.done $0x0  }
0xb4: {  	s6 =	smov.u32 s20;
	[sflag:s21] =	ssyncadd.s32 $0xFFFFD800  }
0xb5: {  	_ =	sfence.sel $0x180000  }
0xb6: {  	[bflag:$0x0] =	sbarrier.arrive $0xFFFF  }
0xb7: {  	_ =	strace $0x9000004A  }
0xb8: {  	s0 =	stileid.u32;
	[bflag:$0x2] =	sbarrier.arrive $0xFFFF  }
0xb9: {  	p0 =	sne.s32 s0, $0x0;
	s0 =	rddreg [dreg:$0x3]  }
0xba: {  	s0 =	sadd.s32 @!p0 $0x100000, s0  }
0xbb: {  	[sflag:s0] =	ssyncadd.tile.s32 @!p0 $0x1;
	_ =	shalt  }
.Lfunc_end2:
_tile_overlayer_lowered:
.L_overlay_start_2:
0xbc: {  	(tag) =	ssettag $0x2  }
0xbd: {  	s0 =	rddreg [dreg:$0x0];
	s2 =	stileid.u32  }
0xbe: {  	s1 =	rddreg [dreg:$0x1];
	p0 =	sne.s32 s2, $0x0  }
0xbf: {  	s3 =	rddreg [dreg:$0x2];
	[bflag:$0x3] =	sbarrier.arrive $0xFFFF;
	s2 =	simm.s32 @!p0 $0x1C07  }
0xc0: {  	[timem:s3], [sflag:s2] =	dma.local @!p0 [hbm:s0], s1  }
0xc1: {  	s0 =	simm.s32 @!p0 $0x7  }
0xc2: {  	_ =	swait.ge @!p0 [sflag:s0], s1  }
0xc3: {  	s1 =	ssub.s32 @!p0 $0x0, s1;
	[sflag:s0] =	ssyncset.done @!p0 $0x0  }
0xc4: {  	[sflag:s0] =	ssyncadd.s32 @!p0 s1  }
0xc5: {  	[bflag:$0x3] =	sbarrier.arrive $0xFFFF  }
0xc6: {  	_ =	shalt  }

// kernel: kernel.17.cloned.1.call-start
scs
__scs_entry_jumppad:
0x0: {  	(pc) =	sbr.rel $0x88, $3  }
0x1: {  	(tag) =	ssettag $0x0;
	lr =	simm.s32 $0x1  }
0x2: {  	[smem:$0x3F99] =	sst lr;
	_ =	strace $0xD0000000  }
0x3: {  	_ = 	snop  }
0x4: {  	_ = 	snop  }
0x5: {  	_ = 	snop  }
0x6: {  	_ = 	snop  }
0x7: {  	_ = 	snop  }
__scs_overlays_trampoline_lowered:
0x8: {  	[smem:$0x3FA8] =	sst s0  }
0x9: {  	[smem:$0x3FA9] =	sst s1  }
0xa: {  	[smem:$0x3FAA] =	sst s2  }
0xb: {  	[smem:$0x3FAB] =	sst s3  }
0xc: {  	[smem:$0x3FAC] =	sst s4  }
0xd: {  	[smem:$0x3FAD] =	sst s5  }
0xe: {  	[smem:$0x3FAE] =	sst s6  }
0xf: {  	[smem:$0x3FAF] =	sst s7  }
0x10: {  	[smem:$0x3FB0] =	sst s8  }
0x11: {  	[smem:$0x3FB1] =	sst s9;
	s0 =	simm.s32 @!p0 $0x0  }
0x12: {  	s1 =	sld [smem:$0x3F97];
	s0 =	simm.s32 @p0 $0x1  }
0x13: {  	[smem:$0x3FB2] =	sst s0;
	s0 =	simm.s32 @!p1 $0x0  }
0x14: {  	s2 =	sld [smem:$0x3F96];
	s0 =	simm.s32 @p1 $0x1  }
0x15: {  	[smem:$0x3FB3] =	sst s0;
	s0 =	simm.s32 @!p2 $0x0  }
0x16: {  	s3 =	sld [smem:$0x3FDB];
	s0 =	simm.s32 @p2 $0x1  }
0x17: {  	s4 =	simm.s32 $0x1BF5;
	[smem:$0x3FB5] =	sst s0  }
0x18: {  	s0 =	sld [smem:$0x3F98];
	_ =	swait.ge [sflag:s4], $0x0  }
0x19: {  	s7 =	sld [smem:$0x3F99]  }
0x1a: {  	s8 =	sadd.s32 $0xFFFFE003, lr  }
0x1b: {  	s9 =	sadd.s32 $0xFFFFFEF7, lr;
	s5 =	simm.s32 $0xFFFFFFFF;
	p2 =	slt.u32 s8, $0xFFFFF086  }
0x1c: {  	p1 =	slt.u32 s9, $0xF7A;
	s5 =	simm.s32 @!p2 $0x0  }
0x1d: {  	s5 =	simm.s32 @p1 $0x1;
	p0 =	seq.s32 s7, s2  }
0x1e: {  	s7 =	smul.u32 @!p0 $0xF7A, s2;
	p2 =	seq.s32 @!p0 s5, $0x0  }
0x1f: {  	s9 =	smul.u32 $0xF7A, s1;
	s8 =	simm.s32 @!p0 $0x1BF5;
	p2 =	por !p2, p0  }
0x20: {  	[sflag:s8] =	ssyncset.s32 @!p0 $0xFFFFF086;
	s6 =	sadd.s32 @!p0 s3, s7;
	s7 =	simm.s32 @!p0 $0x108  }
0x21: {  	s3 =	sadd.s32 s3, s9;
	s6 =	sadd.s32 @!p0 $0x88, s6;
	s7 =	simm.s32 @p2 $0x1082  }
0x22: {  	[simem:s7], [sflag:s8] =	dma.local @!p0 [hbm:s6], $0xF7A  }
0x23: {  	s9 =	sor.u32 $0xD0000000, s2;
	s6 =	simm.s32 $0x108;
	_ =	swait.ge @!p0 [sflag:s8], $0x0  }
0x24: {  	s3 =	sadd.s32 $0x88, s3;
	s6 =	simm.s32 @!p1 $0x1082;
	[sflag:s4] =	ssyncset.s32 $0xFFFFF086  }
0x25: {  	[simem:s6], [sflag:s4] =	dma.local [hbm:s3], $0xF7A  }
0x26: {  	[smem:$0x3F99] =	sst s1;
	(tag) =	ssettag s2;
	_ =	strace s9  }
0x27: {  	s1 =	sld [smem:$0x3FA9]  }
0x28: {  	s2 =	sld [smem:$0x3FAA]  }
0x29: {  	s4 =	sld [smem:$0x3FAC]  }
0x2a: {  	p0 =	seq.s32 s5, $0x0;
	s5 =	sld [smem:$0x3FAD]  }
0x2b: {  	s6 =	sld [smem:$0x3FAE]  }
0x2c: {  	s7 =	sld [smem:$0x3FAF]  }
0x2d: {  	s3 =	simm.s32 $0x108;
	s8 =	sld [smem:$0x3FB0]  }
0x2e: {  	s3 =	simm.s32 @!p0 $0x1082;
	s9 =	sld [smem:$0x3FB1]  }
0x2f: {  	lr =	sadd.s32 s0, s3;
	s0 =	sld [smem:$0x3FA8]  }
0x30: {  	s3 =	sld [smem:$0x3FAB]  }
0x31: {  	[smem:$0x3FB4] =	sst s10  }
0x32: {  	s10 =	sld [smem:$0x3FB2];
	_ =	sdelay $0x3  }
0x33: {  	p0 =	seq.s32 s10, $0x1;
	s10 =	sld [smem:$0x3FB4];
	_ =	sdelay $0x3  }
0x34: {  	[smem:$0x3FB4] =	sst s10  }
0x35: {  	s10 =	sld [smem:$0x3FB3];
	_ =	sdelay $0x3  }
0x36: {  	p1 =	seq.s32 s10, $0x1;
	s10 =	sld [smem:$0x3FB4];
	_ =	sdelay $0x3  }
0x37: {  	[smem:$0x3FB4] =	sst s10  }
0x38: {  	s10 =	sld [smem:$0x3FB5]  }
0x39: {  	_ = 	snop;
	(pc) =	sbr.ind lr, $3  }
0x3a: {  	_ = 	snop  }
0x3b: {  	_ = 	snop  }
0x3c: {  	p2 =	seq.s32 s10, $0x1;
	s10 =	sld [smem:$0x3FB4]  }
0x3d: {  	_ =	shalt  }
0x3e: {  	_ =	shalt  }
0x3f: {  	_ =	shalt  }
0x40: {  	_ =	shalt  }
0x41: {  	_ =	shalt  }
0x42: {  	_ =	shalt  }
0x43: {  	_ =	shalt  }
0x44: {  	_ =	shalt  }
0x45: {  	_ =	shalt  }
0x46: {  	_ =	shalt  }
0x47: {  	_ =	shalt  }
0x48: {  	_ =	shalt  }
0x49: {  	_ =	shalt  }
0x4a: {  	_ =	shalt  }
0x4b: {  	_ =	shalt  }
0x4c: {  	_ =	shalt  }
0x4d: {  	_ =	shalt  }
0x4e: {  	_ =	shalt  }
0x4f: {  	_ =	shalt  }
0x50: {  	_ =	shalt  }
0x51: {  	_ =	shalt  }
0x52: {  	_ =	shalt  }
0x53: {  	_ =	shalt  }
0x54: {  	_ =	shalt  }
0x55: {  	_ =	shalt  }
0x56: {  	_ =	shalt  }
0x57: {  	_ =	shalt  }
0x58: {  	_ =	shalt  }
0x59: {  	_ =	shalt  }
0x5a: {  	_ =	shalt  }
0x5b: {  	_ =	shalt  }
0x5c: {  	_ =	shalt  }
0x5d: {  	_ =	shalt  }
0x5e: {  	_ =	shalt  }
0x5f: {  	_ =	shalt  }
0x60: {  	_ =	shalt  }
0x61: {  	_ =	shalt  }
0x62: {  	_ =	shalt  }
0x63: {  	_ =	shalt  }
0x64: {  	_ =	shalt  }
0x65: {  	_ =	shalt  }
0x66: {  	_ =	shalt  }
0x67: {  	_ =	shalt  }
0x68: {  	_ =	shalt  }
0x69: {  	_ =	shalt  }
0x6a: {  	_ =	shalt  }
0x6b: {  	_ =	shalt  }
0x6c: {  	_ =	shalt  }
0x6d: {  	_ =	shalt  }
0x6e: {  	_ =	shalt  }
0x6f: {  	_ =	shalt  }
0x70: {  	_ =	shalt  }
0x71: {  	_ =	shalt  }
0x72: {  	_ =	shalt  }
0x73: {  	_ =	shalt  }
0x74: {  	_ =	shalt  }
0x75: {  	_ =	shalt  }
0x76: {  	_ =	shalt  }
0x77: {  	_ =	shalt  }
0x78: {  	_ =	shalt  }
0x79: {  	_ =	shalt  }
0x7a: {  	_ =	shalt  }
0x7b: {  	_ =	shalt  }
0x7c: {  	_ =	shalt  }
0x7d: {  	_ =	shalt  }
0x7e: {  	_ =	shalt  }
0x7f: {  	_ =	shalt  }
0x80: {  	_ =	shalt  }
0x81: {  	_ =	shalt  }
0x82: {  	_ =	shalt  }
0x83: {  	_ =	shalt  }
0x84: {  	_ =	shalt  }
0x85: {  	_ =	shalt  }
0x86: {  	_ =	shalt  }
0x87: {  	_ =	shalt  }
.Lfunc_end0:
.L_simem_size_0:
called_computation.2_lowered:
.L_overlay_start_0:
0x88: {  	s2 =	sld [smem:$0x3FD9]  }
0x89: {  	s3 =	sld [smem:$0x3FFE];
	_ =	sdelay $0x1  }
0x8a: {  	s1 =	srdreg.scid  }
0x8b: {  	s0 =	sand.u32 $0x1, s1  }
0x8c: {  	s17 =	sshll.u32 s0, $0xA;
	s2 =	sadd.s32 s3, s2  }
0x8d: {  	s2 =	sadd.s32 s2, s17  }
0x8e: {  	[smem:$0x3FC0] =	sst s2  }
0x8f: {  	_ = 	snop  }
0x90: {  	s2 =	sld [smem:$0x3FD0];
	(tm) =	ssettm $0x1  }
0x91: {  	s18 =	sld [smem:$0x3FFB];
	_ =	sdelay $0x3  }
0x92: {  	_ =	strace s18  }
0x93: {  	s3 =	sld [smem:$0x3FFC];
	_ =	sdelay $0x3  }
0x94: {  	_ =	strace s3  }
0x95: {  	s3 =	sld [smem:$0x3FFD];
	_ =	sdelay $0x3  }
0x96: {  	_ =	strace s3  }
0x97: {  	_ =	strace $0x8FFFFFFF  }
0x98: {  	s19 =	sld [smem:$0x3FDB];
	_ =	sdelay $0x1  }
0x99: {  	s4 =	simm.s32 $_scs_section_size  }
0x9a: {  	s5 =	simm.s32 $_size__tile_overlayer_lowered;
	s6 =	simm.s32 $_tile_overlayer_lowered  }
0x9b: {  	s22 =	simm.s32 $0x1BFF;
	s21 =	sshll.u32 s6, $0x1;
	s3 =	sadd.s32 s4, s19  }
0x9c: {  	s7 =	simm.s32 $0x0;
	s20 =	sshll.u32 s5, $0x1;
	s5 =	sadd.s32 s21, s3  }
0x9d: {  	[timem:s7], [sflag:s22] =	dma.local [hbm:s5], s20  }
0x9e: {  	_ =	swait.ge [sflag:s22], s20  }
0x9f: {  	s4 =	ssub.s32 $0x0, s20;
	[sflag:s22] =	ssyncset.done $0x0  }
0xa0: {  	[sflag:s22] =	ssyncadd.s32 s4;
	_ =	sdelay $0x1  }
0xa1: {  	s23 =	simm.s32 $0x1B8B  }
0xa2: {  	_ =	swait.ge [sflag:s23], $0x1  }
0xa3: {  	[sflag:s23] =	ssyncset.done $0x0  }
0xa4: {  	s25 =	simm.s32 $0x1B8E;
	s24 =	sld [smem:$0x3FFE];
	[sflag:s23] =	ssyncadd.s32 $0xFFFFFFFF  }
0xa5: {  	s26 =	simm.s32 $execute0_lowered;
	[smem:$0x3FD2] =	sst s25  }
0xa6: {  	s5 =	sshll.u32 s26, $0x1;
	_ =	strace $0x8000004C;
	[dreg:$0x1] =	wrdreg $0xFFFFFFFF  }
0xa7: {  	s28 =	simm.s32 $_size_execute0_lowered;
	s3 =	sadd.s32 s3, s5;
	[dreg:$0x0] =	wrdreg $0x0  }
0xa8: {  	s5 =	sshll.u32 s28, $0x1;
	[dreg:$0x2] =	wrdreg s3  }
0xa9: {  	[dreg:$0x3] =	wrdreg s5  }
0xaa: {  	[dreg:$0x4] =	wrdreg $0xC0  }
0xab: {  	_ =	task [dreg:s7], $0x5FFFF  }
0xac: {  	[dreg:$0x1] =	wrdreg $0xFFFFFFFF  }
0xad: {  	[dreg:$0x0] =	wrdreg $0x60  }
0xae: {  	[dreg:$0x2] =	wrdreg s24  }
0xaf: {  	[dreg:$0x3] =	wrdreg s2  }
0xb0: {  	[dreg:$0x4] =	wrdreg $0xAA000  }
0xb1: {  	[dreg:$0x5] =	wrdreg $0x9  }
0xb2: {  	_ =	task.clear_ibuf [dreg:s7], $0x6FFFF;
	_ =	strace $0x9000004C  }
0xb3: {  	s29 =	simm.s32 $0x9;
	_ =	strace $0x8000004E  }
0xb4: {  	_ =	swait.ge [sflag:s29], $0x1  }
0xb5: {  	[sflag:s29] =	ssyncadd.s32 $0xFFFFFFFF  }
0xb6: {  	_ =	strace $0x9000004E  }
0xb7: {  	_ =	sfence  }
0xb8: {  	s30 =	sld [smem:$0x0];
	_ =	sdelay $0x2  }
0xb9: {  	s31 =	sshll.u32 s1, $0xD;
	s1 =	sshrl.u32 s1, $0x2  }
0xba: {  	s3 =	sand.u32 $0x4000, s31;
	s1 =	sadd.s32 s1, s30  }
0xbb: {  	s0 =	sor.u32 s3, s0;
	s1 =	sshll.u32 s1, $0x11  }
0xbc: {  	s0 =	sor.u32 s1, s0  }
0xbd: {  	s0 =	sadd.s32 $0x8F2B, s0  }
0xbe: {  	[sflag:s0] =	ssyncadd.remote.s32 $0x1  }
0xbf: {  	_ =	sfence.sel $0xFFFF  }
0xc0: {  	[dreg:$0x0] =	wrdreg $0xFFFFFFFF;
	(pc) =	sbr.abs _section_cstart, $3  }
0xc1: {  	[dreg:$0x1] =	wrdreg $0xFFFFFFFF  }
0xc2: {  	_ =	task.clear_ibuf [dreg:s7], $0x2FFFF;
	_ =	strace $0x9FFFFFFF  }
0xc3: {  	(tm) =	ssettm $0x7FFFFFFF  }
tec
execute0_lowered:
.L_overlay_start_1:
0x0: {  	(tag) =	ssettag $0x1  }
0x1: {  	s0 =	rddreg [dreg:$0x0]  }
0x2: {  	s2 =	rddreg [dreg:$0x1]  }
0x3: {  	s1 =	rddreg [dreg:$0x2]  }
0x4: {  	s3 =	srdreg.scid;
	s6 =	simm.s32 $0x0;
	s25 =	stileid.u32  }
0x5: {  	s28 =	simm.s32 $0x80;
	s29 =	simm.s32 $0x4;
	s30 =	simm.s32 $0x6A00  }
0x6: {  	s5 =	sand.u32 $0x1, s3;
	[smem:$0x7FF] =	sst s6;
	s12 =	smul.u32 $0x50000, s25  }
0x7: {  	s8 =	sadd.s32 $0x5000, s0;
	s17 =	smul.u32 $0x4F, s25;
	s4 =	sshll.u32 s5, $0x4  }
0x8: {  	s18 =	smul.u32 $0x2800, s25;
	s9 =	ssub.s32 $0x2, s5;
	s26 =	sor.u32 s25, s4  }
0x9: {  	_ =	strace $0x8000004D;
	s11 =	sshrl.u32 s9, $0x1;
	s7 =	smul.u32 $0x2780, s26  }
0xa: {  	p0 =	seq.s32 s5, $0x1;
	s10 =	smul.u32 $0x380, s26;
	s9 =	ssub.s32 s9, s11  }
0xb: {  	s4 =	sadd.s32 $0x5EE00, s0;
	s6 =	smul.u32 $0x500, s26;
	s19 =	smax.u32 s9, $0x1  }
0xc: {  	s9 =	simm.s32 $0xAEE00;
	s13 =	sand.u32 $0x7FC00, s7;
	s10 =	sand.u32 $0x380, s10  }
0xd: {  	s2 =	sadd.s32 s2, s6;
	s7 =	sshrl.u32 s7, $0x3;
	[dreg:$0x9] =	wrdreg s19  }
0xe: {  	s9 =	simm.s32 @!p0 $0x86E00;
	[dreg:$0x4] =	wrdreg s2;
	s14 =	sadd.s32 s8, s7  }
0xf: {  	s11 =	sor.u32 s10, s13;
	s13 =	sshrl.u32 s12, $0x2;
	s7 =	sadd.s32 $0x10, s14  }
0x10: {  	s0 =	sadd.s32 s9, s0;
	s15 =	sadd.s32 $0x20, s14;
	[dreg:$0x6] =	wrdreg s7  }
0x11: {  	s2 =	sshrl.u32 s11, $0x3;
	s0 =	sadd.s32 s0, s18;
	[dreg:$0x7] =	wrdreg s15  }
0x12: {  	s6 =	sadd.s32 s13, s1;
	s2 =	sadd.s32 s8, s2;
	[dreg:$0xe] =	wrdreg s0  }
0x13: {  	s16 =	smul.u32 $0x4F0, s5;
	s20 =	sadd.s32 $0x4000, s6;
	[dreg:$0x5] =	wrdreg s2  }
0x14: {  	s31 =	simm.s32 $0x1;
	s2 =	sadd.s32 $0x30, s14;
	[dreg:$0xa] =	wrdreg s20  }
0x15: {  	s21 =	sadd.s32 $0x8000, s6;
	[dreg:$0x8] =	wrdreg s2;
	s2 =	sadd.s32 s17, s16  }
0x16: {  	s22 =	sadd.s32 $0xC000, s6;
	[dreg:$0xb] =	wrdreg s21;
	s2 =	sshll.u32 s2, $0x4  }
0x17: {  	s23 =	sadd.s32 $0x10000, s6;
	[dreg:$0xc] =	wrdreg s22;
	s2 =	sadd.s32 s2, s8  }
0x18: {  	s0 =	simm.s32 $0x5;
	[dreg:$0xd] =	wrdreg s23;
	s24 =	sadd.s32 $0x60, s2  }
0x19: {  	s21 =	simm.s32 $0x7;
	s25 =	sadd.s32 $0x50, s2;
	[dreg:$0xf] =	wrdreg s24  }
0x1a: {  	s22 =	simm.s32 $0x2A00;
	s26 =	sadd.s32 $0x40, s2;
	[dreg:$0x10] =	wrdreg s25  }
0x1b: {  	s13 =	sadd.s32 $0x70, s2;
	s2 =	simm.s32 $0x2;
	[dreg:$0x11] =	wrdreg s26  }
0x1c: {  	v0 =	vimm.f32 $0.0e+00;
	s24 =	simm.s32 $0x2880;
	s25 =	simm.s32 $0x2900;
	s26 =	simm.s32 $0x0  }
.LBB2_1:
0x1d: {  	s3 =	simm.s32 $0x0;
	s5 =	rddreg [dreg:$0x4]  }
0x1e: {  	[tilespmem:s3], [sflag:$0x7] =	stream.linear.gather [hbm4b:s5+s3], $0x2780, $0x38;
	[tilespmem:$0x1EA00] =	vst v63  }
0x1f: {  	s23 =	sand.u32 $0xFE00, s3;
	s7 =	sand.u32 $0x70, s3;
	_ =	swait.ge [sflag:s21], $0x2780  }
0x20: {  	s5 =	simm.s32 $0x40;
	s8 =	sshrl.u32 s23, $0x2;
	[sflag:s21] =	ssyncset.done $0x0  }
0x21: {  	s8 =	sor.u32 s7, s8;
	s7 =	simm.s32 $0x0;
	[sflag:s21] =	ssyncadd.s32 $0xFFFFD880  }
.LBB2_2:
0x22: {  	p0 =	sne.s32 s5, $0xFFC0  }
0x23: {  	[tilespmem:s8+$0x2A00] =	vst v0;
	s7 =	sadd.s32 $0x10, s7;
	s8 =	smov.u32 s5;
	s5 =	sadd.s32 $0x40, s5  }
.Ltmp0:
0x24: {  	(pc) =	sbr.rel @p0 .LBB2_2-.Ltmp0, $4  }
0x25: {  	_ = 	snop  }
0x26: {  	s8 =	sand.u32 $0xFE00, s8  }
0x27: {  	s9 =	sand.u32 $0x70, s7;
	s8 =	sshrl.u32 s8, $0x2  }
0x28: {  	s8 =	sor.u32 s9, s8  }
0x29: {  	[tilespmem:s8+$0x2A00] =	vst v0  }
0x2a: {  	[spmem:s6] =	stream.linear.scatter [tilespmem:s22], [sflag:$0x7], $0x4000, $0x38;
	[tilespmem:$0x1EA00] =	vst v63  }
0x2b: {  	_ =	swait.ge [sflag:s21], $0x4000  }
0x2c: {  	[sflag:s21] =	ssyncset.done $0x0  }
0x2d: {  	s3 =	rddreg [dreg:$0xa];
	[sflag:s21] =	ssyncadd.s32 $0xFFFFC000  }
0x2e: {  	[spmem:s3] =	stream.linear.scatter [tilespmem:s22], [sflag:$0x7], $0x4000, $0x38;
	[tilespmem:$0x1EA00] =	vst v63  }
0x2f: {  	_ =	swait.ge [sflag:s21], $0x4000  }
0x30: {  	[sflag:s21] =	ssyncset.done $0x0  }
0x31: {  	s8 =	rddreg [dreg:$0xb];
	[sflag:s21] =	ssyncadd.s32 $0xFFFFC000  }
0x32: {  	[spmem:s8] =	stream.linear.scatter [tilespmem:s22], [sflag:$0x7], $0x4000, $0x38;
	[tilespmem:$0x1EA00] =	vst v63  }
0x33: {  	_ =	swait.ge [sflag:s21], $0x4000  }
0x34: {  	[sflag:s21] =	ssyncset.done $0x0  }
0x35: {  	s9 =	rddreg [dreg:$0xc];
	[sflag:s21] =	ssyncadd.s32 $0xFFFFC000  }
0x36: {  	[spmem:s9] =	stream.linear.scatter [tilespmem:s22], [sflag:$0x7], $0x4000, $0x38;
	[tilespmem:$0x1EA00] =	vst v63  }
0x37: {  	_ =	swait.ge [sflag:s21], $0x4000  }
0x38: {  	[sflag:s21] =	ssyncset.done $0x0  }
0x39: {  	s10 =	rddreg [dreg:$0xd];
	[sflag:s21] =	ssyncadd.s32 $0xFFFFC000  }
0x3a: {  	[spmem:s10] =	stream.linear.scatter [tilespmem:s22], [sflag:$0x7], $0x4000, $0x38;
	[tilespmem:$0x1EA00] =	vst v63  }
0x3b: {  	_ =	swait.ge [sflag:s21], $0x4000  }
0x3c: {  	s5 =	simm.s32 $0x0;
	[sflag:s21] =	ssyncset.done $0x0  }
0x3d: {  	s12 =	simm.s32 $0x2800;
	s11 =	rddreg [dreg:$0x5];
	[sflag:s21] =	ssyncadd.s32 $0xFFFFC000  }
0x3e: {  	[tilespmem:s12], [sflag:$0x3] =	stream.linear.gather [hbm4b:s11+s5], $0x80, $0x38;
	[tilespmem:$0x1EA00] =	vst v63  }
0x3f: {  	s14 =	rddreg [dreg:$0x6]  }
0x40: {  	[tilespmem:s24], [sflag:$0x4] =	stream.linear.gather [hbm4b:s14+s5], $0x80, $0x38;
	[tilespmem:$0x1EA00] =	vst v63  }
0x41: {  	s15 =	rddreg [dreg:$0x7]  }
0x42: {  	[tilespmem:s25], [sflag:$0x5] =	stream.linear.gather [hbm4b:s15+s5], $0x80, $0x38;
	[tilespmem:$0x1EA00] =	vst v63  }
0x43: {  	s7 =	simm.s32 $0x2980;
	s17 =	simm.s32 $0x3;
	s16 =	rddreg [dreg:$0x8]  }
0x44: {  	[tilespmem:s7], [sflag:$0x6] =	stream.linear.gather [hbm4b:s16+s5], $0x80, $0x38;
	[tilespmem:$0x1EA00] =	vst v63  }
0x45: {  	_ =	swait.ge [sflag:s17], $0x80  }
0x46: {  	[sflag:s17] =	ssyncset.done $0x0  }
0x47: {  	[sflag:s17] =	ssyncadd.s32 $0xFFFFFF80  }
0x48: {  	[bflag:$0x0] =	sbarrier.arrive $0xFFFF  }
0x49: {  	[tilespmem:s22], [sflag:$0x1] =	stream.indirect.gather [hbm4b:s4+s28], $0x80, s12, s28, $0xb8;
	[tilespmem:$0x1EA00] =	vst v63  }
0x4a: {  	_ =	swait.ge [sflag:s29], $0x80  }
0x4b: {  	[sflag:s29] =	ssyncset.done $0x0  }
0x4c: {  	[sflag:s29] =	ssyncadd.s32 $0xFFFFFF80  }
0x4d: {  	[tilespmem:s30], [sflag:$0x2] =	stream.indirect.gather [hbm4b:s4+s28], $0x80, s24, s28, $0xb8;
	[tilespmem:$0x1EA00] =	vst v63  }
0x4e: {  	_ =	swait.ge [sflag:s31], $0x4000  }
0x4f: {  	[sflag:s31] =	ssyncset.done $0x0  }
0x50: {  	s18 =	simm.s32 $0x0;
	[sflag:s31] =	ssyncadd.s32 $0xFFFFC000  }
0x51: {  	[spmem:s1] =	stream.indirect.scatter.add.f32 [tilespmem:s22], [sflag:$0x7], $0x80, s18, s28, $0xb8;
	[tilespmem:$0x1EA00] =	vst v63  }
0x52: {  	p0 =	por $0x0, $0x0;
	_ =	swait.ge [sflag:s21], $0x4000  }
0x53: {  	s9 =	simm.s32 @!p0 $0x0;
	[sflag:s21] =	ssyncset.done $0x0  }
0x54: {  	s10 =	simm.s32 @!p0 $0x2800;
	s16 =	rddreg [dreg:$0x11];
	[sflag:s21] =	ssyncadd.s32 $0xFFFFC000  }
0x55: {  	[tilespmem:s10], [sflag:$0x3] =	stream.linear.gather @!p0 [hbm4b:s16+s9], $0x80, $0x38;
	[tilespmem:$0x1EA00] =	vst v63  }
0x56: {  	_ =	swait.ge [sflag:s0], $0x80  }
0x57: {  	[sflag:s0] =	ssyncset.done $0x0  }
0x58: {  	[sflag:s0] =	ssyncadd.s32 $0xFFFFFF80  }
0x59: {  	[tilespmem:s22], [sflag:$0x1] =	stream.indirect.gather [hbm4b:s4+s28], $0x80, s25, s28, $0xb8;
	[tilespmem:$0x1EA00] =	vst v63  }
0x5a: {  	_ =	swait.ge [sflag:s2], $0x4000  }
0x5b: {  	[sflag:s2] =	ssyncset.done $0x0  }
0x5c: {  	s19 =	simm.s32 $0x80;
	p1 =	por @!p0 $0x0, $0x0;
	[sflag:s2] =	ssyncadd.s32 $0xFFFFC000  }
0x5d: {  	[spmem:s1] =	stream.indirect.scatter.add.f32 [tilespmem:s30], [sflag:$0x7], $0x80, s19, s28, $0xb8;
	[tilespmem:$0x1EA00] =	vst v63  }
0x5e: {  	s20 =	smov.u32 s6;
	p2 =	por p1, p0;
	_ =	swait.ge [sflag:s21], $0x4000  }
0x5f: {  	p4 =	por @!p0 $0x0, $0x0;
	s8 =	simm.s32 @!p2 $0x6;
	[sflag:s21] =	ssyncset.done $0x0  }
0x60: {  	s7 =	simm.s32 @!p0 $0x2880;
	s6 =	rddreg [dreg:$0x10];
	[sflag:s21] =	ssyncadd.s32 $0xFFFFC000  }
0x61: {  	[tilespmem:s7], [sflag:$0x4] =	stream.linear.gather @!p0 [hbm4b:s6+s9], $0x80, $0x38;
	[tilespmem:$0x1EA00] =	vst v63  }
0x62: {  	p1 =	por !p1, p0;
	p3 =	por @!p2 $0x1, $0x1;
	_ =	swait.ge @!p2 [sflag:s8], $0x80  }
0x63: {  	p3 =	por @!p1 p4, p4;
	s14 =	simm.s32 @!p2 $0x80;
	[sflag:s8] =	ssyncset.done @!p2 $0x0  }
0x64: {  	s15 =	simm.s32 @!p2 $0x2980;
	s7 =	simm.s32 @!p2 $0x6A00;
	[sflag:s8] =	ssyncadd.s32 @!p2 $0xFFFFFF80  }
0x65: {  	[tilespmem:s7], [sflag:$0x2] =	stream.indirect.gather @!p2 [hbm4b:s4+s14], $0x80, s15, s14, $0xb8;
	[tilespmem:$0x1EA00] =	vst v63  }
0x66: {  	s11 =	simm.s32 $0x600;
	s12 =	simm.s32 @!p0 $0x400;
	_ =	swait.ge [sflag:s31], $0x4000  }
0x67: {  	s11 =	simm.s32 @!p1 $0x9E00;
	s12 =	simm.s32 @p0 $0x9C00;
	[sflag:s31] =	ssyncset.done $0x0  }
0x68: {  	p1 =	por $0x0, $0x0;
	s23 =	sshra.s32 s12, $0x2;
	[sflag:s31] =	ssyncadd.s32 $0xFFFFC000  }
0x69: {  	[spmem:s1] =	stream.indirect.scatter.add.f32 [tilespmem:s22], [sflag:$0x7], $0x80, s23, s28, $0xb8;
	[tilespmem:$0x1EA00] =	vst v63  }
0x6a: {  	s11 =	simm.s32 @p0 $0x9E00;
	s17 =	smov.u32 s13;
	_ =	swait.ge [sflag:s21], $0x4000  }
0x6b: {  	s12 =	simm.s32 @!p0 $0x2900;
	s8 =	simm.s32 $0x7;
	[sflag:s21] =	ssyncset.done $0x0  }
0x6c: {  	s14 =	simm.s32 @!p0 $0x3;
	s3 =	rddreg [dreg:$0xf];
	[sflag:s21] =	ssyncadd.s32 $0xFFFFC000  }
0x6d: {  	[tilespmem:s12], [sflag:$0x5] =	stream.linear.gather @!p0 [hbm4b:s3+s9], $0x80, $0x38;
	[tilespmem:$0x1EA00] =	vst v63  }
0x6e: {  	s7 =	simm.s32 $0xE00;
	p2 =	por $0x0, $0x0;
	_ =	swait.ge @!p0 [sflag:s14], $0x80  }
0x6f: {  	s15 =	simm.s32 @!p0 $0x80;
	p2 =	por @!p0 p3, p3;
	[sflag:s14] =	ssyncset.done @!p0 $0x0  }
0x70: {  	s12 =	simm.s32 @!p0 $0x2A00;
	[sflag:s14] =	ssyncadd.s32 @!p0 $0xFFFFFF80;
	s14 =	simm.s32 @p2 $0x2  }
0x71: {  	[tilespmem:s12], [sflag:$0x1] =	stream.indirect.gather @!p0 [hbm4b:s4+s15], $0x80, s10, s15, $0xb8;
	[tilespmem:$0x1EA00] =	vst v63  }
0x72: {  	s9 =	sadd.s32 $0x40, s16;
	s16 =	sshra.s32 @p2 s11, $0x2;
	_ =	swait.ge @p2 [sflag:s14], $0x4000  }
0x73: {  	s11 =	sadd.s32 $0x40, s3;
	s12 =	simm.s32 @p2 $0x80;
	[sflag:s14] =	ssyncset.done @p2 $0x0  }
0x74: {  	s15 =	simm.s32 @p2 $0x6A00;
	[sflag:s14] =	ssyncadd.s32 @p2 $0xFFFFC000;
	s14 =	simm.s32 @p2 $0x7  }
0x75: {  	[spmem:s1] =	stream.indirect.scatter.add.f32 @p2 [tilespmem:s15], [sflag:$0x7], $0x80, s16, s12, $0xb8;
	[tilespmem:$0x1EA00] =	vst v63  }
0x76: {  	s10 =	sadd.s32 $0x40, s6;
	s12 =	sadd.s32 $0x40, s13;
	_ =	swait.ge @p2 [sflag:s14], $0x4000  }
0x77: {  	s15 =	simm.s32 @!p1 $0x0;
	s16 =	simm.s32 @!p1 $0x2980;
	[sflag:s14] =	ssyncset.done @p2 $0x0  }
.LBB2_4:
0x78: {  	[sflag:s14] =	ssyncadd.s32 @p2 $0xFFFFC000  }
0x79: {  	s5 =	sadd.s32 $0x1, s5;
	s14 =	smov.u32 s7;
	s7 =	sadd.s32 $0x800, s7  }
0x7a: {  	[tilespmem:s16], [sflag:$0x6] =	stream.linear.gather @!p1 [hbm4b:s17+s15], $0x80, $0x38;
	[tilespmem:$0x1EA00] =	vst v63  }
0x7b: {  	p0 =	sne.s32 s7, $0xA600;
	s17 =	smov.u32 s12;
	_ =	swait.ge [sflag:s29], $0x80  }
0x7c: {  	[sflag:s29] =	ssyncset.done $0x0  }
0x7d: {  	[sflag:s29] =	ssyncadd.s32 $0xFFFFFF80  }
0x7e: {  	[tilespmem:s30], [sflag:$0x2] =	stream.indirect.gather [hbm4b:s4+s28], $0x80, s24, s28, $0xb8;
	[tilespmem:$0x1EA00] =	vst v63  }
0x7f: {  	s23 =	sshra.s32 s14, $0x2;
	_ =	swait.ge [sflag:s31], $0x4000  }
0x80: {  	s15 =	sadd.s32 $0xFFFFFE80, s23;
	[sflag:s31] =	ssyncset.done $0x0  }
0x81: {  	[sflag:s31] =	ssyncadd.s32 $0xFFFFC000  }
0x82: {  	[spmem:s1] =	stream.indirect.scatter.add.f32 [tilespmem:s22], [sflag:$0x7], $0x80, s15, s28, $0xb8;
	[tilespmem:$0x1EA00] =	vst v63  }
0x83: {  	p1 =	seq.s32 s14, $0x9E00;
	_ =	swait.ge [sflag:s21], $0x4000  }
0x84: {  	s16 =	simm.s32 @!p1 $0x0;
	s15 =	simm.s32 @!p1 $0x2800;
	[sflag:s21] =	ssyncset.done $0x0  }
0x85: {  	s3 =	sadd.s32 @!p1 $0xFFFFFE00, s14;
	[sflag:s21] =	ssyncadd.s32 $0xFFFFC000  }
0x86: {  	[tilespmem:s15], [sflag:$0x3] =	stream.linear.gather @!p1 [hbm4b:s9+s16], $0x80, $0x38;
	[tilespmem:$0x1EA00] =	vst v63  }
0x87: {  	s3 =	simm.s32 @p1 $0x9C00;
	_ =	swait.ge [sflag:s0], $0x80  }
0x88: {  	[sflag:s0] =	ssyncset.done $0x0  }
0x89: {  	[sflag:s0] =	ssyncadd.s32 $0xFFFFFF80  }
0x8a: {  	[tilespmem:s22], [sflag:$0x1] =	stream.indirect.gather [hbm4b:s4+s28], $0x80, s25, s28, $0xb8;
	[tilespmem:$0x1EA00] =	vst v63  }
0x8b: {  	_ =	swait.ge [sflag:s2], $0x4000  }
0x8c: {  	s23 =	sadd.s32 $0xFFFFFF00, s23;
	[sflag:s2] =	ssyncset.done $0x0  }
0x8d: {  	[sflag:s2] =	ssyncadd.s32 $0xFFFFC000  }
0x8e: {  	[spmem:s1] =	stream.indirect.scatter.add.f32 [tilespmem:s30], [sflag:$0x7], $0x80, s23, s28, $0xb8;
	[tilespmem:$0x1EA00] =	vst v63  }
0x8f: {  	p5 =	sgt.u32 @!p1 s8, $0x4E;
	p2 =	por @!p1 $0x0, $0x0;
	_ =	swait.ge [sflag:s21], $0x4000  }
0x90: {  	p4 =	por p5, p1;
	s23 =	simm.s32 @!p1 $0x2880;
	[sflag:s21] =	ssyncset.done $0x0  }
0x91: {  	s6 =	simm.s32 @!p4 $0x6;
	p3 =	por @!p4 $0x1, $0x1;
	[sflag:s21] =	ssyncadd.s32 $0xFFFFC000  }
0x92: {  	[tilespmem:s23], [sflag:$0x4] =	stream.linear.gather @!p1 [hbm4b:s10+s16], $0x80, $0x38;
	[tilespmem:$0x1EA00] =	vst v63  }
0x93: {  	p5 =	por !p5, p1;
	s23 =	simm.s32 @!p4 $0x6A00;
	_ =	swait.ge @!p4 [sflag:s6], $0x80  }
0x94: {  	s18 =	simm.s32 @!p4 $0x80;
	s19 =	simm.s32 @!p4 $0x2980;
	[sflag:s6] =	ssyncset.done @!p4 $0x0  }
0x95: {  	s14 =	simm.s32 @!p5 $0x9E00;
	p3 =	por @!p5 p2, p2;
	[sflag:s6] =	ssyncadd.s32 @!p4 $0xFFFFFF80  }
0x96: {  	[tilespmem:s23], [sflag:$0x2] =	stream.indirect.gather @!p4 [hbm4b:s4+s18], $0x80, s19, s18, $0xb8;
	[tilespmem:$0x1EA00] =	vst v63  }
0x97: {  	s14 =	simm.s32 @p1 $0x9E00;
	_ =	swait.ge [sflag:s31], $0x4000  }
0x98: {  	s3 =	sshra.s32 s3, $0x2;
	[sflag:s31] =	ssyncset.done $0x0  }
0x99: {  	[sflag:s31] =	ssyncadd.s32 $0xFFFFC000  }
0x9a: {  	[spmem:s1] =	stream.indirect.scatter.add.f32 [tilespmem:s22], [sflag:$0x7], $0x80, s3, s28, $0xb8;
	[tilespmem:$0x1EA00] =	vst v63  }
0x9b: {  	_ =	swait.ge [sflag:s21], $0x4000  }
0x9c: {  	s8 =	sadd.s32 $0x4, s8;
	s3 =	simm.s32 @!p1 $0x2900;
	[sflag:s21] =	ssyncset.done $0x0  }
0x9d: {  	p2 =	por $0x0, $0x0;
	s6 =	simm.s32 @!p1 $0x3;
	[sflag:s21] =	ssyncadd.s32 $0xFFFFC000  }
0x9e: {  	[tilespmem:s3], [sflag:$0x5] =	stream.linear.gather @!p1 [hbm4b:s11+s16], $0x80, $0x38;
	[tilespmem:$0x1EA00] =	vst v63  }
0x9f: {  	s9 =	sadd.s32 $0x40, s9;
	s3 =	simm.s32 @!p1 $0x2A00;
	_ =	swait.ge @!p1 [sflag:s6], $0x80  }
0xa0: {  	p2 =	por @!p1 p3, p3;
	s16 =	simm.s32 @!p1 $0x80;
	[sflag:s6] =	ssyncset.done @!p1 $0x0  }
0xa1: {  	s10 =	sadd.s32 $0x40, s10;
	[sflag:s6] =	ssyncadd.s32 @!p1 $0xFFFFFF80;
	s6 =	simm.s32 @p2 $0x2  }
0xa2: {  	[tilespmem:s3], [sflag:$0x1] =	stream.indirect.gather @!p1 [hbm4b:s4+s16], $0x80, s15, s16, $0xb8;
	[tilespmem:$0x1EA00] =	vst v63  }
0xa3: {  	s3 =	simm.s32 @p2 $0x80;
	s15 =	simm.s32 @p2 $0x6A00;
	_ =	swait.ge @p2 [sflag:s6], $0x4000  }
.Ltmp1:
0xa4: {  	s16 =	sshra.s32 @p2 s14, $0x2;
	[sflag:s6] =	ssyncset.done @p2 $0x0;
	(pc) =	sbr.rel @p0 .LBB2_4-.Ltmp1, $4  }
0xa5: {  	s11 =	sadd.s32 $0x40, s11;
	s14 =	simm.s32 @p2 $0x7;
	[sflag:s6] =	ssyncadd.s32 @p2 $0xFFFFC000  }
0xa6: {  	[spmem:s1] =	stream.indirect.scatter.add.f32 @p2 [tilespmem:s15], [sflag:$0x7], $0x80, s16, s3, $0xb8;
	[tilespmem:$0x1EA00] =	vst v63  }
0xa7: {  	s12 =	sadd.s32 $0x40, s12;
	p1 =	sgt.u32 s5, $0x11;
	_ =	swait.ge @p2 [sflag:s14], $0x4000  }
0xa8: {  	s15 =	simm.s32 @!p1 $0x0;
	s16 =	simm.s32 @!p1 $0x2980;
	[sflag:s14] =	ssyncset.done @p2 $0x0  }
0xa9: {  	[sflag:s14] =	ssyncadd.s32 @p2 $0xFFFFC000;
	s3 =	stileid.u32  }
0xaa: {  	[tilespmem:s16], [sflag:$0x6] =	stream.linear.gather @!p1 [hbm4b:s17+s15], $0x80, $0x38;
	[tilespmem:$0x1EA00] =	vst v63  }
0xab: {  	s3 =	sshll.u32 s3, $0x6;
	[bflag:$0x0] =	sbarrier.arrive $0xFFFF  }
0xac: {  	s5 =	sshrl.u32 s20, $0x3;
	s3 =	sor.u32 $0x1C07, s3;
	s7 =	rddreg [dreg:$0xe]  }
0xad: {  	[hbm:s7], [sflag:s3] =	dma.local [spmem:s5], $0x2800  }
0xae: {  	_ =	swait.ge [sflag:s21], $0x2800  }
0xaf: {  	s26 =	sadd.s32 $0x1, s26;
	s23 =	rddreg [dreg:$0x9]  }
0xb0: {  	p0 =	sne.s32 s26, s23  }
.Ltmp2:
0xb1: {  	_ = 	snop;
	(pc) =	sbr.rel @p0 .LBB2_1-.Ltmp2, $3  }
0xb2: {  	_ =	sdelay $0x1  }
0xb3: {  	[sflag:s21] =	ssyncset.done $0x0  }
0xb4: {  	s6 =	smov.u32 s20;
	[sflag:s21] =	ssyncadd.s32 $0xFFFFD800  }
0xb5: {  	_ =	sfence.sel $0x180000  }
0xb6: {  	[bflag:$0x0] =	sbarrier.arrive $0xFFFF  }
0xb7: {  	_ =	strace $0x9000004D  }
0xb8: {  	s0 =	stileid.u32;
	[bflag:$0x2] =	sbarrier.arrive $0xFFFF  }
0xb9: {  	p0 =	sne.s32 s0, $0x0;
	s0 =	rddreg [dreg:$0x3]  }
0xba: {  	s0 =	sadd.s32 @!p0 $0x100000, s0  }
0xbb: {  	[sflag:s0] =	ssyncadd.tile.s32 @!p0 $0x1;
	_ =	shalt  }
.Lfunc_end2:
_tile_overlayer_lowered:
.L_overlay_start_2:
0xbc: {  	(tag) =	ssettag $0x2  }
0xbd: {  	s0 =	rddreg [dreg:$0x0];
	s2 =	stileid.u32  }
0xbe: {  	s1 =	rddreg [dreg:$0x1];
	p0 =	sne.s32 s2, $0x0  }
0xbf: {  	s3 =	rddreg [dreg:$0x2];
	[bflag:$0x3] =	sbarrier.arrive $0xFFFF;
	s2 =	simm.s32 @!p0 $0x1C07  }
0xc0: {  	[timem:s3], [sflag:s2] =	dma.local @!p0 [hbm:s0], s1  }
0xc1: {  	s0 =	simm.s32 @!p0 $0x7  }
0xc2: {  	_ =	swait.ge @!p0 [sflag:s0], s1  }
0xc3: {  	s1 =	ssub.s32 @!p0 $0x0, s1;
	[sflag:s0] =	ssyncset.done @!p0 $0x0  }
0xc4: {  	[sflag:s0] =	ssyncadd.s32 @!p0 s1  }
0xc5: {  	[bflag:$0x3] =	sbarrier.arrive $0xFFFF  }
0xc6: {  	_ =	shalt  }

// kernel: kernel.20.cloned.1.call-start
scs
__scs_entry_jumppad:
0x0: {  	(pc) =	sbr.rel $0x88, $3  }
0x1: {  	(tag) =	ssettag $0x0;
	lr =	simm.s32 $0x1  }
0x2: {  	[smem:$0x3F99] =	sst lr;
	_ =	strace $0xD0000000  }
0x3: {  	_ = 	snop  }
0x4: {  	_ = 	snop  }
0x5: {  	_ = 	snop  }
0x6: {  	_ = 	snop  }
0x7: {  	_ = 	snop  }
__scs_overlays_trampoline_lowered:
0x8: {  	[smem:$0x3FA8] =	sst s0  }
0x9: {  	[smem:$0x3FA9] =	sst s1  }
0xa: {  	[smem:$0x3FAA] =	sst s2  }
0xb: {  	[smem:$0x3FAB] =	sst s3  }
0xc: {  	[smem:$0x3FAC] =	sst s4  }
0xd: {  	[smem:$0x3FAD] =	sst s5  }
0xe: {  	[smem:$0x3FAE] =	sst s6  }
0xf: {  	[smem:$0x3FAF] =	sst s7  }
0x10: {  	[smem:$0x3FB0] =	sst s8  }
0x11: {  	[smem:$0x3FB1] =	sst s9;
	s0 =	simm.s32 @!p0 $0x0  }
0x12: {  	s1 =	sld [smem:$0x3F97];
	s0 =	simm.s32 @p0 $0x1  }
0x13: {  	[smem:$0x3FB2] =	sst s0;
	s0 =	simm.s32 @!p1 $0x0  }
0x14: {  	s2 =	sld [smem:$0x3F96];
	s0 =	simm.s32 @p1 $0x1  }
0x15: {  	[smem:$0x3FB3] =	sst s0;
	s0 =	simm.s32 @!p2 $0x0  }
0x16: {  	s3 =	sld [smem:$0x3FDB];
	s0 =	simm.s32 @p2 $0x1  }
0x17: {  	s4 =	simm.s32 $0x1BF5;
	[smem:$0x3FB5] =	sst s0  }
0x18: {  	s0 =	sld [smem:$0x3F98];
	_ =	swait.ge [sflag:s4], $0x0  }
0x19: {  	s7 =	sld [smem:$0x3F99]  }
0x1a: {  	s8 =	sadd.s32 $0xFFFFE003, lr  }
0x1b: {  	s9 =	sadd.s32 $0xFFFFFEF7, lr;
	s5 =	simm.s32 $0xFFFFFFFF;
	p2 =	slt.u32 s8, $0xFFFFF086  }
0x1c: {  	p1 =	slt.u32 s9, $0xF7A;
	s5 =	simm.s32 @!p2 $0x0  }
0x1d: {  	s5 =	simm.s32 @p1 $0x1;
	p0 =	seq.s32 s7, s2  }
0x1e: {  	s7 =	smul.u32 @!p0 $0xF7A, s2;
	p2 =	seq.s32 @!p0 s5, $0x0  }
0x1f: {  	s9 =	smul.u32 $0xF7A, s1;
	s8 =	simm.s32 @!p0 $0x1BF5;
	p2 =	por !p2, p0  }
0x20: {  	[sflag:s8] =	ssyncset.s32 @!p0 $0xFFFFF086;
	s6 =	sadd.s32 @!p0 s3, s7;
	s7 =	simm.s32 @!p0 $0x108  }
0x21: {  	s3 =	sadd.s32 s3, s9;
	s6 =	sadd.s32 @!p0 $0x88, s6;
	s7 =	simm.s32 @p2 $0x1082  }
0x22: {  	[simem:s7], [sflag:s8] =	dma.local @!p0 [hbm:s6], $0xF7A  }
0x23: {  	s9 =	sor.u32 $0xD0000000, s2;
	s6 =	simm.s32 $0x108;
	_ =	swait.ge @!p0 [sflag:s8], $0x0  }
0x24: {  	s3 =	sadd.s32 $0x88, s3;
	s6 =	simm.s32 @!p1 $0x1082;
	[sflag:s4] =	ssyncset.s32 $0xFFFFF086  }
0x25: {  	[simem:s6], [sflag:s4] =	dma.local [hbm:s3], $0xF7A  }
0x26: {  	[smem:$0x3F99] =	sst s1;
	(tag) =	ssettag s2;
	_ =	strace s9  }
0x27: {  	s1 =	sld [smem:$0x3FA9]  }
0x28: {  	s2 =	sld [smem:$0x3FAA]  }
0x29: {  	s4 =	sld [smem:$0x3FAC]  }
0x2a: {  	p0 =	seq.s32 s5, $0x0;
	s5 =	sld [smem:$0x3FAD]  }
0x2b: {  	s6 =	sld [smem:$0x3FAE]  }
0x2c: {  	s7 =	sld [smem:$0x3FAF]  }
0x2d: {  	s3 =	simm.s32 $0x108;
	s8 =	sld [smem:$0x3FB0]  }
0x2e: {  	s3 =	simm.s32 @!p0 $0x1082;
	s9 =	sld [smem:$0x3FB1]  }
0x2f: {  	lr =	sadd.s32 s0, s3;
	s0 =	sld [smem:$0x3FA8]  }
0x30: {  	s3 =	sld [smem:$0x3FAB]  }
0x31: {  	[smem:$0x3FB4] =	sst s10  }
0x32: {  	s10 =	sld [smem:$0x3FB2];
	_ =	sdelay $0x3  }
0x33: {  	p0 =	seq.s32 s10, $0x1;
	s10 =	sld [smem:$0x3FB4];
	_ =	sdelay $0x3  }
0x34: {  	[smem:$0x3FB4] =	sst s10  }
0x35: {  	s10 =	sld [smem:$0x3FB3];
	_ =	sdelay $0x3  }
0x36: {  	p1 =	seq.s32 s10, $0x1;
	s10 =	sld [smem:$0x3FB4];
	_ =	sdelay $0x3  }
0x37: {  	[smem:$0x3FB4] =	sst s10  }
0x38: {  	s10 =	sld [smem:$0x3FB5]  }
0x39: {  	_ = 	snop;
	(pc) =	sbr.ind lr, $3  }
0x3a: {  	_ = 	snop  }
0x3b: {  	_ = 	snop  }
0x3c: {  	p2 =	seq.s32 s10, $0x1;
	s10 =	sld [smem:$0x3FB4]  }
0x3d: {  	_ =	shalt  }
0x3e: {  	_ =	shalt  }
0x3f: {  	_ =	shalt  }
0x40: {  	_ =	shalt  }
0x41: {  	_ =	shalt  }
0x42: {  	_ =	shalt  }
0x43: {  	_ =	shalt  }
0x44: {  	_ =	shalt  }
0x45: {  	_ =	shalt  }
0x46: {  	_ =	shalt  }
0x47: {  	_ =	shalt  }
0x48: {  	_ =	shalt  }
0x49: {  	_ =	shalt  }
0x4a: {  	_ =	shalt  }
0x4b: {  	_ =	shalt  }
0x4c: {  	_ =	shalt  }
0x4d: {  	_ =	shalt  }
0x4e: {  	_ =	shalt  }
0x4f: {  	_ =	shalt  }
0x50: {  	_ =	shalt  }
0x51: {  	_ =	shalt  }
0x52: {  	_ =	shalt  }
0x53: {  	_ =	shalt  }
0x54: {  	_ =	shalt  }
0x55: {  	_ =	shalt  }
0x56: {  	_ =	shalt  }
0x57: {  	_ =	shalt  }
0x58: {  	_ =	shalt  }
0x59: {  	_ =	shalt  }
0x5a: {  	_ =	shalt  }
0x5b: {  	_ =	shalt  }
0x5c: {  	_ =	shalt  }
0x5d: {  	_ =	shalt  }
0x5e: {  	_ =	shalt  }
0x5f: {  	_ =	shalt  }
0x60: {  	_ =	shalt  }
0x61: {  	_ =	shalt  }
0x62: {  	_ =	shalt  }
0x63: {  	_ =	shalt  }
0x64: {  	_ =	shalt  }
0x65: {  	_ =	shalt  }
0x66: {  	_ =	shalt  }
0x67: {  	_ =	shalt  }
0x68: {  	_ =	shalt  }
0x69: {  	_ =	shalt  }
0x6a: {  	_ =	shalt  }
0x6b: {  	_ =	shalt  }
0x6c: {  	_ =	shalt  }
0x6d: {  	_ =	shalt  }
0x6e: {  	_ =	shalt  }
0x6f: {  	_ =	shalt  }
0x70: {  	_ =	shalt  }
0x71: {  	_ =	shalt  }
0x72: {  	_ =	shalt  }
0x73: {  	_ =	shalt  }
0x74: {  	_ =	shalt  }
0x75: {  	_ =	shalt  }
0x76: {  	_ =	shalt  }
0x77: {  	_ =	shalt  }
0x78: {  	_ =	shalt  }
0x79: {  	_ =	shalt  }
0x7a: {  	_ =	shalt  }
0x7b: {  	_ =	shalt  }
0x7c: {  	_ =	shalt  }
0x7d: {  	_ =	shalt  }
0x7e: {  	_ =	shalt  }
0x7f: {  	_ =	shalt  }
0x80: {  	_ =	shalt  }
0x81: {  	_ =	shalt  }
0x82: {  	_ =	shalt  }
0x83: {  	_ =	shalt  }
0x84: {  	_ =	shalt  }
0x85: {  	_ =	shalt  }
0x86: {  	_ =	shalt  }
0x87: {  	_ =	shalt  }
.Lfunc_end0:
.L_simem_size_0:
called_computation.3_lowered:
.L_overlay_start_0:
0x88: {  	s2 =	sld [smem:$0x3FD9]  }
0x89: {  	s3 =	sld [smem:$0x3FFE];
	_ =	sdelay $0x1  }
0x8a: {  	s1 =	srdreg.scid  }
0x8b: {  	s0 =	sand.u32 $0x1, s1  }
0x8c: {  	s17 =	sshll.u32 s0, $0xA;
	s2 =	sadd.s32 s3, s2  }
0x8d: {  	s2 =	sadd.s32 s2, s17  }
0x8e: {  	[smem:$0x3FC0] =	sst s2  }
0x8f: {  	_ = 	snop  }
0x90: {  	s2 =	sld [smem:$0x3FD0];
	(tm) =	ssettm $0x1  }
0x91: {  	s18 =	sld [smem:$0x3FFB];
	_ =	sdelay $0x3  }
0x92: {  	_ =	strace s18  }
0x93: {  	s3 =	sld [smem:$0x3FFC];
	_ =	sdelay $0x3  }
0x94: {  	_ =	strace s3  }
0x95: {  	s3 =	sld [smem:$0x3FFD];
	_ =	sdelay $0x3  }
0x96: {  	_ =	strace s3  }
0x97: {  	_ =	strace $0x8FFFFFFF  }
0x98: {  	s19 =	sld [smem:$0x3FDB];
	_ =	sdelay $0x1  }
0x99: {  	s4 =	simm.s32 $_scs_section_size  }
0x9a: {  	s5 =	simm.s32 $_size__tile_overlayer_lowered;
	s6 =	simm.s32 $_tile_overlayer_lowered  }
0x9b: {  	s22 =	simm.s32 $0x1BFF;
	s21 =	sshll.u32 s6, $0x1;
	s3 =	sadd.s32 s4, s19  }
0x9c: {  	s7 =	simm.s32 $0x0;
	s20 =	sshll.u32 s5, $0x1;
	s5 =	sadd.s32 s21, s3  }
0x9d: {  	[timem:s7], [sflag:s22] =	dma.local [hbm:s5], s20  }
0x9e: {  	_ =	swait.ge [sflag:s22], s20  }
0x9f: {  	s4 =	ssub.s32 $0x0, s20;
	[sflag:s22] =	ssyncset.done $0x0  }
0xa0: {  	[sflag:s22] =	ssyncadd.s32 s4;
	_ =	sdelay $0x1  }
0xa1: {  	s23 =	simm.s32 $0x1B8B  }
0xa2: {  	_ =	swait.ge [sflag:s23], $0x1  }
0xa3: {  	[sflag:s23] =	ssyncset.done $0x0  }
0xa4: {  	s25 =	simm.s32 $0x1B8E;
	s24 =	sld [smem:$0x3FFE];
	[sflag:s23] =	ssyncadd.s32 $0xFFFFFFFF  }
0xa5: {  	s26 =	simm.s32 $execute0_lowered;
	[smem:$0x3FD2] =	sst s25  }
0xa6: {  	s5 =	sshll.u32 s26, $0x1;
	_ =	strace $0x8000004F;
	[dreg:$0x1] =	wrdreg $0xFFFFFFFF  }
0xa7: {  	s28 =	simm.s32 $_size_execute0_lowered;
	s3 =	sadd.s32 s3, s5;
	[dreg:$0x0] =	wrdreg $0x0  }
0xa8: {  	s5 =	sshll.u32 s28, $0x1;
	[dreg:$0x2] =	wrdreg s3  }
0xa9: {  	[dreg:$0x3] =	wrdreg s5  }
0xaa: {  	[dreg:$0x4] =	wrdreg $0xC0  }
0xab: {  	_ =	task [dreg:s7], $0x5FFFF  }
0xac: {  	[dreg:$0x1] =	wrdreg $0xFFFFFFFF  }
0xad: {  	[dreg:$0x0] =	wrdreg $0x60  }
0xae: {  	[dreg:$0x2] =	wrdreg s24  }
0xaf: {  	[dreg:$0x3] =	wrdreg s2  }
0xb0: {  	[dreg:$0x4] =	wrdreg $0xAA000  }
0xb1: {  	[dreg:$0x5] =	wrdreg $0x9  }
0xb2: {  	_ =	task.clear_ibuf [dreg:s7], $0x6FFFF;
	_ =	strace $0x9000004F  }
0xb3: {  	s29 =	simm.s32 $0x9;
	_ =	strace $0x80000051  }
0xb4: {  	_ =	swait.ge [sflag:s29], $0x1  }
0xb5: {  	[sflag:s29] =	ssyncadd.s32 $0xFFFFFFFF  }
0xb6: {  	_ =	strace $0x90000051  }
0xb7: {  	_ =	sfence  }
0xb8: {  	s30 =	sld [smem:$0x0];
	_ =	sdelay $0x2  }
0xb9: {  	s31 =	sshll.u32 s1, $0xD;
	s1 =	sshrl.u32 s1, $0x2  }
0xba: {  	s3 =	sand.u32 $0x4000, s31;
	s1 =	sadd.s32 s1, s30  }
0xbb: {  	s0 =	sor.u32 s3, s0;
	s1 =	sshll.u32 s1, $0x11  }
0xbc: {  	s0 =	sor.u32 s1, s0  }
0xbd: {  	s0 =	sadd.s32 $0x8F2B, s0  }
0xbe: {  	[sflag:s0] =	ssyncadd.remote.s32 $0x1  }
0xbf: {  	_ =	sfence.sel $0xFFFF  }
0xc0: {  	[dreg:$0x0] =	wrdreg $0xFFFFFFFF;
	(pc) =	sbr.abs _section_cstart, $3  }
0xc1: {  	[dreg:$0x1] =	wrdreg $0xFFFFFFFF  }
0xc2: {  	_ =	task.clear_ibuf [dreg:s7], $0x2FFFF;
	_ =	strace $0x9FFFFFFF  }
0xc3: {  	(tm) =	ssettm $0x7FFFFFFF  }
tec
execute0_lowered:
.L_overlay_start_1:
0x0: {  	(tag) =	ssettag $0x1  }
0x1: {  	s0 =	rddreg [dreg:$0x0]  }
0x2: {  	s2 =	rddreg [dreg:$0x1]  }
0x3: {  	s1 =	rddreg [dreg:$0x2]  }
0x4: {  	s3 =	srdreg.scid;
	s6 =	simm.s32 $0x0;
	s25 =	stileid.u32  }
0x5: {  	s28 =	simm.s32 $0x80;
	s29 =	simm.s32 $0x4;
	s30 =	simm.s32 $0x6A00  }
0x6: {  	s5 =	sand.u32 $0x1, s3;
	[smem:$0x7FF] =	sst s6;
	s12 =	smul.u32 $0x50000, s25  }
0x7: {  	s8 =	sadd.s32 $0x5000, s0;
	s17 =	smul.u32 $0x4F, s25;
	s4 =	sshll.u32 s5, $0x4  }
0x8: {  	s18 =	smul.u32 $0x2800, s25;
	s9 =	ssub.s32 $0x2, s5;
	s26 =	sor.u32 s25, s4  }
0x9: {  	_ =	strace $0x80000050;
	s11 =	sshrl.u32 s9, $0x1;
	s7 =	smul.u32 $0x2780, s26  }
0xa: {  	p0 =	seq.s32 s5, $0x1;
	s10 =	smul.u32 $0x380, s26;
	s9 =	ssub.s32 s9, s11  }
0xb: {  	s4 =	sadd.s32 $0x5EE00, s0;
	s6 =	smul.u32 $0x500, s26;
	s19 =	smax.u32 s9, $0x1  }
0xc: {  	s9 =	simm.s32 $0xAEE00;
	s13 =	sand.u32 $0x7FC00, s7;
	s10 =	sand.u32 $0x380, s10  }
0xd: {  	s2 =	sadd.s32 s2, s6;
	s7 =	sshrl.u32 s7, $0x3;
	[dreg:$0x9] =	wrdreg s19  }
0xe: {  	s9 =	simm.s32 @!p0 $0x86E00;
	[dreg:$0x4] =	wrdreg s2;
	s14 =	sadd.s32 s8, s7  }
0xf: {  	s11 =	sor.u32 s10, s13;
	s13 =	sshrl.u32 s12, $0x2;
	s7 =	sadd.s32 $0x10, s14  }
0x10: {  	s0 =	sadd.s32 s9, s0;
	s15 =	sadd.s32 $0x20, s14;
	[dreg:$0x6] =	wrdreg s7  }
0x11: {  	s2 =	sshrl.u32 s11, $0x3;
	s0 =	sadd.s32 s0, s18;
	[dreg:$0x7] =	wrdreg s15  }
0x12: {  	s6 =	sadd.s32 s13, s1;
	s2 =	sadd.s32 s8, s2;
	[dreg:$0xe] =	wrdreg s0  }
0x13: {  	s16 =	smul.u32 $0x4F0, s5;
	s20 =	sadd.s32 $0x4000, s6;
	[dreg:$0x5] =	wrdreg s2  }
0x14: {  	s31 =	simm.s32 $0x1;
	s2 =	sadd.s32 $0x30, s14;
	[dreg:$0xa] =	wrdreg s20  }
0x15: {  	s21 =	sadd.s32 $0x8000, s6;
	[dreg:$0x8] =	wrdreg s2;
	s2 =	sadd.s32 s17, s16  }
0x16: {  	s22 =	sadd.s32 $0xC000, s6;
	[dreg:$0xb] =	wrdreg s21;
	s2 =	sshll.u32 s2, $0x4  }
0x17: {  	s23 =	sadd.s32 $0x10000, s6;
	[dreg:$0xc] =	wrdreg s22;
	s2 =	sadd.s32 s2, s8  }
0x18: {  	s0 =	simm.s32 $0x5;
	[dreg:$0xd] =	wrdreg s23;
	s24 =	sadd.s32 $0x60, s2  }
0x19: {  	s21 =	simm.s32 $0x7;
	s25 =	sadd.s32 $0x50, s2;
	[dreg:$0xf] =	wrdreg s24  }
0x1a: {  	s22 =	simm.s32 $0x2A00;
	s26 =	sadd.s32 $0x40, s2;
	[dreg:$0x10] =	wrdreg s25  }
0x1b: {  	s13 =	sadd.s32 $0x70, s2;
	s2 =	simm.s32 $0x2;
	[dreg:$0x11] =	wrdreg s26  }
0x1c: {  	v0 =	vimm.f32 $0.0e+00;
	s24 =	simm.s32 $0x2880;
	s25 =	simm.s32 $0x2900;
	s26 =	simm.s32 $0x0  }
.LBB2_1:
0x1d: {  	s3 =	simm.s32 $0x0;
	s5 =	rddreg [dreg:$0x4]  }
0x1e: {  	[tilespmem:s3], [sflag:$0x7] =	stream.linear.gather [hbm4b:s5+s3], $0x2780, $0x38;
	[tilespmem:$0x1EA00] =	vst v63  }
0x1f: {  	s23 =	sand.u32 $0xFE00, s3;
	s7 =	sand.u32 $0x70, s3;
	_ =	swait.ge [sflag:s21], $0x2780  }
0x20: {  	s5 =	simm.s32 $0x40;
	s8 =	sshrl.u32 s23, $0x2;
	[sflag:s21] =	ssyncset.done $0x0  }
0x21: {  	s8 =	sor.u32 s7, s8;
	s7 =	simm.s32 $0x0;
	[sflag:s21] =	ssyncadd.s32 $0xFFFFD880  }
.LBB2_2:
0x22: {  	p0 =	sne.s32 s5, $0xFFC0  }
0x23: {  	[tilespmem:s8+$0x2A00] =	vst v0;
	s7 =	sadd.s32 $0x10, s7;
	s8 =	smov.u32 s5;
	s5 =	sadd.s32 $0x40, s5  }
.Ltmp0:
0x24: {  	(pc) =	sbr.rel @p0 .LBB2_2-.Ltmp0, $4  }
0x25: {  	_ = 	snop  }
0x26: {  	s8 =	sand.u32 $0xFE00, s8  }
0x27: {  	s9 =	sand.u32 $0x70, s7;
	s8 =	sshrl.u32 s8, $0x2  }
0x28: {  	s8 =	sor.u32 s9, s8  }
0x29: {  	[tilespmem:s8+$0x2A00] =	vst v0  }
0x2a: {  	[spmem:s6] =	stream.linear.scatter [tilespmem:s22], [sflag:$0x7], $0x4000, $0x38;
	[tilespmem:$0x1EA00] =	vst v63  }
0x2b: {  	_ =	swait.ge [sflag:s21], $0x4000  }
0x2c: {  	[sflag:s21] =	ssyncset.done $0x0  }
0x2d: {  	s3 =	rddreg [dreg:$0xa];
	[sflag:s21] =	ssyncadd.s32 $0xFFFFC000  }
0x2e: {  	[spmem:s3] =	stream.linear.scatter [tilespmem:s22], [sflag:$0x7], $0x4000, $0x38;
	[tilespmem:$0x1EA00] =	vst v63  }
0x2f: {  	_ =	swait.ge [sflag:s21], $0x4000  }
0x30: {  	[sflag:s21] =	ssyncset.done $0x0  }
0x31: {  	s8 =	rddreg [dreg:$0xb];
	[sflag:s21] =	ssyncadd.s32 $0xFFFFC000  }
0x32: {  	[spmem:s8] =	stream.linear.scatter [tilespmem:s22], [sflag:$0x7], $0x4000, $0x38;
	[tilespmem:$0x1EA00] =	vst v63  }
0x33: {  	_ =	swait.ge [sflag:s21], $0x4000  }
0x34: {  	[sflag:s21] =	ssyncset.done $0x0  }
0x35: {  	s9 =	rddreg [dreg:$0xc];
	[sflag:s21] =	ssyncadd.s32 $0xFFFFC000  }
0x36: {  	[spmem:s9] =	stream.linear.scatter [tilespmem:s22], [sflag:$0x7], $0x4000, $0x38;
	[tilespmem:$0x1EA00] =	vst v63  }
0x37: {  	_ =	swait.ge [sflag:s21], $0x4000  }
0x38: {  	[sflag:s21] =	ssyncset.done $0x0  }
0x39: {  	s10 =	rddreg [dreg:$0xd];
	[sflag:s21] =	ssyncadd.s32 $0xFFFFC000  }
0x3a: {  	[spmem:s10] =	stream.linear.scatter [tilespmem:s22], [sflag:$0x7], $0x4000, $0x38;
	[tilespmem:$0x1EA00] =	vst v63  }
0x3b: {  	_ =	swait.ge [sflag:s21], $0x4000  }
0x3c: {  	s5 =	simm.s32 $0x0;
	[sflag:s21] =	ssyncset.done $0x0  }
0x3d: {  	s12 =	simm.s32 $0x2800;
	s11 =	rddreg [dreg:$0x5];
	[sflag:s21] =	ssyncadd.s32 $0xFFFFC000  }
0x3e: {  	[tilespmem:s12], [sflag:$0x3] =	stream.linear.gather [hbm4b:s11+s5], $0x80, $0x38;
	[tilespmem:$0x1EA00] =	vst v63  }
0x3f: {  	s14 =	rddreg [dreg:$0x6]  }
0x40: {  	[tilespmem:s24], [sflag:$0x4] =	stream.linear.gather [hbm4b:s14+s5], $0x80, $0x38;
	[tilespmem:$0x1EA00] =	vst v63  }
0x41: {  	s15 =	rddreg [dreg:$0x7]  }
0x42: {  	[tilespmem:s25], [sflag:$0x5] =	stream.linear.gather [hbm4b:s15+s5], $0x80, $0x38;
	[tilespmem:$0x1EA00] =	vst v63  }
0x43: {  	s7 =	simm.s32 $0x2980;
	s17 =	simm.s32 $0x3;
	s16 =	rddreg [dreg:$0x8]  }
0x44: {  	[tilespmem:s7], [sflag:$0x6] =	stream.linear.gather [hbm4b:s16+s5], $0x80, $0x38;
	[tilespmem:$0x1EA00] =	vst v63  }
0x45: {  	_ =	swait.ge [sflag:s17], $0x80  }
0x46: {  	[sflag:s17] =	ssyncset.done $0x0  }
0x47: {  	[sflag:s17] =	ssyncadd.s32 $0xFFFFFF80  }
0x48: {  	[bflag:$0x0] =	sbarrier.arrive $0xFFFF  }
0x49: {  	[tilespmem:s22], [sflag:$0x1] =	stream.indirect.gather [hbm4b:s4+s28], $0x80, s12, s28, $0xb8;
	[tilespmem:$0x1EA00] =	vst v63  }
0x4a: {  	_ =	swait.ge [sflag:s29], $0x80  }
0x4b: {  	[sflag:s29] =	ssyncset.done $0x0  }
0x4c: {  	[sflag:s29] =	ssyncadd.s32 $0xFFFFFF80  }
0x4d: {  	[tilespmem:s30], [sflag:$0x2] =	stream.indirect.gather [hbm4b:s4+s28], $0x80, s24, s28, $0xb8;
	[tilespmem:$0x1EA00] =	vst v63  }
0x4e: {  	_ =	swait.ge [sflag:s31], $0x4000  }
0x4f: {  	[sflag:s31] =	ssyncset.done $0x0  }
0x50: {  	s18 =	simm.s32 $0x0;
	[sflag:s31] =	ssyncadd.s32 $0xFFFFC000  }
0x51: {  	[spmem:s1] =	stream.indirect.scatter.add.f32 [tilespmem:s22], [sflag:$0x7], $0x80, s18, s28, $0xb8;
	[tilespmem:$0x1EA00] =	vst v63  }
0x52: {  	p0 =	por $0x0, $0x0;
	_ =	swait.ge [sflag:s21], $0x4000  }
0x53: {  	s9 =	simm.s32 @!p0 $0x0;
	[sflag:s21] =	ssyncset.done $0x0  }
0x54: {  	s10 =	simm.s32 @!p0 $0x2800;
	s16 =	rddreg [dreg:$0x11];
	[sflag:s21] =	ssyncadd.s32 $0xFFFFC000  }
0x55: {  	[tilespmem:s10], [sflag:$0x3] =	stream.linear.gather @!p0 [hbm4b:s16+s9], $0x80, $0x38;
	[tilespmem:$0x1EA00] =	vst v63  }
0x56: {  	_ =	swait.ge [sflag:s0], $0x80  }
0x57: {  	[sflag:s0] =	ssyncset.done $0x0  }
0x58: {  	[sflag:s0] =	ssyncadd.s32 $0xFFFFFF80  }
0x59: {  	[tilespmem:s22], [sflag:$0x1] =	stream.indirect.gather [hbm4b:s4+s28], $0x80, s25, s28, $0xb8;
	[tilespmem:$0x1EA00] =	vst v63  }
0x5a: {  	_ =	swait.ge [sflag:s2], $0x4000  }
0x5b: {  	[sflag:s2] =	ssyncset.done $0x0  }
0x5c: {  	s19 =	simm.s32 $0x80;
	p1 =	por @!p0 $0x0, $0x0;
	[sflag:s2] =	ssyncadd.s32 $0xFFFFC000  }
0x5d: {  	[spmem:s1] =	stream.indirect.scatter.add.f32 [tilespmem:s30], [sflag:$0x7], $0x80, s19, s28, $0xb8;
	[tilespmem:$0x1EA00] =	vst v63  }
0x5e: {  	s20 =	smov.u32 s6;
	p2 =	por p1, p0;
	_ =	swait.ge [sflag:s21], $0x4000  }
0x5f: {  	p4 =	por @!p0 $0x0, $0x0;
	s8 =	simm.s32 @!p2 $0x6;
	[sflag:s21] =	ssyncset.done $0x0  }
0x60: {  	s7 =	simm.s32 @!p0 $0x2880;
	s6 =	rddreg [dreg:$0x10];
	[sflag:s21] =	ssyncadd.s32 $0xFFFFC000  }
0x61: {  	[tilespmem:s7], [sflag:$0x4] =	stream.linear.gather @!p0 [hbm4b:s6+s9], $0x80, $0x38;
	[tilespmem:$0x1EA00] =	vst v63  }
0x62: {  	p1 =	por !p1, p0;
	p3 =	por @!p2 $0x1, $0x1;
	_ =	swait.ge @!p2 [sflag:s8], $0x80  }
0x63: {  	p3 =	por @!p1 p4, p4;
	s14 =	simm.s32 @!p2 $0x80;
	[sflag:s8] =	ssyncset.done @!p2 $0x0  }
0x64: {  	s15 =	simm.s32 @!p2 $0x2980;
	s7 =	simm.s32 @!p2 $0x6A00;
	[sflag:s8] =	ssyncadd.s32 @!p2 $0xFFFFFF80  }
0x65: {  	[tilespmem:s7], [sflag:$0x2] =	stream.indirect.gather @!p2 [hbm4b:s4+s14], $0x80, s15, s14, $0xb8;
	[tilespmem:$0x1EA00] =	vst v63  }
0x66: {  	s11 =	simm.s32 $0x600;
	s12 =	simm.s32 @!p0 $0x400;
	_ =	swait.ge [sflag:s31], $0x4000  }
0x67: {  	s11 =	simm.s32 @!p1 $0x9E00;
	s12 =	simm.s32 @p0 $0x9C00;
	[sflag:s31] =	ssyncset.done $0x0  }
0x68: {  	p1 =	por $0x0, $0x0;
	s23 =	sshra.s32 s12, $0x2;
	[sflag:s31] =	ssyncadd.s32 $0xFFFFC000  }
0x69: {  	[spmem:s1] =	stream.indirect.scatter.add.f32 [tilespmem:s22], [sflag:$0x7], $0x80, s23, s28, $0xb8;
	[tilespmem:$0x1EA00] =	vst v63  }
0x6a: {  	s11 =	simm.s32 @p0 $0x9E00;
	s17 =	smov.u32 s13;
	_ =	swait.ge [sflag:s21], $0x4000  }
0x6b: {  	s12 =	simm.s32 @!p0 $0x2900;
	s8 =	simm.s32 $0x7;
	[sflag:s21] =	ssyncset.done $0x0  }
0x6c: {  	s14 =	simm.s32 @!p0 $0x3;
	s3 =	rddreg [dreg:$0xf];
	[sflag:s21] =	ssyncadd.s32 $0xFFFFC000  }
0x6d: {  	[tilespmem:s12], [sflag:$0x5] =	stream.linear.gather @!p0 [hbm4b:s3+s9], $0x80, $0x38;
	[tilespmem:$0x1EA00] =	vst v63  }
0x6e: {  	s7 =	simm.s32 $0xE00;
	p2 =	por $0x0, $0x0;
	_ =	swait.ge @!p0 [sflag:s14], $0x80  }
0x6f: {  	s15 =	simm.s32 @!p0 $0x80;
	p2 =	por @!p0 p3, p3;
	[sflag:s14] =	ssyncset.done @!p0 $0x0  }
0x70: {  	s12 =	simm.s32 @!p0 $0x2A00;
	[sflag:s14] =	ssyncadd.s32 @!p0 $0xFFFFFF80;
	s14 =	simm.s32 @p2 $0x2  }
0x71: {  	[tilespmem:s12], [sflag:$0x1] =	stream.indirect.gather @!p0 [hbm4b:s4+s15], $0x80, s10, s15, $0xb8;
	[tilespmem:$0x1EA00] =	vst v63  }
0x72: {  	s9 =	sadd.s32 $0x40, s16;
	s16 =	sshra.s32 @p2 s11, $0x2;
	_ =	swait.ge @p2 [sflag:s14], $0x4000  }
0x73: {  	s11 =	sadd.s32 $0x40, s3;
	s12 =	simm.s32 @p2 $0x80;
	[sflag:s14] =	ssyncset.done @p2 $0x0  }
0x74: {  	s15 =	simm.s32 @p2 $0x6A00;
	[sflag:s14] =	ssyncadd.s32 @p2 $0xFFFFC000;
	s14 =	simm.s32 @p2 $0x7  }
0x75: {  	[spmem:s1] =	stream.indirect.scatter.add.f32 @p2 [tilespmem:s15], [sflag:$0x7], $0x80, s16, s12, $0xb8;
	[tilespmem:$0x1EA00] =	vst v63  }
0x76: {  	s10 =	sadd.s32 $0x40, s6;
	s12 =	sadd.s32 $0x40, s13;
	_ =	swait.ge @p2 [sflag:s14], $0x4000  }
0x77: {  	s15 =	simm.s32 @!p1 $0x0;
	s16 =	simm.s32 @!p1 $0x2980;
	[sflag:s14] =	ssyncset.done @p2 $0x0  }
.LBB2_4:
0x78: {  	[sflag:s14] =	ssyncadd.s32 @p2 $0xFFFFC000  }
0x79: {  	s5 =	sadd.s32 $0x1, s5;
	s14 =	smov.u32 s7;
	s7 =	sadd.s32 $0x800, s7  }
0x7a: {  	[tilespmem:s16], [sflag:$0x6] =	stream.linear.gather @!p1 [hbm4b:s17+s15], $0x80, $0x38;
	[tilespmem:$0x1EA00] =	vst v63  }
0x7b: {  	p0 =	sne.s32 s7, $0xA600;
	s17 =	smov.u32 s12;
	_ =	swait.ge [sflag:s29], $0x80  }
0x7c: {  	[sflag:s29] =	ssyncset.done $0x0  }
0x7d: {  	[sflag:s29] =	ssyncadd.s32 $0xFFFFFF80  }
0x7e: {  	[tilespmem:s30], [sflag:$0x2] =	stream.indirect.gather [hbm4b:s4+s28], $0x80, s24, s28, $0xb8;
	[tilespmem:$0x1EA00] =	vst v63  }
0x7f: {  	s23 =	sshra.s32 s14, $0x2;
	_ =	swait.ge [sflag:s31], $0x4000  }
0x80: {  	s15 =	sadd.s32 $0xFFFFFE80, s23;
	[sflag:s31] =	ssyncset.done $0x0  }
0x81: {  	[sflag:s31] =	ssyncadd.s32 $0xFFFFC000  }
0x82: {  	[spmem:s1] =	stream.indirect.scatter.add.f32 [tilespmem:s22], [sflag:$0x7], $0x80, s15, s28, $0xb8;
	[tilespmem:$0x1EA00] =	vst v63  }
0x83: {  	p1 =	seq.s32 s14, $0x9E00;
	_ =	swait.ge [sflag:s21], $0x4000  }
0x84: {  	s16 =	simm.s32 @!p1 $0x0;
	s15 =	simm.s32 @!p1 $0x2800;
	[sflag:s21] =	ssyncset.done $0x0  }
0x85: {  	s3 =	sadd.s32 @!p1 $0xFFFFFE00, s14;
	[sflag:s21] =	ssyncadd.s32 $0xFFFFC000  }
0x86: {  	[tilespmem:s15], [sflag:$0x3] =	stream.linear.gather @!p1 [hbm4b:s9+s16], $0x80, $0x38;
	[tilespmem:$0x1EA00] =	vst v63  }
0x87: {  	s3 =	simm.s32 @p1 $0x9C00;
	_ =	swait.ge [sflag:s0], $0x80  }
0x88: {  	[sflag:s0] =	ssyncset.done $0x0  }
0x89: {  	[sflag:s0] =	ssyncadd.s32 $0xFFFFFF80  }
0x8a: {  	[tilespmem:s22], [sflag:$0x1] =	stream.indirect.gather [hbm4b:s4+s28], $0x80, s25, s28, $0xb8;
	[tilespmem:$0x1EA00] =	vst v63  }
0x8b: {  	_ =	swait.ge [sflag:s2], $0x4000  }
0x8c: {  	s23 =	sadd.s32 $0xFFFFFF00, s23;
	[sflag:s2] =	ssyncset.done $0x0  }
0x8d: {  	[sflag:s2] =	ssyncadd.s32 $0xFFFFC000  }
0x8e: {  	[spmem:s1] =	stream.indirect.scatter.add.f32 [tilespmem:s30], [sflag:$0x7], $0x80, s23, s28, $0xb8;
	[tilespmem:$0x1EA00] =	vst v63  }
0x8f: {  	p5 =	sgt.u32 @!p1 s8, $0x4E;
	p2 =	por @!p1 $0x0, $0x0;
	_ =	swait.ge [sflag:s21], $0x4000  }
0x90: {  	p4 =	por p5, p1;
	s23 =	simm.s32 @!p1 $0x2880;
	[sflag:s21] =	ssyncset.done $0x0  }
0x91: {  	s6 =	simm.s32 @!p4 $0x6;
	p3 =	por @!p4 $0x1, $0x1;
	[sflag:s21] =	ssyncadd.s32 $0xFFFFC000  }
0x92: {  	[tilespmem:s23], [sflag:$0x4] =	stream.linear.gather @!p1 [hbm4b:s10+s16], $0x80, $0x38;
	[tilespmem:$0x1EA00] =	vst v63  }
0x93: {  	p5 =	por !p5, p1;
	s23 =	simm.s32 @!p4 $0x6A00;
	_ =	swait.ge @!p4 [sflag:s6], $0x80  }
0x94: {  	s18 =	simm.s32 @!p4 $0x80;
	s19 =	simm.s32 @!p4 $0x2980;
	[sflag:s6] =	ssyncset.done @!p4 $0x0  }
0x95: {  	s14 =	simm.s32 @!p5 $0x9E00;
	p3 =	por @!p5 p2, p2;
	[sflag:s6] =	ssyncadd.s32 @!p4 $0xFFFFFF80  }
0x96: {  	[tilespmem:s23], [sflag:$0x2] =	stream.indirect.gather @!p4 [hbm4b:s4+s18], $0x80, s19, s18, $0xb8;
	[tilespmem:$0x1EA00] =	vst v63  }
0x97: {  	s14 =	simm.s32 @p1 $0x9E00;
	_ =	swait.ge [sflag:s31], $0x4000  }
0x98: {  	s3 =	sshra.s32 s3, $0x2;
	[sflag:s31] =	ssyncset.done $0x0  }
0x99: {  	[sflag:s31] =	ssyncadd.s32 $0xFFFFC000  }
0x9a: {  	[spmem:s1] =	stream.indirect.scatter.add.f32 [tilespmem:s22], [sflag:$0x7], $0x80, s3, s28, $0xb8;
	[tilespmem:$0x1EA00] =	vst v63  }
0x9b: {  	_ =	swait.ge [sflag:s21], $0x4000  }
0x9c: {  	s8 =	sadd.s32 $0x4, s8;
	s3 =	simm.s32 @!p1 $0x2900;
	[sflag:s21] =	ssyncset.done $0x0  }
0x9d: {  	p2 =	por $0x0, $0x0;
	s6 =	simm.s32 @!p1 $0x3;
	[sflag:s21] =	ssyncadd.s32 $0xFFFFC000  }
0x9e: {  	[tilespmem:s3], [sflag:$0x5] =	stream.linear.gather @!p1 [hbm4b:s11+s16], $0x80, $0x38;
	[tilespmem:$0x1EA00] =	vst v63  }
0x9f: {  	s9 =	sadd.s32 $0x40, s9;
	s3 =	simm.s32 @!p1 $0x2A00;
	_ =	swait.ge @!p1 [sflag:s6], $0x80  }
0xa0: {  	p2 =	por @!p1 p3, p3;
	s16 =	simm.s32 @!p1 $0x80;
	[sflag:s6] =	ssyncset.done @!p1 $0x0  }
0xa1: {  	s10 =	sadd.s32 $0x40, s10;
	[sflag:s6] =	ssyncadd.s32 @!p1 $0xFFFFFF80;
	s6 =	simm.s32 @p2 $0x2  }
0xa2: {  	[tilespmem:s3], [sflag:$0x1] =	stream.indirect.gather @!p1 [hbm4b:s4+s16], $0x80, s15, s16, $0xb8;
	[tilespmem:$0x1EA00] =	vst v63  }
0xa3: {  	s3 =	simm.s32 @p2 $0x80;
	s15 =	simm.s32 @p2 $0x6A00;
	_ =	swait.ge @p2 [sflag:s6], $0x4000  }
.Ltmp1:
0xa4: {  	s16 =	sshra.s32 @p2 s14, $0x2;
	[sflag:s6] =	ssyncset.done @p2 $0x0;
	(pc) =	sbr.rel @p0 .LBB2_4-.Ltmp1, $4  }
0xa5: {  	s11 =	sadd.s32 $0x40, s11;
	s14 =	simm.s32 @p2 $0x7;
	[sflag:s6] =	ssyncadd.s32 @p2 $0xFFFFC000  }
0xa6: {  	[spmem:s1] =	stream.indirect.scatter.add.f32 @p2 [tilespmem:s15], [sflag:$0x7], $0x80, s16, s3, $0xb8;
	[tilespmem:$0x1EA00] =	vst v63  }
0xa7: {  	s12 =	sadd.s32 $0x40, s12;
	p1 =	sgt.u32 s5, $0x11;
	_ =	swait.ge @p2 [sflag:s14], $0x4000  }
0xa8: {  	s15 =	simm.s32 @!p1 $0x0;
	s16 =	simm.s32 @!p1 $0x2980;
	[sflag:s14] =	ssyncset.done @p2 $0x0  }
0xa9: {  	[sflag:s14] =	ssyncadd.s32 @p2 $0xFFFFC000;
	s3 =	stileid.u32  }
0xaa: {  	[tilespmem:s16], [sflag:$0x6] =	stream.linear.gather @!p1 [hbm4b:s17+s15], $0x80, $0x38;
	[tilespmem:$0x1EA00] =	vst v63  }
0xab: {  	s3 =	sshll.u32 s3, $0x6;
	[bflag:$0x0] =	sbarrier.arrive $0xFFFF  }
0xac: {  	s5 =	sshrl.u32 s20, $0x3;
	s3 =	sor.u32 $0x1C07, s3;
	s7 =	rddreg [dreg:$0xe]  }
0xad: {  	[hbm:s7], [sflag:s3] =	dma.local [spmem:s5], $0x2800  }
0xae: {  	_ =	swait.ge [sflag:s21], $0x2800  }
0xaf: {  	s26 =	sadd.s32 $0x1, s26;
	s23 =	rddreg [dreg:$0x9]  }
0xb0: {  	p0 =	sne.s32 s26, s23  }
.Ltmp2:
0xb1: {  	_ = 	snop;
	(pc) =	sbr.rel @p0 .LBB2_1-.Ltmp2, $3  }
0xb2: {  	_ =	sdelay $0x1  }
0xb3: {  	[sflag:s21] =	ssyncset.done $0x0  }
0xb4: {  	s6 =	smov.u32 s20;
	[sflag:s21] =	ssyncadd.s32 $0xFFFFD800  }
0xb5: {  	_ =	sfence.sel $0x180000  }
0xb6: {  	[bflag:$0x0] =	sbarrier.arrive $0xFFFF  }
0xb7: {  	_ =	strace $0x90000050  }
0xb8: {  	s0 =	stileid.u32;
	[bflag:$0x2] =	sbarrier.arrive $0xFFFF  }
0xb9: {  	p0 =	sne.s32 s0, $0x0;
	s0 =	rddreg [dreg:$0x3]  }
0xba: {  	s0 =	sadd.s32 @!p0 $0x100000, s0  }
0xbb: {  	[sflag:s0] =	ssyncadd.tile.s32 @!p0 $0x1;
	_ =	shalt  }
.Lfunc_end2:
_tile_overlayer_lowered:
.L_overlay_start_2:
0xbc: {  	(tag) =	ssettag $0x2  }
0xbd: {  	s0 =	rddreg [dreg:$0x0];
	s2 =	stileid.u32  }
0xbe: {  	s1 =	rddreg [dreg:$0x1];
	p0 =	sne.s32 s2, $0x0  }
0xbf: {  	s3 =	rddreg [dreg:$0x2];
	[bflag:$0x3] =	sbarrier.arrive $0xFFFF;
	s2 =	simm.s32 @!p0 $0x1C07  }
0xc0: {  	[timem:s3], [sflag:s2] =	dma.local @!p0 [hbm:s0], s1  }
0xc1: {  	s0 =	simm.s32 @!p0 $0x7  }
0xc2: {  	_ =	swait.ge @!p0 [sflag:s0], s1  }
0xc3: {  	s1 =	ssub.s32 @!p0 $0x0, s1;
	[sflag:s0] =	ssyncset.done @!p0 $0x0  }
0xc4: {  	[sflag:s0] =	ssyncadd.s32 @!p0 s1  }
0xc5: {  	[bflag:$0x3] =	sbarrier.arrive $0xFFFF  }
0xc6: {  	_ =	shalt  }

</sc_bundles>
